<compile_context>
chip_gen: v7x
topology: tpu7x:2x2x1
jax: 0.10.2.dev20260603
libtpu: 0.0.44.dev20260713+nightly
codegen_flags: <defaults>
</compile_context>

<pallas_src>
import dataclasses

import jax
import jax.numpy as jnp
from jax.experimental import pallas as pl
from jax.experimental.pallas import tpu as pltpu
from jax.experimental.pallas import tpu_sc as plsc

P = 16800
NUM_CLASSES = 2
THRESHOLD = 0.35
NEGPOS_RATIO = 7
VAR0, VAR1 = 0.1, 0.2
LANES = 128
ROWS = (P + LANES - 1) // LANES
PADP = ROWS * LANES - P
NV = P // 16
NSUB = 16


def _sc_match_body(pri_hbm, tgt_hbm, conf_out, bti_out, pvec, tsm, bto_ref, bti_ref):
    f32 = jnp.float32
    c = jax.lax.axis_index("c")
    s = jax.lax.axis_index("s")
    b = c * NSUB + s
    pltpu.sync_copy(pri_hbm, pvec)
    pltpu.sync_copy(tgt_hbm.at[b], tsm)

    lane = jax.lax.iota(jnp.int32, 16)
    BIG = jnp.int32(P + 2)

    trow = [tsm[pl.ds(16 * i, 16)] for i in range(8)]
    tx1 = [trow[i][0] for i in range(8)]
    ty1 = [trow[i][1] for i in range(8)]
    tx2 = [trow[i][2] for i in range(8)]
    ty2 = [trow[i][3] for i in range(8)]
    lab = [trow[i][14] for i in range(8)]
    at = [(tx2[i] - tx1[i]) * (ty2[i] - ty1[i]) for i in range(8)]

    init = tuple([jnp.full((16,), -2.0, f32) for _ in range(8)]
                 + [jnp.zeros((16,), jnp.int32) for _ in range(8)])

    def slice_work(off, rm, ra):
        gidx = off + lane
        px = pvec[pl.ds(off, 16)]
        py = pvec[pl.ds(P + off, 16)]
        pw = pvec[pl.ds(2 * P + off, 16)]
        ph = pvec[pl.ds(3 * P + off, 16)]
        pf_x1 = px - pw * 0.5
        pf_y1 = py - ph * 0.5
        pf_x2 = px + pw * 0.5
        pf_y2 = py + ph * 0.5
        area_p = (pf_x2 - pf_x1) * (pf_y2 - pf_y1)
        bto_v = jnp.full((16,), -1.0, f32)
        bti_v = jnp.zeros((16,), jnp.int32)
        for i_t in range(8):
            iw = jnp.maximum(
                jnp.minimum(pf_x2, tx2[i_t]) - jnp.maximum(pf_x1, tx1[i_t]), 0.0)
            ih = jnp.maximum(
                jnp.minimum(pf_y2, ty2[i_t]) - jnp.maximum(pf_y1, ty1[i_t]), 0.0)
            inter = iw * ih
            iou = inter / (at[i_t] + area_p - inter)
            upd = iou > bto_v
            bti_v = jnp.where(upd, i_t, bti_v)
            bto_v = jnp.where(upd, iou, bto_v)
            upd2 = iou > rm[i_t]
            ra[i_t] = jnp.where(upd2, gidx, ra[i_t])
            rm[i_t] = jnp.where(upd2, iou, rm[i_t])
        bto_ref[pl.ds(off, 16)] = bto_v
        bti_ref[pl.ds(off, 16)] = bti_v
        return rm, ra

    def body(i, carry):
        rm = list(carry[0:8])
        ra = list(carry[8:16])
        rm, ra = slice_work(i * 32, rm, ra)
        rm, ra = slice_work(i * 32 + 16, rm, ra)
        return tuple(rm + ra)

    carry = jax.lax.fori_loop(0, NV // 2, body, init)
    rm = carry[0:8]
    ra = carry[8:16]

    m = [jnp.max(rm[i]) for i in range(8)]
    bpi = [jnp.min(jnp.where(rm[i] == m[i], ra[i], BIG)) for i in range(8)]
    base = [jnp.bitwise_and(bpi[i], jnp.int32(~15)) for i in range(8)]
    hit = [(base[i] + lane) == bpi[i] for i in range(8)]
    orig = [jnp.sum(jnp.where(hit[i], bto_ref[pl.ds(base[i], 16)], 0.0))
            for i in range(8)]
    for i in range(8):
        fill = jnp.where(m[i] >= 0.2, 2.0, orig[i])
        sl = bto_ref[pl.ds(base[i], 16)]
        bto_ref[pl.ds(base[i], 16)] = jnp.where(hit[i], fill, sl)
        sli = bti_ref[pl.ds(base[i], 16)]
        bti_ref[pl.ds(base[i], 16)] = jnp.where(hit[i], jnp.int32(i), sli)

    def conf_body(i, _):
        off = i * 16
        bto_v = bto_ref[pl.ds(off, 16)]
        bti_v = bti_ref[pl.ds(off, 16)]
        cv = jnp.zeros((16,), f32)
        for i_t in range(8):
            cv = jnp.where(bti_v == i_t, lab[i_t], cv)
        cv = jnp.where(bto_v < THRESHOLD, 0.0, cv)
        bto_ref[pl.ds(off, 16)] = cv
        return 0

    jax.lax.fori_loop(0, NV, conf_body, 0)
    pltpu.sync_copy(bto_ref, conf_out.at[b])
    pltpu.sync_copy(bti_ref, bti_out.at[b])


def _tc_body(loc_ref, conf_ref, landm_ref, pri_ref, tgt_ref, ct_ref, bi_ref,
             out_ref, s_out_ref, ce_out_ref):
    f32 = jnp.float32
    row = jax.lax.broadcasted_iota(jnp.int32, (ROWS, LANES), 0)
    lane = jax.lax.broadcasted_iota(jnp.int32, (ROWS, LANES), 1)
    flat_idx = row * LANES + lane
    valid = flat_idx < P

    px = pri_ref[0]
    py = pri_ref[1]
    inv_vpw = pri_ref[2]
    inv_vph = pri_ref[3]
    log_pw = pri_ref[4]
    log_ph = pri_ref[5]

    conf_t = jnp.where(valid, ct_ref[0], 0.0)
    bti = bi_ref[0]
    pos = conf_t != 0.0
    pos1 = conf_t > 0.0
    posf = pos.astype(f32)
    pos1f = pos1.astype(f32)
    num_pos = jnp.sum(posf)
    num_pos_landm = jnp.sum(pos1f)

    bb0 = (bti & 1) != 0
    bb1 = (bti & 2) != 0
    bb2 = (bti & 4) != 0

    def tree8(vals):
        w = [jnp.where(bb0, vals[2 * j + 1], vals[2 * j]) for j in range(4)]
        x = [jnp.where(bb1, w[2 * k + 1], w[2 * k]) for k in range(2)]
        return jnp.where(bb2, x[1], x[0])

    def sl1(dv):
        a = jnp.abs(dv)
        return jnp.where(a < 1.0, 0.5 * dv * dv, a - 0.5)

    tx1 = [tgt_ref[0, i, 0] for i in range(8)]
    ty1 = [tgt_ref[0, i, 1] for i in range(8)]
    tx2 = [tgt_ref[0, i, 2] for i in range(8)]
    ty2 = [tgt_ref[0, i, 3] for i in range(8)]
    cxm = [(tx1[i] + tx2[i]) * 0.5 for i in range(8)]
    cym = [(ty1[i] + ty2[i]) * 0.5 for i in range(8)]
    logw = [jnp.log(tx2[i] - tx1[i]) for i in range(8)]
    logh = [jnp.log(ty2[i] - ty1[i]) for i in range(8)]

    g_cx = (tree8(cxm) - px) * inv_vpw
    g_cy = (tree8(cym) - py) * inv_vph
    g_w = (tree8(logw) - log_pw) / VAR1
    g_h = (tree8(logh) - log_ph) / VAR1
    loss_l = jnp.sum(
        (sl1(loc_ref[0, 0] - g_cx) + sl1(loc_ref[0, 1] - g_cy)
         + sl1(loc_ref[0, 2] - g_w) + sl1(loc_ref[0, 3] - g_h)) * posf)

    lacc = jnp.zeros((ROWS, LANES), f32)
    for j in range(10):
        mlm = tree8([tgt_ref[0, i, 4 + j] for i in range(8)])
        pc = px if j % 2 == 0 else py
        pi = inv_vpw if j % 2 == 0 else inv_vph
        g = (mlm - pc) * pi
        lacc = lacc + sl1(landm_ref[0, j] - g)
    loss_landm = jnp.sum(lacc * pos1f)

    c0 = conf_ref[0, 0]
    c1 = conf_ref[0, 1]
    d = c1 - c0
    lse = jnp.maximum(c0, c1) + jnp.log(1.0 + jnp.exp(-jnp.abs(d)))
    ce_pos = lse - c1
    ce_neg = lse - c0
    pos_sum = jnp.sum(ce_pos * posf)

    SENT = jnp.int32(-2147483648)
    bits = jax.lax.bitcast_convert_type(d, jnp.int32)
    s = jnp.where(bits >= 0, bits, SENT - bits - 1)
    s = jnp.where(pos | jnp.logical_not(valid), SENT, s)
    s_out_ref[...] = s.reshape(1, ROWS, LANES)
    ce_out_ref[...] = ce_neg.reshape(1, ROWS, LANES)

    lane_row = jax.lax.broadcasted_iota(jnp.int32, (1, LANES), 1)
    out = (jnp.where(lane_row == 0, loss_l, 0.0)
           + jnp.where(lane_row == 1, pos_sum, 0.0)
           + jnp.where(lane_row == 2, loss_landm, 0.0)
           + jnp.where(lane_row == 3, num_pos, 0.0)
           + jnp.where(lane_row == 4, num_pos_landm, 0.0))
    out_ref[...] = out.reshape(1, 1, LANES)


def _mine_body(o1_ref, s_ref, ce_ref, out_ref):
    f32 = jnp.float32
    B = s_ref.shape[0]
    SENT = jnp.int32(-2147483648)
    s = s_ref[...]
    ce = ce_ref[...]
    npos = o1_ref[:, :, 3:4]
    K = jnp.minimum(jnp.int32(NEGPOS_RATIO) * npos.astype(jnp.int32),
                    jnp.int32(P - 1))

    def red(x):
        return jnp.sum(jnp.sum(x, axis=2, keepdims=True), axis=1,
                       keepdims=True)

    def bisect_body(_, carry):
        lo, hi = carry
        mid = (lo >> 1) + (hi >> 1) + ((lo | hi) & jnp.int32(1))
        cnt = red((s >= mid).astype(jnp.int32))
        take = cnt >= K
        return (jnp.where(take, mid, lo), jnp.where(take, hi, mid - jnp.int32(1)))

    lo, _ = jax.lax.fori_loop(
        0, 32, bisect_body,
        (jnp.full((B, 1, 1), SENT, jnp.int32),
         jnp.full((B, 1, 1), 2147483647, jnp.int32)))
    T = lo
    gt = (s > T).astype(f32)
    eq = (s == T).astype(f32)
    c_gt = red(gt)
    c_eq = red(eq)
    k_rem = jnp.where(T > SENT, K.astype(f32) - c_gt, 0.0)
    neg = red(ce * gt) + k_rem / jnp.maximum(c_eq, 1.0) * red(ce * eq)
    lane_row = jax.lax.broadcasted_iota(jnp.int32, (B, 1, LANES), 2)
    out_ref[...] = jnp.where(lane_row == 0, neg, 0.0)


def kernel(loc_data, conf_data, landm_data, priors, targets):
    B = loc_data.shape[0]
    targets = jax.lax.stop_gradient(targets)
    priors = jax.lax.stop_gradient(priors)

    pri_flat = jnp.transpose(priors).reshape(4 * P)
    tgt_pad = jnp.pad(targets, ((0, 0), (0, 0), (0, 1))).reshape(B, 128)
    mesh = plsc.VectorSubcoreMesh(core_axis_name="c", subcore_axis_name="s")
    cp = pltpu.CompilerParams()
    if "needs_layout_passes" in pltpu.CompilerParams.__dataclass_fields__:
        cp = dataclasses.replace(cp, needs_layout_passes=False)
    conf_t, btiA = pl.kernel(
        _sc_match_body,
        out_type=(jax.ShapeDtypeStruct((B, P), jnp.float32),
                  jax.ShapeDtypeStruct((B, P), jnp.int32)),
        mesh=mesh,
        scratch_types=[pltpu.VMEM((4 * P,), jnp.float32),
                       pltpu.VMEM((128,), jnp.float32),
                       pltpu.VMEM((P,), jnp.float32),
                       pltpu.VMEM((P,), jnp.int32)],
        compiler_params=cp,
    )(pri_flat, tgt_pad)

    def prep(x):
        xt = jnp.transpose(x, (0, 2, 1))
        xt = jnp.pad(xt, ((0, 0), (0, 0), (0, PADP)))
        return xt.reshape(B, x.shape[2], ROWS, LANES)

    locT = prep(loc_data)
    confT = prep(conf_data)
    landmT = prep(landm_data)
    prT = jnp.pad(jnp.transpose(priors), ((0, 0), (0, PADP)),
                  constant_values=1.0)
    pxp, pyp, pwp, php = prT[0], prT[1], prT[2], prT[3]
    priT = jnp.stack([pxp, pyp, 1.0 / (VAR0 * pwp), 1.0 / (VAR0 * php),
                      jnp.log(pwp), jnp.log(php)]).reshape(6, ROWS, LANES)
    ctP = jnp.pad(conf_t, ((0, 0), (0, PADP))).reshape(B, 1, ROWS, LANES)
    biP = jnp.pad(btiA, ((0, 0), (0, PADP))).reshape(B, 1, ROWS, LANES)

    o = pl.pallas_call(
        _tc_body,
        grid=(B,),
        in_specs=[
            pl.BlockSpec((1, 4, ROWS, LANES), lambda b: (b, 0, 0, 0)),
            pl.BlockSpec((1, NUM_CLASSES, ROWS, LANES), lambda b: (b, 0, 0, 0)),
            pl.BlockSpec((1, 10, ROWS, LANES), lambda b: (b, 0, 0, 0)),
            pl.BlockSpec((6, ROWS, LANES), lambda b: (0, 0, 0)),
            pl.BlockSpec((1, 8, 15), lambda b: (b, 0, 0)),
            pl.BlockSpec((1, 1, ROWS, LANES), lambda b: (b, 0, 0, 0)),
            pl.BlockSpec((1, 1, ROWS, LANES), lambda b: (b, 0, 0, 0)),
        ],
        out_specs=[
            pl.BlockSpec((1, 1, LANES), lambda b: (b, 0, 0)),
            pl.BlockSpec((1, ROWS, LANES), lambda b: (b, 0, 0)),
            pl.BlockSpec((1, ROWS, LANES), lambda b: (b, 0, 0)),
        ],
        out_shape=[
            jax.ShapeDtypeStruct((B, 1, LANES), jnp.float32),
            jax.ShapeDtypeStruct((B, ROWS, LANES), jnp.int32),
            jax.ShapeDtypeStruct((B, ROWS, LANES), jnp.float32),
        ],
    )(locT, confT, landmT, priT, targets, ctP, biP)
    o, sA, ceA = o

    o2 = pl.pallas_call(
        _mine_body,
        out_shape=jax.ShapeDtypeStruct((B, 1, LANES), jnp.float32),
    )(o, sA, ceA)

    N = jnp.maximum(jnp.sum(o[:, 0, 3]), 1.0)
    N1 = jnp.maximum(jnp.sum(o[:, 0, 4]), 1.0)
    lc = jnp.sum(o[:, 0, 1]) + jnp.sum(o2[:, 0, 0])
    return (jnp.sum(o[:, 0, 0]) / N, lc / N,
            jnp.sum(o[:, 0, 2]) / N1)

# --- scband reference (transcript-rebuilt; emitter-appended) ---
"""Pipeline reference for scband-multi-box-loss-2963527434602 (READ-ONLY COPY).

The authoritative reference and input builder live on the scoring server;
editing this copy changes nothing except your own understanding.
"""

import jax, jax.numpy as jnp
import numpy as np

NUM_CLASSES = 2
THRESHOLD = 0.35
NEGPOS_RATIO = 7
VAR0, VAR1 = 0.1, 0.2
BATCH = 32
NUM_OBJS = 8


def _make_priors():
    min_sizes_list = [[16, 32], [64, 128], [256, 512]]
    steps = [8, 16, 32]
    H = W = 640
    anchors = []
    for k, step in enumerate(steps):
        fh = int(np.ceil(H / step)); fw = int(np.ceil(W / step))
        for i in range(fh):
            for j in range(fw):
                for ms in min_sizes_list[k]:
                    anchors.append([(j + 0.5) * step / W, (i + 0.5) * step / H, ms / W, ms / H])
    return jnp.asarray(np.array(anchors, dtype=np.float32))


def setup_inputs(seed: int = 0):
    key = jax.random.key(seed)
    k1, k2, k3, k4, k5, k6, k7 = jax.random.split(key, 7)
    P = 16800
    loc_data = jax.random.normal(k1, (BATCH, P, 4), dtype=jnp.float32)
    conf_data = jax.random.normal(k2, (BATCH, P, NUM_CLASSES), dtype=jnp.float32)
    landm_data = jax.random.normal(k3, (BATCH, P, 10), dtype=jnp.float32)
    priors = _make_priors()
    xy1 = jax.random.uniform(k4, (BATCH, NUM_OBJS, 2), minval=0.05, maxval=0.6)
    wh = jax.random.uniform(k5, (BATCH, NUM_OBJS, 2), minval=0.05, maxval=0.35)
    xy2 = jnp.minimum(xy1 + wh, 0.99)
    lm = xy1[:, :, None, :] + jax.random.uniform(k6, (BATCH, NUM_OBJS, 5, 2)) * wh[:, :, None, :]
    lm = lm.reshape(BATCH, NUM_OBJS, 10)
    label = jnp.where(jax.random.uniform(k7, (BATCH, NUM_OBJS, 1)) < 0.3, -1.0, 1.0)
    targets = jnp.concatenate([xy1, xy2, lm, label], axis=-1).astype(jnp.float32)
    return {"loc_data": loc_data, "conf_data": conf_data, "landm_data": landm_data, "priors": priors, "targets": targets}


def point_form(b):
    return jnp.concatenate([b[:, :2] - b[:, 2:] / 2, b[:, :2] + b[:, 2:] / 2], axis=1)


def jaccard(a, b):
    max_xy = jnp.minimum(a[:, None, 2:], b[None, :, 2:])
    min_xy = jnp.maximum(a[:, None, :2], b[None, :, :2])
    inter = jnp.clip(max_xy - min_xy, 0.0)
    inter = inter[..., 0] * inter[..., 1]
    area_a = ((a[:, 2] - a[:, 0]) * (a[:, 3] - a[:, 1]))[:, None]
    area_b = ((b[:, 2] - b[:, 0]) * (b[:, 3] - b[:, 1]))[None, :]
    return inter / (area_a + area_b - inter)


def encode(matched, priors):
    g_cxcy = ((matched[:, :2] + matched[:, 2:]) / 2 - priors[:, :2]) / (VAR0 * priors[:, 2:])
    g_wh = jnp.log((matched[:, 2:] - matched[:, :2]) / priors[:, 2:]) / VAR1
    return jnp.concatenate([g_cxcy, g_wh], axis=1)


def encode_landm(matched, priors):
    m = matched.reshape(-1, 5, 2)
    g = (m - priors[:, None, :2]) / (VAR0 * priors[:, None, 2:])
    return g.reshape(-1, 10)


def match_single(truths, priors, labels, landms):
    overlaps = jaccard(truths, point_form(priors))
    best_prior_overlap = overlaps.max(axis=1)
    best_prior_idx = overlaps.argmax(axis=1)
    valid_gt = best_prior_overlap >= 0.2
    best_truth_overlap = overlaps.max(axis=0)
    best_truth_idx = overlaps.argmax(axis=0)
    fill_vals = jnp.where(valid_gt, 2.0, best_truth_overlap[best_prior_idx])
    best_truth_overlap = best_truth_overlap.at[best_prior_idx].set(fill_vals)
    best_truth_idx = best_truth_idx.at[best_prior_idx].set(jnp.arange(truths.shape[0]))
    matches = truths[best_truth_idx]
    conf = labels[best_truth_idx]
    conf = jnp.where(best_truth_overlap < THRESHOLD, 0.0, conf)
    loc = encode(matches, priors)
    landm = encode_landm(landms[best_truth_idx], priors)
    return loc, conf.astype(jnp.int32), landm


def smooth_l1_sum(diff, mask):
    a = jnp.abs(diff)
    v = jnp.where(a < 1.0, 0.5 * diff * diff, a - 0.5)
    return (v * mask).sum()


def reference(loc_data, conf_data, landm_data, priors, targets):
    num = loc_data.shape[0]
    priors_c = jax.lax.stop_gradient(priors)
    targets_c = jax.lax.stop_gradient(targets)

    def one(t):
        return match_single(t[:, :4], priors_c, t[:, -1], t[:, 4:14])

    loc_t, conf_t, landm_t = jax.vmap(one)(targets_c)
    pos1 = conf_t > 0
    num_pos_landm = pos1.astype(jnp.int32).sum(axis=1, keepdims=True)
    N1 = jnp.maximum(num_pos_landm.sum().astype(jnp.float32), 1.0)
    loss_landm = smooth_l1_sum(landm_data - landm_t, pos1[..., None].astype(jnp.float32))
    pos = conf_t != 0
    conf_t = jnp.where(pos, 1, conf_t)
    loss_l = smooth_l1_sum(loc_data - loc_t, pos[..., None].astype(jnp.float32))
    batch_conf = conf_data.reshape(-1, NUM_CLASSES)
    x_max = jax.lax.stop_gradient(batch_conf.max())
    lse = jnp.log(jnp.sum(jnp.exp(batch_conf - x_max), axis=1, keepdims=True)) + x_max
    gathered = jnp.take_along_axis(batch_conf, conf_t.reshape(-1, 1), axis=1)
    loss_c_rank = jnp.where(pos.reshape(-1, 1), 0.0, lse - gathered).reshape(num, -1)
    loss_idx = jnp.argsort(-loss_c_rank, axis=1)
    idx_rank = jnp.argsort(loss_idx, axis=1)
    num_pos = pos.astype(jnp.int32).sum(axis=1, keepdims=True)
    num_neg = jnp.minimum(NEGPOS_RATIO * num_pos, pos.shape[1] - 1)
    neg = idx_rank < num_neg
    sel = jnp.logical_or(pos, neg).astype(jnp.float32)
    logp = jax.nn.log_softmax(conf_data, axis=-1)
    ce = -jnp.take_along_axis(logp, conf_t[..., None], axis=-1)[..., 0]
    loss_c = (ce * sel).sum()
    N = jnp.maximum(num_pos.sum().astype(jnp.float32), 1.0)
    return loss_l / N, loss_c / N, loss_landm / N1

if __name__ == "__main__":
    import jax
    _d = setup_inputs()
    print(jax.jit(kernel)(*tuple(_d.values())))

</pallas_src>

<mosaic_0001>
#map = affine_map<(d0, d1) -> (0)>
#map1 = affine_map<(d0, d1) -> (0, 0)>
module attributes {stable_mosaic.version = 14 : i64} {
  func.func @_sc_match_body(%arg0: i32, %arg1: i32, %arg2: memref<67200xf32, #tpu.memory_space<hbm>>, %arg3: memref<32x128xf32, #tpu.memory_space<hbm>>, %arg4: memref<32x16800xf32, #tpu.memory_space<hbm>>, %arg5: memref<32x16800xi32, #tpu.memory_space<hbm>>, %arg6: memref<67200xf32, #tpu.memory_space<vmem>>, %arg7: memref<128xf32, #tpu.memory_space<vmem>>, %arg8: memref<16800xf32, #tpu.memory_space<vmem>>, %arg9: memref<16800xi32, #tpu.memory_space<vmem>>) attributes {dimension_semantics = [#tpu.dimension_semantics<core_parallel>, #tpu.dimension_semantics<subcore_parallel>], iteration_bounds = array<i64: 2, 16>, scalar_prefetch = 0 : i64, scratch_operands = 4 : i64, tpu.core_type = #tpu.core_type<sc_vector_subcore>, window_params = [{transform_indices = #map}, {transform_indices = #map1}, {transform_indices = #map1}, {transform_indices = #map1}]} {
    %mul3A = arith.constant 16 : i32
    %mul3A_0 = arith.muli %arg0, %mul3A : i32
    %add3A = arith.addi %mul3A_0, %arg1 : i32
    "tpu.region"() ({
      %run_scoped3A = tpu.sem_alloc : memref<!tpu.dma_semaphore, #tpu.memory_space<semaphore_mem>>
      tpu.enqueue_dma source(%arg2 : memref<67200xf32, #tpu.memory_space<hbm>>) target(%arg6 : memref<67200xf32, #tpu.memory_space<vmem>>) target_semaphore(%run_scoped3A : memref<!tpu.dma_semaphore, #tpu.memory_space<semaphore_mem>>)
      tpu.wait_dma2 semaphore(%run_scoped3A : memref<!tpu.dma_semaphore, #tpu.memory_space<semaphore_mem>>) src(%arg2 : memref<67200xf32, #tpu.memory_space<hbm>>) dst(%arg6 : memref<67200xf32, #tpu.memory_space<vmem>>)
      tpu.yield
    }) : () -> ()
    "tpu.region"() ({
      %run_scoped3A = tpu.sem_alloc : memref<!tpu.dma_semaphore, #tpu.memory_space<semaphore_mem>>
      %dma_start3A = arith.constant 0 : i32
      %dma_start3A_543 = tpu.memref_slice %arg3[%add3A, %dma_start3A] : memref<32x128xf32, #tpu.memory_space<hbm>> -> memref<1x128xf32, #tpu.memory_space<hbm>>
      %dma_start3A_544 = tpu.memref_squeeze %dma_start3A_543 : memref<1x128xf32, #tpu.memory_space<hbm>> -> memref<128xf32, #tpu.memory_space<hbm>>
      %dma_start3A_545 = arith.constant 0 : i32
      %dma_start3A_546 = tpu.memref_slice %arg3[%add3A, %dma_start3A_545] : memref<32x128xf32, #tpu.memory_space<hbm>> -> memref<1x128xf32, #tpu.memory_space<hbm>>
      %dma_start3A_547 = tpu.memref_squeeze %dma_start3A_546 : memref<1x128xf32, #tpu.memory_space<hbm>> -> memref<128xf32, #tpu.memory_space<hbm>>
      tpu.enqueue_dma source(%dma_start3A_547 : memref<128xf32, #tpu.memory_space<hbm>>) target(%arg7 : memref<128xf32, #tpu.memory_space<vmem>>) target_semaphore(%run_scoped3A : memref<!tpu.dma_semaphore, #tpu.memory_space<semaphore_mem>>)
      %dma_wait3A = arith.constant 0 : i32
      %dma_wait3A_548 = tpu.memref_slice %arg3[%add3A, %dma_wait3A] : memref<32x128xf32, #tpu.memory_space<hbm>> -> memref<1x128xf32, #tpu.memory_space<hbm>>
      %dma_wait3A_549 = tpu.memref_squeeze %dma_wait3A_548 : memref<1x128xf32, #tpu.memory_space<hbm>> -> memref<128xf32, #tpu.memory_space<hbm>>
      %dma_wait3A_550 = arith.constant 0 : i32
      %dma_wait3A_551 = tpu.memref_slice %arg3[%add3A, %dma_wait3A_550] : memref<32x128xf32, #tpu.memory_space<hbm>> -> memref<1x128xf32, #tpu.memory_space<hbm>>
      %dma_wait3A_552 = tpu.memref_squeeze %dma_wait3A_551 : memref<1x128xf32, #tpu.memory_space<hbm>> -> memref<128xf32, #tpu.memory_space<hbm>>
      tpu.wait_dma2 semaphore(%run_scoped3A : memref<!tpu.dma_semaphore, #tpu.memory_space<semaphore_mem>>) src(%dma_wait3A_552 : memref<128xf32, #tpu.memory_space<hbm>>) dst(%arg7 : memref<128xf32, #tpu.memory_space<vmem>>)
      tpu.yield
    }) : () -> ()
    %iota3A = tpu.iota {dimensions = array<i32: 0>} : vector<16xi32>
    %get3A = arith.constant 0 : index
    %get3A_1 = tpu.vector_load %arg7[%get3A] {strides = array<i32>} : memref<128xf32, #tpu.memory_space<vmem>>, vector<16xf32>,
    %get3A_2 = arith.constant 16 : index
    %get3A_3 = tpu.vector_load %arg7[%get3A_2] {strides = array<i32>} : memref<128xf32, #tpu.memory_space<vmem>>, vector<16xf32>,
    %get3A_4 = arith.constant 32 : index
    %get3A_5 = tpu.vector_load %arg7[%get3A_4] {strides = array<i32>} : memref<128xf32, #tpu.memory_space<vmem>>, vector<16xf32>,
    %get3A_6 = arith.constant 48 : index
    %get3A_7 = tpu.vector_load %arg7[%get3A_6] {strides = array<i32>} : memref<128xf32, #tpu.memory_space<vmem>>, vector<16xf32>,
    %get3A_8 = arith.constant 64 : index
    %get3A_9 = tpu.vector_load %arg7[%get3A_8] {strides = array<i32>} : memref<128xf32, #tpu.memory_space<vmem>>, vector<16xf32>,
    %get3A_10 = arith.constant 80 : index
    %get3A_11 = tpu.vector_load %arg7[%get3A_10] {strides = array<i32>} : memref<128xf32, #tpu.memory_space<vmem>>, vector<16xf32>,
    %get3A_12 = arith.constant 96 : index
    %get3A_13 = tpu.vector_load %arg7[%get3A_12] {strides = array<i32>} : memref<128xf32, #tpu.memory_space<vmem>>, vector<16xf32>,
    %get3A_14 = arith.constant 112 : index
    %get3A_15 = tpu.vector_load %arg7[%get3A_14] {strides = array<i32>} : memref<128xf32, #tpu.memory_space<vmem>>, vector<16xf32>,
    %slice3A = vector.extract_strided_slice %get3A_1 {offsets = [0], sizes = [1], strides = [1]} : vector<16xf32> to vector<1xf32>
    %squeeze3A = vector.extract %slice3A[0] : f32 from vector<1xf32>
    %slice3A_16 = vector.extract_strided_slice %get3A_3 {offsets = [0], sizes = [1], strides = [1]} : vector<16xf32> to vector<1xf32>
    %squeeze3A_17 = vector.extract %slice3A_16[0] : f32 from vector<1xf32>
    %slice3A_18 = vector.extract_strided_slice %get3A_5 {offsets = [0], sizes = [1], strides = [1]} : vector<16xf32> to vector<1xf32>
    %squeeze3A_19 = vector.extract %slice3A_18[0] : f32 from vector<1xf32>
    %slice3A_20 = vector.extract_strided_slice %get3A_7 {offsets = [0], sizes = [1], strides = [1]} : vector<16xf32> to vector<1xf32>
    %squeeze3A_21 = vector.extract %slice3A_20[0] : f32 from vector<1xf32>
    %slice3A_22 = vector.extract_strided_slice %get3A_9 {offsets = [0], sizes = [1], strides = [1]} : vector<16xf32> to vector<1xf32>
    %squeeze3A_23 = vector.extract %slice3A_22[0] : f32 from vector<1xf32>
    %slice3A_24 = vector.extract_strided_slice %get3A_11 {offsets = [0], sizes = [1], strides = [1]} : vector<16xf32> to vector<1xf32>
    %squeeze3A_25 = vector.extract %slice3A_24[0] : f32 from vector<1xf32>
    %slice3A_26 = vector.extract_strided_slice %get3A_13 {offsets = [0], sizes = [1], strides = [1]} : vector<16xf32> to vector<1xf32>
    %squeeze3A_27 = vector.extract %slice3A_26[0] : f32 from vector<1xf32>
    %slice3A_28 = vector.extract_strided_slice %get3A_15 {offsets = [0], sizes = [1], strides = [1]} : vector<16xf32> to vector<1xf32>
    %squeeze3A_29 = vector.extract %slice3A_28[0] : f32 from vector<1xf32>
    %slice3A_30 = vector.extract_strided_slice %get3A_1 {offsets = [1], sizes = [1], strides = [1]} : vector<16xf32> to vector<1xf32>
    %squeeze3A_31 = vector.extract %slice3A_30[0] : f32 from vector<1xf32>
    %slice3A_32 = vector.extract_strided_slice %get3A_3 {offsets = [1], sizes = [1], strides = [1]} : vector<16xf32> to vector<1xf32>
    %squeeze3A_33 = vector.extract %slice3A_32[0] : f32 from vector<1xf32>
    %slice3A_34 = vector.extract_strided_slice %get3A_5 {offsets = [1], sizes = [1], strides = [1]} : vector<16xf32> to vector<1xf32>
    %squeeze3A_35 = vector.extract %slice3A_34[0] : f32 from vector<1xf32>
    %slice3A_36 = vector.extract_strided_slice %get3A_7 {offsets = [1], sizes = [1], strides = [1]} : vector<16xf32> to vector<1xf32>
    %squeeze3A_37 = vector.extract %slice3A_36[0] : f32 from vector<1xf32>
    %slice3A_38 = vector.extract_strided_slice %get3A_9 {offsets = [1], sizes = [1], strides = [1]} : vector<16xf32> to vector<1xf32>
    %squeeze3A_39 = vector.extract %slice3A_38[0] : f32 from vector<1xf32>
    %slice3A_40 = vector.extract_strided_slice %get3A_11 {offsets = [1], sizes = [1], strides = [1]} : vector<16xf32> to vector<1xf32>
    %squeeze3A_41 = vector.extract %slice3A_40[0] : f32 from vector<1xf32>
    %slice3A_42 = vector.extract_strided_slice %get3A_13 {offsets = [1], sizes = [1], strides = [1]} : vector<16xf32> to vector<1xf32>
    %squeeze3A_43 = vector.extract %slice3A_42[0] : f32 from vector<1xf32>
    %slice3A_44 = vector.extract_strided_slice %get3A_15 {offsets = [1], sizes = [1], strides = [1]} : vector<16xf32> to vector<1xf32>
    %squeeze3A_45 = vector.extract %slice3A_44[0] : f32 from vector<1xf32>
    %slice3A_46 = vector.extract_strided_slice %get3A_1 {offsets = [2], sizes = [1], strides = [1]} : vector<16xf32> to vector<1xf32>
    %squeeze3A_47 = vector.extract %slice3A_46[0] : f32 from vector<1xf32>
    %slice3A_48 = vector.extract_strided_slice %get3A_3 {offsets = [2], sizes = [1], strides = [1]} : vector<16xf32> to vector<1xf32>
    %squeeze3A_49 = vector.extract %slice3A_48[0] : f32 from vector<1xf32>
    %slice3A_50 = vector.extract_strided_slice %get3A_5 {offsets = [2], sizes = [1], strides = [1]} : vector<16xf32> to vector<1xf32>
    %squeeze3A_51 = vector.extract %slice3A_50[0] : f32 from vector<1xf32>
    %slice3A_52 = vector.extract_strided_slice %get3A_7 {offsets = [2], sizes = [1], strides = [1]} : vector<16xf32> to vector<1xf32>
    %squeeze3A_53 = vector.extract %slice3A_52[0] : f32 from vector<1xf32>
    %slice3A_54 = vector.extract_strided_slice %get3A_9 {offsets = [2], sizes = [1], strides = [1]} : vector<16xf32> to vector<1xf32>
    %squeeze3A_55 = vector.extract %slice3A_54[0] : f32 from vector<1xf32>
    %slice3A_56 = vector.extract_strided_slice %get3A_11 {offsets = [2], sizes = [1], strides = [1]} : vector<16xf32> to vector<1xf32>
    %squeeze3A_57 = vector.extract %slice3A_56[0] : f32 from vector<1xf32>
    %slice3A_58 = vector.extract_strided_slice %get3A_13 {offsets = [2], sizes = [1], strides = [1]} : vector<16xf32> to vector<1xf32>
    %squeeze3A_59 = vector.extract %slice3A_58[0] : f32 from vector<1xf32>
    %slice3A_60 = vector.extract_strided_slice %get3A_15 {offsets = [2], sizes = [1], strides = [1]} : vector<16xf32> to vector<1xf32>
    %squeeze3A_61 = vector.extract %slice3A_60[0] : f32 from vector<1xf32>
    %slice3A_62 = vector.extract_strided_slice %get3A_1 {offsets = [3], sizes = [1], strides = [1]} : vector<16xf32> to vector<1xf32>
    %squeeze3A_63 = vector.extract %slice3A_62[0] : f32 from vector<1xf32>
    %slice3A_64 = vector.extract_strided_slice %get3A_3 {offsets = [3], sizes = [1], strides = [1]} : vector<16xf32> to vector<1xf32>
    %squeeze3A_65 = vector.extract %slice3A_64[0] : f32 from vector<1xf32>
    %slice3A_66 = vector.extract_strided_slice %get3A_5 {offsets = [3], sizes = [1], strides = [1]} : vector<16xf32> to vector<1xf32>
    %squeeze3A_67 = vector.extract %slice3A_66[0] : f32 from vector<1xf32>
    %slice3A_68 = vector.extract_strided_slice %get3A_7 {offsets = [3], sizes = [1], strides = [1]} : vector<16xf32> to vector<1xf32>
    %squeeze3A_69 = vector.extract %slice3A_68[0] : f32 from vector<1xf32>
    %slice3A_70 = vector.extract_strided_slice %get3A_9 {offsets = [3], sizes = [1], strides = [1]} : vector<16xf32> to vector<1xf32>
    %squeeze3A_71 = vector.extract %slice3A_70[0] : f32 from vector<1xf32>
    %slice3A_72 = vector.extract_strided_slice %get3A_11 {offsets = [3], sizes = [1], strides = [1]} : vector<16xf32> to vector<1xf32>
    %squeeze3A_73 = vector.extract %slice3A_72[0] : f32 from vector<1xf32>
    %slice3A_74 = vector.extract_strided_slice %get3A_13 {offsets = [3], sizes = [1], strides = [1]} : vector<16xf32> to vector<1xf32>
    %squeeze3A_75 = vector.extract %slice3A_74[0] : f32 from vector<1xf32>
    %slice3A_76 = vector.extract_strided_slice %get3A_15 {offsets = [3], sizes = [1], strides = [1]} : vector<16xf32> to vector<1xf32>
    %squeeze3A_77 = vector.extract %slice3A_76[0] : f32 from vector<1xf32>
    %slice3A_78 = vector.extract_strided_slice %get3A_1 {offsets = [14], sizes = [1], strides = [1]} : vector<16xf32> to vector<1xf32>
    %squeeze3A_79 = vector.extract %slice3A_78[0] : f32 from vector<1xf32>
    %slice3A_80 = vector.extract_strided_slice %get3A_3 {offsets = [14], sizes = [1], strides = [1]} : vector<16xf32> to vector<1xf32>
    %squeeze3A_81 = vector.extract %slice3A_80[0] : f32 from vector<1xf32>
    %slice3A_82 = vector.extract_strided_slice %get3A_5 {offsets = [14], sizes = [1], strides = [1]} : vector<16xf32> to vector<1xf32>
    %squeeze3A_83 = vector.extract %slice3A_82[0] : f32 from vector<1xf32>
    %slice3A_84 = vector.extract_strided_slice %get3A_7 {offsets = [14], sizes = [1], strides = [1]} : vector<16xf32> to vector<1xf32>
    %squeeze3A_85 = vector.extract %slice3A_84[0] : f32 from vector<1xf32>
    %slice3A_86 = vector.extract_strided_slice %get3A_9 {offsets = [14], sizes = [1], strides = [1]} : vector<16xf32> to vector<1xf32>
    %squeeze3A_87 = vector.extract %slice3A_86[0] : f32 from vector<1xf32>
    %slice3A_88 = vector.extract_strided_slice %get3A_11 {offsets = [14], sizes = [1], strides = [1]} : vector<16xf32> to vector<1xf32>
    %squeeze3A_89 = vector.extract %slice3A_88[0] : f32 from vector<1xf32>
    %slice3A_90 = vector.extract_strided_slice %get3A_13 {offsets = [14], sizes = [1], strides = [1]} : vector<16xf32> to vector<1xf32>
    %squeeze3A_91 = vector.extract %slice3A_90[0] : f32 from vector<1xf32>
    %slice3A_92 = vector.extract_strided_slice %get3A_15 {offsets = [14], sizes = [1], strides = [1]} : vector<16xf32> to vector<1xf32>
    %squeeze3A_93 = vector.extract %slice3A_92[0] : f32 from vector<1xf32>
    %sub3A = arith.subf %squeeze3A_47, %squeeze3A : f32
    %sub3A_94 = arith.subf %squeeze3A_63, %squeeze3A_31 : f32
    %mul3A_95 = arith.mulf %sub3A, %sub3A_94 : f32
    %sub3A_96 = arith.subf %squeeze3A_49, %squeeze3A_17 : f32
    %sub3A_97 = arith.subf %squeeze3A_65, %squeeze3A_33 : f32
    %mul3A_98 = arith.mulf %sub3A_96, %sub3A_97 : f32
    %sub3A_99 = arith.subf %squeeze3A_51, %squeeze3A_19 : f32
    %sub3A_100 = arith.subf %squeeze3A_67, %squeeze3A_35 : f32
    %mul3A_101 = arith.mulf %sub3A_99, %sub3A_100 : f32
    %sub3A_102 = arith.subf %squeeze3A_53, %squeeze3A_21 : f32
    %sub3A_103 = arith.subf %squeeze3A_69, %squeeze3A_37 : f32
    %mul3A_104 = arith.mulf %sub3A_102, %sub3A_103 : f32
    %sub3A_105 = arith.subf %squeeze3A_55, %squeeze3A_23 : f32
    %sub3A_106 = arith.subf %squeeze3A_71, %squeeze3A_39 : f32
    %mul3A_107 = arith.mulf %sub3A_105, %sub3A_106 : f32
    %sub3A_108 = arith.subf %squeeze3A_57, %squeeze3A_25 : f32
    %sub3A_109 = arith.subf %squeeze3A_73, %squeeze3A_41 : f32
    %mul3A_110 = arith.mulf %sub3A_108, %sub3A_109 : f32
    %sub3A_111 = arith.subf %squeeze3A_59, %squeeze3A_27 : f32
    %sub3A_112 = arith.subf %squeeze3A_75, %squeeze3A_43 : f32
    %mul3A_113 = arith.mulf %sub3A_111, %sub3A_112 : f32
    %sub3A_114 = arith.subf %squeeze3A_61, %squeeze3A_29 : f32
    %sub3A_115 = arith.subf %squeeze3A_77, %squeeze3A_45 : f32
    %mul3A_116 = arith.mulf %sub3A_114, %sub3A_115 : f32
    %broadcast_in_dim3A = arith.constant -2.000000e+00 : f32
    %broadcast_in_dim3A_117 = vector.broadcast %broadcast_in_dim3A : f32 to vector<16xf32>
    %broadcast_in_dim3A_118 = arith.constant -2.000000e+00 : f32
    %broadcast_in_dim3A_119 = vector.broadcast %broadcast_in_dim3A_118 : f32 to vector<16xf32>
    %broadcast_in_dim3A_120 = arith.constant -2.000000e+00 : f32
    %broadcast_in_dim3A_121 = vector.broadcast %broadcast_in_dim3A_120 : f32 to vector<16xf32>
    %broadcast_in_dim3A_122 = arith.constant -2.000000e+00 : f32
    %broadcast_in_dim3A_123 = vector.broadcast %broadcast_in_dim3A_122 : f32 to vector<16xf32>
    %broadcast_in_dim3A_124 = arith.constant -2.000000e+00 : f32
    %broadcast_in_dim3A_125 = vector.broadcast %broadcast_in_dim3A_124 : f32 to vector<16xf32>
    %broadcast_in_dim3A_126 = arith.constant -2.000000e+00 : f32
    %broadcast_in_dim3A_127 = vector.broadcast %broadcast_in_dim3A_126 : f32 to vector<16xf32>
    %broadcast_in_dim3A_128 = arith.constant -2.000000e+00 : f32
    %broadcast_in_dim3A_129 = vector.broadcast %broadcast_in_dim3A_128 : f32 to vector<16xf32>
    %broadcast_in_dim3A_130 = arith.constant -2.000000e+00 : f32
    %broadcast_in_dim3A_131 = vector.broadcast %broadcast_in_dim3A_130 : f32 to vector<16xf32>
    %broadcast_in_dim3A_132 = arith.constant 0 : i32
    %broadcast_in_dim3A_133 = vector.broadcast %broadcast_in_dim3A_132 : i32 to vector<16xi32>
    %broadcast_in_dim3A_134 = arith.constant 0 : i32
    %broadcast_in_dim3A_135 = vector.broadcast %broadcast_in_dim3A_134 : i32 to vector<16xi32>
    %broadcast_in_dim3A_136 = arith.constant 0 : i32
    %broadcast_in_dim3A_137 = vector.broadcast %broadcast_in_dim3A_136 : i32 to vector<16xi32>
    %broadcast_in_dim3A_138 = arith.constant 0 : i32
    %broadcast_in_dim3A_139 = vector.broadcast %broadcast_in_dim3A_138 : i32 to vector<16xi32>
    %broadcast_in_dim3A_140 = arith.constant 0 : i32
    %broadcast_in_dim3A_141 = vector.broadcast %broadcast_in_dim3A_140 : i32 to vector<16xi32>
    %broadcast_in_dim3A_142 = arith.constant 0 : i32
    %broadcast_in_dim3A_143 = vector.broadcast %broadcast_in_dim3A_142 : i32 to vector<16xi32>
    %broadcast_in_dim3A_144 = arith.constant 0 : i32
    %broadcast_in_dim3A_145 = vector.broadcast %broadcast_in_dim3A_144 : i32 to vector<16xi32>
    %broadcast_in_dim3A_146 = arith.constant 0 : i32
    %broadcast_in_dim3A_147 = vector.broadcast %broadcast_in_dim3A_146 : i32 to vector<16xi32>
    %scan3A = arith.constant 0 : i32
    %scan3A_148 = arith.constant 525 : i32
    %scan3A_149 = arith.addi %scan3A, %scan3A_148 : i32
    %scan3A_150 = arith.constant 1 : i32
    %scan3A_151:16 = scf.for %scan3A_543 = %scan3A to %scan3A_149 step %scan3A_150 iter_args(%scan3A_544 = %broadcast_in_dim3A_117, %scan3A_545 = %broadcast_in_dim3A_119, %scan3A_546 = %broadcast_in_dim3A_121, %scan3A_547 = %broadcast_in_dim3A_123, %scan3A_548 = %broadcast_in_dim3A_125, %scan3A_549 = %broadcast_in_dim3A_127, %scan3A_550 = %broadcast_in_dim3A_129, %scan3A_551 = %broadcast_in_dim3A_131, %scan3A_552 = %broadcast_in_dim3A_133, %scan3A_553 = %broadcast_in_dim3A_135, %scan3A_554 = %broadcast_in_dim3A_137, %scan3A_555 = %broadcast_in_dim3A_139, %scan3A_556 = %broadcast_in_dim3A_141, %scan3A_557 = %broadcast_in_dim3A_143, %scan3A_558 = %broadcast_in_dim3A_145, %scan3A_559 = %broadcast_in_dim3A_147) -> (vector<16xf32>, vector<16xf32>, vector<16xf32>, vector<16xf32>, vector<16xf32>, vector<16xf32>, vector<16xf32>, vector<16xf32>, vector<16xi32>, vector<16xi32>, vector<16xi32>, vector<16xi32>, vector<16xi32>, vector<16xi32>, vector<16xi32>, vector<16xi32>)  : i32 {
      %mul3A_560 = arith.constant 32 : i32
      %mul3A_561 = arith.muli %scan3A_543, %mul3A_560 : i32
      %add3A_562 = vector.broadcast %mul3A_561 : i32 to vector<16xi32>
      %add3A_563 = arith.addi %add3A_562, %iota3A : vector<16xi32>
      %get3A_564 = arith.index_cast %mul3A_561 : i32 to index
      %get3A_565 = tpu.vector_load %arg6[%get3A_564] {strides = array<i32>} : memref<67200xf32, #tpu.memory_space<vmem>>, vector<16xf32>,
      %add3A_566 = arith.constant 16800 : i32
      %add3A_567 = arith.addi %add3A_566, %mul3A_561 : i32
      %get3A_568 = arith.index_cast %add3A_567 : i32 to index
      %get3A_569 = tpu.vector_load %arg6[%get3A_568] {strides = array<i32>} : memref<67200xf32, #tpu.memory_space<vmem>>, vector<16xf32>,
      %add3A_570 = arith.constant 33600 : i32
      %add3A_571 = arith.addi %add3A_570, %mul3A_561 : i32
      %get3A_572 = arith.index_cast %add3A_571 : i32 to index
      %get3A_573 = tpu.vector_load %arg6[%get3A_572] {strides = array<i32>} : memref<67200xf32, #tpu.memory_space<vmem>>, vector<16xf32>,
      %add3A_574 = arith.constant 50400 : i32
      %add3A_575 = arith.addi %add3A_574, %mul3A_561 : i32
      %get3A_576 = arith.index_cast %add3A_575 : i32 to index
      %get3A_577 = tpu.vector_load %arg6[%get3A_576] {strides = array<i32>} : memref<67200xf32, #tpu.memory_space<vmem>>, vector<16xf32>,
      %mul3A_578 = arith.constant 5.000000e-01 : f32
      %mul3A_579 = vector.broadcast %mul3A_578 : f32 to vector<16xf32>
      %mul3A_580 = arith.mulf %get3A_573, %mul3A_579 : vector<16xf32>
      %sub3A_581 = arith.subf %get3A_565, %mul3A_580 : vector<16xf32>
      %mul3A_582 = arith.constant 5.000000e-01 : f32
      %mul3A_583 = vector.broadcast %mul3A_582 : f32 to vector<16xf32>
      %mul3A_584 = arith.mulf %get3A_577, %mul3A_583 : vector<16xf32>
      %sub3A_585 = arith.subf %get3A_569, %mul3A_584 : vector<16xf32>
      %mul3A_586 = arith.constant 5.000000e-01 : f32
      %mul3A_587 = vector.broadcast %mul3A_586 : f32 to vector<16xf32>
      %mul3A_588 = arith.mulf %get3A_573, %mul3A_587 : vector<16xf32>
      %add3A_589 = arith.addf %get3A_565, %mul3A_588 : vector<16xf32>
      %mul3A_590 = arith.constant 5.000000e-01 : f32
      %mul3A_591 = vector.broadcast %mul3A_590 : f32 to vector<16xf32>
      %mul3A_592 = arith.mulf %get3A_577, %mul3A_591 : vector<16xf32>
      %add3A_593 = arith.addf %get3A_569, %mul3A_592 : vector<16xf32>
      %sub3A_594 = arith.subf %add3A_589, %sub3A_581 : vector<16xf32>
      %sub3A_595 = arith.subf %add3A_593, %sub3A_585 : vector<16xf32>
      %mul3A_596 = arith.mulf %sub3A_594, %sub3A_595 : vector<16xf32>
      %broadcast_in_dim3A_597 = arith.constant -1.000000e+00 : f32
      %broadcast_in_dim3A_598 = vector.broadcast %broadcast_in_dim3A_597 : f32 to vector<16xf32>
      %broadcast_in_dim3A_599 = arith.constant 0 : i32
      %broadcast_in_dim3A_600 = vector.broadcast %broadcast_in_dim3A_599 : i32 to vector<16xi32>
      %min3A = vector.broadcast %squeeze3A_47 : f32 to vector<16xf32>
      %min3A_601 = arith.minimumf %add3A_589, %min3A : vector<16xf32>
      %max3A = vector.broadcast %squeeze3A : f32 to vector<16xf32>
      %max3A_602 = arith.maximumf %sub3A_581, %max3A : vector<16xf32>
      %sub3A_603 = arith.subf %min3A_601, %max3A_602 : vector<16xf32>
      %max3A_604 = arith.constant 0.000000e+00 : f32
      %max3A_605 = vector.broadcast %max3A_604 : f32 to vector<16xf32>
      %max3A_606 = arith.maximumf %sub3A_603, %max3A_605 : vector<16xf32>
      %min3A_607 = vector.broadcast %squeeze3A_63 : f32 to vector<16xf32>
      %min3A_608 = arith.minimumf %add3A_593, %min3A_607 : vector<16xf32>
      %max3A_609 = vector.broadcast %squeeze3A_31 : f32 to vector<16xf32>
      %max3A_610 = arith.maximumf %sub3A_585, %max3A_609 : vector<16xf32>
      %sub3A_611 = arith.subf %min3A_608, %max3A_610 : vector<16xf32>
      %max3A_612 = arith.constant 0.000000e+00 : f32
      %max3A_613 = vector.broadcast %max3A_612 : f32 to vector<16xf32>
      %max3A_614 = arith.maximumf %sub3A_611, %max3A_613 : vector<16xf32>
      %mul3A_615 = arith.mulf %max3A_606, %max3A_614 : vector<16xf32>
      %add3A_616 = vector.broadcast %mul3A_95 : f32 to vector<16xf32>
      %add3A_617 = arith.addf %add3A_616, %mul3A_596 : vector<16xf32>
      %sub3A_618 = arith.subf %add3A_617, %mul3A_615 : vector<16xf32>
      %div3A = arith.divf %mul3A_615, %sub3A_618 : vector<16xf32>
      %gt3A = arith.cmpf ogt, %div3A, %broadcast_in_dim3A_598 : vector<16xf32>
      %jit3A_619 = arith.constant 0 : i32
      %broadcast_in_dim3A_620 = vector.broadcast %jit3A_619 : i32 to vector<16xi32>
      %select_n3A_621 = arith.select %gt3A, %broadcast_in_dim3A_620, %broadcast_in_dim3A_600 : vector<16xi1>, vector<16xi32>
      %select_n3A_622 = arith.select %gt3A, %div3A, %broadcast_in_dim3A_598 : vector<16xi1>, vector<16xf32>
      %gt3A_623 = arith.cmpf ogt, %div3A, %scan3A_544 : vector<16xf32>
      %select_n3A_624 = arith.select %gt3A_623, %add3A_563, %scan3A_552 : vector<16xi1>, vector<16xi32>
      %select_n3A_625 = arith.select %gt3A_623, %div3A, %scan3A_544 : vector<16xi1>, vector<16xf32>
      %min3A_626 = vector.broadcast %squeeze3A_49 : f32 to vector<16xf32>
      %min3A_627 = arith.minimumf %add3A_589, %min3A_626 : vector<16xf32>
      %max3A_628 = vector.broadcast %squeeze3A_17 : f32 to vector<16xf32>
      %max3A_629 = arith.maximumf %sub3A_581, %max3A_628 : vector<16xf32>
      %sub3A_630 = arith.subf %min3A_627, %max3A_629 : vector<16xf32>
      %max3A_631 = arith.constant 0.000000e+00 : f32
      %max3A_632 = vector.broadcast %max3A_631 : f32 to vector<16xf32>
      %max3A_633 = arith.maximumf %sub3A_630, %max3A_632 : vector<16xf32>
      %min3A_634 = vector.broadcast %squeeze3A_65 : f32 to vector<16xf32>
      %min3A_635 = arith.minimumf %add3A_593, %min3A_634 : vector<16xf32>
      %max3A_636 = vector.broadcast %squeeze3A_33 : f32 to vector<16xf32>
      %max3A_637 = arith.maximumf %sub3A_585, %max3A_636 : vector<16xf32>
      %sub3A_638 = arith.subf %min3A_635, %max3A_637 : vector<16xf32>
      %max3A_639 = arith.constant 0.000000e+00 : f32
      %max3A_640 = vector.broadcast %max3A_639 : f32 to vector<16xf32>
      %max3A_641 = arith.maximumf %sub3A_638, %max3A_640 : vector<16xf32>
      %mul3A_642 = arith.mulf %max3A_633, %max3A_641 : vector<16xf32>
      %add3A_643 = vector.broadcast %mul3A_98 : f32 to vector<16xf32>
      %add3A_644 = arith.addf %add3A_643, %mul3A_596 : vector<16xf32>
      %sub3A_645 = arith.subf %add3A_644, %mul3A_642 : vector<16xf32>
      %div3A_646 = arith.divf %mul3A_642, %sub3A_645 : vector<16xf32>
      %gt3A_647 = arith.cmpf ogt, %div3A_646, %select_n3A_622 : vector<16xf32>
      %jit3A_648 = arith.constant 1 : i32
      %broadcast_in_dim3A_649 = vector.broadcast %jit3A_648 : i32 to vector<16xi32>
      %select_n3A_650 = arith.select %gt3A_647, %broadcast_in_dim3A_649, %select_n3A_621 : vector<16xi1>, vector<16xi32>
      %select_n3A_651 = arith.select %gt3A_647, %div3A_646, %select_n3A_622 : vector<16xi1>, vector<16xf32>
      %gt3A_652 = arith.cmpf ogt, %div3A_646, %scan3A_545 : vector<16xf32>
      %select_n3A_653 = arith.select %gt3A_652, %add3A_563, %scan3A_553 : vector<16xi1>, vector<16xi32>
      %select_n3A_654 = arith.select %gt3A_652, %div3A_646, %scan3A_545 : vector<16xi1>, vector<16xf32>
      %min3A_655 = vector.broadcast %squeeze3A_51 : f32 to vector<16xf32>
      %min3A_656 = arith.minimumf %add3A_589, %min3A_655 : vector<16xf32>
      %max3A_657 = vector.broadcast %squeeze3A_19 : f32 to vector<16xf32>
      %max3A_658 = arith.maximumf %sub3A_581, %max3A_657 : vector<16xf32>
      %sub3A_659 = arith.subf %min3A_656, %max3A_658 : vector<16xf32>
      %max3A_660 = arith.constant 0.000000e+00 : f32
      %max3A_661 = vector.broadcast %max3A_660 : f32 to vector<16xf32>
      %max3A_662 = arith.maximumf %sub3A_659, %max3A_661 : vector<16xf32>
      %min3A_663 = vector.broadcast %squeeze3A_67 : f32 to vector<16xf32>
      %min3A_664 = arith.minimumf %add3A_593, %min3A_663 : vector<16xf32>
      %max3A_665 = vector.broadcast %squeeze3A_35 : f32 to vector<16xf32>
      %max3A_666 = arith.maximumf %sub3A_585, %max3A_665 : vector<16xf32>
      %sub3A_667 = arith.subf %min3A_664, %max3A_666 : vector<16xf32>
      %max3A_668 = arith.constant 0.000000e+00 : f32
      %max3A_669 = vector.broadcast %max3A_668 : f32 to vector<16xf32>
      %max3A_670 = arith.maximumf %sub3A_667, %max3A_669 : vector<16xf32>
      %mul3A_671 = arith.mulf %max3A_662, %max3A_670 : vector<16xf32>
      %add3A_672 = vector.broadcast %mul3A_101 : f32 to vector<16xf32>
      %add3A_673 = arith.addf %add3A_672, %mul3A_596 : vector<16xf32>
      %sub3A_674 = arith.subf %add3A_673, %mul3A_671 : vector<16xf32>
      %div3A_675 = arith.divf %mul3A_671, %sub3A_674 : vector<16xf32>
      %gt3A_676 = arith.cmpf ogt, %div3A_675, %select_n3A_651 : vector<16xf32>
      %jit3A_677 = arith.constant 2 : i32
      %broadcast_in_dim3A_678 = vector.broadcast %jit3A_677 : i32 to vector<16xi32>
      %select_n3A_679 = arith.select %gt3A_676, %broadcast_in_dim3A_678, %select_n3A_650 : vector<16xi1>, vector<16xi32>
      %select_n3A_680 = arith.select %gt3A_676, %div3A_675, %select_n3A_651 : vector<16xi1>, vector<16xf32>
      %gt3A_681 = arith.cmpf ogt, %div3A_675, %scan3A_546 : vector<16xf32>
      %select_n3A_682 = arith.select %gt3A_681, %add3A_563, %scan3A_554 : vector<16xi1>, vector<16xi32>
      %select_n3A_683 = arith.select %gt3A_681, %div3A_675, %scan3A_546 : vector<16xi1>, vector<16xf32>
      %min3A_684 = vector.broadcast %squeeze3A_53 : f32 to vector<16xf32>
      %min3A_685 = arith.minimumf %add3A_589, %min3A_684 : vector<16xf32>
      %max3A_686 = vector.broadcast %squeeze3A_21 : f32 to vector<16xf32>
      %max3A_687 = arith.maximumf %sub3A_581, %max3A_686 : vector<16xf32>
      %sub3A_688 = arith.subf %min3A_685, %max3A_687 : vector<16xf32>
      %max3A_689 = arith.constant 0.000000e+00 : f32
      %max3A_690 = vector.broadcast %max3A_689 : f32 to vector<16xf32>
      %max3A_691 = arith.maximumf %sub3A_688, %max3A_690 : vector<16xf32>
      %min3A_692 = vector.broadcast %squeeze3A_69 : f32 to vector<16xf32>
      %min3A_693 = arith.minimumf %add3A_593, %min3A_692 : vector<16xf32>
      %max3A_694 = vector.broadcast %squeeze3A_37 : f32 to vector<16xf32>
      %max3A_695 = arith.maximumf %sub3A_585, %max3A_694 : vector<16xf32>
      %sub3A_696 = arith.subf %min3A_693, %max3A_695 : vector<16xf32>
      %max3A_697 = arith.constant 0.000000e+00 : f32
      %max3A_698 = vector.broadcast %max3A_697 : f32 to vector<16xf32>
      %max3A_699 = arith.maximumf %sub3A_696, %max3A_698 : vector<16xf32>
      %mul3A_700 = arith.mulf %max3A_691, %max3A_699 : vector<16xf32>
      %add3A_701 = vector.broadcast %mul3A_104 : f32 to vector<16xf32>
      %add3A_702 = arith.addf %add3A_701, %mul3A_596 : vector<16xf32>
      %sub3A_703 = arith.subf %add3A_702, %mul3A_700 : vector<16xf32>
      %div3A_704 = arith.divf %mul3A_700, %sub3A_703 : vector<16xf32>
      %gt3A_705 = arith.cmpf ogt, %div3A_704, %select_n3A_680 : vector<16xf32>
      %jit3A_706 = arith.constant 3 : i32
      %broadcast_in_dim3A_707 = vector.broadcast %jit3A_706 : i32 to vector<16xi32>
      %select_n3A_708 = arith.select %gt3A_705, %broadcast_in_dim3A_707, %select_n3A_679 : vector<16xi1>, vector<16xi32>
      %select_n3A_709 = arith.select %gt3A_705, %div3A_704, %select_n3A_680 : vector<16xi1>, vector<16xf32>
      %gt3A_710 = arith.cmpf ogt, %div3A_704, %scan3A_547 : vector<16xf32>
      %select_n3A_711 = arith.select %gt3A_710, %add3A_563, %scan3A_555 : vector<16xi1>, vector<16xi32>
      %select_n3A_712 = arith.select %gt3A_710, %div3A_704, %scan3A_547 : vector<16xi1>, vector<16xf32>
      %min3A_713 = vector.broadcast %squeeze3A_55 : f32 to vector<16xf32>
      %min3A_714 = arith.minimumf %add3A_589, %min3A_713 : vector<16xf32>
      %max3A_715 = vector.broadcast %squeeze3A_23 : f32 to vector<16xf32>
      %max3A_716 = arith.maximumf %sub3A_581, %max3A_715 : vector<16xf32>
      %sub3A_717 = arith.subf %min3A_714, %max3A_716 : vector<16xf32>
      %max3A_718 = arith.constant 0.000000e+00 : f32
      %max3A_719 = vector.broadcast %max3A_718 : f32 to vector<16xf32>
      %max3A_720 = arith.maximumf %sub3A_717, %max3A_719 : vector<16xf32>
      %min3A_721 = vector.broadcast %squeeze3A_71 : f32 to vector<16xf32>
      %min3A_722 = arith.minimumf %add3A_593, %min3A_721 : vector<16xf32>
      %max3A_723 = vector.broadcast %squeeze3A_39 : f32 to vector<16xf32>
      %max3A_724 = arith.maximumf %sub3A_585, %max3A_723 : vector<16xf32>
      %sub3A_725 = arith.subf %min3A_722, %max3A_724 : vector<16xf32>
      %max3A_726 = arith.constant 0.000000e+00 : f32
      %max3A_727 = vector.broadcast %max3A_726 : f32 to vector<16xf32>
      %max3A_728 = arith.maximumf %sub3A_725, %max3A_727 : vector<16xf32>
      %mul3A_729 = arith.mulf %max3A_720, %max3A_728 : vector<16xf32>
      %add3A_730 = vector.broadcast %mul3A_107 : f32 to vector<16xf32>
      %add3A_731 = arith.addf %add3A_730, %mul3A_596 : vector<16xf32>
      %sub3A_732 = arith.subf %add3A_731, %mul3A_729 : vector<16xf32>
      %div3A_733 = arith.divf %mul3A_729, %sub3A_732 : vector<16xf32>
      %gt3A_734 = arith.cmpf ogt, %div3A_733, %select_n3A_709 : vector<16xf32>
      %jit3A_735 = arith.constant 4 : i32
      %broadcast_in_dim3A_736 = vector.broadcast %jit3A_735 : i32 to vector<16xi32>
      %select_n3A_737 = arith.select %gt3A_734, %broadcast_in_dim3A_736, %select_n3A_708 : vector<16xi1>, vector<16xi32>
      %select_n3A_738 = arith.select %gt3A_734, %div3A_733, %select_n3A_709 : vector<16xi1>, vector<16xf32>
      %gt3A_739 = arith.cmpf ogt, %div3A_733, %scan3A_548 : vector<16xf32>
      %select_n3A_740 = arith.select %gt3A_739, %add3A_563, %scan3A_556 : vector<16xi1>, vector<16xi32>
      %select_n3A_741 = arith.select %gt3A_739, %div3A_733, %scan3A_548 : vector<16xi1>, vector<16xf32>
      %min3A_742 = vector.broadcast %squeeze3A_57 : f32 to vector<16xf32>
      %min3A_743 = arith.minimumf %add3A_589, %min3A_742 : vector<16xf32>
      %max3A_744 = vector.broadcast %squeeze3A_25 : f32 to vector<16xf32>
      %max3A_745 = arith.maximumf %sub3A_581, %max3A_744 : vector<16xf32>
      %sub3A_746 = arith.subf %min3A_743, %max3A_745 : vector<16xf32>
      %max3A_747 = arith.constant 0.000000e+00 : f32
      %max3A_748 = vector.broadcast %max3A_747 : f32 to vector<16xf32>
      %max3A_749 = arith.maximumf %sub3A_746, %max3A_748 : vector<16xf32>
      %min3A_750 = vector.broadcast %squeeze3A_73 : f32 to vector<16xf32>
      %min3A_751 = arith.minimumf %add3A_593, %min3A_750 : vector<16xf32>
      %max3A_752 = vector.broadcast %squeeze3A_41 : f32 to vector<16xf32>
      %max3A_753 = arith.maximumf %sub3A_585, %max3A_752 : vector<16xf32>
      %sub3A_754 = arith.subf %min3A_751, %max3A_753 : vector<16xf32>
      %max3A_755 = arith.constant 0.000000e+00 : f32
      %max3A_756 = vector.broadcast %max3A_755 : f32 to vector<16xf32>
      %max3A_757 = arith.maximumf %sub3A_754, %max3A_756 : vector<16xf32>
      %mul3A_758 = arith.mulf %max3A_749, %max3A_757 : vector<16xf32>
      %add3A_759 = vector.broadcast %mul3A_110 : f32 to vector<16xf32>
      %add3A_760 = arith.addf %add3A_759, %mul3A_596 : vector<16xf32>
      %sub3A_761 = arith.subf %add3A_760, %mul3A_758 : vector<16xf32>
      %div3A_762 = arith.divf %mul3A_758, %sub3A_761 : vector<16xf32>
      %gt3A_763 = arith.cmpf ogt, %div3A_762, %select_n3A_738 : vector<16xf32>
      %jit3A_764 = arith.constant 5 : i32
      %broadcast_in_dim3A_765 = vector.broadcast %jit3A_764 : i32 to vector<16xi32>
      %select_n3A_766 = arith.select %gt3A_763, %broadcast_in_dim3A_765, %select_n3A_737 : vector<16xi1>, vector<16xi32>
      %select_n3A_767 = arith.select %gt3A_763, %div3A_762, %select_n3A_738 : vector<16xi1>, vector<16xf32>
      %gt3A_768 = arith.cmpf ogt, %div3A_762, %scan3A_549 : vector<16xf32>
      %select_n3A_769 = arith.select %gt3A_768, %add3A_563, %scan3A_557 : vector<16xi1>, vector<16xi32>
      %select_n3A_770 = arith.select %gt3A_768, %div3A_762, %scan3A_549 : vector<16xi1>, vector<16xf32>
      %min3A_771 = vector.broadcast %squeeze3A_59 : f32 to vector<16xf32>
      %min3A_772 = arith.minimumf %add3A_589, %min3A_771 : vector<16xf32>
      %max3A_773 = vector.broadcast %squeeze3A_27 : f32 to vector<16xf32>
      %max3A_774 = arith.maximumf %sub3A_581, %max3A_773 : vector<16xf32>
      %sub3A_775 = arith.subf %min3A_772, %max3A_774 : vector<16xf32>
      %max3A_776 = arith.constant 0.000000e+00 : f32
      %max3A_777 = vector.broadcast %max3A_776 : f32 to vector<16xf32>
      %max3A_778 = arith.maximumf %sub3A_775, %max3A_777 : vector<16xf32>
      %min3A_779 = vector.broadcast %squeeze3A_75 : f32 to vector<16xf32>
      %min3A_780 = arith.minimumf %add3A_593, %min3A_779 : vector<16xf32>
      %max3A_781 = vector.broadcast %squeeze3A_43 : f32 to vector<16xf32>
      %max3A_782 = arith.maximumf %sub3A_585, %max3A_781 : vector<16xf32>
      %sub3A_783 = arith.subf %min3A_780, %max3A_782 : vector<16xf32>
      %max3A_784 = arith.constant 0.000000e+00 : f32
      %max3A_785 = vector.broadcast %max3A_784 : f32 to vector<16xf32>
      %max3A_786 = arith.maximumf %sub3A_783, %max3A_785 : vector<16xf32>
      %mul3A_787 = arith.mulf %max3A_778, %max3A_786 : vector<16xf32>
      %add3A_788 = vector.broadcast %mul3A_113 : f32 to vector<16xf32>
      %add3A_789 = arith.addf %add3A_788, %mul3A_596 : vector<16xf32>
      %sub3A_790 = arith.subf %add3A_789, %mul3A_787 : vector<16xf32>
      %div3A_791 = arith.divf %mul3A_787, %sub3A_790 : vector<16xf32>
      %gt3A_792 = arith.cmpf ogt, %div3A_791, %select_n3A_767 : vector<16xf32>
      %jit3A_793 = arith.constant 6 : i32
      %broadcast_in_dim3A_794 = vector.broadcast %jit3A_793 : i32 to vector<16xi32>
      %select_n3A_795 = arith.select %gt3A_792, %broadcast_in_dim3A_794, %select_n3A_766 : vector<16xi1>, vector<16xi32>
      %select_n3A_796 = arith.select %gt3A_792, %div3A_791, %select_n3A_767 : vector<16xi1>, vector<16xf32>
      %gt3A_797 = arith.cmpf ogt, %div3A_791, %scan3A_550 : vector<16xf32>
      %select_n3A_798 = arith.select %gt3A_797, %add3A_563, %scan3A_558 : vector<16xi1>, vector<16xi32>
      %select_n3A_799 = arith.select %gt3A_797, %div3A_791, %scan3A_550 : vector<16xi1>, vector<16xf32>
      %min3A_800 = vector.broadcast %squeeze3A_61 : f32 to vector<16xf32>
      %min3A_801 = arith.minimumf %add3A_589, %min3A_800 : vector<16xf32>
      %max3A_802 = vector.broadcast %squeeze3A_29 : f32 to vector<16xf32>
      %max3A_803 = arith.maximumf %sub3A_581, %max3A_802 : vector<16xf32>
      %sub3A_804 = arith.subf %min3A_801, %max3A_803 : vector<16xf32>
      %max3A_805 = arith.constant 0.000000e+00 : f32
      %max3A_806 = vector.broadcast %max3A_805 : f32 to vector<16xf32>
      %max3A_807 = arith.maximumf %sub3A_804, %max3A_806 : vector<16xf32>
      %min3A_808 = vector.broadcast %squeeze3A_77 : f32 to vector<16xf32>
      %min3A_809 = arith.minimumf %add3A_593, %min3A_808 : vector<16xf32>
      %max3A_810 = vector.broadcast %squeeze3A_45 : f32 to vector<16xf32>
      %max3A_811 = arith.maximumf %sub3A_585, %max3A_810 : vector<16xf32>
      %sub3A_812 = arith.subf %min3A_809, %max3A_811 : vector<16xf32>
      %max3A_813 = arith.constant 0.000000e+00 : f32
      %max3A_814 = vector.broadcast %max3A_813 : f32 to vector<16xf32>
      %max3A_815 = arith.maximumf %sub3A_812, %max3A_814 : vector<16xf32>
      %mul3A_816 = arith.mulf %max3A_807, %max3A_815 : vector<16xf32>
      %add3A_817 = vector.broadcast %mul3A_116 : f32 to vector<16xf32>
      %add3A_818 = arith.addf %add3A_817, %mul3A_596 : vector<16xf32>
      %sub3A_819 = arith.subf %add3A_818, %mul3A_816 : vector<16xf32>
      %div3A_820 = arith.divf %mul3A_816, %sub3A_819 : vector<16xf32>
      %gt3A_821 = arith.cmpf ogt, %div3A_820, %select_n3A_796 : vector<16xf32>
      %jit3A_822 = arith.constant 7 : i32
      %broadcast_in_dim3A_823 = vector.broadcast %jit3A_822 : i32 to vector<16xi32>
      %select_n3A_824 = arith.select %gt3A_821, %broadcast_in_dim3A_823, %select_n3A_795 : vector<16xi1>, vector<16xi32>
      %select_n3A_825 = arith.select %gt3A_821, %div3A_820, %select_n3A_796 : vector<16xi1>, vector<16xf32>
      %gt3A_826 = arith.cmpf ogt, %div3A_820, %scan3A_551 : vector<16xf32>
      %select_n3A_827 = arith.select %gt3A_826, %add3A_563, %scan3A_559 : vector<16xi1>, vector<16xi32>
      %select_n3A_828 = arith.select %gt3A_826, %div3A_820, %scan3A_551 : vector<16xi1>, vector<16xf32>
      %swap3A_829 = arith.index_cast %mul3A_561 : i32 to index
      %swap3A_830 = tpu.vector_load %arg8[%swap3A_829] {strides = array<i32>} : memref<16800xf32, #tpu.memory_space<vmem>>, vector<16xf32>,
      tpu.vector_store %arg8[%swap3A_829], %select_n3A_825 {strides = array<i32>} : memref<16800xf32, #tpu.memory_space<vmem>>, vector<16xf32>,
      %swap3A_831 = arith.index_cast %mul3A_561 : i32 to index
      %swap3A_832 = tpu.vector_load %arg9[%swap3A_831] {strides = array<i32>} : memref<16800xi32, #tpu.memory_space<vmem>>, vector<16xi32>,
      tpu.vector_store %arg9[%swap3A_831], %select_n3A_824 {strides = array<i32>} : memref<16800xi32, #tpu.memory_space<vmem>>, vector<16xi32>,
      %mul3A_833 = arith.constant 32 : i32
      %mul3A_834 = arith.muli %scan3A_543, %mul3A_833 : i32
      %add3A_835 = arith.constant 16 : i32
      %add3A_836 = arith.addi %mul3A_834, %add3A_835 : i32
      %add3A_837 = vector.broadcast %add3A_836 : i32 to vector<16xi32>
      %add3A_838 = arith.addi %add3A_837, %iota3A : vector<16xi32>
      %get3A_839 = arith.index_cast %add3A_836 : i32 to index
      %get3A_840 = tpu.vector_load %arg6[%get3A_839] {strides = array<i32>} : memref<67200xf32, #tpu.memory_space<vmem>>, vector<16xf32>,
      %add3A_841 = arith.constant 16800 : i32
      %add3A_842 = arith.addi %add3A_841, %add3A_836 : i32
      %get3A_843 = arith.index_cast %add3A_842 : i32 to index
      %get3A_844 = tpu.vector_load %arg6[%get3A_843] {strides = array<i32>} : memref<67200xf32, #tpu.memory_space<vmem>>, vector<16xf32>,
      %add3A_845 = arith.constant 33600 : i32
      %add3A_846 = arith.addi %add3A_845, %add3A_836 : i32
      %get3A_847 = arith.index_cast %add3A_846 : i32 to index
      %get3A_848 = tpu.vector_load %arg6[%get3A_847] {strides = array<i32>} : memref<67200xf32, #tpu.memory_space<vmem>>, vector<16xf32>,
      %add3A_849 = arith.constant 50400 : i32
      %add3A_850 = arith.addi %add3A_849, %add3A_836 : i32
      %get3A_851 = arith.index_cast %add3A_850 : i32 to index
      %get3A_852 = tpu.vector_load %arg6[%get3A_851] {strides = array<i32>} : memref<67200xf32, #tpu.memory_space<vmem>>, vector<16xf32>,
      %mul3A_853 = arith.constant 5.000000e-01 : f32
      %mul3A_854 = vector.broadcast %mul3A_853 : f32 to vector<16xf32>
      %mul3A_855 = arith.mulf %get3A_848, %mul3A_854 : vector<16xf32>
      %sub3A_856 = arith.subf %get3A_840, %mul3A_855 : vector<16xf32>
      %mul3A_857 = arith.constant 5.000000e-01 : f32
      %mul3A_858 = vector.broadcast %mul3A_857 : f32 to vector<16xf32>
      %mul3A_859 = arith.mulf %get3A_852, %mul3A_858 : vector<16xf32>
      %sub3A_860 = arith.subf %get3A_844, %mul3A_859 : vector<16xf32>
      %mul3A_861 = arith.constant 5.000000e-01 : f32
      %mul3A_862 = vector.broadcast %mul3A_861 : f32 to vector<16xf32>
      %mul3A_863 = arith.mulf %get3A_848, %mul3A_862 : vector<16xf32>
      %add3A_864 = arith.addf %get3A_840, %mul3A_863 : vector<16xf32>
      %mul3A_865 = arith.constant 5.000000e-01 : f32
      %mul3A_866 = vector.broadcast %mul3A_865 : f32 to vector<16xf32>
      %mul3A_867 = arith.mulf %get3A_852, %mul3A_866 : vector<16xf32>
      %add3A_868 = arith.addf %get3A_844, %mul3A_867 : vector<16xf32>
      %sub3A_869 = arith.subf %add3A_864, %sub3A_856 : vector<16xf32>
      %sub3A_870 = arith.subf %add3A_868, %sub3A_860 : vector<16xf32>
      %mul3A_871 = arith.mulf %sub3A_869, %sub3A_870 : vector<16xf32>
      %broadcast_in_dim3A_872 = arith.constant -1.000000e+00 : f32
      %broadcast_in_dim3A_873 = vector.broadcast %broadcast_in_dim3A_872 : f32 to vector<16xf32>
      %broadcast_in_dim3A_874 = arith.constant 0 : i32
      %broadcast_in_dim3A_875 = vector.broadcast %broadcast_in_dim3A_874 : i32 to vector<16xi32>
      %min3A_876 = vector.broadcast %squeeze3A_47 : f32 to vector<16xf32>
      %min3A_877 = arith.minimumf %add3A_864, %min3A_876 : vector<16xf32>
      %max3A_878 = vector.broadcast %squeeze3A : f32 to vector<16xf32>
      %max3A_879 = arith.maximumf %sub3A_856, %max3A_878 : vector<16xf32>
      %sub3A_880 = arith.subf %min3A_877, %max3A_879 : vector<16xf32>
      %max3A_881 = arith.constant 0.000000e+00 : f32
      %max3A_882 = vector.broadcast %max3A_881 : f32 to vector<16xf32>
      %max3A_883 = arith.maximumf %sub3A_880, %max3A_882 : vector<16xf32>
      %min3A_884 = vector.broadcast %squeeze3A_63 : f32 to vector<16xf32>
      %min3A_885 = arith.minimumf %add3A_868, %min3A_884 : vector<16xf32>
      %max3A_886 = vector.broadcast %squeeze3A_31 : f32 to vector<16xf32>
      %max3A_887 = arith.maximumf %sub3A_860, %max3A_886 : vector<16xf32>
      %sub3A_888 = arith.subf %min3A_885, %max3A_887 : vector<16xf32>
      %max3A_889 = arith.constant 0.000000e+00 : f32
      %max3A_890 = vector.broadcast %max3A_889 : f32 to vector<16xf32>
      %max3A_891 = arith.maximumf %sub3A_888, %max3A_890 : vector<16xf32>
      %mul3A_892 = arith.mulf %max3A_883, %max3A_891 : vector<16xf32>
      %add3A_893 = vector.broadcast %mul3A_95 : f32 to vector<16xf32>
      %add3A_894 = arith.addf %add3A_893, %mul3A_871 : vector<16xf32>
      %sub3A_895 = arith.subf %add3A_894, %mul3A_892 : vector<16xf32>
      %div3A_896 = arith.divf %mul3A_892, %sub3A_895 : vector<16xf32>
      %gt3A_897 = arith.cmpf ogt, %div3A_896, %broadcast_in_dim3A_873 : vector<16xf32>
      %jit3A_898 = arith.constant 0 : i32
      %broadcast_in_dim3A_899 = vector.broadcast %jit3A_898 : i32 to vector<16xi32>
      %select_n3A_900 = arith.select %gt3A_897, %broadcast_in_dim3A_899, %broadcast_in_dim3A_875 : vector<16xi1>, vector<16xi32>
      %select_n3A_901 = arith.select %gt3A_897, %div3A_896, %broadcast_in_dim3A_873 : vector<16xi1>, vector<16xf32>
      %gt3A_902 = arith.cmpf ogt, %div3A_896, %select_n3A_625 : vector<16xf32>
      %select_n3A_903 = arith.select %gt3A_902, %add3A_838, %select_n3A_624 : vector<16xi1>, vector<16xi32>
      %select_n3A_904 = arith.select %gt3A_902, %div3A_896, %select_n3A_625 : vector<16xi1>, vector<16xf32>
      %min3A_905 = vector.broadcast %squeeze3A_49 : f32 to vector<16xf32>
      %min3A_906 = arith.minimumf %add3A_864, %min3A_905 : vector<16xf32>
      %max3A_907 = vector.broadcast %squeeze3A_17 : f32 to vector<16xf32>
      %max3A_908 = arith.maximumf %sub3A_856, %max3A_907 : vector<16xf32>
      %sub3A_909 = arith.subf %min3A_906, %max3A_908 : vector<16xf32>
      %max3A_910 = arith.constant 0.000000e+00 : f32
      %max3A_911 = vector.broadcast %max3A_910 : f32 to vector<16xf32>
      %max3A_912 = arith.maximumf %sub3A_909, %max3A_911 : vector<16xf32>
      %min3A_913 = vector.broadcast %squeeze3A_65 : f32 to vector<16xf32>
      %min3A_914 = arith.minimumf %add3A_868, %min3A_913 : vector<16xf32>
      %max3A_915 = vector.broadcast %squeeze3A_33 : f32 to vector<16xf32>
      %max3A_916 = arith.maximumf %sub3A_860, %max3A_915 : vector<16xf32>
      %sub3A_917 = arith.subf %min3A_914, %max3A_916 : vector<16xf32>
      %max3A_918 = arith.constant 0.000000e+00 : f32
      %max3A_919 = vector.broadcast %max3A_918 : f32 to vector<16xf32>
      %max3A_920 = arith.maximumf %sub3A_917, %max3A_919 : vector<16xf32>
      %mul3A_921 = arith.mulf %max3A_912, %max3A_920 : vector<16xf32>
      %add3A_922 = vector.broadcast %mul3A_98 : f32 to vector<16xf32>
      %add3A_923 = arith.addf %add3A_922, %mul3A_871 : vector<16xf32>
      %sub3A_924 = arith.subf %add3A_923, %mul3A_921 : vector<16xf32>
      %div3A_925 = arith.divf %mul3A_921, %sub3A_924 : vector<16xf32>
      %gt3A_926 = arith.cmpf ogt, %div3A_925, %select_n3A_901 : vector<16xf32>
      %jit3A_927 = arith.constant 1 : i32
      %broadcast_in_dim3A_928 = vector.broadcast %jit3A_927 : i32 to vector<16xi32>
      %select_n3A_929 = arith.select %gt3A_926, %broadcast_in_dim3A_928, %select_n3A_900 : vector<16xi1>, vector<16xi32>
      %select_n3A_930 = arith.select %gt3A_926, %div3A_925, %select_n3A_901 : vector<16xi1>, vector<16xf32>
      %gt3A_931 = arith.cmpf ogt, %div3A_925, %select_n3A_654 : vector<16xf32>
      %select_n3A_932 = arith.select %gt3A_931, %add3A_838, %select_n3A_653 : vector<16xi1>, vector<16xi32>
      %select_n3A_933 = arith.select %gt3A_931, %div3A_925, %select_n3A_654 : vector<16xi1>, vector<16xf32>
      %min3A_934 = vector.broadcast %squeeze3A_51 : f32 to vector<16xf32>
      %min3A_935 = arith.minimumf %add3A_864, %min3A_934 : vector<16xf32>
      %max3A_936 = vector.broadcast %squeeze3A_19 : f32 to vector<16xf32>
      %max3A_937 = arith.maximumf %sub3A_856, %max3A_936 : vector<16xf32>
      %sub3A_938 = arith.subf %min3A_935, %max3A_937 : vector<16xf32>
      %max3A_939 = arith.constant 0.000000e+00 : f32
      %max3A_940 = vector.broadcast %max3A_939 : f32 to vector<16xf32>
      %max3A_941 = arith.maximumf %sub3A_938, %max3A_940 : vector<16xf32>
      %min3A_942 = vector.broadcast %squeeze3A_67 : f32 to vector<16xf32>
      %min3A_943 = arith.minimumf %add3A_868, %min3A_942 : vector<16xf32>
      %max3A_944 = vector.broadcast %squeeze3A_35 : f32 to vector<16xf32>
      %max3A_945 = arith.maximumf %sub3A_860, %max3A_944 : vector<16xf32>
      %sub3A_946 = arith.subf %min3A_943, %max3A_945 : vector<16xf32>
      %max3A_947 = arith.constant 0.000000e+00 : f32
      %max3A_948 = vector.broadcast %max3A_947 : f32 to vector<16xf32>
      %max3A_949 = arith.maximumf %sub3A_946, %max3A_948 : vector<16xf32>
      %mul3A_950 = arith.mulf %max3A_941, %max3A_949 : vector<16xf32>
      %add3A_951 = vector.broadcast %mul3A_101 : f32 to vector<16xf32>
      %add3A_952 = arith.addf %add3A_951, %mul3A_871 : vector<16xf32>
      %sub3A_953 = arith.subf %add3A_952, %mul3A_950 : vector<16xf32>
      %div3A_954 = arith.divf %mul3A_950, %sub3A_953 : vector<16xf32>
      %gt3A_955 = arith.cmpf ogt, %div3A_954, %select_n3A_930 : vector<16xf32>
      %jit3A_956 = arith.constant 2 : i32
      %broadcast_in_dim3A_957 = vector.broadcast %jit3A_956 : i32 to vector<16xi32>
      %select_n3A_958 = arith.select %gt3A_955, %broadcast_in_dim3A_957, %select_n3A_929 : vector<16xi1>, vector<16xi32>
      %select_n3A_959 = arith.select %gt3A_955, %div3A_954, %select_n3A_930 : vector<16xi1>, vector<16xf32>
      %gt3A_960 = arith.cmpf ogt, %div3A_954, %select_n3A_683 : vector<16xf32>
      %select_n3A_961 = arith.select %gt3A_960, %add3A_838, %select_n3A_682 : vector<16xi1>, vector<16xi32>
      %select_n3A_962 = arith.select %gt3A_960, %div3A_954, %select_n3A_683 : vector<16xi1>, vector<16xf32>
      %min3A_963 = vector.broadcast %squeeze3A_53 : f32 to vector<16xf32>
      %min3A_964 = arith.minimumf %add3A_864, %min3A_963 : vector<16xf32>
      %max3A_965 = vector.broadcast %squeeze3A_21 : f32 to vector<16xf32>
      %max3A_966 = arith.maximumf %sub3A_856, %max3A_965 : vector<16xf32>
      %sub3A_967 = arith.subf %min3A_964, %max3A_966 : vector<16xf32>
      %max3A_968 = arith.constant 0.000000e+00 : f32
      %max3A_969 = vector.broadcast %max3A_968 : f32 to vector<16xf32>
      %max3A_970 = arith.maximumf %sub3A_967, %max3A_969 : vector<16xf32>
      %min3A_971 = vector.broadcast %squeeze3A_69 : f32 to vector<16xf32>
      %min3A_972 = arith.minimumf %add3A_868, %min3A_971 : vector<16xf32>
      %max3A_973 = vector.broadcast %squeeze3A_37 : f32 to vector<16xf32>
      %max3A_974 = arith.maximumf %sub3A_860, %max3A_973 : vector<16xf32>
      %sub3A_975 = arith.subf %min3A_972, %max3A_974 : vector<16xf32>
      %max3A_976 = arith.constant 0.000000e+00 : f32
      %max3A_977 = vector.broadcast %max3A_976 : f32 to vector<16xf32>
      %max3A_978 = arith.maximumf %sub3A_975, %max3A_977 : vector<16xf32>
      %mul3A_979 = arith.mulf %max3A_970, %max3A_978 : vector<16xf32>
      %add3A_980 = vector.broadcast %mul3A_104 : f32 to vector<16xf32>
      %add3A_981 = arith.addf %add3A_980, %mul3A_871 : vector<16xf32>
      %sub3A_982 = arith.subf %add3A_981, %mul3A_979 : vector<16xf32>
      %div3A_983 = arith.divf %mul3A_979, %sub3A_982 : vector<16xf32>
      %gt3A_984 = arith.cmpf ogt, %div3A_983, %select_n3A_959 : vector<16xf32>
      %jit3A_985 = arith.constant 3 : i32
      %broadcast_in_dim3A_986 = vector.broadcast %jit3A_985 : i32 to vector<16xi32>
      %select_n3A_987 = arith.select %gt3A_984, %broadcast_in_dim3A_986, %select_n3A_958 : vector<16xi1>, vector<16xi32>
      %select_n3A_988 = arith.select %gt3A_984, %div3A_983, %select_n3A_959 : vector<16xi1>, vector<16xf32>
      %gt3A_989 = arith.cmpf ogt, %div3A_983, %select_n3A_712 : vector<16xf32>
      %select_n3A_990 = arith.select %gt3A_989, %add3A_838, %select_n3A_711 : vector<16xi1>, vector<16xi32>
      %select_n3A_991 = arith.select %gt3A_989, %div3A_983, %select_n3A_712 : vector<16xi1>, vector<16xf32>
      %min3A_992 = vector.broadcast %squeeze3A_55 : f32 to vector<16xf32>
      %min3A_993 = arith.minimumf %add3A_864, %min3A_992 : vector<16xf32>
      %max3A_994 = vector.broadcast %squeeze3A_23 : f32 to vector<16xf32>
      %max3A_995 = arith.maximumf %sub3A_856, %max3A_994 : vector<16xf32>
      %sub3A_996 = arith.subf %min3A_993, %max3A_995 : vector<16xf32>
      %max3A_997 = arith.constant 0.000000e+00 : f32
      %max3A_998 = vector.broadcast %max3A_997 : f32 to vector<16xf32>
      %max3A_999 = arith.maximumf %sub3A_996, %max3A_998 : vector<16xf32>
      %min3A_1000 = vector.broadcast %squeeze3A_71 : f32 to vector<16xf32>
      %min3A_1001 = arith.minimumf %add3A_868, %min3A_1000 : vector<16xf32>
      %max3A_1002 = vector.broadcast %squeeze3A_39 : f32 to vector<16xf32>
      %max3A_1003 = arith.maximumf %sub3A_860, %max3A_1002 : vector<16xf32>
      %sub3A_1004 = arith.subf %min3A_1001, %max3A_1003 : vector<16xf32>
      %max3A_1005 = arith.constant 0.000000e+00 : f32
      %max3A_1006 = vector.broadcast %max3A_1005 : f32 to vector<16xf32>
      %max3A_1007 = arith.maximumf %sub3A_1004, %max3A_1006 : vector<16xf32>
      %mul3A_1008 = arith.mulf %max3A_999, %max3A_1007 : vector<16xf32>
      %add3A_1009 = vector.broadcast %mul3A_107 : f32 to vector<16xf32>
      %add3A_1010 = arith.addf %add3A_1009, %mul3A_871 : vector<16xf32>
      %sub3A_1011 = arith.subf %add3A_1010, %mul3A_1008 : vector<16xf32>
      %div3A_1012 = arith.divf %mul3A_1008, %sub3A_1011 : vector<16xf32>
      %gt3A_1013 = arith.cmpf ogt, %div3A_1012, %select_n3A_988 : vector<16xf32>
      %jit3A_1014 = arith.constant 4 : i32
      %broadcast_in_dim3A_1015 = vector.broadcast %jit3A_1014 : i32 to vector<16xi32>
      %select_n3A_1016 = arith.select %gt3A_1013, %broadcast_in_dim3A_1015, %select_n3A_987 : vector<16xi1>, vector<16xi32>
      %select_n3A_1017 = arith.select %gt3A_1013, %div3A_1012, %select_n3A_988 : vector<16xi1>, vector<16xf32>
      %gt3A_1018 = arith.cmpf ogt, %div3A_1012, %select_n3A_741 : vector<16xf32>
      %select_n3A_1019 = arith.select %gt3A_1018, %add3A_838, %select_n3A_740 : vector<16xi1>, vector<16xi32>
      %select_n3A_1020 = arith.select %gt3A_1018, %div3A_1012, %select_n3A_741 : vector<16xi1>, vector<16xf32>
      %min3A_1021 = vector.broadcast %squeeze3A_57 : f32 to vector<16xf32>
      %min3A_1022 = arith.minimumf %add3A_864, %min3A_1021 : vector<16xf32>
      %max3A_1023 = vector.broadcast %squeeze3A_25 : f32 to vector<16xf32>
      %max3A_1024 = arith.maximumf %sub3A_856, %max3A_1023 : vector<16xf32>
      %sub3A_1025 = arith.subf %min3A_1022, %max3A_1024 : vector<16xf32>
      %max3A_1026 = arith.constant 0.000000e+00 : f32
      %max3A_1027 = vector.broadcast %max3A_1026 : f32 to vector<16xf32>
      %max3A_1028 = arith.maximumf %sub3A_1025, %max3A_1027 : vector<16xf32>
      %min3A_1029 = vector.broadcast %squeeze3A_73 : f32 to vector<16xf32>
      %min3A_1030 = arith.minimumf %add3A_868, %min3A_1029 : vector<16xf32>
      %max3A_1031 = vector.broadcast %squeeze3A_41 : f32 to vector<16xf32>
      %max3A_1032 = arith.maximumf %sub3A_860, %max3A_1031 : vector<16xf32>
      %sub3A_1033 = arith.subf %min3A_1030, %max3A_1032 : vector<16xf32>
      %max3A_1034 = arith.constant 0.000000e+00 : f32
      %max3A_1035 = vector.broadcast %max3A_1034 : f32 to vector<16xf32>
      %max3A_1036 = arith.maximumf %sub3A_1033, %max3A_1035 : vector<16xf32>
      %mul3A_1037 = arith.mulf %max3A_1028, %max3A_1036 : vector<16xf32>
      %add3A_1038 = vector.broadcast %mul3A_110 : f32 to vector<16xf32>
      %add3A_1039 = arith.addf %add3A_1038, %mul3A_871 : vector<16xf32>
      %sub3A_1040 = arith.subf %add3A_1039, %mul3A_1037 : vector<16xf32>
      %div3A_1041 = arith.divf %mul3A_1037, %sub3A_1040 : vector<16xf32>
      %gt3A_1042 = arith.cmpf ogt, %div3A_1041, %select_n3A_1017 : vector<16xf32>
      %jit3A_1043 = arith.constant 5 : i32
      %broadcast_in_dim3A_1044 = vector.broadcast %jit3A_1043 : i32 to vector<16xi32>
      %select_n3A_1045 = arith.select %gt3A_1042, %broadcast_in_dim3A_1044, %select_n3A_1016 : vector<16xi1>, vector<16xi32>
      %select_n3A_1046 = arith.select %gt3A_1042, %div3A_1041, %select_n3A_1017 : vector<16xi1>, vector<16xf32>
      %gt3A_1047 = arith.cmpf ogt, %div3A_1041, %select_n3A_770 : vector<16xf32>
      %select_n3A_1048 = arith.select %gt3A_1047, %add3A_838, %select_n3A_769 : vector<16xi1>, vector<16xi32>
      %select_n3A_1049 = arith.select %gt3A_1047, %div3A_1041, %select_n3A_770 : vector<16xi1>, vector<16xf32>
      %min3A_1050 = vector.broadcast %squeeze3A_59 : f32 to vector<16xf32>
      %min3A_1051 = arith.minimumf %add3A_864, %min3A_1050 : vector<16xf32>
      %max3A_1052 = vector.broadcast %squeeze3A_27 : f32 to vector<16xf32>
      %max3A_1053 = arith.maximumf %sub3A_856, %max3A_1052 : vector<16xf32>
      %sub3A_1054 = arith.subf %min3A_1051, %max3A_1053 : vector<16xf32>
      %max3A_1055 = arith.constant 0.000000e+00 : f32
      %max3A_1056 = vector.broadcast %max3A_1055 : f32 to vector<16xf32>
      %max3A_1057 = arith.maximumf %sub3A_1054, %max3A_1056 : vector<16xf32>
      %min3A_1058 = vector.broadcast %squeeze3A_75 : f32 to vector<16xf32>
      %min3A_1059 = arith.minimumf %add3A_868, %min3A_1058 : vector<16xf32>
      %max3A_1060 = vector.broadcast %squeeze3A_43 : f32 to vector<16xf32>
      %max3A_1061 = arith.maximumf %sub3A_860, %max3A_1060 : vector<16xf32>
      %sub3A_1062 = arith.subf %min3A_1059, %max3A_1061 : vector<16xf32>
      %max3A_1063 = arith.constant 0.000000e+00 : f32
      %max3A_1064 = vector.broadcast %max3A_1063 : f32 to vector<16xf32>
      %max3A_1065 = arith.maximumf %sub3A_1062, %max3A_1064 : vector<16xf32>
      %mul3A_1066 = arith.mulf %max3A_1057, %max3A_1065 : vector<16xf32>
      %add3A_1067 = vector.broadcast %mul3A_113 : f32 to vector<16xf32>
      %add3A_1068 = arith.addf %add3A_1067, %mul3A_871 : vector<16xf32>
      %sub3A_1069 = arith.subf %add3A_1068, %mul3A_1066 : vector<16xf32>
      %div3A_1070 = arith.divf %mul3A_1066, %sub3A_1069 : vector<16xf32>
      %gt3A_1071 = arith.cmpf ogt, %div3A_1070, %select_n3A_1046 : vector<16xf32>
      %jit3A_1072 = arith.constant 6 : i32
      %broadcast_in_dim3A_1073 = vector.broadcast %jit3A_1072 : i32 to vector<16xi32>
      %select_n3A_1074 = arith.select %gt3A_1071, %broadcast_in_dim3A_1073, %select_n3A_1045 : vector<16xi1>, vector<16xi32>
      %select_n3A_1075 = arith.select %gt3A_1071, %div3A_1070, %select_n3A_1046 : vector<16xi1>, vector<16xf32>
      %gt3A_1076 = arith.cmpf ogt, %div3A_1070, %select_n3A_799 : vector<16xf32>
      %select_n3A_1077 = arith.select %gt3A_1076, %add3A_838, %select_n3A_798 : vector<16xi1>, vector<16xi32>
      %select_n3A_1078 = arith.select %gt3A_1076, %div3A_1070, %select_n3A_799 : vector<16xi1>, vector<16xf32>
      %min3A_1079 = vector.broadcast %squeeze3A_61 : f32 to vector<16xf32>
      %min3A_1080 = arith.minimumf %add3A_864, %min3A_1079 : vector<16xf32>
      %max3A_1081 = vector.broadcast %squeeze3A_29 : f32 to vector<16xf32>
      %max3A_1082 = arith.maximumf %sub3A_856, %max3A_1081 : vector<16xf32>
      %sub3A_1083 = arith.subf %min3A_1080, %max3A_1082 : vector<16xf32>
      %max3A_1084 = arith.constant 0.000000e+00 : f32
      %max3A_1085 = vector.broadcast %max3A_1084 : f32 to vector<16xf32>
      %max3A_1086 = arith.maximumf %sub3A_1083, %max3A_1085 : vector<16xf32>
      %min3A_1087 = vector.broadcast %squeeze3A_77 : f32 to vector<16xf32>
      %min3A_1088 = arith.minimumf %add3A_868, %min3A_1087 : vector<16xf32>
      %max3A_1089 = vector.broadcast %squeeze3A_45 : f32 to vector<16xf32>
      %max3A_1090 = arith.maximumf %sub3A_860, %max3A_1089 : vector<16xf32>
      %sub3A_1091 = arith.subf %min3A_1088, %max3A_1090 : vector<16xf32>
      %max3A_1092 = arith.constant 0.000000e+00 : f32
      %max3A_1093 = vector.broadcast %max3A_1092 : f32 to vector<16xf32>
      %max3A_1094 = arith.maximumf %sub3A_1091, %max3A_1093 : vector<16xf32>
      %mul3A_1095 = arith.mulf %max3A_1086, %max3A_1094 : vector<16xf32>
      %add3A_1096 = vector.broadcast %mul3A_116 : f32 to vector<16xf32>
      %add3A_1097 = arith.addf %add3A_1096, %mul3A_871 : vector<16xf32>
      %sub3A_1098 = arith.subf %add3A_1097, %mul3A_1095 : vector<16xf32>
      %div3A_1099 = arith.divf %mul3A_1095, %sub3A_1098 : vector<16xf32>
      %gt3A_1100 = arith.cmpf ogt, %div3A_1099, %select_n3A_1075 : vector<16xf32>
      %jit3A_1101 = arith.constant 7 : i32
      %broadcast_in_dim3A_1102 = vector.broadcast %jit3A_1101 : i32 to vector<16xi32>
      %select_n3A_1103 = arith.select %gt3A_1100, %broadcast_in_dim3A_1102, %select_n3A_1074 : vector<16xi1>, vector<16xi32>
      %select_n3A_1104 = arith.select %gt3A_1100, %div3A_1099, %select_n3A_1075 : vector<16xi1>, vector<16xf32>
      %gt3A_1105 = arith.cmpf ogt, %div3A_1099, %select_n3A_828 : vector<16xf32>
      %select_n3A_1106 = arith.select %gt3A_1105, %add3A_838, %select_n3A_827 : vector<16xi1>, vector<16xi32>
      %select_n3A_1107 = arith.select %gt3A_1105, %div3A_1099, %select_n3A_828 : vector<16xi1>, vector<16xf32>
      %swap3A_1108 = arith.index_cast %add3A_836 : i32 to index
      %swap3A_1109 = tpu.vector_load %arg8[%swap3A_1108] {strides = array<i32>} : memref<16800xf32, #tpu.memory_space<vmem>>, vector<16xf32>,
      tpu.vector_store %arg8[%swap3A_1108], %select_n3A_1104 {strides = array<i32>} : memref<16800xf32, #tpu.memory_space<vmem>>, vector<16xf32>,
      %swap3A_1110 = arith.index_cast %add3A_836 : i32 to index
      %swap3A_1111 = tpu.vector_load %arg9[%swap3A_1110] {strides = array<i32>} : memref<16800xi32, #tpu.memory_space<vmem>>, vector<16xi32>,
      tpu.vector_store %arg9[%swap3A_1110], %select_n3A_1103 {strides = array<i32>} : memref<16800xi32, #tpu.memory_space<vmem>>, vector<16xi32>,
      scf.yield %select_n3A_904, %select_n3A_933, %select_n3A_962, %select_n3A_991, %select_n3A_1020, %select_n3A_1049, %select_n3A_1078, %select_n3A_1107, %select_n3A_903, %select_n3A_932, %select_n3A_961, %select_n3A_990, %select_n3A_1019, %select_n3A_1048, %select_n3A_1077, %select_n3A_1106 : vector<16xf32>, vector<16xf32>, vector<16xf32>, vector<16xf32>, vector<16xf32>, vector<16xf32>, vector<16xf32>, vector<16xf32>, vector<16xi32>, vector<16xi32>, vector<16xi32>, vector<16xi32>, vector<16xi32>, vector<16xi32>, vector<16xi32>, vector<16xi32>
    }
    %scan3A_152 = arith.constant 525 : i32
    %reduce_max3A = arith.constant true
    %reduce_max3A_153 = vector.broadcast %reduce_max3A : i1 to vector<16xi1>
    %reduce_max3A_154 = tpu.scan <max>, %scan3A_151#0 masked %reduce_max3A_153 : vector<16xf32>, vector<16xi1> -> vector<16xf32>
    %reduce_max3A_155 = vector.extract %reduce_max3A_154[15] : f32 from vector<16xf32>
    %reduce_max3A_156 = arith.constant true
    %reduce_max3A_157 = vector.broadcast %reduce_max3A_156 : i1 to vector<16xi1>
    %reduce_max3A_158 = tpu.scan <max>, %scan3A_151#1 masked %reduce_max3A_157 : vector<16xf32>, vector<16xi1> -> vector<16xf32>
    %reduce_max3A_159 = vector.extract %reduce_max3A_158[15] : f32 from vector<16xf32>
    %reduce_max3A_160 = arith.constant true
    %reduce_max3A_161 = vector.broadcast %reduce_max3A_160 : i1 to vector<16xi1>
    %reduce_max3A_162 = tpu.scan <max>, %scan3A_151#2 masked %reduce_max3A_161 : vector<16xf32>, vector<16xi1> -> vector<16xf32>
    %reduce_max3A_163 = vector.extract %reduce_max3A_162[15] : f32 from vector<16xf32>
    %reduce_max3A_164 = arith.constant true
    %reduce_max3A_165 = vector.broadcast %reduce_max3A_164 : i1 to vector<16xi1>
    %reduce_max3A_166 = tpu.scan <max>, %scan3A_151#3 masked %reduce_max3A_165 : vector<16xf32>, vector<16xi1> -> vector<16xf32>
    %reduce_max3A_167 = vector.extract %reduce_max3A_166[15] : f32 from vector<16xf32>
    %reduce_max3A_168 = arith.constant true
    %reduce_max3A_169 = vector.broadcast %reduce_max3A_168 : i1 to vector<16xi1>
    %reduce_max3A_170 = tpu.scan <max>, %scan3A_151#4 masked %reduce_max3A_169 : vector<16xf32>, vector<16xi1> -> vector<16xf32>
    %reduce_max3A_171 = vector.extract %reduce_max3A_170[15] : f32 from vector<16xf32>
    %reduce_max3A_172 = arith.constant true
    %reduce_max3A_173 = vector.broadcast %reduce_max3A_172 : i1 to vector<16xi1>
    %reduce_max3A_174 = tpu.scan <max>, %scan3A_151#5 masked %reduce_max3A_173 : vector<16xf32>, vector<16xi1> -> vector<16xf32>
    %reduce_max3A_175 = vector.extract %reduce_max3A_174[15] : f32 from vector<16xf32>
    %reduce_max3A_176 = arith.constant true
    %reduce_max3A_177 = vector.broadcast %reduce_max3A_176 : i1 to vector<16xi1>
    %reduce_max3A_178 = tpu.scan <max>, %scan3A_151#6 masked %reduce_max3A_177 : vector<16xf32>, vector<16xi1> -> vector<16xf32>
    %reduce_max3A_179 = vector.extract %reduce_max3A_178[15] : f32 from vector<16xf32>
    %reduce_max3A_180 = arith.constant true
    %reduce_max3A_181 = vector.broadcast %reduce_max3A_180 : i1 to vector<16xi1>
    %reduce_max3A_182 = tpu.scan <max>, %scan3A_151#7 masked %reduce_max3A_181 : vector<16xf32>, vector<16xi1> -> vector<16xf32>
    %reduce_max3A_183 = vector.extract %reduce_max3A_182[15] : f32 from vector<16xf32>
    %eq3A = vector.broadcast %reduce_max3A_155 : f32 to vector<16xf32>
    %eq3A_184 = arith.cmpf oeq, %scan3A_151#0, %eq3A : vector<16xf32>
    %jit3A = arith.constant 16802 : i32
    %broadcast_in_dim3A_185 = vector.broadcast %jit3A : i32 to vector<16xi32>
    %select_n3A = arith.select %eq3A_184, %scan3A_151#8, %broadcast_in_dim3A_185 : vector<16xi1>, vector<16xi32>
    %reduce_min3A = arith.constant true
    %reduce_min3A_186 = vector.broadcast %reduce_min3A : i1 to vector<16xi1>
    %reduce_min3A_187 = arith.constant -2147483648 : i32
    %reduce_min3A_188 = vector.broadcast %reduce_min3A_187 : i32 to vector<16xi32>
    %reduce_min3A_189 = arith.xori %select_n3A, %reduce_min3A_188 : vector<16xi32>
    %reduce_min3A_190 = tpu.scan <min>, %reduce_min3A_189 masked %reduce_min3A_186 : vector<16xi32>, vector<16xi1> -> vector<16xi32>
    %reduce_min3A_191 = arith.xori %reduce_min3A_190, %reduce_min3A_188 : vector<16xi32>
    %reduce_min3A_192 = vector.extract %reduce_min3A_191[15] : i32 from vector<16xi32>
    %eq3A_193 = vector.broadcast %reduce_max3A_159 : f32 to vector<16xf32>
    %eq3A_194 = arith.cmpf oeq, %scan3A_151#1, %eq3A_193 : vector<16xf32>
    %jit3A_195 = arith.constant 16802 : i32
    %broadcast_in_dim3A_196 = vector.broadcast %jit3A_195 : i32 to vector<16xi32>
    %select_n3A_197 = arith.select %eq3A_194, %scan3A_151#9, %broadcast_in_dim3A_196 : vector<16xi1>, vector<16xi32>
    %reduce_min3A_198 = arith.constant true
    %reduce_min3A_199 = vector.broadcast %reduce_min3A_198 : i1 to vector<16xi1>
    %reduce_min3A_200 = arith.constant -2147483648 : i32
    %reduce_min3A_201 = vector.broadcast %reduce_min3A_200 : i32 to vector<16xi32>
    %reduce_min3A_202 = arith.xori %select_n3A_197, %reduce_min3A_201 : vector<16xi32>
    %reduce_min3A_203 = tpu.scan <min>, %reduce_min3A_202 masked %reduce_min3A_199 : vector<16xi32>, vector<16xi1> -> vector<16xi32>
    %reduce_min3A_204 = arith.xori %reduce_min3A_203, %reduce_min3A_201 : vector<16xi32>
    %reduce_min3A_205 = vector.extract %reduce_min3A_204[15] : i32 from vector<16xi32>
    %eq3A_206 = vector.broadcast %reduce_max3A_163 : f32 to vector<16xf32>
    %eq3A_207 = arith.cmpf oeq, %scan3A_151#2, %eq3A_206 : vector<16xf32>
    %jit3A_208 = arith.constant 16802 : i32
    %broadcast_in_dim3A_209 = vector.broadcast %jit3A_208 : i32 to vector<16xi32>
    %select_n3A_210 = arith.select %eq3A_207, %scan3A_151#10, %broadcast_in_dim3A_209 : vector<16xi1>, vector<16xi32>
    %reduce_min3A_211 = arith.constant true
    %reduce_min3A_212 = vector.broadcast %reduce_min3A_211 : i1 to vector<16xi1>
    %reduce_min3A_213 = arith.constant -2147483648 : i32
    %reduce_min3A_214 = vector.broadcast %reduce_min3A_213 : i32 to vector<16xi32>
    %reduce_min3A_215 = arith.xori %select_n3A_210, %reduce_min3A_214 : vector<16xi32>
    %reduce_min3A_216 = tpu.scan <min>, %reduce_min3A_215 masked %reduce_min3A_212 : vector<16xi32>, vector<16xi1> -> vector<16xi32>
    %reduce_min3A_217 = arith.xori %reduce_min3A_216, %reduce_min3A_214 : vector<16xi32>
    %reduce_min3A_218 = vector.extract %reduce_min3A_217[15] : i32 from vector<16xi32>
    %eq3A_219 = vector.broadcast %reduce_max3A_167 : f32 to vector<16xf32>
    %eq3A_220 = arith.cmpf oeq, %scan3A_151#3, %eq3A_219 : vector<16xf32>
    %jit3A_221 = arith.constant 16802 : i32
    %broadcast_in_dim3A_222 = vector.broadcast %jit3A_221 : i32 to vector<16xi32>
    %select_n3A_223 = arith.select %eq3A_220, %scan3A_151#11, %broadcast_in_dim3A_222 : vector<16xi1>, vector<16xi32>
    %reduce_min3A_224 = arith.constant true
    %reduce_min3A_225 = vector.broadcast %reduce_min3A_224 : i1 to vector<16xi1>
    %reduce_min3A_226 = arith.constant -2147483648 : i32
    %reduce_min3A_227 = vector.broadcast %reduce_min3A_226 : i32 to vector<16xi32>
    %reduce_min3A_228 = arith.xori %select_n3A_223, %reduce_min3A_227 : vector<16xi32>
    %reduce_min3A_229 = tpu.scan <min>, %reduce_min3A_228 masked %reduce_min3A_225 : vector<16xi32>, vector<16xi1> -> vector<16xi32>
    %reduce_min3A_230 = arith.xori %reduce_min3A_229, %reduce_min3A_227 : vector<16xi32>
    %reduce_min3A_231 = vector.extract %reduce_min3A_230[15] : i32 from vector<16xi32>
    %eq3A_232 = vector.broadcast %reduce_max3A_171 : f32 to vector<16xf32>
    %eq3A_233 = arith.cmpf oeq, %scan3A_151#4, %eq3A_232 : vector<16xf32>
    %jit3A_234 = arith.constant 16802 : i32
    %broadcast_in_dim3A_235 = vector.broadcast %jit3A_234 : i32 to vector<16xi32>
    %select_n3A_236 = arith.select %eq3A_233, %scan3A_151#12, %broadcast_in_dim3A_235 : vector<16xi1>, vector<16xi32>
    %reduce_min3A_237 = arith.constant true
    %reduce_min3A_238 = vector.broadcast %reduce_min3A_237 : i1 to vector<16xi1>
    %reduce_min3A_239 = arith.constant -2147483648 : i32
    %reduce_min3A_240 = vector.broadcast %reduce_min3A_239 : i32 to vector<16xi32>
    %reduce_min3A_241 = arith.xori %select_n3A_236, %reduce_min3A_240 : vector<16xi32>
    %reduce_min3A_242 = tpu.scan <min>, %reduce_min3A_241 masked %reduce_min3A_238 : vector<16xi32>, vector<16xi1> -> vector<16xi32>
    %reduce_min3A_243 = arith.xori %reduce_min3A_242, %reduce_min3A_240 : vector<16xi32>
    %reduce_min3A_244 = vector.extract %reduce_min3A_243[15] : i32 from vector<16xi32>
    %eq3A_245 = vector.broadcast %reduce_max3A_175 : f32 to vector<16xf32>
    %eq3A_246 = arith.cmpf oeq, %scan3A_151#5, %eq3A_245 : vector<16xf32>
    %jit3A_247 = arith.constant 16802 : i32
    %broadcast_in_dim3A_248 = vector.broadcast %jit3A_247 : i32 to vector<16xi32>
    %select_n3A_249 = arith.select %eq3A_246, %scan3A_151#13, %broadcast_in_dim3A_248 : vector<16xi1>, vector<16xi32>
    %reduce_min3A_250 = arith.constant true
    %reduce_min3A_251 = vector.broadcast %reduce_min3A_250 : i1 to vector<16xi1>
    %reduce_min3A_252 = arith.constant -2147483648 : i32
    %reduce_min3A_253 = vector.broadcast %reduce_min3A_252 : i32 to vector<16xi32>
    %reduce_min3A_254 = arith.xori %select_n3A_249, %reduce_min3A_253 : vector<16xi32>
    %reduce_min3A_255 = tpu.scan <min>, %reduce_min3A_254 masked %reduce_min3A_251 : vector<16xi32>, vector<16xi1> -> vector<16xi32>
    %reduce_min3A_256 = arith.xori %reduce_min3A_255, %reduce_min3A_253 : vector<16xi32>
    %reduce_min3A_257 = vector.extract %reduce_min3A_256[15] : i32 from vector<16xi32>
    %eq3A_258 = vector.broadcast %reduce_max3A_179 : f32 to vector<16xf32>
    %eq3A_259 = arith.cmpf oeq, %scan3A_151#6, %eq3A_258 : vector<16xf32>
    %jit3A_260 = arith.constant 16802 : i32
    %broadcast_in_dim3A_261 = vector.broadcast %jit3A_260 : i32 to vector<16xi32>
    %select_n3A_262 = arith.select %eq3A_259, %scan3A_151#14, %broadcast_in_dim3A_261 : vector<16xi1>, vector<16xi32>
    %reduce_min3A_263 = arith.constant true
    %reduce_min3A_264 = vector.broadcast %reduce_min3A_263 : i1 to vector<16xi1>
    %reduce_min3A_265 = arith.constant -2147483648 : i32
    %reduce_min3A_266 = vector.broadcast %reduce_min3A_265 : i32 to vector<16xi32>
    %reduce_min3A_267 = arith.xori %select_n3A_262, %reduce_min3A_266 : vector<16xi32>
    %reduce_min3A_268 = tpu.scan <min>, %reduce_min3A_267 masked %reduce_min3A_264 : vector<16xi32>, vector<16xi1> -> vector<16xi32>
    %reduce_min3A_269 = arith.xori %reduce_min3A_268, %reduce_min3A_266 : vector<16xi32>
    %reduce_min3A_270 = vector.extract %reduce_min3A_269[15] : i32 from vector<16xi32>
    %eq3A_271 = vector.broadcast %reduce_max3A_183 : f32 to vector<16xf32>
    %eq3A_272 = arith.cmpf oeq, %scan3A_151#7, %eq3A_271 : vector<16xf32>
    %jit3A_273 = arith.constant 16802 : i32
    %broadcast_in_dim3A_274 = vector.broadcast %jit3A_273 : i32 to vector<16xi32>
    %select_n3A_275 = arith.select %eq3A_272, %scan3A_151#15, %broadcast_in_dim3A_274 : vector<16xi1>, vector<16xi32>
    %reduce_min3A_276 = arith.constant true
    %reduce_min3A_277 = vector.broadcast %reduce_min3A_276 : i1 to vector<16xi1>
    %reduce_min3A_278 = arith.constant -2147483648 : i32
    %reduce_min3A_279 = vector.broadcast %reduce_min3A_278 : i32 to vector<16xi32>
    %reduce_min3A_280 = arith.xori %select_n3A_275, %reduce_min3A_279 : vector<16xi32>
    %reduce_min3A_281 = tpu.scan <min>, %reduce_min3A_280 masked %reduce_min3A_277 : vector<16xi32>, vector<16xi1> -> vector<16xi32>
    %reduce_min3A_282 = arith.xori %reduce_min3A_281, %reduce_min3A_279 : vector<16xi32>
    %reduce_min3A_283 = vector.extract %reduce_min3A_282[15] : i32 from vector<16xi32>
    %and3A = arith.constant -16 : i32
    %and3A_284 = arith.andi %reduce_min3A_192, %and3A : i32
    %and3A_285 = arith.constant -16 : i32
    %and3A_286 = arith.andi %reduce_min3A_205, %and3A_285 : i32
    %and3A_287 = arith.constant -16 : i32
    %and3A_288 = arith.andi %reduce_min3A_218, %and3A_287 : i32
    %and3A_289 = arith.constant -16 : i32
    %and3A_290 = arith.andi %reduce_min3A_231, %and3A_289 : i32
    %and3A_291 = arith.constant -16 : i32
    %and3A_292 = arith.andi %reduce_min3A_244, %and3A_291 : i32
    %and3A_293 = arith.constant -16 : i32
    %and3A_294 = arith.andi %reduce_min3A_257, %and3A_293 : i32
    %and3A_295 = arith.constant -16 : i32
    %and3A_296 = arith.andi %reduce_min3A_270, %and3A_295 : i32
    %and3A_297 = arith.constant -16 : i32
    %and3A_298 = arith.andi %reduce_min3A_283, %and3A_297 : i32
    %add3A_299 = vector.broadcast %and3A_284 : i32 to vector<16xi32>
    %add3A_300 = arith.addi %add3A_299, %iota3A : vector<16xi32>
    %eq3A_301 = vector.broadcast %reduce_min3A_192 : i32 to vector<16xi32>
    %eq3A_302 = arith.cmpi eq, %add3A_300, %eq3A_301 : vector<16xi32>
    %add3A_303 = vector.broadcast %and3A_286 : i32 to vector<16xi32>
    %add3A_304 = arith.addi %add3A_303, %iota3A : vector<16xi32>
    %eq3A_305 = vector.broadcast %reduce_min3A_205 : i32 to vector<16xi32>
    %eq3A_306 = arith.cmpi eq, %add3A_304, %eq3A_305 : vector<16xi32>
    %add3A_307 = vector.broadcast %and3A_288 : i32 to vector<16xi32>
    %add3A_308 = arith.addi %add3A_307, %iota3A : vector<16xi32>
    %eq3A_309 = vector.broadcast %reduce_min3A_218 : i32 to vector<16xi32>
    %eq3A_310 = arith.cmpi eq, %add3A_308, %eq3A_309 : vector<16xi32>
    %add3A_311 = vector.broadcast %and3A_290 : i32 to vector<16xi32>
    %add3A_312 = arith.addi %add3A_311, %iota3A : vector<16xi32>
    %eq3A_313 = vector.broadcast %reduce_min3A_231 : i32 to vector<16xi32>
    %eq3A_314 = arith.cmpi eq, %add3A_312, %eq3A_313 : vector<16xi32>
    %add3A_315 = vector.broadcast %and3A_292 : i32 to vector<16xi32>
    %add3A_316 = arith.addi %add3A_315, %iota3A : vector<16xi32>
    %eq3A_317 = vector.broadcast %reduce_min3A_244 : i32 to vector<16xi32>
    %eq3A_318 = arith.cmpi eq, %add3A_316, %eq3A_317 : vector<16xi32>
    %add3A_319 = vector.broadcast %and3A_294 : i32 to vector<16xi32>
    %add3A_320 = arith.addi %add3A_319, %iota3A : vector<16xi32>
    %eq3A_321 = vector.broadcast %reduce_min3A_257 : i32 to vector<16xi32>
    %eq3A_322 = arith.cmpi eq, %add3A_320, %eq3A_321 : vector<16xi32>
    %add3A_323 = vector.broadcast %and3A_296 : i32 to vector<16xi32>
    %add3A_324 = arith.addi %add3A_323, %iota3A : vector<16xi32>
    %eq3A_325 = vector.broadcast %reduce_min3A_270 : i32 to vector<16xi32>
    %eq3A_326 = arith.cmpi eq, %add3A_324, %eq3A_325 : vector<16xi32>
    %add3A_327 = vector.broadcast %and3A_298 : i32 to vector<16xi32>
    %add3A_328 = arith.addi %add3A_327, %iota3A : vector<16xi32>
    %eq3A_329 = vector.broadcast %reduce_min3A_283 : i32 to vector<16xi32>
    %eq3A_330 = arith.cmpi eq, %add3A_328, %eq3A_329 : vector<16xi32>
    %get3A_331 = arith.index_cast %and3A_284 : i32 to index
    %get3A_332 = tpu.vector_load %arg8[%get3A_331] {strides = array<i32>} : memref<16800xf32, #tpu.memory_space<vmem>>, vector<16xf32>,
    %jit3A_333 = arith.constant 0.000000e+00 : f32
    %broadcast_in_dim3A_334 = vector.broadcast %jit3A_333 : f32 to vector<16xf32>
    %select_n3A_335 = arith.select %eq3A_302, %get3A_332, %broadcast_in_dim3A_334 : vector<16xi1>, vector<16xf32>
    %reduce_sum3A = arith.constant true
    %reduce_sum3A_336 = vector.broadcast %reduce_sum3A : i1 to vector<16xi1>
    %reduce_sum3A_337 = tpu.scan <sum>, %select_n3A_335 masked %reduce_sum3A_336 : vector<16xf32>, vector<16xi1> -> vector<16xf32>
    %reduce_sum3A_338 = vector.extract %reduce_sum3A_337[15] : f32 from vector<16xf32>
    %get3A_339 = arith.index_cast %and3A_286 : i32 to index
    %get3A_340 = tpu.vector_load %arg8[%get3A_339] {strides = array<i32>} : memref<16800xf32, #tpu.memory_space<vmem>>, vector<16xf32>,
    %jit3A_341 = arith.constant 0.000000e+00 : f32
    %broadcast_in_dim3A_342 = vector.broadcast %jit3A_341 : f32 to vector<16xf32>
    %select_n3A_343 = arith.select %eq3A_306, %get3A_340, %broadcast_in_dim3A_342 : vector<16xi1>, vector<16xf32>
    %reduce_sum3A_344 = arith.constant true
    %reduce_sum3A_345 = vector.broadcast %reduce_sum3A_344 : i1 to vector<16xi1>
    %reduce_sum3A_346 = tpu.scan <sum>, %select_n3A_343 masked %reduce_sum3A_345 : vector<16xf32>, vector<16xi1> -> vector<16xf32>
    %reduce_sum3A_347 = vector.extract %reduce_sum3A_346[15] : f32 from vector<16xf32>
    %get3A_348 = arith.index_cast %and3A_288 : i32 to index
    %get3A_349 = tpu.vector_load %arg8[%get3A_348] {strides = array<i32>} : memref<16800xf32, #tpu.memory_space<vmem>>, vector<16xf32>,
    %jit3A_350 = arith.constant 0.000000e+00 : f32
    %broadcast_in_dim3A_351 = vector.broadcast %jit3A_350 : f32 to vector<16xf32>
    %select_n3A_352 = arith.select %eq3A_310, %get3A_349, %broadcast_in_dim3A_351 : vector<16xi1>, vector<16xf32>
    %reduce_sum3A_353 = arith.constant true
    %reduce_sum3A_354 = vector.broadcast %reduce_sum3A_353 : i1 to vector<16xi1>
    %reduce_sum3A_355 = tpu.scan <sum>, %select_n3A_352 masked %reduce_sum3A_354 : vector<16xf32>, vector<16xi1> -> vector<16xf32>
    %reduce_sum3A_356 = vector.extract %reduce_sum3A_355[15] : f32 from vector<16xf32>
    %get3A_357 = arith.index_cast %and3A_290 : i32 to index
    %get3A_358 = tpu.vector_load %arg8[%get3A_357] {strides = array<i32>} : memref<16800xf32, #tpu.memory_space<vmem>>, vector<16xf32>,
    %jit3A_359 = arith.constant 0.000000e+00 : f32
    %broadcast_in_dim3A_360 = vector.broadcast %jit3A_359 : f32 to vector<16xf32>
    %select_n3A_361 = arith.select %eq3A_314, %get3A_358, %broadcast_in_dim3A_360 : vector<16xi1>, vector<16xf32>
    %reduce_sum3A_362 = arith.constant true
    %reduce_sum3A_363 = vector.broadcast %reduce_sum3A_362 : i1 to vector<16xi1>
    %reduce_sum3A_364 = tpu.scan <sum>, %select_n3A_361 masked %reduce_sum3A_363 : vector<16xf32>, vector<16xi1> -> vector<16xf32>
    %reduce_sum3A_365 = vector.extract %reduce_sum3A_364[15] : f32 from vector<16xf32>
    %get3A_366 = arith.index_cast %and3A_292 : i32 to index
    %get3A_367 = tpu.vector_load %arg8[%get3A_366] {strides = array<i32>} : memref<16800xf32, #tpu.memory_space<vmem>>, vector<16xf32>,
    %jit3A_368 = arith.constant 0.000000e+00 : f32
    %broadcast_in_dim3A_369 = vector.broadcast %jit3A_368 : f32 to vector<16xf32>
    %select_n3A_370 = arith.select %eq3A_318, %get3A_367, %broadcast_in_dim3A_369 : vector<16xi1>, vector<16xf32>
    %reduce_sum3A_371 = arith.constant true
    %reduce_sum3A_372 = vector.broadcast %reduce_sum3A_371 : i1 to vector<16xi1>
    %reduce_sum3A_373 = tpu.scan <sum>, %select_n3A_370 masked %reduce_sum3A_372 : vector<16xf32>, vector<16xi1> -> vector<16xf32>
    %reduce_sum3A_374 = vector.extract %reduce_sum3A_373[15] : f32 from vector<16xf32>
    %get3A_375 = arith.index_cast %and3A_294 : i32 to index
    %get3A_376 = tpu.vector_load %arg8[%get3A_375] {strides = array<i32>} : memref<16800xf32, #tpu.memory_space<vmem>>, vector<16xf32>,
    %jit3A_377 = arith.constant 0.000000e+00 : f32
    %broadcast_in_dim3A_378 = vector.broadcast %jit3A_377 : f32 to vector<16xf32>
    %select_n3A_379 = arith.select %eq3A_322, %get3A_376, %broadcast_in_dim3A_378 : vector<16xi1>, vector<16xf32>
    %reduce_sum3A_380 = arith.constant true
    %reduce_sum3A_381 = vector.broadcast %reduce_sum3A_380 : i1 to vector<16xi1>
    %reduce_sum3A_382 = tpu.scan <sum>, %select_n3A_379 masked %reduce_sum3A_381 : vector<16xf32>, vector<16xi1> -> vector<16xf32>
    %reduce_sum3A_383 = vector.extract %reduce_sum3A_382[15] : f32 from vector<16xf32>
    %get3A_384 = arith.index_cast %and3A_296 : i32 to index
    %get3A_385 = tpu.vector_load %arg8[%get3A_384] {strides = array<i32>} : memref<16800xf32, #tpu.memory_space<vmem>>, vector<16xf32>,
    %jit3A_386 = arith.constant 0.000000e+00 : f32
    %broadcast_in_dim3A_387 = vector.broadcast %jit3A_386 : f32 to vector<16xf32>
    %select_n3A_388 = arith.select %eq3A_326, %get3A_385, %broadcast_in_dim3A_387 : vector<16xi1>, vector<16xf32>
    %reduce_sum3A_389 = arith.constant true
    %reduce_sum3A_390 = vector.broadcast %reduce_sum3A_389 : i1 to vector<16xi1>
    %reduce_sum3A_391 = tpu.scan <sum>, %select_n3A_388 masked %reduce_sum3A_390 : vector<16xf32>, vector<16xi1> -> vector<16xf32>
    %reduce_sum3A_392 = vector.extract %reduce_sum3A_391[15] : f32 from vector<16xf32>
    %get3A_393 = arith.index_cast %and3A_298 : i32 to index
    %get3A_394 = tpu.vector_load %arg8[%get3A_393] {strides = array<i32>} : memref<16800xf32, #tpu.memory_space<vmem>>, vector<16xf32>,
    %jit3A_395 = arith.constant 0.000000e+00 : f32
    %broadcast_in_dim3A_396 = vector.broadcast %jit3A_395 : f32 to vector<16xf32>
    %select_n3A_397 = arith.select %eq3A_330, %get3A_394, %broadcast_in_dim3A_396 : vector<16xi1>, vector<16xf32>
    %reduce_sum3A_398 = arith.constant true
    %reduce_sum3A_399 = vector.broadcast %reduce_sum3A_398 : i1 to vector<16xi1>
    %reduce_sum3A_400 = tpu.scan <sum>, %select_n3A_397 masked %reduce_sum3A_399 : vector<16xf32>, vector<16xi1> -> vector<16xf32>
    %reduce_sum3A_401 = vector.extract %reduce_sum3A_400[15] : f32 from vector<16xf32>
    %ge3A = arith.constant 2.000000e-01 : f32
    %ge3A_402 = arith.cmpf oge, %reduce_max3A_155, %ge3A : f32
    %jit3A_403 = arith.constant 2.000000e+00 : f32
    %select_n3A_404 = arith.select %ge3A_402, %jit3A_403, %reduce_sum3A_338 : f32
    %get3A_405 = arith.index_cast %and3A_284 : i32 to index
    %get3A_406 = tpu.vector_load %arg8[%get3A_405] {strides = array<i32>} : memref<16800xf32, #tpu.memory_space<vmem>>, vector<16xf32>,
    %broadcast_in_dim3A_407 = vector.broadcast %select_n3A_404 : f32 to vector<16xf32>
    %select_n3A_408 = arith.select %eq3A_302, %broadcast_in_dim3A_407, %get3A_406 : vector<16xi1>, vector<16xf32>
    %swap3A = arith.index_cast %and3A_284 : i32 to index
    %swap3A_409 = tpu.vector_load %arg8[%swap3A] {strides = array<i32>} : memref<16800xf32, #tpu.memory_space<vmem>>, vector<16xf32>,
    tpu.vector_store %arg8[%swap3A], %select_n3A_408 {strides = array<i32>} : memref<16800xf32, #tpu.memory_space<vmem>>, vector<16xf32>,
    %get3A_410 = arith.index_cast %and3A_284 : i32 to index
    %get3A_411 = tpu.vector_load %arg9[%get3A_410] {strides = array<i32>} : memref<16800xi32, #tpu.memory_space<vmem>>, vector<16xi32>,
    %jit3A_412 = arith.constant 0 : i32
    %broadcast_in_dim3A_413 = vector.broadcast %jit3A_412 : i32 to vector<16xi32>
    %select_n3A_414 = arith.select %eq3A_302, %broadcast_in_dim3A_413, %get3A_411 : vector<16xi1>, vector<16xi32>
    %swap3A_415 = arith.index_cast %and3A_284 : i32 to index
    %swap3A_416 = tpu.vector_load %arg9[%swap3A_415] {strides = array<i32>} : memref<16800xi32, #tpu.memory_space<vmem>>, vector<16xi32>,
    tpu.vector_store %arg9[%swap3A_415], %select_n3A_414 {strides = array<i32>} : memref<16800xi32, #tpu.memory_space<vmem>>, vector<16xi32>,
    %ge3A_417 = arith.constant 2.000000e-01 : f32
    %ge3A_418 = arith.cmpf oge, %reduce_max3A_159, %ge3A_417 : f32
    %jit3A_419 = arith.constant 2.000000e+00 : f32
    %select_n3A_420 = arith.select %ge3A_418, %jit3A_419, %reduce_sum3A_347 : f32
    %get3A_421 = arith.index_cast %and3A_286 : i32 to index
    %get3A_422 = tpu.vector_load %arg8[%get3A_421] {strides = array<i32>} : memref<16800xf32, #tpu.memory_space<vmem>>, vector<16xf32>,
    %broadcast_in_dim3A_423 = vector.broadcast %select_n3A_420 : f32 to vector<16xf32>
    %select_n3A_424 = arith.select %eq3A_306, %broadcast_in_dim3A_423, %get3A_422 : vector<16xi1>, vector<16xf32>
    %swap3A_425 = arith.index_cast %and3A_286 : i32 to index
    %swap3A_426 = tpu.vector_load %arg8[%swap3A_425] {strides = array<i32>} : memref<16800xf32, #tpu.memory_space<vmem>>, vector<16xf32>,
    tpu.vector_store %arg8[%swap3A_425], %select_n3A_424 {strides = array<i32>} : memref<16800xf32, #tpu.memory_space<vmem>>, vector<16xf32>,
    %get3A_427 = arith.index_cast %and3A_286 : i32 to index
    %get3A_428 = tpu.vector_load %arg9[%get3A_427] {strides = array<i32>} : memref<16800xi32, #tpu.memory_space<vmem>>, vector<16xi32>,
    %jit3A_429 = arith.constant 1 : i32
    %broadcast_in_dim3A_430 = vector.broadcast %jit3A_429 : i32 to vector<16xi32>
    %select_n3A_431 = arith.select %eq3A_306, %broadcast_in_dim3A_430, %get3A_428 : vector<16xi1>, vector<16xi32>
    %swap3A_432 = arith.index_cast %and3A_286 : i32 to index
    %swap3A_433 = tpu.vector_load %arg9[%swap3A_432] {strides = array<i32>} : memref<16800xi32, #tpu.memory_space<vmem>>, vector<16xi32>,
    tpu.vector_store %arg9[%swap3A_432], %select_n3A_431 {strides = array<i32>} : memref<16800xi32, #tpu.memory_space<vmem>>, vector<16xi32>,
    %ge3A_434 = arith.constant 2.000000e-01 : f32
    %ge3A_435 = arith.cmpf oge, %reduce_max3A_163, %ge3A_434 : f32
    %jit3A_436 = arith.constant 2.000000e+00 : f32
    %select_n3A_437 = arith.select %ge3A_435, %jit3A_436, %reduce_sum3A_356 : f32
    %get3A_438 = arith.index_cast %and3A_288 : i32 to index
    %get3A_439 = tpu.vector_load %arg8[%get3A_438] {strides = array<i32>} : memref<16800xf32, #tpu.memory_space<vmem>>, vector<16xf32>,
    %broadcast_in_dim3A_440 = vector.broadcast %select_n3A_437 : f32 to vector<16xf32>
    %select_n3A_441 = arith.select %eq3A_310, %broadcast_in_dim3A_440, %get3A_439 : vector<16xi1>, vector<16xf32>
    %swap3A_442 = arith.index_cast %and3A_288 : i32 to index
    %swap3A_443 = tpu.vector_load %arg8[%swap3A_442] {strides = array<i32>} : memref<16800xf32, #tpu.memory_space<vmem>>, vector<16xf32>,
    tpu.vector_store %arg8[%swap3A_442], %select_n3A_441 {strides = array<i32>} : memref<16800xf32, #tpu.memory_space<vmem>>, vector<16xf32>,
    %get3A_444 = arith.index_cast %and3A_288 : i32 to index
    %get3A_445 = tpu.vector_load %arg9[%get3A_444] {strides = array<i32>} : memref<16800xi32, #tpu.memory_space<vmem>>, vector<16xi32>,
    %jit3A_446 = arith.constant 2 : i32
    %broadcast_in_dim3A_447 = vector.broadcast %jit3A_446 : i32 to vector<16xi32>
    %select_n3A_448 = arith.select %eq3A_310, %broadcast_in_dim3A_447, %get3A_445 : vector<16xi1>, vector<16xi32>
    %swap3A_449 = arith.index_cast %and3A_288 : i32 to index
    %swap3A_450 = tpu.vector_load %arg9[%swap3A_449] {strides = array<i32>} : memref<16800xi32, #tpu.memory_space<vmem>>, vector<16xi32>,
    tpu.vector_store %arg9[%swap3A_449], %select_n3A_448 {strides = array<i32>} : memref<16800xi32, #tpu.memory_space<vmem>>, vector<16xi32>,
    %ge3A_451 = arith.constant 2.000000e-01 : f32
    %ge3A_452 = arith.cmpf oge, %reduce_max3A_167, %ge3A_451 : f32
    %jit3A_453 = arith.constant 2.000000e+00 : f32
    %select_n3A_454 = arith.select %ge3A_452, %jit3A_453, %reduce_sum3A_365 : f32
    %get3A_455 = arith.index_cast %and3A_290 : i32 to index
    %get3A_456 = tpu.vector_load %arg8[%get3A_455] {strides = array<i32>} : memref<16800xf32, #tpu.memory_space<vmem>>, vector<16xf32>,
    %broadcast_in_dim3A_457 = vector.broadcast %select_n3A_454 : f32 to vector<16xf32>
    %select_n3A_458 = arith.select %eq3A_314, %broadcast_in_dim3A_457, %get3A_456 : vector<16xi1>, vector<16xf32>
    %swap3A_459 = arith.index_cast %and3A_290 : i32 to index
    %swap3A_460 = tpu.vector_load %arg8[%swap3A_459] {strides = array<i32>} : memref<16800xf32, #tpu.memory_space<vmem>>, vector<16xf32>,
    tpu.vector_store %arg8[%swap3A_459], %select_n3A_458 {strides = array<i32>} : memref<16800xf32, #tpu.memory_space<vmem>>, vector<16xf32>,
    %get3A_461 = arith.index_cast %and3A_290 : i32 to index
    %get3A_462 = tpu.vector_load %arg9[%get3A_461] {strides = array<i32>} : memref<16800xi32, #tpu.memory_space<vmem>>, vector<16xi32>,
    %jit3A_463 = arith.constant 3 : i32
    %broadcast_in_dim3A_464 = vector.broadcast %jit3A_463 : i32 to vector<16xi32>
    %select_n3A_465 = arith.select %eq3A_314, %broadcast_in_dim3A_464, %get3A_462 : vector<16xi1>, vector<16xi32>
    %swap3A_466 = arith.index_cast %and3A_290 : i32 to index
    %swap3A_467 = tpu.vector_load %arg9[%swap3A_466] {strides = array<i32>} : memref<16800xi32, #tpu.memory_space<vmem>>, vector<16xi32>,
    tpu.vector_store %arg9[%swap3A_466], %select_n3A_465 {strides = array<i32>} : memref<16800xi32, #tpu.memory_space<vmem>>, vector<16xi32>,
    %ge3A_468 = arith.constant 2.000000e-01 : f32
    %ge3A_469 = arith.cmpf oge, %reduce_max3A_171, %ge3A_468 : f32
    %jit3A_470 = arith.constant 2.000000e+00 : f32
    %select_n3A_471 = arith.select %ge3A_469, %jit3A_470, %reduce_sum3A_374 : f32
    %get3A_472 = arith.index_cast %and3A_292 : i32 to index
    %get3A_473 = tpu.vector_load %arg8[%get3A_472] {strides = array<i32>} : memref<16800xf32, #tpu.memory_space<vmem>>, vector<16xf32>,
    %broadcast_in_dim3A_474 = vector.broadcast %select_n3A_471 : f32 to vector<16xf32>
    %select_n3A_475 = arith.select %eq3A_318, %broadcast_in_dim3A_474, %get3A_473 : vector<16xi1>, vector<16xf32>
    %swap3A_476 = arith.index_cast %and3A_292 : i32 to index
    %swap3A_477 = tpu.vector_load %arg8[%swap3A_476] {strides = array<i32>} : memref<16800xf32, #tpu.memory_space<vmem>>, vector<16xf32>,
    tpu.vector_store %arg8[%swap3A_476], %select_n3A_475 {strides = array<i32>} : memref<16800xf32, #tpu.memory_space<vmem>>, vector<16xf32>,
    %get3A_478 = arith.index_cast %and3A_292 : i32 to index
    %get3A_479 = tpu.vector_load %arg9[%get3A_478] {strides = array<i32>} : memref<16800xi32, #tpu.memory_space<vmem>>, vector<16xi32>,
    %jit3A_480 = arith.constant 4 : i32
    %broadcast_in_dim3A_481 = vector.broadcast %jit3A_480 : i32 to vector<16xi32>
    %select_n3A_482 = arith.select %eq3A_318, %broadcast_in_dim3A_481, %get3A_479 : vector<16xi1>, vector<16xi32>
    %swap3A_483 = arith.index_cast %and3A_292 : i32 to index
    %swap3A_484 = tpu.vector_load %arg9[%swap3A_483] {strides = array<i32>} : memref<16800xi32, #tpu.memory_space<vmem>>, vector<16xi32>,
    tpu.vector_store %arg9[%swap3A_483], %select_n3A_482 {strides = array<i32>} : memref<16800xi32, #tpu.memory_space<vmem>>, vector<16xi32>,
    %ge3A_485 = arith.constant 2.000000e-01 : f32
    %ge3A_486 = arith.cmpf oge, %reduce_max3A_175, %ge3A_485 : f32
    %jit3A_487 = arith.constant 2.000000e+00 : f32
    %select_n3A_488 = arith.select %ge3A_486, %jit3A_487, %reduce_sum3A_383 : f32
    %get3A_489 = arith.index_cast %and3A_294 : i32 to index
    %get3A_490 = tpu.vector_load %arg8[%get3A_489] {strides = array<i32>} : memref<16800xf32, #tpu.memory_space<vmem>>, vector<16xf32>,
    %broadcast_in_dim3A_491 = vector.broadcast %select_n3A_488 : f32 to vector<16xf32>
    %select_n3A_492 = arith.select %eq3A_322, %broadcast_in_dim3A_491, %get3A_490 : vector<16xi1>, vector<16xf32>
    %swap3A_493 = arith.index_cast %and3A_294 : i32 to index
    %swap3A_494 = tpu.vector_load %arg8[%swap3A_493] {strides = array<i32>} : memref<16800xf32, #tpu.memory_space<vmem>>, vector<16xf32>,
    tpu.vector_store %arg8[%swap3A_493], %select_n3A_492 {strides = array<i32>} : memref<16800xf32, #tpu.memory_space<vmem>>, vector<16xf32>,
    %get3A_495 = arith.index_cast %and3A_294 : i32 to index
    %get3A_496 = tpu.vector_load %arg9[%get3A_495] {strides = array<i32>} : memref<16800xi32, #tpu.memory_space<vmem>>, vector<16xi32>,
    %jit3A_497 = arith.constant 5 : i32
    %broadcast_in_dim3A_498 = vector.broadcast %jit3A_497 : i32 to vector<16xi32>
    %select_n3A_499 = arith.select %eq3A_322, %broadcast_in_dim3A_498, %get3A_496 : vector<16xi1>, vector<16xi32>
    %swap3A_500 = arith.index_cast %and3A_294 : i32 to index
    %swap3A_501 = tpu.vector_load %arg9[%swap3A_500] {strides = array<i32>} : memref<16800xi32, #tpu.memory_space<vmem>>, vector<16xi32>,
    tpu.vector_store %arg9[%swap3A_500], %select_n3A_499 {strides = array<i32>} : memref<16800xi32, #tpu.memory_space<vmem>>, vector<16xi32>,
    %ge3A_502 = arith.constant 2.000000e-01 : f32
    %ge3A_503 = arith.cmpf oge, %reduce_max3A_179, %ge3A_502 : f32
    %jit3A_504 = arith.constant 2.000000e+00 : f32
    %select_n3A_505 = arith.select %ge3A_503, %jit3A_504, %reduce_sum3A_392 : f32
    %get3A_506 = arith.index_cast %and3A_296 : i32 to index
    %get3A_507 = tpu.vector_load %arg8[%get3A_506] {strides = array<i32>} : memref<16800xf32, #tpu.memory_space<vmem>>, vector<16xf32>,
    %broadcast_in_dim3A_508 = vector.broadcast %select_n3A_505 : f32 to vector<16xf32>
    %select_n3A_509 = arith.select %eq3A_326, %broadcast_in_dim3A_508, %get3A_507 : vector<16xi1>, vector<16xf32>
    %swap3A_510 = arith.index_cast %and3A_296 : i32 to index
    %swap3A_511 = tpu.vector_load %arg8[%swap3A_510] {strides = array<i32>} : memref<16800xf32, #tpu.memory_space<vmem>>, vector<16xf32>,
    tpu.vector_store %arg8[%swap3A_510], %select_n3A_509 {strides = array<i32>} : memref<16800xf32, #tpu.memory_space<vmem>>, vector<16xf32>,
    %get3A_512 = arith.index_cast %and3A_296 : i32 to index
    %get3A_513 = tpu.vector_load %arg9[%get3A_512] {strides = array<i32>} : memref<16800xi32, #tpu.memory_space<vmem>>, vector<16xi32>,
    %jit3A_514 = arith.constant 6 : i32
    %broadcast_in_dim3A_515 = vector.broadcast %jit3A_514 : i32 to vector<16xi32>
    %select_n3A_516 = arith.select %eq3A_326, %broadcast_in_dim3A_515, %get3A_513 : vector<16xi1>, vector<16xi32>
    %swap3A_517 = arith.index_cast %and3A_296 : i32 to index
    %swap3A_518 = tpu.vector_load %arg9[%swap3A_517] {strides = array<i32>} : memref<16800xi32, #tpu.memory_space<vmem>>, vector<16xi32>,
    tpu.vector_store %arg9[%swap3A_517], %select_n3A_516 {strides = array<i32>} : memref<16800xi32, #tpu.memory_space<vmem>>, vector<16xi32>,
    %ge3A_519 = arith.constant 2.000000e-01 : f32
    %ge3A_520 = arith.cmpf oge, %reduce_max3A_183, %ge3A_519 : f32
    %jit3A_521 = arith.constant 2.000000e+00 : f32
    %select_n3A_522 = arith.select %ge3A_520, %jit3A_521, %reduce_sum3A_401 : f32
    %get3A_523 = arith.index_cast %and3A_298 : i32 to index
    %get3A_524 = tpu.vector_load %arg8[%get3A_523] {strides = array<i32>} : memref<16800xf32, #tpu.memory_space<vmem>>, vector<16xf32>,
    %broadcast_in_dim3A_525 = vector.broadcast %select_n3A_522 : f32 to vector<16xf32>
    %select_n3A_526 = arith.select %eq3A_330, %broadcast_in_dim3A_525, %get3A_524 : vector<16xi1>, vector<16xf32>
    %swap3A_527 = arith.index_cast %and3A_298 : i32 to index
    %swap3A_528 = tpu.vector_load %arg8[%swap3A_527] {strides = array<i32>} : memref<16800xf32, #tpu.memory_space<vmem>>, vector<16xf32>,
    tpu.vector_store %arg8[%swap3A_527], %select_n3A_526 {strides = array<i32>} : memref<16800xf32, #tpu.memory_space<vmem>>, vector<16xf32>,
    %get3A_529 = arith.index_cast %and3A_298 : i32 to index
    %get3A_530 = tpu.vector_load %arg9[%get3A_529] {strides = array<i32>} : memref<16800xi32, #tpu.memory_space<vmem>>, vector<16xi32>,
    %jit3A_531 = arith.constant 7 : i32
    %broadcast_in_dim3A_532 = vector.broadcast %jit3A_531 : i32 to vector<16xi32>
    %select_n3A_533 = arith.select %eq3A_330, %broadcast_in_dim3A_532, %get3A_530 : vector<16xi1>, vector<16xi32>
    %swap3A_534 = arith.index_cast %and3A_298 : i32 to index
    %swap3A_535 = tpu.vector_load %arg9[%swap3A_534] {strides = array<i32>} : memref<16800xi32, #tpu.memory_space<vmem>>, vector<16xi32>,
    tpu.vector_store %arg9[%swap3A_534], %select_n3A_533 {strides = array<i32>} : memref<16800xi32, #tpu.memory_space<vmem>>, vector<16xi32>,
    %scan3A_536 = arith.constant 0 : i32
    %scan3A_537 = arith.constant 0 : i32
    %scan3A_538 = arith.constant 1050 : i32
    %scan3A_539 = arith.addi %scan3A_537, %scan3A_538 : i32
    %scan3A_540 = arith.constant 1 : i32
    %scan3A_541 = scf.for %scan3A_543 = %scan3A_537 to %scan3A_539 step %scan3A_540 iter_args(%scan3A_544 = %scan3A_536) -> (i32)  : i32 {
      %mul3A_545 = arith.constant 16 : i32
      %mul3A_546 = arith.muli %scan3A_543, %mul3A_545 : i32
      %get3A_547 = arith.index_cast %mul3A_546 : i32 to index
      %get3A_548 = tpu.vector_load %arg8[%get3A_547] {strides = array<i32>} : memref<16800xf32, #tpu.memory_space<vmem>>, vector<16xf32>,
      %get3A_549 = arith.index_cast %mul3A_546 : i32 to index
      %get3A_550 = tpu.vector_load %arg9[%get3A_549] {strides = array<i32>} : memref<16800xi32, #tpu.memory_space<vmem>>, vector<16xi32>,
      %broadcast_in_dim3A_551 = arith.constant 0.000000e+00 : f32
      %broadcast_in_dim3A_552 = vector.broadcast %broadcast_in_dim3A_551 : f32 to vector<16xf32>
      %eq3A_553 = arith.constant 0 : i32
      %eq3A_554 = vector.broadcast %eq3A_553 : i32 to vector<16xi32>
      %eq3A_555 = arith.cmpi eq, %get3A_550, %eq3A_554 : vector<16xi32>
      %broadcast_in_dim3A_556 = vector.broadcast %squeeze3A_79 : f32 to vector<16xf32>
      %select_n3A_557 = arith.select %eq3A_555, %broadcast_in_dim3A_556, %broadcast_in_dim3A_552 : vector<16xi1>, vector<16xf32>
      %eq3A_558 = arith.constant 1 : i32
      %eq3A_559 = vector.broadcast %eq3A_558 : i32 to vector<16xi32>
      %eq3A_560 = arith.cmpi eq, %get3A_550, %eq3A_559 : vector<16xi32>
      %broadcast_in_dim3A_561 = vector.broadcast %squeeze3A_81 : f32 to vector<16xf32>
      %select_n3A_562 = arith.select %eq3A_560, %broadcast_in_dim3A_561, %select_n3A_557 : vector<16xi1>, vector<16xf32>
      %eq3A_563 = arith.constant 2 : i32
      %eq3A_564 = vector.broadcast %eq3A_563 : i32 to vector<16xi32>
      %eq3A_565 = arith.cmpi eq, %get3A_550, %eq3A_564 : vector<16xi32>
      %broadcast_in_dim3A_566 = vector.broadcast %squeeze3A_83 : f32 to vector<16xf32>
      %select_n3A_567 = arith.select %eq3A_565, %broadcast_in_dim3A_566, %select_n3A_562 : vector<16xi1>, vector<16xf32>
      %eq3A_568 = arith.constant 3 : i32
      %eq3A_569 = vector.broadcast %eq3A_568 : i32 to vector<16xi32>
      %eq3A_570 = arith.cmpi eq, %get3A_550, %eq3A_569 : vector<16xi32>
      %broadcast_in_dim3A_571 = vector.broadcast %squeeze3A_85 : f32 to vector<16xf32>
      %select_n3A_572 = arith.select %eq3A_570, %broadcast_in_dim3A_571, %select_n3A_567 : vector<16xi1>, vector<16xf32>
      %eq3A_573 = arith.constant 4 : i32
      %eq3A_574 = vector.broadcast %eq3A_573 : i32 to vector<16xi32>
      %eq3A_575 = arith.cmpi eq, %get3A_550, %eq3A_574 : vector<16xi32>
      %broadcast_in_dim3A_576 = vector.broadcast %squeeze3A_87 : f32 to vector<16xf32>
      %select_n3A_577 = arith.select %eq3A_575, %broadcast_in_dim3A_576, %select_n3A_572 : vector<16xi1>, vector<16xf32>
      %eq3A_578 = arith.constant 5 : i32
      %eq3A_579 = vector.broadcast %eq3A_578 : i32 to vector<16xi32>
      %eq3A_580 = arith.cmpi eq, %get3A_550, %eq3A_579 : vector<16xi32>
      %broadcast_in_dim3A_581 = vector.broadcast %squeeze3A_89 : f32 to vector<16xf32>
      %select_n3A_582 = arith.select %eq3A_580, %broadcast_in_dim3A_581, %select_n3A_577 : vector<16xi1>, vector<16xf32>
      %eq3A_583 = arith.constant 6 : i32
      %eq3A_584 = vector.broadcast %eq3A_583 : i32 to vector<16xi32>
      %eq3A_585 = arith.cmpi eq, %get3A_550, %eq3A_584 : vector<16xi32>
      %broadcast_in_dim3A_586 = vector.broadcast %squeeze3A_91 : f32 to vector<16xf32>
      %select_n3A_587 = arith.select %eq3A_585, %broadcast_in_dim3A_586, %select_n3A_582 : vector<16xi1>, vector<16xf32>
      %eq3A_588 = arith.constant 7 : i32
      %eq3A_589 = vector.broadcast %eq3A_588 : i32 to vector<16xi32>
      %eq3A_590 = arith.cmpi eq, %get3A_550, %eq3A_589 : vector<16xi32>
      %broadcast_in_dim3A_591 = vector.broadcast %squeeze3A_93 : f32 to vector<16xf32>
      %select_n3A_592 = arith.select %eq3A_590, %broadcast_in_dim3A_591, %select_n3A_587 : vector<16xi1>, vector<16xf32>
      %lt3A = arith.constant 3.500000e-01 : f32
      %lt3A_593 = vector.broadcast %lt3A : f32 to vector<16xf32>
      %lt3A_594 = arith.cmpf olt, %get3A_548, %lt3A_593 : vector<16xf32>
      %jit3A_595 = arith.constant 0.000000e+00 : f32
      %broadcast_in_dim3A_596 = vector.broadcast %jit3A_595 : f32 to vector<16xf32>
      %select_n3A_597 = arith.select %lt3A_594, %broadcast_in_dim3A_596, %select_n3A_592 : vector<16xi1>, vector<16xf32>
      %swap3A_598 = arith.index_cast %mul3A_546 : i32 to index
      %swap3A_599 = tpu.vector_load %arg8[%swap3A_598] {strides = array<i32>} : memref<16800xf32, #tpu.memory_space<vmem>>, vector<16xf32>,
      tpu.vector_store %arg8[%swap3A_598], %select_n3A_597 {strides = array<i32>} : memref<16800xf32, #tpu.memory_space<vmem>>, vector<16xf32>,
      %scan3A_600 = arith.constant 0 : i32
      scf.yield %scan3A_600 : i32
    }
    %scan3A_542 = arith.constant 1050 : i32
    "tpu.region"() ({
      %run_scoped3A = tpu.sem_alloc : memref<!tpu.dma_semaphore, #tpu.memory_space<semaphore_mem>>
      %dma_start3A = arith.constant 0 : i32
      %dma_start3A_543 = tpu.memref_slice %arg4[%add3A, %dma_start3A] : memref<32x16800xf32, #tpu.memory_space<hbm>> -> memref<1x16800xf32, #tpu.memory_space<hbm>>
      %dma_start3A_544 = tpu.memref_squeeze %dma_start3A_543 : memref<1x16800xf32, #tpu.memory_space<hbm>> -> memref<16800xf32, #tpu.memory_space<hbm>>
      %dma_start3A_545 = arith.constant 0 : i32
      %dma_start3A_546 = tpu.memref_slice %arg4[%add3A, %dma_start3A_545] : memref<32x16800xf32, #tpu.memory_space<hbm>> -> memref<1x16800xf32, #tpu.memory_space<hbm>>
      %dma_start3A_547 = tpu.memref_squeeze %dma_start3A_546 : memref<1x16800xf32, #tpu.memory_space<hbm>> -> memref<16800xf32, #tpu.memory_space<hbm>>
      tpu.enqueue_dma source(%arg8 : memref<16800xf32, #tpu.memory_space<vmem>>) target(%dma_start3A_547 : memref<16800xf32, #tpu.memory_space<hbm>>) target_semaphore(%run_scoped3A : memref<!tpu.dma_semaphore, #tpu.memory_space<semaphore_mem>>)
      %dma_wait3A = arith.constant 0 : i32
      %dma_wait3A_548 = tpu.memref_slice %arg4[%add3A, %dma_wait3A] : memref<32x16800xf32, #tpu.memory_space<hbm>> -> memref<1x16800xf32, #tpu.memory_space<hbm>>
      %dma_wait3A_549 = tpu.memref_squeeze %dma_wait3A_548 : memref<1x16800xf32, #tpu.memory_space<hbm>> -> memref<16800xf32, #tpu.memory_space<hbm>>
      %dma_wait3A_550 = arith.constant 0 : i32
      %dma_wait3A_551 = tpu.memref_slice %arg4[%add3A, %dma_wait3A_550] : memref<32x16800xf32, #tpu.memory_space<hbm>> -> memref<1x16800xf32, #tpu.memory_space<hbm>>
      %dma_wait3A_552 = tpu.memref_squeeze %dma_wait3A_551 : memref<1x16800xf32, #tpu.memory_space<hbm>> -> memref<16800xf32, #tpu.memory_space<hbm>>
      tpu.wait_dma2 semaphore(%run_scoped3A : memref<!tpu.dma_semaphore, #tpu.memory_space<semaphore_mem>>) src(%arg8 : memref<16800xf32, #tpu.memory_space<vmem>>) dst(%dma_wait3A_552 : memref<16800xf32, #tpu.memory_space<hbm>>)
      tpu.yield
    }) : () -> ()
    "tpu.region"() ({
      %run_scoped3A = tpu.sem_alloc : memref<!tpu.dma_semaphore, #tpu.memory_space<semaphore_mem>>
      %dma_start3A = arith.constant 0 : i32
      %dma_start3A_543 = tpu.memref_slice %arg5[%add3A, %dma_start3A] : memref<32x16800xi32, #tpu.memory_space<hbm>> -> memref<1x16800xi32, #tpu.memory_space<hbm>>
      %dma_start3A_544 = tpu.memref_squeeze %dma_start3A_543 : memref<1x16800xi32, #tpu.memory_space<hbm>> -> memref<16800xi32, #tpu.memory_space<hbm>>
      %dma_start3A_545 = arith.constant 0 : i32
      %dma_start3A_546 = tpu.memref_slice %arg5[%add3A, %dma_start3A_545] : memref<32x16800xi32, #tpu.memory_space<hbm>> -> memref<1x16800xi32, #tpu.memory_space<hbm>>
      %dma_start3A_547 = tpu.memref_squeeze %dma_start3A_546 : memref<1x16800xi32, #tpu.memory_space<hbm>> -> memref<16800xi32, #tpu.memory_space<hbm>>
      tpu.enqueue_dma source(%arg9 : memref<16800xi32, #tpu.memory_space<vmem>>) target(%dma_start3A_547 : memref<16800xi32, #tpu.memory_space<hbm>>) target_semaphore(%run_scoped3A : memref<!tpu.dma_semaphore, #tpu.memory_space<semaphore_mem>>)
      %dma_wait3A = arith.constant 0 : i32
      %dma_wait3A_548 = tpu.memref_slice %arg5[%add3A, %dma_wait3A] : memref<32x16800xi32, #tpu.memory_space<hbm>> -> memref<1x16800xi32, #tpu.memory_space<hbm>>
      %dma_wait3A_549 = tpu.memref_squeeze %dma_wait3A_548 : memref<1x16800xi32, #tpu.memory_space<hbm>> -> memref<16800xi32, #tpu.memory_space<hbm>>
      %dma_wait3A_550 = arith.constant 0 : i32
      %dma_wait3A_551 = tpu.memref_slice %arg5[%add3A, %dma_wait3A_550] : memref<32x16800xi32, #tpu.memory_space<hbm>> -> memref<1x16800xi32, #tpu.memory_space<hbm>>
      %dma_wait3A_552 = tpu.memref_squeeze %dma_wait3A_551 : memref<1x16800xi32, #tpu.memory_space<hbm>> -> memref<16800xi32, #tpu.memory_space<hbm>>
      tpu.wait_dma2 semaphore(%run_scoped3A : memref<!tpu.dma_semaphore, #tpu.memory_space<semaphore_mem>>) src(%arg9 : memref<16800xi32, #tpu.memory_space<vmem>>) dst(%dma_wait3A_552 : memref<16800xi32, #tpu.memory_space<hbm>>)
      tpu.yield
    }) : () -> ()
    return
  }
}

module attributes {stable_mosaic.version = 14 : i64} {
  func.func @_mine_body(%arg0: memref<32x1x128xf32, #tpu.memory_space<vmem>>, %arg1: memref<32x132x128xi32, #tpu.memory_space<vmem>>, %arg2: memref<32x132x128xf32, #tpu.memory_space<vmem>>, %arg3: memref<32x1x128xf32, #tpu.memory_space<vmem>>) attributes {dimension_semantics = [], scalar_prefetch = 0 : i64, scratch_operands = 0 : i64, tpu.core_type = #tpu.core_type<tc>} {
    %get3A = arith.constant 0 : index
    %get3A_0 = arith.constant 0 : index
    %get3A_1 = arith.constant 0 : index
    %get3A_2 = vector.load %arg1[%get3A, %get3A_0, %get3A_1] : memref<32x132x128xi32, #tpu.memory_space<vmem>>, vector<32x132x128xi32>
    %get3A_3 = arith.constant 0 : index
    %get3A_4 = arith.constant 0 : index
    %get3A_5 = arith.constant 0 : index
    %get3A_6 = vector.load %arg2[%get3A_3, %get3A_4, %get3A_5] : memref<32x132x128xf32, #tpu.memory_space<vmem>>, vector<32x132x128xf32>
    %get3A_7 = arith.constant 0 : index
    %get3A_8 = arith.constant 0 : index
    %get3A_9 = arith.constant 3 : index
    %get3A_10 = vector.load %arg0[%get3A_7, %get3A_8, %get3A_9] : memref<32x1x128xf32, #tpu.memory_space<vmem>>, vector<32x1x1xf32>
    %convert_element_type3A = arith.fptosi %get3A_10 : vector<32x1x1xf32> to vector<32x1x1xi32>
    %mul3A = arith.constant 7 : i32
    %mul3A_11 = vector.broadcast %mul3A : i32 to vector<32x1x1xi32>
    %mul3A_12 = arith.muli %mul3A_11, %convert_element_type3A : vector<32x1x1xi32>
    %min3A = arith.constant 16799 : i32
    %min3A_13 = vector.broadcast %min3A : i32 to vector<32x1x1xi32>
    %min3A_14 = arith.minsi %mul3A_12, %min3A_13 : vector<32x1x1xi32>
    %broadcast_in_dim3A = arith.constant -2147483648 : i32
    %broadcast_in_dim3A_15 = vector.broadcast %broadcast_in_dim3A : i32 to vector<32x1x1xi32>
    %broadcast_in_dim3A_16 = arith.constant 2147483647 : i32
    %broadcast_in_dim3A_17 = vector.broadcast %broadcast_in_dim3A_16 : i32 to vector<32x1x1xi32>
    %scan3A = arith.constant 0 : i32
    %scan3A_18 = arith.constant 32 : i32
    %scan3A_19 = arith.addi %scan3A, %scan3A_18 : i32
    %scan3A_20 = arith.constant 1 : i32
    %scan3A_21:2 = scf.for %scan3A_72 = %scan3A to %scan3A_19 step %scan3A_20 iter_args(%scan3A_73 = %broadcast_in_dim3A_15, %scan3A_74 = %broadcast_in_dim3A_17) -> (vector<32x1x1xi32>, vector<32x1x1xi32>)  : i32 {
      %shift_right_arithmetic3A = arith.constant 1 : i32
      %shift_right_arithmetic3A_75 = vector.broadcast %shift_right_arithmetic3A : i32 to vector<32x1x1xi32>
      %shift_right_arithmetic3A_76 = arith.shrsi %scan3A_73, %shift_right_arithmetic3A_75 : vector<32x1x1xi32>
      %shift_right_arithmetic3A_77 = arith.constant 1 : i32
      %shift_right_arithmetic3A_78 = vector.broadcast %shift_right_arithmetic3A_77 : i32 to vector<32x1x1xi32>
      %shift_right_arithmetic3A_79 = arith.shrsi %scan3A_74, %shift_right_arithmetic3A_78 : vector<32x1x1xi32>
      %add3A_80 = arith.addi %shift_right_arithmetic3A_76, %shift_right_arithmetic3A_79 : vector<32x1x1xi32>
      %or3A = arith.ori %scan3A_73, %scan3A_74 : vector<32x1x1xi32>
      %and3A = arith.constant 1 : i32
      %and3A_81 = vector.broadcast %and3A : i32 to vector<32x1x1xi32>
      %and3A_82 = arith.andi %or3A, %and3A_81 : vector<32x1x1xi32>
      %add3A_83 = arith.addi %add3A_80, %and3A_82 : vector<32x1x1xi32>
      %ge3A = vector.broadcast %add3A_83 : vector<32x1x1xi32> to vector<32x132x128xi32>
      %ge3A_84 = arith.cmpi sge, %get3A_2, %ge3A : vector<32x132x128xi32>
      %convert_element_type3A_85 = arith.extui %ge3A_84 : vector<32x132x128xi1> to vector<32x132x128xi32>
      %reduce_sum3A_86 = arith.constant dense<0> : vector<32x132xi32>
      %reduce_sum3A_87 = vector.multi_reduction <add>, %convert_element_type3A_85, %reduce_sum3A_86 [2] : vector<32x132x128xi32> to vector<32x132xi32>
      %broadcast_in_dim3A_88 = vector.shape_cast %reduce_sum3A_87 : vector<32x132xi32> to vector<32x132x1xi32>
      %reduce_sum3A_89 = arith.constant dense<0> : vector<32x1xi32>
      %reduce_sum3A_90 = vector.multi_reduction <add>, %broadcast_in_dim3A_88, %reduce_sum3A_89 [1] : vector<32x132x1xi32> to vector<32x1xi32>
      %broadcast_in_dim3A_91 = vector.shape_cast %reduce_sum3A_90 : vector<32x1xi32> to vector<32x1x1xi32>
      %ge3A_92 = arith.cmpi sge, %broadcast_in_dim3A_91, %min3A_14 : vector<32x1x1xi32>
      %select_n3A_93 = arith.select %ge3A_92, %add3A_83, %scan3A_73 : vector<32x1x1xi1>, vector<32x1x1xi32>
      %sub3A_94 = arith.constant 1 : i32
      %sub3A_95 = vector.broadcast %sub3A_94 : i32 to vector<32x1x1xi32>
      %sub3A_96 = arith.subi %add3A_83, %sub3A_95 : vector<32x1x1xi32>
      %select_n3A_97 = arith.select %ge3A_92, %scan3A_74, %sub3A_96 : vector<32x1x1xi1>, vector<32x1x1xi32>
      scf.yield %select_n3A_93, %select_n3A_97 : vector<32x1x1xi32>, vector<32x1x1xi32>
    }
    %gt3A = vector.broadcast %scan3A_21#0 : vector<32x1x1xi32> to vector<32x132x128xi32>
    %gt3A_22 = arith.cmpi sgt, %get3A_2, %gt3A : vector<32x132x128xi32>
    %convert_element_type3A_23 = arith.extui %gt3A_22 : vector<32x132x128xi1> to vector<32x132x128xi32>
    %convert_element_type3A_24 = arith.sitofp %convert_element_type3A_23 : vector<32x132x128xi32> to vector<32x132x128xf32>
    %eq3A = vector.broadcast %scan3A_21#0 : vector<32x1x1xi32> to vector<32x132x128xi32>
    %eq3A_25 = arith.cmpi eq, %get3A_2, %eq3A : vector<32x132x128xi32>
    %convert_element_type3A_26 = arith.extui %eq3A_25 : vector<32x132x128xi1> to vector<32x132x128xi32>
    %convert_element_type3A_27 = arith.sitofp %convert_element_type3A_26 : vector<32x132x128xi32> to vector<32x132x128xf32>
    %reduce_sum3A = arith.constant dense<0.000000e+00> : vector<32x132xf32>
    %reduce_sum3A_28 = vector.multi_reduction <add>, %convert_element_type3A_24, %reduce_sum3A [2] : vector<32x132x128xf32> to vector<32x132xf32>
    %broadcast_in_dim3A_29 = vector.shape_cast %reduce_sum3A_28 : vector<32x132xf32> to vector<32x132x1xf32>
    %reduce_sum3A_30 = arith.constant dense<0.000000e+00> : vector<32x1xf32>
    %reduce_sum3A_31 = vector.multi_reduction <add>, %broadcast_in_dim3A_29, %reduce_sum3A_30 [1] : vector<32x132x1xf32> to vector<32x1xf32>
    %broadcast_in_dim3A_32 = vector.shape_cast %reduce_sum3A_31 : vector<32x1xf32> to vector<32x1x1xf32>
    %reduce_sum3A_33 = arith.constant dense<0.000000e+00> : vector<32x132xf32>
    %reduce_sum3A_34 = vector.multi_reduction <add>, %convert_element_type3A_27, %reduce_sum3A_33 [2] : vector<32x132x128xf32> to vector<32x132xf32>
    %broadcast_in_dim3A_35 = vector.shape_cast %reduce_sum3A_34 : vector<32x132xf32> to vector<32x132x1xf32>
    %reduce_sum3A_36 = arith.constant dense<0.000000e+00> : vector<32x1xf32>
    %reduce_sum3A_37 = vector.multi_reduction <add>, %broadcast_in_dim3A_35, %reduce_sum3A_36 [1] : vector<32x132x1xf32> to vector<32x1xf32>
    %broadcast_in_dim3A_38 = vector.shape_cast %reduce_sum3A_37 : vector<32x1xf32> to vector<32x1x1xf32>
    %gt3A_39 = arith.constant -2147483648 : i32
    %gt3A_40 = vector.broadcast %gt3A_39 : i32 to vector<32x1x1xi32>
    %gt3A_41 = arith.cmpi sgt, %scan3A_21#0, %gt3A_40 : vector<32x1x1xi32>
    %convert_element_type3A_42 = arith.sitofp %min3A_14 : vector<32x1x1xi32> to vector<32x1x1xf32>
    %sub3A = arith.subf %convert_element_type3A_42, %broadcast_in_dim3A_32 : vector<32x1x1xf32>
    %jit3A = arith.constant 0.000000e+00 : f32
    %broadcast_in_dim3A_43 = vector.broadcast %jit3A : f32 to vector<32x1x1xf32>
    %select_n3A = arith.select %gt3A_41, %sub3A, %broadcast_in_dim3A_43 : vector<32x1x1xi1>, vector<32x1x1xf32>
    %mul3A_44 = arith.mulf %get3A_6, %convert_element_type3A_24 : vector<32x132x128xf32>
    %reduce_sum3A_45 = arith.constant dense<0.000000e+00> : vector<32x132xf32>
    %reduce_sum3A_46 = vector.multi_reduction <add>, %mul3A_44, %reduce_sum3A_45 [2] : vector<32x132x128xf32> to vector<32x132xf32>
    %broadcast_in_dim3A_47 = vector.shape_cast %reduce_sum3A_46 : vector<32x132xf32> to vector<32x132x1xf32>
    %reduce_sum3A_48 = arith.constant dense<0.000000e+00> : vector<32x1xf32>
    %reduce_sum3A_49 = vector.multi_reduction <add>, %broadcast_in_dim3A_47, %reduce_sum3A_48 [1] : vector<32x132x1xf32> to vector<32x1xf32>
    %broadcast_in_dim3A_50 = vector.shape_cast %reduce_sum3A_49 : vector<32x1xf32> to vector<32x1x1xf32>
    %max3A = arith.constant 1.000000e+00 : f32
    %max3A_51 = vector.broadcast %max3A : f32 to vector<32x1x1xf32>
    %max3A_52 = arith.maximumf %broadcast_in_dim3A_38, %max3A_51 : vector<32x1x1xf32>
    %div3A = arith.divf %select_n3A, %max3A_52 : vector<32x1x1xf32>
    %mul3A_53 = arith.mulf %get3A_6, %convert_element_type3A_27 : vector<32x132x128xf32>
    %reduce_sum3A_54 = arith.constant dense<0.000000e+00> : vector<32x132xf32>
    %reduce_sum3A_55 = vector.multi_reduction <add>, %mul3A_53, %reduce_sum3A_54 [2] : vector<32x132x128xf32> to vector<32x132xf32>
    %broadcast_in_dim3A_56 = vector.shape_cast %reduce_sum3A_55 : vector<32x132xf32> to vector<32x132x1xf32>
    %reduce_sum3A_57 = arith.constant dense<0.000000e+00> : vector<32x1xf32>
    %reduce_sum3A_58 = vector.multi_reduction <add>, %broadcast_in_dim3A_56, %reduce_sum3A_57 [1] : vector<32x132x1xf32> to vector<32x1xf32>
    %broadcast_in_dim3A_59 = vector.shape_cast %reduce_sum3A_58 : vector<32x1xf32> to vector<32x1x1xf32>
    %mul3A_60 = arith.mulf %div3A, %broadcast_in_dim3A_59 : vector<32x1x1xf32>
    %add3A = arith.addf %broadcast_in_dim3A_50, %mul3A_60 : vector<32x1x1xf32>
    %iota3A = tpu.iota {dimensions = array<i32: 2>} : vector<32x1x128xi32>
    %eq3A_61 = arith.constant 0 : i32
    %eq3A_62 = vector.broadcast %eq3A_61 : i32 to vector<32x1x128xi32>
    %eq3A_63 = arith.cmpi eq, %iota3A, %eq3A_62 : vector<32x1x128xi32>
    %jit3A_64 = arith.constant 0.000000e+00 : f32
    %broadcast_in_dim3A_65 = vector.shape_cast %add3A : vector<32x1x1xf32> to vector<32x1x1xf32>
    %broadcast_in_dim3A_66 = vector.broadcast %broadcast_in_dim3A_65 : vector<32x1x1xf32> to vector<32x1x128xf32>
    %broadcast_in_dim3A_67 = vector.broadcast %jit3A_64 : f32 to vector<32x1x128xf32>
    %select_n3A_68 = arith.select %eq3A_63, %broadcast_in_dim3A_66, %broadcast_in_dim3A_67 : vector<32x1x128xi1>, vector<32x1x128xf32>
    %swap3A = arith.constant 0 : index
    %swap3A_69 = arith.constant 0 : index
    %swap3A_70 = arith.constant 0 : index
    %swap3A_71 = vector.load %arg3[%swap3A, %swap3A_69, %swap3A_70] : memref<32x1x128xf32, #tpu.memory_space<vmem>>, vector<32x1x128xf32>
    tpu.vector_store %arg3[%swap3A, %swap3A_69, %swap3A_70], %select_n3A_68 {strides = array<i32>} : memref<32x1x128xf32, #tpu.memory_space<vmem>>, vector<32x1x128xf32>,
    return
  }
}

module attributes {stable_mosaic.version = 14 : i64} {
  func.func @_tc_body(%arg0: i32, %arg1: memref<1x4x132x128xf32, #tpu.memory_space<vmem>>, %arg2: memref<1x2x132x128xf32, #tpu.memory_space<vmem>>, %arg3: memref<1x10x132x128xf32, #tpu.memory_space<vmem>>, %arg4: memref<6x132x128xf32, #tpu.memory_space<vmem>>, %arg5: memref<1x8x15xf32, #tpu.memory_space<vmem>>, %arg6: memref<1x1x132x128xf32, #tpu.memory_space<vmem>>, %arg7: memref<1x1x132x128xi32, #tpu.memory_space<vmem>>, %arg8: memref<1x1x128xf32, #tpu.memory_space<vmem>>, %arg9: memref<1x132x128xi32, #tpu.memory_space<vmem>>, %arg10: memref<1x132x128xf32, #tpu.memory_space<vmem>>) attributes {dimension_semantics = [#tpu.dimension_semantics<arbitrary>], iteration_bounds = array<i64: 32>, scalar_prefetch = 0 : i64, scratch_operands = 0 : i64, tpu.core_type = #tpu.core_type<tc>, window_params = [{transform_indices = @transform_0, window_bounds = array<i64: 1, 4, 132, 128>}, {transform_indices = @transform_1, window_bounds = array<i64: 1, 2, 132, 128>}, {transform_indices = @transform_2, window_bounds = array<i64: 1, 10, 132, 128>}, {pipeline_mode = #tpu.pipeline_mode<synchronous>, transform_indices = @transform_3, window_bounds = array<i64: 6, 132, 128>}, {transform_indices = @transform_4, window_bounds = array<i64: 1, 8, 15>}, {transform_indices = @transform_5, window_bounds = array<i64: 1, 1, 132, 128>}, {transform_indices = @transform_6, window_bounds = array<i64: 1, 1, 132, 128>}, {transform_indices = @transform_7, window_bounds = array<i64: 1, 1, 128>}, {transform_indices = @transform_8, window_bounds = array<i64: 1, 132, 128>}, {transform_indices = @transform_9, window_bounds = array<i64: 1, 132, 128>}]} {
    %iota3A = tpu.iota {dimensions = array<i32: 0>} : vector<132x128xi32>
    %iota3A_0 = tpu.iota {dimensions = array<i32: 1>} : vector<132x128xi32>
    %mul3A = arith.constant 128 : i32
    %mul3A_1 = vector.broadcast %mul3A : i32 to vector<132x128xi32>
    %mul3A_2 = arith.muli %iota3A, %mul3A_1 : vector<132x128xi32>
    %add3A = arith.addi %mul3A_2, %iota3A_0 : vector<132x128xi32>
    %lt3A = arith.constant 16800 : i32
    %lt3A_3 = vector.broadcast %lt3A : i32 to vector<132x128xi32>
    %lt3A_4 = arith.cmpi slt, %add3A, %lt3A_3 : vector<132x128xi32>
    %get3A = arith.constant 0 : index
    %get3A_5 = arith.constant 0 : index
    %get3A_6 = arith.constant 0 : index
    %get3A_7 = vector.load %arg4[%get3A, %get3A_5, %get3A_6] : memref<6x132x128xf32, #tpu.memory_space<vmem>>, vector<1x132x128xf32>
    %get3A_8 = vector.shape_cast %get3A_7 : vector<1x132x128xf32> to vector<132x128xf32>
    %get3A_9 = arith.constant 1 : index
    %get3A_10 = arith.constant 0 : index
    %get3A_11 = arith.constant 0 : index
    %get3A_12 = vector.load %arg4[%get3A_9, %get3A_10, %get3A_11] : memref<6x132x128xf32, #tpu.memory_space<vmem>>, vector<1x132x128xf32>
    %get3A_13 = vector.shape_cast %get3A_12 : vector<1x132x128xf32> to vector<132x128xf32>
    %get3A_14 = arith.constant 2 : index
    %get3A_15 = arith.constant 0 : index
    %get3A_16 = arith.constant 0 : index
    %get3A_17 = vector.load %arg4[%get3A_14, %get3A_15, %get3A_16] : memref<6x132x128xf32, #tpu.memory_space<vmem>>, vector<1x132x128xf32>
    %get3A_18 = vector.shape_cast %get3A_17 : vector<1x132x128xf32> to vector<132x128xf32>
    %get3A_19 = arith.constant 3 : index
    %get3A_20 = arith.constant 0 : index
    %get3A_21 = arith.constant 0 : index
    %get3A_22 = vector.load %arg4[%get3A_19, %get3A_20, %get3A_21] : memref<6x132x128xf32, #tpu.memory_space<vmem>>, vector<1x132x128xf32>
    %get3A_23 = vector.shape_cast %get3A_22 : vector<1x132x128xf32> to vector<132x128xf32>
    %get3A_24 = arith.constant 4 : index
    %get3A_25 = arith.constant 0 : index
    %get3A_26 = arith.constant 0 : index
    %get3A_27 = vector.load %arg4[%get3A_24, %get3A_25, %get3A_26] : memref<6x132x128xf32, #tpu.memory_space<vmem>>, vector<1x132x128xf32>
    %get3A_28 = vector.shape_cast %get3A_27 : vector<1x132x128xf32> to vector<132x128xf32>
    %get3A_29 = arith.constant 5 : index
    %get3A_30 = arith.constant 0 : index
    %get3A_31 = arith.constant 0 : index
    %get3A_32 = vector.load %arg4[%get3A_29, %get3A_30, %get3A_31] : memref<6x132x128xf32, #tpu.memory_space<vmem>>, vector<1x132x128xf32>
    %get3A_33 = vector.shape_cast %get3A_32 : vector<1x132x128xf32> to vector<132x128xf32>
    %get3A_34 = arith.constant 0 : index
    %get3A_35 = arith.constant 0 : index
    %get3A_36 = arith.constant 0 : index
    %get3A_37 = arith.constant 0 : index
    %get3A_38 = vector.load %arg6[%get3A_34, %get3A_35, %get3A_36, %get3A_37] : memref<1x1x132x128xf32, #tpu.memory_space<vmem>>, vector<1x1x132x128xf32>
    %get3A_39 = vector.shape_cast %get3A_38 : vector<1x1x132x128xf32> to vector<1x132x128xf32>
    %jit3A = arith.constant 0.000000e+00 : f32
    %broadcast_in_dim3A = vector.shape_cast %lt3A_4 : vector<132x128xi1> to vector<1x132x128xi1>
    %broadcast_in_dim3A_40 = vector.broadcast %jit3A : f32 to vector<1x132x128xf32>
    %select_n3A = arith.select %broadcast_in_dim3A, %get3A_39, %broadcast_in_dim3A_40 : vector<1x132x128xi1>, vector<1x132x128xf32>
    %get3A_41 = arith.constant 0 : index
    %get3A_42 = arith.constant 0 : index
    %get3A_43 = arith.constant 0 : index
    %get3A_44 = arith.constant 0 : index
    %get3A_45 = vector.load %arg7[%get3A_41, %get3A_42, %get3A_43, %get3A_44] : memref<1x1x132x128xi32, #tpu.memory_space<vmem>>, vector<1x1x132x128xi32>
    %get3A_46 = vector.shape_cast %get3A_45 : vector<1x1x132x128xi32> to vector<1x132x128xi32>
    %ne3A = arith.constant 0.000000e+00 : f32
    %ne3A_47 = vector.broadcast %ne3A : f32 to vector<1x132x128xf32>
    %ne3A_48 = arith.cmpf one, %select_n3A, %ne3A_47 : vector<1x132x128xf32>
    %gt3A = arith.constant 0.000000e+00 : f32
    %gt3A_49 = vector.broadcast %gt3A : f32 to vector<1x132x128xf32>
    %gt3A_50 = arith.cmpf ogt, %select_n3A, %gt3A_49 : vector<1x132x128xf32>
    %convert_element_type3A = arith.extui %ne3A_48 : vector<1x132x128xi1> to vector<1x132x128xi32>
    %convert_element_type3A_51 = arith.sitofp %convert_element_type3A : vector<1x132x128xi32> to vector<1x132x128xf32>
    %convert_element_type3A_52 = arith.extui %gt3A_50 : vector<1x132x128xi1> to vector<1x132x128xi32>
    %convert_element_type3A_53 = arith.sitofp %convert_element_type3A_52 : vector<1x132x128xi32> to vector<1x132x128xf32>
    %reduce_sum3A = vector.shape_cast %convert_element_type3A_51 : vector<1x132x128xf32> to vector<1x1x132x128xf32>
    %reduce_sum3A_54 = arith.constant dense<0.000000e+00> : vector<1xf32>
    %reduce_sum3A_55 = vector.multi_reduction <add>, %reduce_sum3A, %reduce_sum3A_54 [1, 2, 3] : vector<1x1x132x128xf32> to vector<1xf32>
    %reduce_sum3A_56 = vector.shape_cast %reduce_sum3A_55 : vector<1xf32> to vector<1x1x1x1xf32>
    %reduce_sum3A_57 = vector.extract %reduce_sum3A_56[0, 0, 0, 0] : f32 from vector<1x1x1x1xf32>
    %reduce_sum3A_58 = vector.shape_cast %convert_element_type3A_53 : vector<1x132x128xf32> to vector<1x1x132x128xf32>
    %reduce_sum3A_59 = arith.constant dense<0.000000e+00> : vector<1xf32>
    %reduce_sum3A_60 = vector.multi_reduction <add>, %reduce_sum3A_58, %reduce_sum3A_59 [1, 2, 3] : vector<1x1x132x128xf32> to vector<1xf32>
    %reduce_sum3A_61 = vector.shape_cast %reduce_sum3A_60 : vector<1xf32> to vector<1x1x1x1xf32>
    %reduce_sum3A_62 = vector.extract %reduce_sum3A_61[0, 0, 0, 0] : f32 from vector<1x1x1x1xf32>
    %and3A = arith.constant 1 : i32
    %and3A_63 = vector.broadcast %and3A : i32 to vector<1x132x128xi32>
    %and3A_64 = arith.andi %get3A_46, %and3A_63 : vector<1x132x128xi32>
    %ne3A_65 = arith.constant 0 : i32
    %ne3A_66 = vector.broadcast %ne3A_65 : i32 to vector<1x132x128xi32>
    %ne3A_67 = arith.cmpi ne, %and3A_64, %ne3A_66 : vector<1x132x128xi32>
    %and3A_68 = arith.constant 2 : i32
    %and3A_69 = vector.broadcast %and3A_68 : i32 to vector<1x132x128xi32>
    %and3A_70 = arith.andi %get3A_46, %and3A_69 : vector<1x132x128xi32>
    %ne3A_71 = arith.constant 0 : i32
    %ne3A_72 = vector.broadcast %ne3A_71 : i32 to vector<1x132x128xi32>
    %ne3A_73 = arith.cmpi ne, %and3A_70, %ne3A_72 : vector<1x132x128xi32>
    %and3A_74 = arith.constant 4 : i32
    %and3A_75 = vector.broadcast %and3A_74 : i32 to vector<1x132x128xi32>
    %and3A_76 = arith.andi %get3A_46, %and3A_75 : vector<1x132x128xi32>
    %ne3A_77 = arith.constant 0 : i32
    %ne3A_78 = vector.broadcast %ne3A_77 : i32 to vector<1x132x128xi32>
    %ne3A_79 = arith.cmpi ne, %and3A_76, %ne3A_78 : vector<1x132x128xi32>
    %get3A_80 = arith.constant 0 : index
    %get3A_81 = arith.constant 0 : index
    %get3A_82 = arith.constant 0 : index
    %get3A_83 = vector.load %arg5[%get3A_80, %get3A_81, %get3A_82] : memref<1x8x15xf32, #tpu.memory_space<vmem>>, vector<1x1x1xf32>
    %get3A_84 = vector.extract %get3A_83[0, 0, 0] : f32 from vector<1x1x1xf32>
    %get3A_85 = arith.constant 0 : index
    %get3A_86 = arith.constant 1 : index
    %get3A_87 = arith.constant 0 : index
    %get3A_88 = vector.load %arg5[%get3A_85, %get3A_86, %get3A_87] : memref<1x8x15xf32, #tpu.memory_space<vmem>>, vector<1x1x1xf32>
    %get3A_89 = vector.extract %get3A_88[0, 0, 0] : f32 from vector<1x1x1xf32>
    %get3A_90 = arith.constant 0 : index
    %get3A_91 = arith.constant 2 : index
    %get3A_92 = arith.constant 0 : index
    %get3A_93 = vector.load %arg5[%get3A_90, %get3A_91, %get3A_92] : memref<1x8x15xf32, #tpu.memory_space<vmem>>, vector<1x1x1xf32>
    %get3A_94 = vector.extract %get3A_93[0, 0, 0] : f32 from vector<1x1x1xf32>
    %get3A_95 = arith.constant 0 : index
    %get3A_96 = arith.constant 3 : index
    %get3A_97 = arith.constant 0 : index
    %get3A_98 = vector.load %arg5[%get3A_95, %get3A_96, %get3A_97] : memref<1x8x15xf32, #tpu.memory_space<vmem>>, vector<1x1x1xf32>
    %get3A_99 = vector.extract %get3A_98[0, 0, 0] : f32 from vector<1x1x1xf32>
    %get3A_100 = arith.constant 0 : index
    %get3A_101 = arith.constant 4 : index
    %get3A_102 = arith.constant 0 : index
    %get3A_103 = vector.load %arg5[%get3A_100, %get3A_101, %get3A_102] : memref<1x8x15xf32, #tpu.memory_space<vmem>>, vector<1x1x1xf32>
    %get3A_104 = vector.extract %get3A_103[0, 0, 0] : f32 from vector<1x1x1xf32>
    %get3A_105 = arith.constant 0 : index
    %get3A_106 = arith.constant 5 : index
    %get3A_107 = arith.constant 0 : index
    %get3A_108 = vector.load %arg5[%get3A_105, %get3A_106, %get3A_107] : memref<1x8x15xf32, #tpu.memory_space<vmem>>, vector<1x1x1xf32>
    %get3A_109 = vector.extract %get3A_108[0, 0, 0] : f32 from vector<1x1x1xf32>
    %get3A_110 = arith.constant 0 : index
    %get3A_111 = arith.constant 6 : index
    %get3A_112 = arith.constant 0 : index
    %get3A_113 = vector.load %arg5[%get3A_110, %get3A_111, %get3A_112] : memref<1x8x15xf32, #tpu.memory_space<vmem>>, vector<1x1x1xf32>
    %get3A_114 = vector.extract %get3A_113[0, 0, 0] : f32 from vector<1x1x1xf32>
    %get3A_115 = arith.constant 0 : index
    %get3A_116 = arith.constant 7 : index
    %get3A_117 = arith.constant 0 : index
    %get3A_118 = vector.load %arg5[%get3A_115, %get3A_116, %get3A_117] : memref<1x8x15xf32, #tpu.memory_space<vmem>>, vector<1x1x1xf32>
    %get3A_119 = vector.extract %get3A_118[0, 0, 0] : f32 from vector<1x1x1xf32>
    %get3A_120 = arith.constant 0 : index
    %get3A_121 = arith.constant 0 : index
    %get3A_122 = arith.constant 1 : index
    %get3A_123 = vector.load %arg5[%get3A_120, %get3A_121, %get3A_122] : memref<1x8x15xf32, #tpu.memory_space<vmem>>, vector<1x1x1xf32>
    %get3A_124 = vector.extract %get3A_123[0, 0, 0] : f32 from vector<1x1x1xf32>
    %get3A_125 = arith.constant 0 : index
    %get3A_126 = arith.constant 1 : index
    %get3A_127 = arith.constant 1 : index
    %get3A_128 = vector.load %arg5[%get3A_125, %get3A_126, %get3A_127] : memref<1x8x15xf32, #tpu.memory_space<vmem>>, vector<1x1x1xf32>
    %get3A_129 = vector.extract %get3A_128[0, 0, 0] : f32 from vector<1x1x1xf32>
    %get3A_130 = arith.constant 0 : index
    %get3A_131 = arith.constant 2 : index
    %get3A_132 = arith.constant 1 : index
    %get3A_133 = vector.load %arg5[%get3A_130, %get3A_131, %get3A_132] : memref<1x8x15xf32, #tpu.memory_space<vmem>>, vector<1x1x1xf32>
    %get3A_134 = vector.extract %get3A_133[0, 0, 0] : f32 from vector<1x1x1xf32>
    %get3A_135 = arith.constant 0 : index
    %get3A_136 = arith.constant 3 : index
    %get3A_137 = arith.constant 1 : index
    %get3A_138 = vector.load %arg5[%get3A_135, %get3A_136, %get3A_137] : memref<1x8x15xf32, #tpu.memory_space<vmem>>, vector<1x1x1xf32>
    %get3A_139 = vector.extract %get3A_138[0, 0, 0] : f32 from vector<1x1x1xf32>
    %get3A_140 = arith.constant 0 : index
    %get3A_141 = arith.constant 4 : index
    %get3A_142 = arith.constant 1 : index
    %get3A_143 = vector.load %arg5[%get3A_140, %get3A_141, %get3A_142] : memref<1x8x15xf32, #tpu.memory_space<vmem>>, vector<1x1x1xf32>
    %get3A_144 = vector.extract %get3A_143[0, 0, 0] : f32 from vector<1x1x1xf32>
    %get3A_145 = arith.constant 0 : index
    %get3A_146 = arith.constant 5 : index
    %get3A_147 = arith.constant 1 : index
    %get3A_148 = vector.load %arg5[%get3A_145, %get3A_146, %get3A_147] : memref<1x8x15xf32, #tpu.memory_space<vmem>>, vector<1x1x1xf32>
    %get3A_149 = vector.extract %get3A_148[0, 0, 0] : f32 from vector<1x1x1xf32>
    %get3A_150 = arith.constant 0 : index
    %get3A_151 = arith.constant 6 : index
    %get3A_152 = arith.constant 1 : index
    %get3A_153 = vector.load %arg5[%get3A_150, %get3A_151, %get3A_152] : memref<1x8x15xf32, #tpu.memory_space<vmem>>, vector<1x1x1xf32>
    %get3A_154 = vector.extract %get3A_153[0, 0, 0] : f32 from vector<1x1x1xf32>
    %get3A_155 = arith.constant 0 : index
    %get3A_156 = arith.constant 7 : index
    %get3A_157 = arith.constant 1 : index
    %get3A_158 = vector.load %arg5[%get3A_155, %get3A_156, %get3A_157] : memref<1x8x15xf32, #tpu.memory_space<vmem>>, vector<1x1x1xf32>
    %get3A_159 = vector.extract %get3A_158[0, 0, 0] : f32 from vector<1x1x1xf32>
    %get3A_160 = arith.constant 0 : index
    %get3A_161 = arith.constant 0 : index
    %get3A_162 = arith.constant 2 : index
    %get3A_163 = vector.load %arg5[%get3A_160, %get3A_161, %get3A_162] : memref<1x8x15xf32, #tpu.memory_space<vmem>>, vector<1x1x1xf32>
    %get3A_164 = vector.extract %get3A_163[0, 0, 0] : f32 from vector<1x1x1xf32>
    %get3A_165 = arith.constant 0 : index
    %get3A_166 = arith.constant 1 : index
    %get3A_167 = arith.constant 2 : index
    %get3A_168 = vector.load %arg5[%get3A_165, %get3A_166, %get3A_167] : memref<1x8x15xf32, #tpu.memory_space<vmem>>, vector<1x1x1xf32>
    %get3A_169 = vector.extract %get3A_168[0, 0, 0] : f32 from vector<1x1x1xf32>
    %get3A_170 = arith.constant 0 : index
    %get3A_171 = arith.constant 2 : index
    %get3A_172 = arith.constant 2 : index
    %get3A_173 = vector.load %arg5[%get3A_170, %get3A_171, %get3A_172] : memref<1x8x15xf32, #tpu.memory_space<vmem>>, vector<1x1x1xf32>
    %get3A_174 = vector.extract %get3A_173[0, 0, 0] : f32 from vector<1x1x1xf32>
    %get3A_175 = arith.constant 0 : index
    %get3A_176 = arith.constant 3 : index
    %get3A_177 = arith.constant 2 : index
    %get3A_178 = vector.load %arg5[%get3A_175, %get3A_176, %get3A_177] : memref<1x8x15xf32, #tpu.memory_space<vmem>>, vector<1x1x1xf32>
    %get3A_179 = vector.extract %get3A_178[0, 0, 0] : f32 from vector<1x1x1xf32>
    %get3A_180 = arith.constant 0 : index
    %get3A_181 = arith.constant 4 : index
    %get3A_182 = arith.constant 2 : index
    %get3A_183 = vector.load %arg5[%get3A_180, %get3A_181, %get3A_182] : memref<1x8x15xf32, #tpu.memory_space<vmem>>, vector<1x1x1xf32>
    %get3A_184 = vector.extract %get3A_183[0, 0, 0] : f32 from vector<1x1x1xf32>
    %get3A_185 = arith.constant 0 : index
    %get3A_186 = arith.constant 5 : index
    %get3A_187 = arith.constant 2 : index
    %get3A_188 = vector.load %arg5[%get3A_185, %get3A_186, %get3A_187] : memref<1x8x15xf32, #tpu.memory_space<vmem>>, vector<1x1x1xf32>
    %get3A_189 = vector.extract %get3A_188[0, 0, 0] : f32 from vector<1x1x1xf32>
    %get3A_190 = arith.constant 0 : index
    %get3A_191 = arith.constant 6 : index
    %get3A_192 = arith.constant 2 : index
    %get3A_193 = vector.load %arg5[%get3A_190, %get3A_191, %get3A_192] : memref<1x8x15xf32, #tpu.memory_space<vmem>>, vector<1x1x1xf32>
    %get3A_194 = vector.extract %get3A_193[0, 0, 0] : f32 from vector<1x1x1xf32>
    %get3A_195 = arith.constant 0 : index
    %get3A_196 = arith.constant 7 : index
    %get3A_197 = arith.constant 2 : index
    %get3A_198 = vector.load %arg5[%get3A_195, %get3A_196, %get3A_197] : memref<1x8x15xf32, #tpu.memory_space<vmem>>, vector<1x1x1xf32>
    %get3A_199 = vector.extract %get3A_198[0, 0, 0] : f32 from vector<1x1x1xf32>
    %get3A_200 = arith.constant 0 : index
    %get3A_201 = arith.constant 0 : index
    %get3A_202 = arith.constant 3 : index
    %get3A_203 = vector.load %arg5[%get3A_200, %get3A_201, %get3A_202] : memref<1x8x15xf32, #tpu.memory_space<vmem>>, vector<1x1x1xf32>
    %get3A_204 = vector.extract %get3A_203[0, 0, 0] : f32 from vector<1x1x1xf32>
    %get3A_205 = arith.constant 0 : index
    %get3A_206 = arith.constant 1 : index
    %get3A_207 = arith.constant 3 : index
    %get3A_208 = vector.load %arg5[%get3A_205, %get3A_206, %get3A_207] : memref<1x8x15xf32, #tpu.memory_space<vmem>>, vector<1x1x1xf32>
    %get3A_209 = vector.extract %get3A_208[0, 0, 0] : f32 from vector<1x1x1xf32>
    %get3A_210 = arith.constant 0 : index
    %get3A_211 = arith.constant 2 : index
    %get3A_212 = arith.constant 3 : index
    %get3A_213 = vector.load %arg5[%get3A_210, %get3A_211, %get3A_212] : memref<1x8x15xf32, #tpu.memory_space<vmem>>, vector<1x1x1xf32>
    %get3A_214 = vector.extract %get3A_213[0, 0, 0] : f32 from vector<1x1x1xf32>
    %get3A_215 = arith.constant 0 : index
    %get3A_216 = arith.constant 3 : index
    %get3A_217 = arith.constant 3 : index
    %get3A_218 = vector.load %arg5[%get3A_215, %get3A_216, %get3A_217] : memref<1x8x15xf32, #tpu.memory_space<vmem>>, vector<1x1x1xf32>
    %get3A_219 = vector.extract %get3A_218[0, 0, 0] : f32 from vector<1x1x1xf32>
    %get3A_220 = arith.constant 0 : index
    %get3A_221 = arith.constant 4 : index
    %get3A_222 = arith.constant 3 : index
    %get3A_223 = vector.load %arg5[%get3A_220, %get3A_221, %get3A_222] : memref<1x8x15xf32, #tpu.memory_space<vmem>>, vector<1x1x1xf32>
    %get3A_224 = vector.extract %get3A_223[0, 0, 0] : f32 from vector<1x1x1xf32>
    %get3A_225 = arith.constant 0 : index
    %get3A_226 = arith.constant 5 : index
    %get3A_227 = arith.constant 3 : index
    %get3A_228 = vector.load %arg5[%get3A_225, %get3A_226, %get3A_227] : memref<1x8x15xf32, #tpu.memory_space<vmem>>, vector<1x1x1xf32>
    %get3A_229 = vector.extract %get3A_228[0, 0, 0] : f32 from vector<1x1x1xf32>
    %get3A_230 = arith.constant 0 : index
    %get3A_231 = arith.constant 6 : index
    %get3A_232 = arith.constant 3 : index
    %get3A_233 = vector.load %arg5[%get3A_230, %get3A_231, %get3A_232] : memref<1x8x15xf32, #tpu.memory_space<vmem>>, vector<1x1x1xf32>
    %get3A_234 = vector.extract %get3A_233[0, 0, 0] : f32 from vector<1x1x1xf32>
    %get3A_235 = arith.constant 0 : index
    %get3A_236 = arith.constant 7 : index
    %get3A_237 = arith.constant 3 : index
    %get3A_238 = vector.load %arg5[%get3A_235, %get3A_236, %get3A_237] : memref<1x8x15xf32, #tpu.memory_space<vmem>>, vector<1x1x1xf32>
    %get3A_239 = vector.extract %get3A_238[0, 0, 0] : f32 from vector<1x1x1xf32>
    %add3A_240 = arith.addf %get3A_84, %get3A_164 : f32
    %mul3A_241 = arith.constant 5.000000e-01 : f32
    %mul3A_242 = arith.mulf %add3A_240, %mul3A_241 : f32
    %add3A_243 = arith.addf %get3A_89, %get3A_169 : f32
    %mul3A_244 = arith.constant 5.000000e-01 : f32
    %mul3A_245 = arith.mulf %add3A_243, %mul3A_244 : f32
    %add3A_246 = arith.addf %get3A_94, %get3A_174 : f32
    %mul3A_247 = arith.constant 5.000000e-01 : f32
    %mul3A_248 = arith.mulf %add3A_246, %mul3A_247 : f32
    %add3A_249 = arith.addf %get3A_99, %get3A_179 : f32
    %mul3A_250 = arith.constant 5.000000e-01 : f32
    %mul3A_251 = arith.mulf %add3A_249, %mul3A_250 : f32
    %add3A_252 = arith.addf %get3A_104, %get3A_184 : f32
    %mul3A_253 = arith.constant 5.000000e-01 : f32
    %mul3A_254 = arith.mulf %add3A_252, %mul3A_253 : f32
    %add3A_255 = arith.addf %get3A_109, %get3A_189 : f32
    %mul3A_256 = arith.constant 5.000000e-01 : f32
    %mul3A_257 = arith.mulf %add3A_255, %mul3A_256 : f32
    %add3A_258 = arith.addf %get3A_114, %get3A_194 : f32
    %mul3A_259 = arith.constant 5.000000e-01 : f32
    %mul3A_260 = arith.mulf %add3A_258, %mul3A_259 : f32
    %add3A_261 = arith.addf %get3A_119, %get3A_199 : f32
    %mul3A_262 = arith.constant 5.000000e-01 : f32
    %mul3A_263 = arith.mulf %add3A_261, %mul3A_262 : f32
    %add3A_264 = arith.addf %get3A_124, %get3A_204 : f32
    %mul3A_265 = arith.constant 5.000000e-01 : f32
    %mul3A_266 = arith.mulf %add3A_264, %mul3A_265 : f32
    %add3A_267 = arith.addf %get3A_129, %get3A_209 : f32
    %mul3A_268 = arith.constant 5.000000e-01 : f32
    %mul3A_269 = arith.mulf %add3A_267, %mul3A_268 : f32
    %add3A_270 = arith.addf %get3A_134, %get3A_214 : f32
    %mul3A_271 = arith.constant 5.000000e-01 : f32
    %mul3A_272 = arith.mulf %add3A_270, %mul3A_271 : f32
    %add3A_273 = arith.addf %get3A_139, %get3A_219 : f32
    %mul3A_274 = arith.constant 5.000000e-01 : f32
    %mul3A_275 = arith.mulf %add3A_273, %mul3A_274 : f32
    %add3A_276 = arith.addf %get3A_144, %get3A_224 : f32
    %mul3A_277 = arith.constant 5.000000e-01 : f32
    %mul3A_278 = arith.mulf %add3A_276, %mul3A_277 : f32
    %add3A_279 = arith.addf %get3A_149, %get3A_229 : f32
    %mul3A_280 = arith.constant 5.000000e-01 : f32
    %mul3A_281 = arith.mulf %add3A_279, %mul3A_280 : f32
    %add3A_282 = arith.addf %get3A_154, %get3A_234 : f32
    %mul3A_283 = arith.constant 5.000000e-01 : f32
    %mul3A_284 = arith.mulf %add3A_282, %mul3A_283 : f32
    %add3A_285 = arith.addf %get3A_159, %get3A_239 : f32
    %mul3A_286 = arith.constant 5.000000e-01 : f32
    %mul3A_287 = arith.mulf %add3A_285, %mul3A_286 : f32
    %sub3A = arith.subf %get3A_164, %get3A_84 : f32
    %log3A = math.log %sub3A : f32
    %sub3A_288 = arith.subf %get3A_169, %get3A_89 : f32
    %log3A_289 = math.log %sub3A_288 : f32
    %sub3A_290 = arith.subf %get3A_174, %get3A_94 : f32
    %log3A_291 = math.log %sub3A_290 : f32
    %sub3A_292 = arith.subf %get3A_179, %get3A_99 : f32
    %log3A_293 = math.log %sub3A_292 : f32
    %sub3A_294 = arith.subf %get3A_184, %get3A_104 : f32
    %log3A_295 = math.log %sub3A_294 : f32
    %sub3A_296 = arith.subf %get3A_189, %get3A_109 : f32
    %log3A_297 = math.log %sub3A_296 : f32
    %sub3A_298 = arith.subf %get3A_194, %get3A_114 : f32
    %log3A_299 = math.log %sub3A_298 : f32
    %sub3A_300 = arith.subf %get3A_199, %get3A_119 : f32
    %log3A_301 = math.log %sub3A_300 : f32
    %sub3A_302 = arith.subf %get3A_204, %get3A_124 : f32
    %log3A_303 = math.log %sub3A_302 : f32
    %sub3A_304 = arith.subf %get3A_209, %get3A_129 : f32
    %log3A_305 = math.log %sub3A_304 : f32
    %sub3A_306 = arith.subf %get3A_214, %get3A_134 : f32
    %log3A_307 = math.log %sub3A_306 : f32
    %sub3A_308 = arith.subf %get3A_219, %get3A_139 : f32
    %log3A_309 = math.log %sub3A_308 : f32
    %sub3A_310 = arith.subf %get3A_224, %get3A_144 : f32
    %log3A_311 = math.log %sub3A_310 : f32
    %sub3A_312 = arith.subf %get3A_229, %get3A_149 : f32
    %log3A_313 = math.log %sub3A_312 : f32
    %sub3A_314 = arith.subf %get3A_234, %get3A_154 : f32
    %log3A_315 = math.log %sub3A_314 : f32
    %sub3A_316 = arith.subf %get3A_239, %get3A_159 : f32
    %log3A_317 = math.log %sub3A_316 : f32
    %broadcast_in_dim3A_318 = vector.broadcast %mul3A_245 : f32 to vector<1x132x128xf32>
    %broadcast_in_dim3A_319 = vector.broadcast %mul3A_242 : f32 to vector<1x132x128xf32>
    %select_n3A_320 = arith.select %ne3A_67, %broadcast_in_dim3A_318, %broadcast_in_dim3A_319 : vector<1x132x128xi1>, vector<1x132x128xf32>
    %broadcast_in_dim3A_321 = vector.broadcast %mul3A_251 : f32 to vector<1x132x128xf32>
    %broadcast_in_dim3A_322 = vector.broadcast %mul3A_248 : f32 to vector<1x132x128xf32>
    %select_n3A_323 = arith.select %ne3A_67, %broadcast_in_dim3A_321, %broadcast_in_dim3A_322 : vector<1x132x128xi1>, vector<1x132x128xf32>
    %broadcast_in_dim3A_324 = vector.broadcast %mul3A_257 : f32 to vector<1x132x128xf32>
    %broadcast_in_dim3A_325 = vector.broadcast %mul3A_254 : f32 to vector<1x132x128xf32>
    %select_n3A_326 = arith.select %ne3A_67, %broadcast_in_dim3A_324, %broadcast_in_dim3A_325 : vector<1x132x128xi1>, vector<1x132x128xf32>
    %broadcast_in_dim3A_327 = vector.broadcast %mul3A_263 : f32 to vector<1x132x128xf32>
    %broadcast_in_dim3A_328 = vector.broadcast %mul3A_260 : f32 to vector<1x132x128xf32>
    %select_n3A_329 = arith.select %ne3A_67, %broadcast_in_dim3A_327, %broadcast_in_dim3A_328 : vector<1x132x128xi1>, vector<1x132x128xf32>
    %select_n3A_330 = arith.select %ne3A_73, %select_n3A_323, %select_n3A_320 : vector<1x132x128xi1>, vector<1x132x128xf32>
    %select_n3A_331 = arith.select %ne3A_73, %select_n3A_329, %select_n3A_326 : vector<1x132x128xi1>, vector<1x132x128xf32>
    %select_n3A_332 = arith.select %ne3A_79, %select_n3A_331, %select_n3A_330 : vector<1x132x128xi1>, vector<1x132x128xf32>
    %broadcast_in_dim3A_333 = vector.shape_cast %get3A_8 : vector<132x128xf32> to vector<1x132x128xf32>
    %sub3A_334 = arith.subf %select_n3A_332, %broadcast_in_dim3A_333 : vector<1x132x128xf32>
    %broadcast_in_dim3A_335 = vector.shape_cast %get3A_18 : vector<132x128xf32> to vector<1x132x128xf32>
    %mul3A_336 = arith.mulf %sub3A_334, %broadcast_in_dim3A_335 : vector<1x132x128xf32>
    %broadcast_in_dim3A_337 = vector.broadcast %mul3A_269 : f32 to vector<1x132x128xf32>
    %broadcast_in_dim3A_338 = vector.broadcast %mul3A_266 : f32 to vector<1x132x128xf32>
    %select_n3A_339 = arith.select %ne3A_67, %broadcast_in_dim3A_337, %broadcast_in_dim3A_338 : vector<1x132x128xi1>, vector<1x132x128xf32>
    %broadcast_in_dim3A_340 = vector.broadcast %mul3A_275 : f32 to vector<1x132x128xf32>
    %broadcast_in_dim3A_341 = vector.broadcast %mul3A_272 : f32 to vector<1x132x128xf32>
    %select_n3A_342 = arith.select %ne3A_67, %broadcast_in_dim3A_340, %broadcast_in_dim3A_341 : vector<1x132x128xi1>, vector<1x132x128xf32>
    %broadcast_in_dim3A_343 = vector.broadcast %mul3A_281 : f32 to vector<1x132x128xf32>
    %broadcast_in_dim3A_344 = vector.broadcast %mul3A_278 : f32 to vector<1x132x128xf32>
    %select_n3A_345 = arith.select %ne3A_67, %broadcast_in_dim3A_343, %broadcast_in_dim3A_344 : vector<1x132x128xi1>, vector<1x132x128xf32>
    %broadcast_in_dim3A_346 = vector.broadcast %mul3A_287 : f32 to vector<1x132x128xf32>
    %broadcast_in_dim3A_347 = vector.broadcast %mul3A_284 : f32 to vector<1x132x128xf32>
    %select_n3A_348 = arith.select %ne3A_67, %broadcast_in_dim3A_346, %broadcast_in_dim3A_347 : vector<1x132x128xi1>, vector<1x132x128xf32>
    %select_n3A_349 = arith.select %ne3A_73, %select_n3A_342, %select_n3A_339 : vector<1x132x128xi1>, vector<1x132x128xf32>
    %select_n3A_350 = arith.select %ne3A_73, %select_n3A_348, %select_n3A_345 : vector<1x132x128xi1>, vector<1x132x128xf32>
    %select_n3A_351 = arith.select %ne3A_79, %select_n3A_350, %select_n3A_349 : vector<1x132x128xi1>, vector<1x132x128xf32>
    %broadcast_in_dim3A_352 = vector.shape_cast %get3A_13 : vector<132x128xf32> to vector<1x132x128xf32>
    %sub3A_353 = arith.subf %select_n3A_351, %broadcast_in_dim3A_352 : vector<1x132x128xf32>
    %broadcast_in_dim3A_354 = vector.shape_cast %get3A_23 : vector<132x128xf32> to vector<1x132x128xf32>
    %mul3A_355 = arith.mulf %sub3A_353, %broadcast_in_dim3A_354 : vector<1x132x128xf32>
    %broadcast_in_dim3A_356 = vector.broadcast %log3A_289 : f32 to vector<1x132x128xf32>
    %broadcast_in_dim3A_357 = vector.broadcast %log3A : f32 to vector<1x132x128xf32>
    %select_n3A_358 = arith.select %ne3A_67, %broadcast_in_dim3A_356, %broadcast_in_dim3A_357 : vector<1x132x128xi1>, vector<1x132x128xf32>
    %broadcast_in_dim3A_359 = vector.broadcast %log3A_293 : f32 to vector<1x132x128xf32>
    %broadcast_in_dim3A_360 = vector.broadcast %log3A_291 : f32 to vector<1x132x128xf32>
    %select_n3A_361 = arith.select %ne3A_67, %broadcast_in_dim3A_359, %broadcast_in_dim3A_360 : vector<1x132x128xi1>, vector<1x132x128xf32>
    %broadcast_in_dim3A_362 = vector.broadcast %log3A_297 : f32 to vector<1x132x128xf32>
    %broadcast_in_dim3A_363 = vector.broadcast %log3A_295 : f32 to vector<1x132x128xf32>
    %select_n3A_364 = arith.select %ne3A_67, %broadcast_in_dim3A_362, %broadcast_in_dim3A_363 : vector<1x132x128xi1>, vector<1x132x128xf32>
    %broadcast_in_dim3A_365 = vector.broadcast %log3A_301 : f32 to vector<1x132x128xf32>
    %broadcast_in_dim3A_366 = vector.broadcast %log3A_299 : f32 to vector<1x132x128xf32>
    %select_n3A_367 = arith.select %ne3A_67, %broadcast_in_dim3A_365, %broadcast_in_dim3A_366 : vector<1x132x128xi1>, vector<1x132x128xf32>
    %select_n3A_368 = arith.select %ne3A_73, %select_n3A_361, %select_n3A_358 : vector<1x132x128xi1>, vector<1x132x128xf32>
    %select_n3A_369 = arith.select %ne3A_73, %select_n3A_367, %select_n3A_364 : vector<1x132x128xi1>, vector<1x132x128xf32>
    %select_n3A_370 = arith.select %ne3A_79, %select_n3A_369, %select_n3A_368 : vector<1x132x128xi1>, vector<1x132x128xf32>
    %broadcast_in_dim3A_371 = vector.shape_cast %get3A_28 : vector<132x128xf32> to vector<1x132x128xf32>
    %sub3A_372 = arith.subf %select_n3A_370, %broadcast_in_dim3A_371 : vector<1x132x128xf32>
    %div3A = arith.constant 2.000000e-01 : f32
    %div3A_373 = vector.broadcast %div3A : f32 to vector<1x132x128xf32>
    %div3A_374 = arith.divf %sub3A_372, %div3A_373 : vector<1x132x128xf32>
    %broadcast_in_dim3A_375 = vector.broadcast %log3A_305 : f32 to vector<1x132x128xf32>
    %broadcast_in_dim3A_376 = vector.broadcast %log3A_303 : f32 to vector<1x132x128xf32>
    %select_n3A_377 = arith.select %ne3A_67, %broadcast_in_dim3A_375, %broadcast_in_dim3A_376 : vector<1x132x128xi1>, vector<1x132x128xf32>
    %broadcast_in_dim3A_378 = vector.broadcast %log3A_309 : f32 to vector<1x132x128xf32>
    %broadcast_in_dim3A_379 = vector.broadcast %log3A_307 : f32 to vector<1x132x128xf32>
    %select_n3A_380 = arith.select %ne3A_67, %broadcast_in_dim3A_378, %broadcast_in_dim3A_379 : vector<1x132x128xi1>, vector<1x132x128xf32>
    %broadcast_in_dim3A_381 = vector.broadcast %log3A_313 : f32 to vector<1x132x128xf32>
    %broadcast_in_dim3A_382 = vector.broadcast %log3A_311 : f32 to vector<1x132x128xf32>
    %select_n3A_383 = arith.select %ne3A_67, %broadcast_in_dim3A_381, %broadcast_in_dim3A_382 : vector<1x132x128xi1>, vector<1x132x128xf32>
    %broadcast_in_dim3A_384 = vector.broadcast %log3A_317 : f32 to vector<1x132x128xf32>
    %broadcast_in_dim3A_385 = vector.broadcast %log3A_315 : f32 to vector<1x132x128xf32>
    %select_n3A_386 = arith.select %ne3A_67, %broadcast_in_dim3A_384, %broadcast_in_dim3A_385 : vector<1x132x128xi1>, vector<1x132x128xf32>
    %select_n3A_387 = arith.select %ne3A_73, %select_n3A_380, %select_n3A_377 : vector<1x132x128xi1>, vector<1x132x128xf32>
    %select_n3A_388 = arith.select %ne3A_73, %select_n3A_386, %select_n3A_383 : vector<1x132x128xi1>, vector<1x132x128xf32>
    %select_n3A_389 = arith.select %ne3A_79, %select_n3A_388, %select_n3A_387 : vector<1x132x128xi1>, vector<1x132x128xf32>
    %broadcast_in_dim3A_390 = vector.shape_cast %get3A_33 : vector<132x128xf32> to vector<1x132x128xf32>
    %sub3A_391 = arith.subf %select_n3A_389, %broadcast_in_dim3A_390 : vector<1x132x128xf32>
    %div3A_392 = arith.constant 2.000000e-01 : f32
    %div3A_393 = vector.broadcast %div3A_392 : f32 to vector<1x132x128xf32>
    %div3A_394 = arith.divf %sub3A_391, %div3A_393 : vector<1x132x128xf32>
    %get3A_395 = arith.constant 0 : index
    %get3A_396 = arith.constant 0 : index
    %get3A_397 = arith.constant 0 : index
    %get3A_398 = arith.constant 0 : index
    %get3A_399 = vector.load %arg1[%get3A_395, %get3A_396, %get3A_397, %get3A_398] : memref<1x4x132x128xf32, #tpu.memory_space<vmem>>, vector<1x1x132x128xf32>
    %get3A_400 = vector.shape_cast %get3A_399 : vector<1x1x132x128xf32> to vector<132x128xf32>
    %broadcast_in_dim3A_401 = vector.shape_cast %get3A_400 : vector<132x128xf32> to vector<1x132x128xf32>
    %sub3A_402 = arith.subf %broadcast_in_dim3A_401, %mul3A_336 : vector<1x132x128xf32>
    %abs3A = math.absf %sub3A_402 : vector<1x132x128xf32>
    %lt3A_403 = arith.constant 1.000000e+00 : f32
    %lt3A_404 = vector.broadcast %lt3A_403 : f32 to vector<1x132x128xf32>
    %lt3A_405 = arith.cmpf olt, %abs3A, %lt3A_404 : vector<1x132x128xf32>
    %mul3A_406 = arith.constant 5.000000e-01 : f32
    %mul3A_407 = vector.broadcast %mul3A_406 : f32 to vector<1x132x128xf32>
    %mul3A_408 = arith.mulf %mul3A_407, %sub3A_402 : vector<1x132x128xf32>
    %mul3A_409 = arith.mulf %mul3A_408, %sub3A_402 : vector<1x132x128xf32>
    %sub3A_410 = arith.constant 5.000000e-01 : f32
    %sub3A_411 = vector.broadcast %sub3A_410 : f32 to vector<1x132x128xf32>
    %sub3A_412 = arith.subf %abs3A, %sub3A_411 : vector<1x132x128xf32>
    %select_n3A_413 = arith.select %lt3A_405, %mul3A_409, %sub3A_412 : vector<1x132x128xi1>, vector<1x132x128xf32>
    %get3A_414 = arith.constant 0 : index
    %get3A_415 = arith.constant 1 : index
    %get3A_416 = arith.constant 0 : index
    %get3A_417 = arith.constant 0 : index
    %get3A_418 = vector.load %arg1[%get3A_414, %get3A_415, %get3A_416, %get3A_417] : memref<1x4x132x128xf32, #tpu.memory_space<vmem>>, vector<1x1x132x128xf32>
    %get3A_419 = vector.shape_cast %get3A_418 : vector<1x1x132x128xf32> to vector<132x128xf32>
    %broadcast_in_dim3A_420 = vector.shape_cast %get3A_419 : vector<132x128xf32> to vector<1x132x128xf32>
    %sub3A_421 = arith.subf %broadcast_in_dim3A_420, %mul3A_355 : vector<1x132x128xf32>
    %abs3A_422 = math.absf %sub3A_421 : vector<1x132x128xf32>
    %lt3A_423 = arith.constant 1.000000e+00 : f32
    %lt3A_424 = vector.broadcast %lt3A_423 : f32 to vector<1x132x128xf32>
    %lt3A_425 = arith.cmpf olt, %abs3A_422, %lt3A_424 : vector<1x132x128xf32>
    %mul3A_426 = arith.constant 5.000000e-01 : f32
    %mul3A_427 = vector.broadcast %mul3A_426 : f32 to vector<1x132x128xf32>
    %mul3A_428 = arith.mulf %mul3A_427, %sub3A_421 : vector<1x132x128xf32>
    %mul3A_429 = arith.mulf %mul3A_428, %sub3A_421 : vector<1x132x128xf32>
    %sub3A_430 = arith.constant 5.000000e-01 : f32
    %sub3A_431 = vector.broadcast %sub3A_430 : f32 to vector<1x132x128xf32>
    %sub3A_432 = arith.subf %abs3A_422, %sub3A_431 : vector<1x132x128xf32>
    %select_n3A_433 = arith.select %lt3A_425, %mul3A_429, %sub3A_432 : vector<1x132x128xi1>, vector<1x132x128xf32>
    %add3A_434 = arith.addf %select_n3A_413, %select_n3A_433 : vector<1x132x128xf32>
    %get3A_435 = arith.constant 0 : index
    %get3A_436 = arith.constant 2 : index
    %get3A_437 = arith.constant 0 : index
    %get3A_438 = arith.constant 0 : index
    %get3A_439 = vector.load %arg1[%get3A_435, %get3A_436, %get3A_437, %get3A_438] : memref<1x4x132x128xf32, #tpu.memory_space<vmem>>, vector<1x1x132x128xf32>
    %get3A_440 = vector.shape_cast %get3A_439 : vector<1x1x132x128xf32> to vector<132x128xf32>
    %broadcast_in_dim3A_441 = vector.shape_cast %get3A_440 : vector<132x128xf32> to vector<1x132x128xf32>
    %sub3A_442 = arith.subf %broadcast_in_dim3A_441, %div3A_374 : vector<1x132x128xf32>
    %abs3A_443 = math.absf %sub3A_442 : vector<1x132x128xf32>
    %lt3A_444 = arith.constant 1.000000e+00 : f32
    %lt3A_445 = vector.broadcast %lt3A_444 : f32 to vector<1x132x128xf32>
    %lt3A_446 = arith.cmpf olt, %abs3A_443, %lt3A_445 : vector<1x132x128xf32>
    %mul3A_447 = arith.constant 5.000000e-01 : f32
    %mul3A_448 = vector.broadcast %mul3A_447 : f32 to vector<1x132x128xf32>
    %mul3A_449 = arith.mulf %mul3A_448, %sub3A_442 : vector<1x132x128xf32>
    %mul3A_450 = arith.mulf %mul3A_449, %sub3A_442 : vector<1x132x128xf32>
    %sub3A_451 = arith.constant 5.000000e-01 : f32
    %sub3A_452 = vector.broadcast %sub3A_451 : f32 to vector<1x132x128xf32>
    %sub3A_453 = arith.subf %abs3A_443, %sub3A_452 : vector<1x132x128xf32>
    %select_n3A_454 = arith.select %lt3A_446, %mul3A_450, %sub3A_453 : vector<1x132x128xi1>, vector<1x132x128xf32>
    %add3A_455 = arith.addf %add3A_434, %select_n3A_454 : vector<1x132x128xf32>
    %get3A_456 = arith.constant 0 : index
    %get3A_457 = arith.constant 3 : index
    %get3A_458 = arith.constant 0 : index
    %get3A_459 = arith.constant 0 : index
    %get3A_460 = vector.load %arg1[%get3A_456, %get3A_457, %get3A_458, %get3A_459] : memref<1x4x132x128xf32, #tpu.memory_space<vmem>>, vector<1x1x132x128xf32>
    %get3A_461 = vector.shape_cast %get3A_460 : vector<1x1x132x128xf32> to vector<132x128xf32>
    %broadcast_in_dim3A_462 = vector.shape_cast %get3A_461 : vector<132x128xf32> to vector<1x132x128xf32>
    %sub3A_463 = arith.subf %broadcast_in_dim3A_462, %div3A_394 : vector<1x132x128xf32>
    %abs3A_464 = math.absf %sub3A_463 : vector<1x132x128xf32>
    %lt3A_465 = arith.constant 1.000000e+00 : f32
    %lt3A_466 = vector.broadcast %lt3A_465 : f32 to vector<1x132x128xf32>
    %lt3A_467 = arith.cmpf olt, %abs3A_464, %lt3A_466 : vector<1x132x128xf32>
    %mul3A_468 = arith.constant 5.000000e-01 : f32
    %mul3A_469 = vector.broadcast %mul3A_468 : f32 to vector<1x132x128xf32>
    %mul3A_470 = arith.mulf %mul3A_469, %sub3A_463 : vector<1x132x128xf32>
    %mul3A_471 = arith.mulf %mul3A_470, %sub3A_463 : vector<1x132x128xf32>
    %sub3A_472 = arith.constant 5.000000e-01 : f32
    %sub3A_473 = vector.broadcast %sub3A_472 : f32 to vector<1x132x128xf32>
    %sub3A_474 = arith.subf %abs3A_464, %sub3A_473 : vector<1x132x128xf32>
    %select_n3A_475 = arith.select %lt3A_467, %mul3A_471, %sub3A_474 : vector<1x132x128xi1>, vector<1x132x128xf32>
    %add3A_476 = arith.addf %add3A_455, %select_n3A_475 : vector<1x132x128xf32>
    %mul3A_477 = arith.mulf %add3A_476, %convert_element_type3A_51 : vector<1x132x128xf32>
    %reduce_sum3A_478 = vector.shape_cast %mul3A_477 : vector<1x132x128xf32> to vector<1x1x132x128xf32>
    %reduce_sum3A_479 = arith.constant dense<0.000000e+00> : vector<1xf32>
    %reduce_sum3A_480 = vector.multi_reduction <add>, %reduce_sum3A_478, %reduce_sum3A_479 [1, 2, 3] : vector<1x1x132x128xf32> to vector<1xf32>
    %reduce_sum3A_481 = vector.shape_cast %reduce_sum3A_480 : vector<1xf32> to vector<1x1x1x1xf32>
    %reduce_sum3A_482 = vector.extract %reduce_sum3A_481[0, 0, 0, 0] : f32 from vector<1x1x1x1xf32>
    %broadcast_in_dim3A_483 = arith.constant 0.000000e+00 : f32
    %broadcast_in_dim3A_484 = vector.broadcast %broadcast_in_dim3A_483 : f32 to vector<132x128xf32>
    %get3A_485 = arith.constant 0 : index
    %get3A_486 = arith.constant 0 : index
    %get3A_487 = arith.constant 4 : index
    %get3A_488 = vector.load %arg5[%get3A_485, %get3A_486, %get3A_487] : memref<1x8x15xf32, #tpu.memory_space<vmem>>, vector<1x1x1xf32>
    %get3A_489 = vector.extract %get3A_488[0, 0, 0] : f32 from vector<1x1x1xf32>
    %get3A_490 = arith.constant 0 : index
    %get3A_491 = arith.constant 1 : index
    %get3A_492 = arith.constant 4 : index
    %get3A_493 = vector.load %arg5[%get3A_490, %get3A_491, %get3A_492] : memref<1x8x15xf32, #tpu.memory_space<vmem>>, vector<1x1x1xf32>
    %get3A_494 = vector.extract %get3A_493[0, 0, 0] : f32 from vector<1x1x1xf32>
    %get3A_495 = arith.constant 0 : index
    %get3A_496 = arith.constant 2 : index
    %get3A_497 = arith.constant 4 : index
    %get3A_498 = vector.load %arg5[%get3A_495, %get3A_496, %get3A_497] : memref<1x8x15xf32, #tpu.memory_space<vmem>>, vector<1x1x1xf32>
    %get3A_499 = vector.extract %get3A_498[0, 0, 0] : f32 from vector<1x1x1xf32>
    %get3A_500 = arith.constant 0 : index
    %get3A_501 = arith.constant 3 : index
    %get3A_502 = arith.constant 4 : index
    %get3A_503 = vector.load %arg5[%get3A_500, %get3A_501, %get3A_502] : memref<1x8x15xf32, #tpu.memory_space<vmem>>, vector<1x1x1xf32>
    %get3A_504 = vector.extract %get3A_503[0, 0, 0] : f32 from vector<1x1x1xf32>
    %get3A_505 = arith.constant 0 : index
    %get3A_506 = arith.constant 4 : index
    %get3A_507 = arith.constant 4 : index
    %get3A_508 = vector.load %arg5[%get3A_505, %get3A_506, %get3A_507] : memref<1x8x15xf32, #tpu.memory_space<vmem>>, vector<1x1x1xf32>
    %get3A_509 = vector.extract %get3A_508[0, 0, 0] : f32 from vector<1x1x1xf32>
    %get3A_510 = arith.constant 0 : index
    %get3A_511 = arith.constant 5 : index
    %get3A_512 = arith.constant 4 : index
    %get3A_513 = vector.load %arg5[%get3A_510, %get3A_511, %get3A_512] : memref<1x8x15xf32, #tpu.memory_space<vmem>>, vector<1x1x1xf32>
    %get3A_514 = vector.extract %get3A_513[0, 0, 0] : f32 from vector<1x1x1xf32>
    %get3A_515 = arith.constant 0 : index
    %get3A_516 = arith.constant 6 : index
    %get3A_517 = arith.constant 4 : index
    %get3A_518 = vector.load %arg5[%get3A_515, %get3A_516, %get3A_517] : memref<1x8x15xf32, #tpu.memory_space<vmem>>, vector<1x1x1xf32>
    %get3A_519 = vector.extract %get3A_518[0, 0, 0] : f32 from vector<1x1x1xf32>
    %get3A_520 = arith.constant 0 : index
    %get3A_521 = arith.constant 7 : index
    %get3A_522 = arith.constant 4 : index
    %get3A_523 = vector.load %arg5[%get3A_520, %get3A_521, %get3A_522] : memref<1x8x15xf32, #tpu.memory_space<vmem>>, vector<1x1x1xf32>
    %get3A_524 = vector.extract %get3A_523[0, 0, 0] : f32 from vector<1x1x1xf32>
    %broadcast_in_dim3A_525 = vector.broadcast %get3A_494 : f32 to vector<1x132x128xf32>
    %broadcast_in_dim3A_526 = vector.broadcast %get3A_489 : f32 to vector<1x132x128xf32>
    %select_n3A_527 = arith.select %ne3A_67, %broadcast_in_dim3A_525, %broadcast_in_dim3A_526 : vector<1x132x128xi1>, vector<1x132x128xf32>
    %broadcast_in_dim3A_528 = vector.broadcast %get3A_504 : f32 to vector<1x132x128xf32>
    %broadcast_in_dim3A_529 = vector.broadcast %get3A_499 : f32 to vector<1x132x128xf32>
    %select_n3A_530 = arith.select %ne3A_67, %broadcast_in_dim3A_528, %broadcast_in_dim3A_529 : vector<1x132x128xi1>, vector<1x132x128xf32>
    %broadcast_in_dim3A_531 = vector.broadcast %get3A_514 : f32 to vector<1x132x128xf32>
    %broadcast_in_dim3A_532 = vector.broadcast %get3A_509 : f32 to vector<1x132x128xf32>
    %select_n3A_533 = arith.select %ne3A_67, %broadcast_in_dim3A_531, %broadcast_in_dim3A_532 : vector<1x132x128xi1>, vector<1x132x128xf32>
    %broadcast_in_dim3A_534 = vector.broadcast %get3A_524 : f32 to vector<1x132x128xf32>
    %broadcast_in_dim3A_535 = vector.broadcast %get3A_519 : f32 to vector<1x132x128xf32>
    %select_n3A_536 = arith.select %ne3A_67, %broadcast_in_dim3A_534, %broadcast_in_dim3A_535 : vector<1x132x128xi1>, vector<1x132x128xf32>
    %select_n3A_537 = arith.select %ne3A_73, %select_n3A_530, %select_n3A_527 : vector<1x132x128xi1>, vector<1x132x128xf32>
    %select_n3A_538 = arith.select %ne3A_73, %select_n3A_536, %select_n3A_533 : vector<1x132x128xi1>, vector<1x132x128xf32>
    %select_n3A_539 = arith.select %ne3A_79, %select_n3A_538, %select_n3A_537 : vector<1x132x128xi1>, vector<1x132x128xf32>
    %broadcast_in_dim3A_540 = vector.shape_cast %get3A_8 : vector<132x128xf32> to vector<1x132x128xf32>
    %sub3A_541 = arith.subf %select_n3A_539, %broadcast_in_dim3A_540 : vector<1x132x128xf32>
    %broadcast_in_dim3A_542 = vector.shape_cast %get3A_18 : vector<132x128xf32> to vector<1x132x128xf32>
    %mul3A_543 = arith.mulf %sub3A_541, %broadcast_in_dim3A_542 : vector<1x132x128xf32>
    %get3A_544 = arith.constant 0 : index
    %get3A_545 = arith.constant 0 : index
    %get3A_546 = arith.constant 0 : index
    %get3A_547 = arith.constant 0 : index
    %get3A_548 = vector.load %arg3[%get3A_544, %get3A_545, %get3A_546, %get3A_547] : memref<1x10x132x128xf32, #tpu.memory_space<vmem>>, vector<1x1x132x128xf32>
    %get3A_549 = vector.shape_cast %get3A_548 : vector<1x1x132x128xf32> to vector<132x128xf32>
    %broadcast_in_dim3A_550 = vector.shape_cast %get3A_549 : vector<132x128xf32> to vector<1x132x128xf32>
    %sub3A_551 = arith.subf %broadcast_in_dim3A_550, %mul3A_543 : vector<1x132x128xf32>
    %abs3A_552 = math.absf %sub3A_551 : vector<1x132x128xf32>
    %lt3A_553 = arith.constant 1.000000e+00 : f32
    %lt3A_554 = vector.broadcast %lt3A_553 : f32 to vector<1x132x128xf32>
    %lt3A_555 = arith.cmpf olt, %abs3A_552, %lt3A_554 : vector<1x132x128xf32>
    %mul3A_556 = arith.constant 5.000000e-01 : f32
    %mul3A_557 = vector.broadcast %mul3A_556 : f32 to vector<1x132x128xf32>
    %mul3A_558 = arith.mulf %mul3A_557, %sub3A_551 : vector<1x132x128xf32>
    %mul3A_559 = arith.mulf %mul3A_558, %sub3A_551 : vector<1x132x128xf32>
    %sub3A_560 = arith.constant 5.000000e-01 : f32
    %sub3A_561 = vector.broadcast %sub3A_560 : f32 to vector<1x132x128xf32>
    %sub3A_562 = arith.subf %abs3A_552, %sub3A_561 : vector<1x132x128xf32>
    %select_n3A_563 = arith.select %lt3A_555, %mul3A_559, %sub3A_562 : vector<1x132x128xi1>, vector<1x132x128xf32>
    %broadcast_in_dim3A_564 = vector.shape_cast %broadcast_in_dim3A_484 : vector<132x128xf32> to vector<1x132x128xf32>
    %add3A_565 = arith.addf %broadcast_in_dim3A_564, %select_n3A_563 : vector<1x132x128xf32>
    %get3A_566 = arith.constant 0 : index
    %get3A_567 = arith.constant 0 : index
    %get3A_568 = arith.constant 5 : index
    %get3A_569 = vector.load %arg5[%get3A_566, %get3A_567, %get3A_568] : memref<1x8x15xf32, #tpu.memory_space<vmem>>, vector<1x1x1xf32>
    %get3A_570 = vector.extract %get3A_569[0, 0, 0] : f32 from vector<1x1x1xf32>
    %get3A_571 = arith.constant 0 : index
    %get3A_572 = arith.constant 1 : index
    %get3A_573 = arith.constant 5 : index
    %get3A_574 = vector.load %arg5[%get3A_571, %get3A_572, %get3A_573] : memref<1x8x15xf32, #tpu.memory_space<vmem>>, vector<1x1x1xf32>
    %get3A_575 = vector.extract %get3A_574[0, 0, 0] : f32 from vector<1x1x1xf32>
    %get3A_576 = arith.constant 0 : index
    %get3A_577 = arith.constant 2 : index
    %get3A_578 = arith.constant 5 : index
    %get3A_579 = vector.load %arg5[%get3A_576, %get3A_577, %get3A_578] : memref<1x8x15xf32, #tpu.memory_space<vmem>>, vector<1x1x1xf32>
    %get3A_580 = vector.extract %get3A_579[0, 0, 0] : f32 from vector<1x1x1xf32>
    %get3A_581 = arith.constant 0 : index
    %get3A_582 = arith.constant 3 : index
    %get3A_583 = arith.constant 5 : index
    %get3A_584 = vector.load %arg5[%get3A_581, %get3A_582, %get3A_583] : memref<1x8x15xf32, #tpu.memory_space<vmem>>, vector<1x1x1xf32>
    %get3A_585 = vector.extract %get3A_584[0, 0, 0] : f32 from vector<1x1x1xf32>
    %get3A_586 = arith.constant 0 : index
    %get3A_587 = arith.constant 4 : index
    %get3A_588 = arith.constant 5 : index
    %get3A_589 = vector.load %arg5[%get3A_586, %get3A_587, %get3A_588] : memref<1x8x15xf32, #tpu.memory_space<vmem>>, vector<1x1x1xf32>
    %get3A_590 = vector.extract %get3A_589[0, 0, 0] : f32 from vector<1x1x1xf32>
    %get3A_591 = arith.constant 0 : index
    %get3A_592 = arith.constant 5 : index
    %get3A_593 = arith.constant 5 : index
    %get3A_594 = vector.load %arg5[%get3A_591, %get3A_592, %get3A_593] : memref<1x8x15xf32, #tpu.memory_space<vmem>>, vector<1x1x1xf32>
    %get3A_595 = vector.extract %get3A_594[0, 0, 0] : f32 from vector<1x1x1xf32>
    %get3A_596 = arith.constant 0 : index
    %get3A_597 = arith.constant 6 : index
    %get3A_598 = arith.constant 5 : index
    %get3A_599 = vector.load %arg5[%get3A_596, %get3A_597, %get3A_598] : memref<1x8x15xf32, #tpu.memory_space<vmem>>, vector<1x1x1xf32>
    %get3A_600 = vector.extract %get3A_599[0, 0, 0] : f32 from vector<1x1x1xf32>
    %get3A_601 = arith.constant 0 : index
    %get3A_602 = arith.constant 7 : index
    %get3A_603 = arith.constant 5 : index
    %get3A_604 = vector.load %arg5[%get3A_601, %get3A_602, %get3A_603] : memref<1x8x15xf32, #tpu.memory_space<vmem>>, vector<1x1x1xf32>
    %get3A_605 = vector.extract %get3A_604[0, 0, 0] : f32 from vector<1x1x1xf32>
    %broadcast_in_dim3A_606 = vector.broadcast %get3A_575 : f32 to vector<1x132x128xf32>
    %broadcast_in_dim3A_607 = vector.broadcast %get3A_570 : f32 to vector<1x132x128xf32>
    %select_n3A_608 = arith.select %ne3A_67, %broadcast_in_dim3A_606, %broadcast_in_dim3A_607 : vector<1x132x128xi1>, vector<1x132x128xf32>
    %broadcast_in_dim3A_609 = vector.broadcast %get3A_585 : f32 to vector<1x132x128xf32>
    %broadcast_in_dim3A_610 = vector.broadcast %get3A_580 : f32 to vector<1x132x128xf32>
    %select_n3A_611 = arith.select %ne3A_67, %broadcast_in_dim3A_609, %broadcast_in_dim3A_610 : vector<1x132x128xi1>, vector<1x132x128xf32>
    %broadcast_in_dim3A_612 = vector.broadcast %get3A_595 : f32 to vector<1x132x128xf32>
    %broadcast_in_dim3A_613 = vector.broadcast %get3A_590 : f32 to vector<1x132x128xf32>
    %select_n3A_614 = arith.select %ne3A_67, %broadcast_in_dim3A_612, %broadcast_in_dim3A_613 : vector<1x132x128xi1>, vector<1x132x128xf32>
    %broadcast_in_dim3A_615 = vector.broadcast %get3A_605 : f32 to vector<1x132x128xf32>
    %broadcast_in_dim3A_616 = vector.broadcast %get3A_600 : f32 to vector<1x132x128xf32>
    %select_n3A_617 = arith.select %ne3A_67, %broadcast_in_dim3A_615, %broadcast_in_dim3A_616 : vector<1x132x128xi1>, vector<1x132x128xf32>
    %select_n3A_618 = arith.select %ne3A_73, %select_n3A_611, %select_n3A_608 : vector<1x132x128xi1>, vector<1x132x128xf32>
    %select_n3A_619 = arith.select %ne3A_73, %select_n3A_617, %select_n3A_614 : vector<1x132x128xi1>, vector<1x132x128xf32>
    %select_n3A_620 = arith.select %ne3A_79, %select_n3A_619, %select_n3A_618 : vector<1x132x128xi1>, vector<1x132x128xf32>
    %broadcast_in_dim3A_621 = vector.shape_cast %get3A_13 : vector<132x128xf32> to vector<1x132x128xf32>
    %sub3A_622 = arith.subf %select_n3A_620, %broadcast_in_dim3A_621 : vector<1x132x128xf32>
    %broadcast_in_dim3A_623 = vector.shape_cast %get3A_23 : vector<132x128xf32> to vector<1x132x128xf32>
    %mul3A_624 = arith.mulf %sub3A_622, %broadcast_in_dim3A_623 : vector<1x132x128xf32>
    %get3A_625 = arith.constant 0 : index
    %get3A_626 = arith.constant 1 : index
    %get3A_627 = arith.constant 0 : index
    %get3A_628 = arith.constant 0 : index
    %get3A_629 = vector.load %arg3[%get3A_625, %get3A_626, %get3A_627, %get3A_628] : memref<1x10x132x128xf32, #tpu.memory_space<vmem>>, vector<1x1x132x128xf32>
    %get3A_630 = vector.shape_cast %get3A_629 : vector<1x1x132x128xf32> to vector<132x128xf32>
    %broadcast_in_dim3A_631 = vector.shape_cast %get3A_630 : vector<132x128xf32> to vector<1x132x128xf32>
    %sub3A_632 = arith.subf %broadcast_in_dim3A_631, %mul3A_624 : vector<1x132x128xf32>
    %abs3A_633 = math.absf %sub3A_632 : vector<1x132x128xf32>
    %lt3A_634 = arith.constant 1.000000e+00 : f32
    %lt3A_635 = vector.broadcast %lt3A_634 : f32 to vector<1x132x128xf32>
    %lt3A_636 = arith.cmpf olt, %abs3A_633, %lt3A_635 : vector<1x132x128xf32>
    %mul3A_637 = arith.constant 5.000000e-01 : f32
    %mul3A_638 = vector.broadcast %mul3A_637 : f32 to vector<1x132x128xf32>
    %mul3A_639 = arith.mulf %mul3A_638, %sub3A_632 : vector<1x132x128xf32>
    %mul3A_640 = arith.mulf %mul3A_639, %sub3A_632 : vector<1x132x128xf32>
    %sub3A_641 = arith.constant 5.000000e-01 : f32
    %sub3A_642 = vector.broadcast %sub3A_641 : f32 to vector<1x132x128xf32>
    %sub3A_643 = arith.subf %abs3A_633, %sub3A_642 : vector<1x132x128xf32>
    %select_n3A_644 = arith.select %lt3A_636, %mul3A_640, %sub3A_643 : vector<1x132x128xi1>, vector<1x132x128xf32>
    %add3A_645 = arith.addf %add3A_565, %select_n3A_644 : vector<1x132x128xf32>
    %get3A_646 = arith.constant 0 : index
    %get3A_647 = arith.constant 0 : index
    %get3A_648 = arith.constant 6 : index
    %get3A_649 = vector.load %arg5[%get3A_646, %get3A_647, %get3A_648] : memref<1x8x15xf32, #tpu.memory_space<vmem>>, vector<1x1x1xf32>
    %get3A_650 = vector.extract %get3A_649[0, 0, 0] : f32 from vector<1x1x1xf32>
    %get3A_651 = arith.constant 0 : index
    %get3A_652 = arith.constant 1 : index
    %get3A_653 = arith.constant 6 : index
    %get3A_654 = vector.load %arg5[%get3A_651, %get3A_652, %get3A_653] : memref<1x8x15xf32, #tpu.memory_space<vmem>>, vector<1x1x1xf32>
    %get3A_655 = vector.extract %get3A_654[0, 0, 0] : f32 from vector<1x1x1xf32>
    %get3A_656 = arith.constant 0 : index
    %get3A_657 = arith.constant 2 : index
    %get3A_658 = arith.constant 6 : index
    %get3A_659 = vector.load %arg5[%get3A_656, %get3A_657, %get3A_658] : memref<1x8x15xf32, #tpu.memory_space<vmem>>, vector<1x1x1xf32>
    %get3A_660 = vector.extract %get3A_659[0, 0, 0] : f32 from vector<1x1x1xf32>
    %get3A_661 = arith.constant 0 : index
    %get3A_662 = arith.constant 3 : index
    %get3A_663 = arith.constant 6 : index
    %get3A_664 = vector.load %arg5[%get3A_661, %get3A_662, %get3A_663] : memref<1x8x15xf32, #tpu.memory_space<vmem>>, vector<1x1x1xf32>
    %get3A_665 = vector.extract %get3A_664[0, 0, 0] : f32 from vector<1x1x1xf32>
    %get3A_666 = arith.constant 0 : index
    %get3A_667 = arith.constant 4 : index
    %get3A_668 = arith.constant 6 : index
    %get3A_669 = vector.load %arg5[%get3A_666, %get3A_667, %get3A_668] : memref<1x8x15xf32, #tpu.memory_space<vmem>>, vector<1x1x1xf32>
    %get3A_670 = vector.extract %get3A_669[0, 0, 0] : f32 from vector<1x1x1xf32>
    %get3A_671 = arith.constant 0 : index
    %get3A_672 = arith.constant 5 : index
    %get3A_673 = arith.constant 6 : index
    %get3A_674 = vector.load %arg5[%get3A_671, %get3A_672, %get3A_673] : memref<1x8x15xf32, #tpu.memory_space<vmem>>, vector<1x1x1xf32>
    %get3A_675 = vector.extract %get3A_674[0, 0, 0] : f32 from vector<1x1x1xf32>
    %get3A_676 = arith.constant 0 : index
    %get3A_677 = arith.constant 6 : index
    %get3A_678 = arith.constant 6 : index
    %get3A_679 = vector.load %arg5[%get3A_676, %get3A_677, %get3A_678] : memref<1x8x15xf32, #tpu.memory_space<vmem>>, vector<1x1x1xf32>
    %get3A_680 = vector.extract %get3A_679[0, 0, 0] : f32 from vector<1x1x1xf32>
    %get3A_681 = arith.constant 0 : index
    %get3A_682 = arith.constant 7 : index
    %get3A_683 = arith.constant 6 : index
    %get3A_684 = vector.load %arg5[%get3A_681, %get3A_682, %get3A_683] : memref<1x8x15xf32, #tpu.memory_space<vmem>>, vector<1x1x1xf32>
    %get3A_685 = vector.extract %get3A_684[0, 0, 0] : f32 from vector<1x1x1xf32>
    %broadcast_in_dim3A_686 = vector.broadcast %get3A_655 : f32 to vector<1x132x128xf32>
    %broadcast_in_dim3A_687 = vector.broadcast %get3A_650 : f32 to vector<1x132x128xf32>
    %select_n3A_688 = arith.select %ne3A_67, %broadcast_in_dim3A_686, %broadcast_in_dim3A_687 : vector<1x132x128xi1>, vector<1x132x128xf32>
    %broadcast_in_dim3A_689 = vector.broadcast %get3A_665 : f32 to vector<1x132x128xf32>
    %broadcast_in_dim3A_690 = vector.broadcast %get3A_660 : f32 to vector<1x132x128xf32>
    %select_n3A_691 = arith.select %ne3A_67, %broadcast_in_dim3A_689, %broadcast_in_dim3A_690 : vector<1x132x128xi1>, vector<1x132x128xf32>
    %broadcast_in_dim3A_692 = vector.broadcast %get3A_675 : f32 to vector<1x132x128xf32>
    %broadcast_in_dim3A_693 = vector.broadcast %get3A_670 : f32 to vector<1x132x128xf32>
    %select_n3A_694 = arith.select %ne3A_67, %broadcast_in_dim3A_692, %broadcast_in_dim3A_693 : vector<1x132x128xi1>, vector<1x132x128xf32>
    %broadcast_in_dim3A_695 = vector.broadcast %get3A_685 : f32 to vector<1x132x128xf32>
    %broadcast_in_dim3A_696 = vector.broadcast %get3A_680 : f32 to vector<1x132x128xf32>
    %select_n3A_697 = arith.select %ne3A_67, %broadcast_in_dim3A_695, %broadcast_in_dim3A_696 : vector<1x132x128xi1>, vector<1x132x128xf32>
    %select_n3A_698 = arith.select %ne3A_73, %select_n3A_691, %select_n3A_688 : vector<1x132x128xi1>, vector<1x132x128xf32>
    %select_n3A_699 = arith.select %ne3A_73, %select_n3A_697, %select_n3A_694 : vector<1x132x128xi1>, vector<1x132x128xf32>
    %select_n3A_700 = arith.select %ne3A_79, %select_n3A_699, %select_n3A_698 : vector<1x132x128xi1>, vector<1x132x128xf32>
    %broadcast_in_dim3A_701 = vector.shape_cast %get3A_8 : vector<132x128xf32> to vector<1x132x128xf32>
    %sub3A_702 = arith.subf %select_n3A_700, %broadcast_in_dim3A_701 : vector<1x132x128xf32>
    %broadcast_in_dim3A_703 = vector.shape_cast %get3A_18 : vector<132x128xf32> to vector<1x132x128xf32>
    %mul3A_704 = arith.mulf %sub3A_702, %broadcast_in_dim3A_703 : vector<1x132x128xf32>
    %get3A_705 = arith.constant 0 : index
    %get3A_706 = arith.constant 2 : index
    %get3A_707 = arith.constant 0 : index
    %get3A_708 = arith.constant 0 : index
    %get3A_709 = vector.load %arg3[%get3A_705, %get3A_706, %get3A_707, %get3A_708] : memref<1x10x132x128xf32, #tpu.memory_space<vmem>>, vector<1x1x132x128xf32>
    %get3A_710 = vector.shape_cast %get3A_709 : vector<1x1x132x128xf32> to vector<132x128xf32>
    %broadcast_in_dim3A_711 = vector.shape_cast %get3A_710 : vector<132x128xf32> to vector<1x132x128xf32>
    %sub3A_712 = arith.subf %broadcast_in_dim3A_711, %mul3A_704 : vector<1x132x128xf32>
    %abs3A_713 = math.absf %sub3A_712 : vector<1x132x128xf32>
    %lt3A_714 = arith.constant 1.000000e+00 : f32
    %lt3A_715 = vector.broadcast %lt3A_714 : f32 to vector<1x132x128xf32>
    %lt3A_716 = arith.cmpf olt, %abs3A_713, %lt3A_715 : vector<1x132x128xf32>
    %mul3A_717 = arith.constant 5.000000e-01 : f32
    %mul3A_718 = vector.broadcast %mul3A_717 : f32 to vector<1x132x128xf32>
    %mul3A_719 = arith.mulf %mul3A_718, %sub3A_712 : vector<1x132x128xf32>
    %mul3A_720 = arith.mulf %mul3A_719, %sub3A_712 : vector<1x132x128xf32>
    %sub3A_721 = arith.constant 5.000000e-01 : f32
    %sub3A_722 = vector.broadcast %sub3A_721 : f32 to vector<1x132x128xf32>
    %sub3A_723 = arith.subf %abs3A_713, %sub3A_722 : vector<1x132x128xf32>
    %select_n3A_724 = arith.select %lt3A_716, %mul3A_720, %sub3A_723 : vector<1x132x128xi1>, vector<1x132x128xf32>
    %add3A_725 = arith.addf %add3A_645, %select_n3A_724 : vector<1x132x128xf32>
    %get3A_726 = arith.constant 0 : index
    %get3A_727 = arith.constant 0 : index
    %get3A_728 = arith.constant 7 : index
    %get3A_729 = vector.load %arg5[%get3A_726, %get3A_727, %get3A_728] : memref<1x8x15xf32, #tpu.memory_space<vmem>>, vector<1x1x1xf32>
    %get3A_730 = vector.extract %get3A_729[0, 0, 0] : f32 from vector<1x1x1xf32>
    %get3A_731 = arith.constant 0 : index
    %get3A_732 = arith.constant 1 : index
    %get3A_733 = arith.constant 7 : index
    %get3A_734 = vector.load %arg5[%get3A_731, %get3A_732, %get3A_733] : memref<1x8x15xf32, #tpu.memory_space<vmem>>, vector<1x1x1xf32>
    %get3A_735 = vector.extract %get3A_734[0, 0, 0] : f32 from vector<1x1x1xf32>
    %get3A_736 = arith.constant 0 : index
    %get3A_737 = arith.constant 2 : index
    %get3A_738 = arith.constant 7 : index
    %get3A_739 = vector.load %arg5[%get3A_736, %get3A_737, %get3A_738] : memref<1x8x15xf32, #tpu.memory_space<vmem>>, vector<1x1x1xf32>
    %get3A_740 = vector.extract %get3A_739[0, 0, 0] : f32 from vector<1x1x1xf32>
    %get3A_741 = arith.constant 0 : index
    %get3A_742 = arith.constant 3 : index
    %get3A_743 = arith.constant 7 : index
    %get3A_744 = vector.load %arg5[%get3A_741, %get3A_742, %get3A_743] : memref<1x8x15xf32, #tpu.memory_space<vmem>>, vector<1x1x1xf32>
    %get3A_745 = vector.extract %get3A_744[0, 0, 0] : f32 from vector<1x1x1xf32>
    %get3A_746 = arith.constant 0 : index
    %get3A_747 = arith.constant 4 : index
    %get3A_748 = arith.constant 7 : index
    %get3A_749 = vector.load %arg5[%get3A_746, %get3A_747, %get3A_748] : memref<1x8x15xf32, #tpu.memory_space<vmem>>, vector<1x1x1xf32>
    %get3A_750 = vector.extract %get3A_749[0, 0, 0] : f32 from vector<1x1x1xf32>
    %get3A_751 = arith.constant 0 : index
    %get3A_752 = arith.constant 5 : index
    %get3A_753 = arith.constant 7 : index
    %get3A_754 = vector.load %arg5[%get3A_751, %get3A_752, %get3A_753] : memref<1x8x15xf32, #tpu.memory_space<vmem>>, vector<1x1x1xf32>
    %get3A_755 = vector.extract %get3A_754[0, 0, 0] : f32 from vector<1x1x1xf32>
    %get3A_756 = arith.constant 0 : index
    %get3A_757 = arith.constant 6 : index
    %get3A_758 = arith.constant 7 : index
    %get3A_759 = vector.load %arg5[%get3A_756, %get3A_757, %get3A_758] : memref<1x8x15xf32, #tpu.memory_space<vmem>>, vector<1x1x1xf32>
    %get3A_760 = vector.extract %get3A_759[0, 0, 0] : f32 from vector<1x1x1xf32>
    %get3A_761 = arith.constant 0 : index
    %get3A_762 = arith.constant 7 : index
    %get3A_763 = arith.constant 7 : index
    %get3A_764 = vector.load %arg5[%get3A_761, %get3A_762, %get3A_763] : memref<1x8x15xf32, #tpu.memory_space<vmem>>, vector<1x1x1xf32>
    %get3A_765 = vector.extract %get3A_764[0, 0, 0] : f32 from vector<1x1x1xf32>
    %broadcast_in_dim3A_766 = vector.broadcast %get3A_735 : f32 to vector<1x132x128xf32>
    %broadcast_in_dim3A_767 = vector.broadcast %get3A_730 : f32 to vector<1x132x128xf32>
    %select_n3A_768 = arith.select %ne3A_67, %broadcast_in_dim3A_766, %broadcast_in_dim3A_767 : vector<1x132x128xi1>, vector<1x132x128xf32>
    %broadcast_in_dim3A_769 = vector.broadcast %get3A_745 : f32 to vector<1x132x128xf32>
    %broadcast_in_dim3A_770 = vector.broadcast %get3A_740 : f32 to vector<1x132x128xf32>
    %select_n3A_771 = arith.select %ne3A_67, %broadcast_in_dim3A_769, %broadcast_in_dim3A_770 : vector<1x132x128xi1>, vector<1x132x128xf32>
    %broadcast_in_dim3A_772 = vector.broadcast %get3A_755 : f32 to vector<1x132x128xf32>
    %broadcast_in_dim3A_773 = vector.broadcast %get3A_750 : f32 to vector<1x132x128xf32>
    %select_n3A_774 = arith.select %ne3A_67, %broadcast_in_dim3A_772, %broadcast_in_dim3A_773 : vector<1x132x128xi1>, vector<1x132x128xf32>
    %broadcast_in_dim3A_775 = vector.broadcast %get3A_765 : f32 to vector<1x132x128xf32>
    %broadcast_in_dim3A_776 = vector.broadcast %get3A_760 : f32 to vector<1x132x128xf32>
    %select_n3A_777 = arith.select %ne3A_67, %broadcast_in_dim3A_775, %broadcast_in_dim3A_776 : vector<1x132x128xi1>, vector<1x132x128xf32>
    %select_n3A_778 = arith.select %ne3A_73, %select_n3A_771, %select_n3A_768 : vector<1x132x128xi1>, vector<1x132x128xf32>
    %select_n3A_779 = arith.select %ne3A_73, %select_n3A_777, %select_n3A_774 : vector<1x132x128xi1>, vector<1x132x128xf32>
    %select_n3A_780 = arith.select %ne3A_79, %select_n3A_779, %select_n3A_778 : vector<1x132x128xi1>, vector<1x132x128xf32>
    %broadcast_in_dim3A_781 = vector.shape_cast %get3A_13 : vector<132x128xf32> to vector<1x132x128xf32>
    %sub3A_782 = arith.subf %select_n3A_780, %broadcast_in_dim3A_781 : vector<1x132x128xf32>
    %broadcast_in_dim3A_783 = vector.shape_cast %get3A_23 : vector<132x128xf32> to vector<1x132x128xf32>
    %mul3A_784 = arith.mulf %sub3A_782, %broadcast_in_dim3A_783 : vector<1x132x128xf32>
    %get3A_785 = arith.constant 0 : index
    %get3A_786 = arith.constant 3 : index
    %get3A_787 = arith.constant 0 : index
    %get3A_788 = arith.constant 0 : index
    %get3A_789 = vector.load %arg3[%get3A_785, %get3A_786, %get3A_787, %get3A_788] : memref<1x10x132x128xf32, #tpu.memory_space<vmem>>, vector<1x1x132x128xf32>
    %get3A_790 = vector.shape_cast %get3A_789 : vector<1x1x132x128xf32> to vector<132x128xf32>
    %broadcast_in_dim3A_791 = vector.shape_cast %get3A_790 : vector<132x128xf32> to vector<1x132x128xf32>
    %sub3A_792 = arith.subf %broadcast_in_dim3A_791, %mul3A_784 : vector<1x132x128xf32>
    %abs3A_793 = math.absf %sub3A_792 : vector<1x132x128xf32>
    %lt3A_794 = arith.constant 1.000000e+00 : f32
    %lt3A_795 = vector.broadcast %lt3A_794 : f32 to vector<1x132x128xf32>
    %lt3A_796 = arith.cmpf olt, %abs3A_793, %lt3A_795 : vector<1x132x128xf32>
    %mul3A_797 = arith.constant 5.000000e-01 : f32
    %mul3A_798 = vector.broadcast %mul3A_797 : f32 to vector<1x132x128xf32>
    %mul3A_799 = arith.mulf %mul3A_798, %sub3A_792 : vector<1x132x128xf32>
    %mul3A_800 = arith.mulf %mul3A_799, %sub3A_792 : vector<1x132x128xf32>
    %sub3A_801 = arith.constant 5.000000e-01 : f32
    %sub3A_802 = vector.broadcast %sub3A_801 : f32 to vector<1x132x128xf32>
    %sub3A_803 = arith.subf %abs3A_793, %sub3A_802 : vector<1x132x128xf32>
    %select_n3A_804 = arith.select %lt3A_796, %mul3A_800, %sub3A_803 : vector<1x132x128xi1>, vector<1x132x128xf32>
    %add3A_805 = arith.addf %add3A_725, %select_n3A_804 : vector<1x132x128xf32>
    %get3A_806 = arith.constant 0 : index
    %get3A_807 = arith.constant 0 : index
    %get3A_808 = arith.constant 8 : index
    %get3A_809 = vector.load %arg5[%get3A_806, %get3A_807, %get3A_808] : memref<1x8x15xf32, #tpu.memory_space<vmem>>, vector<1x1x1xf32>
    %get3A_810 = vector.extract %get3A_809[0, 0, 0] : f32 from vector<1x1x1xf32>
    %get3A_811 = arith.constant 0 : index
    %get3A_812 = arith.constant 1 : index
    %get3A_813 = arith.constant 8 : index
    %get3A_814 = vector.load %arg5[%get3A_811, %get3A_812, %get3A_813] : memref<1x8x15xf32, #tpu.memory_space<vmem>>, vector<1x1x1xf32>
    %get3A_815 = vector.extract %get3A_814[0, 0, 0] : f32 from vector<1x1x1xf32>
    %get3A_816 = arith.constant 0 : index
    %get3A_817 = arith.constant 2 : index
    %get3A_818 = arith.constant 8 : index
    %get3A_819 = vector.load %arg5[%get3A_816, %get3A_817, %get3A_818] : memref<1x8x15xf32, #tpu.memory_space<vmem>>, vector<1x1x1xf32>
    %get3A_820 = vector.extract %get3A_819[0, 0, 0] : f32 from vector<1x1x1xf32>
    %get3A_821 = arith.constant 0 : index
    %get3A_822 = arith.constant 3 : index
    %get3A_823 = arith.constant 8 : index
    %get3A_824 = vector.load %arg5[%get3A_821, %get3A_822, %get3A_823] : memref<1x8x15xf32, #tpu.memory_space<vmem>>, vector<1x1x1xf32>
    %get3A_825 = vector.extract %get3A_824[0, 0, 0] : f32 from vector<1x1x1xf32>
    %get3A_826 = arith.constant 0 : index
    %get3A_827 = arith.constant 4 : index
    %get3A_828 = arith.constant 8 : index
    %get3A_829 = vector.load %arg5[%get3A_826, %get3A_827, %get3A_828] : memref<1x8x15xf32, #tpu.memory_space<vmem>>, vector<1x1x1xf32>
    %get3A_830 = vector.extract %get3A_829[0, 0, 0] : f32 from vector<1x1x1xf32>
    %get3A_831 = arith.constant 0 : index
    %get3A_832 = arith.constant 5 : index
    %get3A_833 = arith.constant 8 : index
    %get3A_834 = vector.load %arg5[%get3A_831, %get3A_832, %get3A_833] : memref<1x8x15xf32, #tpu.memory_space<vmem>>, vector<1x1x1xf32>
    %get3A_835 = vector.extract %get3A_834[0, 0, 0] : f32 from vector<1x1x1xf32>
    %get3A_836 = arith.constant 0 : index
    %get3A_837 = arith.constant 6 : index
    %get3A_838 = arith.constant 8 : index
    %get3A_839 = vector.load %arg5[%get3A_836, %get3A_837, %get3A_838] : memref<1x8x15xf32, #tpu.memory_space<vmem>>, vector<1x1x1xf32>
    %get3A_840 = vector.extract %get3A_839[0, 0, 0] : f32 from vector<1x1x1xf32>
    %get3A_841 = arith.constant 0 : index
    %get3A_842 = arith.constant 7 : index
    %get3A_843 = arith.constant 8 : index
    %get3A_844 = vector.load %arg5[%get3A_841, %get3A_842, %get3A_843] : memref<1x8x15xf32, #tpu.memory_space<vmem>>, vector<1x1x1xf32>
    %get3A_845 = vector.extract %get3A_844[0, 0, 0] : f32 from vector<1x1x1xf32>
    %broadcast_in_dim3A_846 = vector.broadcast %get3A_815 : f32 to vector<1x132x128xf32>
    %broadcast_in_dim3A_847 = vector.broadcast %get3A_810 : f32 to vector<1x132x128xf32>
    %select_n3A_848 = arith.select %ne3A_67, %broadcast_in_dim3A_846, %broadcast_in_dim3A_847 : vector<1x132x128xi1>, vector<1x132x128xf32>
    %broadcast_in_dim3A_849 = vector.broadcast %get3A_825 : f32 to vector<1x132x128xf32>
    %broadcast_in_dim3A_850 = vector.broadcast %get3A_820 : f32 to vector<1x132x128xf32>
    %select_n3A_851 = arith.select %ne3A_67, %broadcast_in_dim3A_849, %broadcast_in_dim3A_850 : vector<1x132x128xi1>, vector<1x132x128xf32>
    %broadcast_in_dim3A_852 = vector.broadcast %get3A_835 : f32 to vector<1x132x128xf32>
    %broadcast_in_dim3A_853 = vector.broadcast %get3A_830 : f32 to vector<1x132x128xf32>
    %select_n3A_854 = arith.select %ne3A_67, %broadcast_in_dim3A_852, %broadcast_in_dim3A_853 : vector<1x132x128xi1>, vector<1x132x128xf32>
    %broadcast_in_dim3A_855 = vector.broadcast %get3A_845 : f32 to vector<1x132x128xf32>
    %broadcast_in_dim3A_856 = vector.broadcast %get3A_840 : f32 to vector<1x132x128xf32>
    %select_n3A_857 = arith.select %ne3A_67, %broadcast_in_dim3A_855, %broadcast_in_dim3A_856 : vector<1x132x128xi1>, vector<1x132x128xf32>
    %select_n3A_858 = arith.select %ne3A_73, %select_n3A_851, %select_n3A_848 : vector<1x132x128xi1>, vector<1x132x128xf32>
    %select_n3A_859 = arith.select %ne3A_73, %select_n3A_857, %select_n3A_854 : vector<1x132x128xi1>, vector<1x132x128xf32>
    %select_n3A_860 = arith.select %ne3A_79, %select_n3A_859, %select_n3A_858 : vector<1x132x128xi1>, vector<1x132x128xf32>
    %broadcast_in_dim3A_861 = vector.shape_cast %get3A_8 : vector<132x128xf32> to vector<1x132x128xf32>
    %sub3A_862 = arith.subf %select_n3A_860, %broadcast_in_dim3A_861 : vector<1x132x128xf32>
    %broadcast_in_dim3A_863 = vector.shape_cast %get3A_18 : vector<132x128xf32> to vector<1x132x128xf32>
    %mul3A_864 = arith.mulf %sub3A_862, %broadcast_in_dim3A_863 : vector<1x132x128xf32>
    %get3A_865 = arith.constant 0 : index
    %get3A_866 = arith.constant 4 : index
    %get3A_867 = arith.constant 0 : index
    %get3A_868 = arith.constant 0 : index
    %get3A_869 = vector.load %arg3[%get3A_865, %get3A_866, %get3A_867, %get3A_868] : memref<1x10x132x128xf32, #tpu.memory_space<vmem>>, vector<1x1x132x128xf32>
    %get3A_870 = vector.shape_cast %get3A_869 : vector<1x1x132x128xf32> to vector<132x128xf32>
    %broadcast_in_dim3A_871 = vector.shape_cast %get3A_870 : vector<132x128xf32> to vector<1x132x128xf32>
    %sub3A_872 = arith.subf %broadcast_in_dim3A_871, %mul3A_864 : vector<1x132x128xf32>
    %abs3A_873 = math.absf %sub3A_872 : vector<1x132x128xf32>
    %lt3A_874 = arith.constant 1.000000e+00 : f32
    %lt3A_875 = vector.broadcast %lt3A_874 : f32 to vector<1x132x128xf32>
    %lt3A_876 = arith.cmpf olt, %abs3A_873, %lt3A_875 : vector<1x132x128xf32>
    %mul3A_877 = arith.constant 5.000000e-01 : f32
    %mul3A_878 = vector.broadcast %mul3A_877 : f32 to vector<1x132x128xf32>
    %mul3A_879 = arith.mulf %mul3A_878, %sub3A_872 : vector<1x132x128xf32>
    %mul3A_880 = arith.mulf %mul3A_879, %sub3A_872 : vector<1x132x128xf32>
    %sub3A_881 = arith.constant 5.000000e-01 : f32
    %sub3A_882 = vector.broadcast %sub3A_881 : f32 to vector<1x132x128xf32>
    %sub3A_883 = arith.subf %abs3A_873, %sub3A_882 : vector<1x132x128xf32>
    %select_n3A_884 = arith.select %lt3A_876, %mul3A_880, %sub3A_883 : vector<1x132x128xi1>, vector<1x132x128xf32>
    %add3A_885 = arith.addf %add3A_805, %select_n3A_884 : vector<1x132x128xf32>
    %get3A_886 = arith.constant 0 : index
    %get3A_887 = arith.constant 0 : index
    %get3A_888 = arith.constant 9 : index
    %get3A_889 = vector.load %arg5[%get3A_886, %get3A_887, %get3A_888] : memref<1x8x15xf32, #tpu.memory_space<vmem>>, vector<1x1x1xf32>
    %get3A_890 = vector.extract %get3A_889[0, 0, 0] : f32 from vector<1x1x1xf32>
    %get3A_891 = arith.constant 0 : index
    %get3A_892 = arith.constant 1 : index
    %get3A_893 = arith.constant 9 : index
    %get3A_894 = vector.load %arg5[%get3A_891, %get3A_892, %get3A_893] : memref<1x8x15xf32, #tpu.memory_space<vmem>>, vector<1x1x1xf32>
    %get3A_895 = vector.extract %get3A_894[0, 0, 0] : f32 from vector<1x1x1xf32>
    %get3A_896 = arith.constant 0 : index
    %get3A_897 = arith.constant 2 : index
    %get3A_898 = arith.constant 9 : index
    %get3A_899 = vector.load %arg5[%get3A_896, %get3A_897, %get3A_898] : memref<1x8x15xf32, #tpu.memory_space<vmem>>, vector<1x1x1xf32>
    %get3A_900 = vector.extract %get3A_899[0, 0, 0] : f32 from vector<1x1x1xf32>
    %get3A_901 = arith.constant 0 : index
    %get3A_902 = arith.constant 3 : index
    %get3A_903 = arith.constant 9 : index
    %get3A_904 = vector.load %arg5[%get3A_901, %get3A_902, %get3A_903] : memref<1x8x15xf32, #tpu.memory_space<vmem>>, vector<1x1x1xf32>
    %get3A_905 = vector.extract %get3A_904[0, 0, 0] : f32 from vector<1x1x1xf32>
    %get3A_906 = arith.constant 0 : index
    %get3A_907 = arith.constant 4 : index
    %get3A_908 = arith.constant 9 : index
    %get3A_909 = vector.load %arg5[%get3A_906, %get3A_907, %get3A_908] : memref<1x8x15xf32, #tpu.memory_space<vmem>>, vector<1x1x1xf32>
    %get3A_910 = vector.extract %get3A_909[0, 0, 0] : f32 from vector<1x1x1xf32>
    %get3A_911 = arith.constant 0 : index
    %get3A_912 = arith.constant 5 : index
    %get3A_913 = arith.constant 9 : index
    %get3A_914 = vector.load %arg5[%get3A_911, %get3A_912, %get3A_913] : memref<1x8x15xf32, #tpu.memory_space<vmem>>, vector<1x1x1xf32>
    %get3A_915 = vector.extract %get3A_914[0, 0, 0] : f32 from vector<1x1x1xf32>
    %get3A_916 = arith.constant 0 : index
    %get3A_917 = arith.constant 6 : index
    %get3A_918 = arith.constant 9 : index
    %get3A_919 = vector.load %arg5[%get3A_916, %get3A_917, %get3A_918] : memref<1x8x15xf32, #tpu.memory_space<vmem>>, vector<1x1x1xf32>
    %get3A_920 = vector.extract %get3A_919[0, 0, 0] : f32 from vector<1x1x1xf32>
    %get3A_921 = arith.constant 0 : index
    %get3A_922 = arith.constant 7 : index
    %get3A_923 = arith.constant 9 : index
    %get3A_924 = vector.load %arg5[%get3A_921, %get3A_922, %get3A_923] : memref<1x8x15xf32, #tpu.memory_space<vmem>>, vector<1x1x1xf32>
    %get3A_925 = vector.extract %get3A_924[0, 0, 0] : f32 from vector<1x1x1xf32>
    %broadcast_in_dim3A_926 = vector.broadcast %get3A_895 : f32 to vector<1x132x128xf32>
    %broadcast_in_dim3A_927 = vector.broadcast %get3A_890 : f32 to vector<1x132x128xf32>
    %select_n3A_928 = arith.select %ne3A_67, %broadcast_in_dim3A_926, %broadcast_in_dim3A_927 : vector<1x132x128xi1>, vector<1x132x128xf32>
    %broadcast_in_dim3A_929 = vector.broadcast %get3A_905 : f32 to vector<1x132x128xf32>
    %broadcast_in_dim3A_930 = vector.broadcast %get3A_900 : f32 to vector<1x132x128xf32>
    %select_n3A_931 = arith.select %ne3A_67, %broadcast_in_dim3A_929, %broadcast_in_dim3A_930 : vector<1x132x128xi1>, vector<1x132x128xf32>
    %broadcast_in_dim3A_932 = vector.broadcast %get3A_915 : f32 to vector<1x132x128xf32>
    %broadcast_in_dim3A_933 = vector.broadcast %get3A_910 : f32 to vector<1x132x128xf32>
    %select_n3A_934 = arith.select %ne3A_67, %broadcast_in_dim3A_932, %broadcast_in_dim3A_933 : vector<1x132x128xi1>, vector<1x132x128xf32>
    %broadcast_in_dim3A_935 = vector.broadcast %get3A_925 : f32 to vector<1x132x128xf32>
    %broadcast_in_dim3A_936 = vector.broadcast %get3A_920 : f32 to vector<1x132x128xf32>
    %select_n3A_937 = arith.select %ne3A_67, %broadcast_in_dim3A_935, %broadcast_in_dim3A_936 : vector<1x132x128xi1>, vector<1x132x128xf32>
    %select_n3A_938 = arith.select %ne3A_73, %select_n3A_931, %select_n3A_928 : vector<1x132x128xi1>, vector<1x132x128xf32>
    %select_n3A_939 = arith.select %ne3A_73, %select_n3A_937, %select_n3A_934 : vector<1x132x128xi1>, vector<1x132x128xf32>
    %select_n3A_940 = arith.select %ne3A_79, %select_n3A_939, %select_n3A_938 : vector<1x132x128xi1>, vector<1x132x128xf32>
    %broadcast_in_dim3A_941 = vector.shape_cast %get3A_13 : vector<132x128xf32> to vector<1x132x128xf32>
    %sub3A_942 = arith.subf %select_n3A_940, %broadcast_in_dim3A_941 : vector<1x132x128xf32>
    %broadcast_in_dim3A_943 = vector.shape_cast %get3A_23 : vector<132x128xf32> to vector<1x132x128xf32>
    %mul3A_944 = arith.mulf %sub3A_942, %broadcast_in_dim3A_943 : vector<1x132x128xf32>
    %get3A_945 = arith.constant 0 : index
    %get3A_946 = arith.constant 5 : index
    %get3A_947 = arith.constant 0 : index
    %get3A_948 = arith.constant 0 : index
    %get3A_949 = vector.load %arg3[%get3A_945, %get3A_946, %get3A_947, %get3A_948] : memref<1x10x132x128xf32, #tpu.memory_space<vmem>>, vector<1x1x132x128xf32>
    %get3A_950 = vector.shape_cast %get3A_949 : vector<1x1x132x128xf32> to vector<132x128xf32>
    %broadcast_in_dim3A_951 = vector.shape_cast %get3A_950 : vector<132x128xf32> to vector<1x132x128xf32>
    %sub3A_952 = arith.subf %broadcast_in_dim3A_951, %mul3A_944 : vector<1x132x128xf32>
    %abs3A_953 = math.absf %sub3A_952 : vector<1x132x128xf32>
    %lt3A_954 = arith.constant 1.000000e+00 : f32
    %lt3A_955 = vector.broadcast %lt3A_954 : f32 to vector<1x132x128xf32>
    %lt3A_956 = arith.cmpf olt, %abs3A_953, %lt3A_955 : vector<1x132x128xf32>
    %mul3A_957 = arith.constant 5.000000e-01 : f32
    %mul3A_958 = vector.broadcast %mul3A_957 : f32 to vector<1x132x128xf32>
    %mul3A_959 = arith.mulf %mul3A_958, %sub3A_952 : vector<1x132x128xf32>
    %mul3A_960 = arith.mulf %mul3A_959, %sub3A_952 : vector<1x132x128xf32>
    %sub3A_961 = arith.constant 5.000000e-01 : f32
    %sub3A_962 = vector.broadcast %sub3A_961 : f32 to vector<1x132x128xf32>
    %sub3A_963 = arith.subf %abs3A_953, %sub3A_962 : vector<1x132x128xf32>
    %select_n3A_964 = arith.select %lt3A_956, %mul3A_960, %sub3A_963 : vector<1x132x128xi1>, vector<1x132x128xf32>
    %add3A_965 = arith.addf %add3A_885, %select_n3A_964 : vector<1x132x128xf32>
    %get3A_966 = arith.constant 0 : index
    %get3A_967 = arith.constant 0 : index
    %get3A_968 = arith.constant 10 : index
    %get3A_969 = vector.load %arg5[%get3A_966, %get3A_967, %get3A_968] : memref<1x8x15xf32, #tpu.memory_space<vmem>>, vector<1x1x1xf32>
    %get3A_970 = vector.extract %get3A_969[0, 0, 0] : f32 from vector<1x1x1xf32>
    %get3A_971 = arith.constant 0 : index
    %get3A_972 = arith.constant 1 : index
    %get3A_973 = arith.constant 10 : index
    %get3A_974 = vector.load %arg5[%get3A_971, %get3A_972, %get3A_973] : memref<1x8x15xf32, #tpu.memory_space<vmem>>, vector<1x1x1xf32>
    %get3A_975 = vector.extract %get3A_974[0, 0, 0] : f32 from vector<1x1x1xf32>
    %get3A_976 = arith.constant 0 : index
    %get3A_977 = arith.constant 2 : index
    %get3A_978 = arith.constant 10 : index
    %get3A_979 = vector.load %arg5[%get3A_976, %get3A_977, %get3A_978] : memref<1x8x15xf32, #tpu.memory_space<vmem>>, vector<1x1x1xf32>
    %get3A_980 = vector.extract %get3A_979[0, 0, 0] : f32 from vector<1x1x1xf32>
    %get3A_981 = arith.constant 0 : index
    %get3A_982 = arith.constant 3 : index
    %get3A_983 = arith.constant 10 : index
    %get3A_984 = vector.load %arg5[%get3A_981, %get3A_982, %get3A_983] : memref<1x8x15xf32, #tpu.memory_space<vmem>>, vector<1x1x1xf32>
    %get3A_985 = vector.extract %get3A_984[0, 0, 0] : f32 from vector<1x1x1xf32>
    %get3A_986 = arith.constant 0 : index
    %get3A_987 = arith.constant 4 : index
    %get3A_988 = arith.constant 10 : index
    %get3A_989 = vector.load %arg5[%get3A_986, %get3A_987, %get3A_988] : memref<1x8x15xf32, #tpu.memory_space<vmem>>, vector<1x1x1xf32>
    %get3A_990 = vector.extract %get3A_989[0, 0, 0] : f32 from vector<1x1x1xf32>
    %get3A_991 = arith.constant 0 : index
    %get3A_992 = arith.constant 5 : index
    %get3A_993 = arith.constant 10 : index
    %get3A_994 = vector.load %arg5[%get3A_991, %get3A_992, %get3A_993] : memref<1x8x15xf32, #tpu.memory_space<vmem>>, vector<1x1x1xf32>
    %get3A_995 = vector.extract %get3A_994[0, 0, 0] : f32 from vector<1x1x1xf32>
    %get3A_996 = arith.constant 0 : index
    %get3A_997 = arith.constant 6 : index
    %get3A_998 = arith.constant 10 : index
    %get3A_999 = vector.load %arg5[%get3A_996, %get3A_997, %get3A_998] : memref<1x8x15xf32, #tpu.memory_space<vmem>>, vector<1x1x1xf32>
    %get3A_1000 = vector.extract %get3A_999[0, 0, 0] : f32 from vector<1x1x1xf32>
    %get3A_1001 = arith.constant 0 : index
    %get3A_1002 = arith.constant 7 : index
    %get3A_1003 = arith.constant 10 : index
    %get3A_1004 = vector.load %arg5[%get3A_1001, %get3A_1002, %get3A_1003] : memref<1x8x15xf32, #tpu.memory_space<vmem>>, vector<1x1x1xf32>
    %get3A_1005 = vector.extract %get3A_1004[0, 0, 0] : f32 from vector<1x1x1xf32>
    %broadcast_in_dim3A_1006 = vector.broadcast %get3A_975 : f32 to vector<1x132x128xf32>
    %broadcast_in_dim3A_1007 = vector.broadcast %get3A_970 : f32 to vector<1x132x128xf32>
    %select_n3A_1008 = arith.select %ne3A_67, %broadcast_in_dim3A_1006, %broadcast_in_dim3A_1007 : vector<1x132x128xi1>, vector<1x132x128xf32>
    %broadcast_in_dim3A_1009 = vector.broadcast %get3A_985 : f32 to vector<1x132x128xf32>
    %broadcast_in_dim3A_1010 = vector.broadcast %get3A_980 : f32 to vector<1x132x128xf32>
    %select_n3A_1011 = arith.select %ne3A_67, %broadcast_in_dim3A_1009, %broadcast_in_dim3A_1010 : vector<1x132x128xi1>, vector<1x132x128xf32>
    %broadcast_in_dim3A_1012 = vector.broadcast %get3A_995 : f32 to vector<1x132x128xf32>
    %broadcast_in_dim3A_1013 = vector.broadcast %get3A_990 : f32 to vector<1x132x128xf32>
    %select_n3A_1014 = arith.select %ne3A_67, %broadcast_in_dim3A_1012, %broadcast_in_dim3A_1013 : vector<1x132x128xi1>, vector<1x132x128xf32>
    %broadcast_in_dim3A_1015 = vector.broadcast %get3A_1005 : f32 to vector<1x132x128xf32>
    %broadcast_in_dim3A_1016 = vector.broadcast %get3A_1000 : f32 to vector<1x132x128xf32>
    %select_n3A_1017 = arith.select %ne3A_67, %broadcast_in_dim3A_1015, %broadcast_in_dim3A_1016 : vector<1x132x128xi1>, vector<1x132x128xf32>
    %select_n3A_1018 = arith.select %ne3A_73, %select_n3A_1011, %select_n3A_1008 : vector<1x132x128xi1>, vector<1x132x128xf32>
    %select_n3A_1019 = arith.select %ne3A_73, %select_n3A_1017, %select_n3A_1014 : vector<1x132x128xi1>, vector<1x132x128xf32>
    %select_n3A_1020 = arith.select %ne3A_79, %select_n3A_1019, %select_n3A_1018 : vector<1x132x128xi1>, vector<1x132x128xf32>
    %broadcast_in_dim3A_1021 = vector.shape_cast %get3A_8 : vector<132x128xf32> to vector<1x132x128xf32>
    %sub3A_1022 = arith.subf %select_n3A_1020, %broadcast_in_dim3A_1021 : vector<1x132x128xf32>
    %broadcast_in_dim3A_1023 = vector.shape_cast %get3A_18 : vector<132x128xf32> to vector<1x132x128xf32>
    %mul3A_1024 = arith.mulf %sub3A_1022, %broadcast_in_dim3A_1023 : vector<1x132x128xf32>
    %get3A_1025 = arith.constant 0 : index
    %get3A_1026 = arith.constant 6 : index
    %get3A_1027 = arith.constant 0 : index
    %get3A_1028 = arith.constant 0 : index
    %get3A_1029 = vector.load %arg3[%get3A_1025, %get3A_1026, %get3A_1027, %get3A_1028] : memref<1x10x132x128xf32, #tpu.memory_space<vmem>>, vector<1x1x132x128xf32>
    %get3A_1030 = vector.shape_cast %get3A_1029 : vector<1x1x132x128xf32> to vector<132x128xf32>
    %broadcast_in_dim3A_1031 = vector.shape_cast %get3A_1030 : vector<132x128xf32> to vector<1x132x128xf32>
    %sub3A_1032 = arith.subf %broadcast_in_dim3A_1031, %mul3A_1024 : vector<1x132x128xf32>
    %abs3A_1033 = math.absf %sub3A_1032 : vector<1x132x128xf32>
    %lt3A_1034 = arith.constant 1.000000e+00 : f32
    %lt3A_1035 = vector.broadcast %lt3A_1034 : f32 to vector<1x132x128xf32>
    %lt3A_1036 = arith.cmpf olt, %abs3A_1033, %lt3A_1035 : vector<1x132x128xf32>
    %mul3A_1037 = arith.constant 5.000000e-01 : f32
    %mul3A_1038 = vector.broadcast %mul3A_1037 : f32 to vector<1x132x128xf32>
    %mul3A_1039 = arith.mulf %mul3A_1038, %sub3A_1032 : vector<1x132x128xf32>
    %mul3A_1040 = arith.mulf %mul3A_1039, %sub3A_1032 : vector<1x132x128xf32>
    %sub3A_1041 = arith.constant 5.000000e-01 : f32
    %sub3A_1042 = vector.broadcast %sub3A_1041 : f32 to vector<1x132x128xf32>
    %sub3A_1043 = arith.subf %abs3A_1033, %sub3A_1042 : vector<1x132x128xf32>
    %select_n3A_1044 = arith.select %lt3A_1036, %mul3A_1040, %sub3A_1043 : vector<1x132x128xi1>, vector<1x132x128xf32>
    %add3A_1045 = arith.addf %add3A_965, %select_n3A_1044 : vector<1x132x128xf32>
    %get3A_1046 = arith.constant 0 : index
    %get3A_1047 = arith.constant 0 : index
    %get3A_1048 = arith.constant 11 : index
    %get3A_1049 = vector.load %arg5[%get3A_1046, %get3A_1047, %get3A_1048] : memref<1x8x15xf32, #tpu.memory_space<vmem>>, vector<1x1x1xf32>
    %get3A_1050 = vector.extract %get3A_1049[0, 0, 0] : f32 from vector<1x1x1xf32>
    %get3A_1051 = arith.constant 0 : index
    %get3A_1052 = arith.constant 1 : index
    %get3A_1053 = arith.constant 11 : index
    %get3A_1054 = vector.load %arg5[%get3A_1051, %get3A_1052, %get3A_1053] : memref<1x8x15xf32, #tpu.memory_space<vmem>>, vector<1x1x1xf32>
    %get3A_1055 = vector.extract %get3A_1054[0, 0, 0] : f32 from vector<1x1x1xf32>
    %get3A_1056 = arith.constant 0 : index
    %get3A_1057 = arith.constant 2 : index
    %get3A_1058 = arith.constant 11 : index
    %get3A_1059 = vector.load %arg5[%get3A_1056, %get3A_1057, %get3A_1058] : memref<1x8x15xf32, #tpu.memory_space<vmem>>, vector<1x1x1xf32>
    %get3A_1060 = vector.extract %get3A_1059[0, 0, 0] : f32 from vector<1x1x1xf32>
    %get3A_1061 = arith.constant 0 : index
    %get3A_1062 = arith.constant 3 : index
    %get3A_1063 = arith.constant 11 : index
    %get3A_1064 = vector.load %arg5[%get3A_1061, %get3A_1062, %get3A_1063] : memref<1x8x15xf32, #tpu.memory_space<vmem>>, vector<1x1x1xf32>
    %get3A_1065 = vector.extract %get3A_1064[0, 0, 0] : f32 from vector<1x1x1xf32>
    %get3A_1066 = arith.constant 0 : index
    %get3A_1067 = arith.constant 4 : index
    %get3A_1068 = arith.constant 11 : index
    %get3A_1069 = vector.load %arg5[%get3A_1066, %get3A_1067, %get3A_1068] : memref<1x8x15xf32, #tpu.memory_space<vmem>>, vector<1x1x1xf32>
    %get3A_1070 = vector.extract %get3A_1069[0, 0, 0] : f32 from vector<1x1x1xf32>
    %get3A_1071 = arith.constant 0 : index
    %get3A_1072 = arith.constant 5 : index
    %get3A_1073 = arith.constant 11 : index
    %get3A_1074 = vector.load %arg5[%get3A_1071, %get3A_1072, %get3A_1073] : memref<1x8x15xf32, #tpu.memory_space<vmem>>, vector<1x1x1xf32>
    %get3A_1075 = vector.extract %get3A_1074[0, 0, 0] : f32 from vector<1x1x1xf32>
    %get3A_1076 = arith.constant 0 : index
    %get3A_1077 = arith.constant 6 : index
    %get3A_1078 = arith.constant 11 : index
    %get3A_1079 = vector.load %arg5[%get3A_1076, %get3A_1077, %get3A_1078] : memref<1x8x15xf32, #tpu.memory_space<vmem>>, vector<1x1x1xf32>
    %get3A_1080 = vector.extract %get3A_1079[0, 0, 0] : f32 from vector<1x1x1xf32>
    %get3A_1081 = arith.constant 0 : index
    %get3A_1082 = arith.constant 7 : index
    %get3A_1083 = arith.constant 11 : index
    %get3A_1084 = vector.load %arg5[%get3A_1081, %get3A_1082, %get3A_1083] : memref<1x8x15xf32, #tpu.memory_space<vmem>>, vector<1x1x1xf32>
    %get3A_1085 = vector.extract %get3A_1084[0, 0, 0] : f32 from vector<1x1x1xf32>
    %broadcast_in_dim3A_1086 = vector.broadcast %get3A_1055 : f32 to vector<1x132x128xf32>
    %broadcast_in_dim3A_1087 = vector.broadcast %get3A_1050 : f32 to vector<1x132x128xf32>
    %select_n3A_1088 = arith.select %ne3A_67, %broadcast_in_dim3A_1086, %broadcast_in_dim3A_1087 : vector<1x132x128xi1>, vector<1x132x128xf32>
    %broadcast_in_dim3A_1089 = vector.broadcast %get3A_1065 : f32 to vector<1x132x128xf32>
    %broadcast_in_dim3A_1090 = vector.broadcast %get3A_1060 : f32 to vector<1x132x128xf32>
    %select_n3A_1091 = arith.select %ne3A_67, %broadcast_in_dim3A_1089, %broadcast_in_dim3A_1090 : vector<1x132x128xi1>, vector<1x132x128xf32>
    %broadcast_in_dim3A_1092 = vector.broadcast %get3A_1075 : f32 to vector<1x132x128xf32>
    %broadcast_in_dim3A_1093 = vector.broadcast %get3A_1070 : f32 to vector<1x132x128xf32>
    %select_n3A_1094 = arith.select %ne3A_67, %broadcast_in_dim3A_1092, %broadcast_in_dim3A_1093 : vector<1x132x128xi1>, vector<1x132x128xf32>
    %broadcast_in_dim3A_1095 = vector.broadcast %get3A_1085 : f32 to vector<1x132x128xf32>
    %broadcast_in_dim3A_1096 = vector.broadcast %get3A_1080 : f32 to vector<1x132x128xf32>
    %select_n3A_1097 = arith.select %ne3A_67, %broadcast_in_dim3A_1095, %broadcast_in_dim3A_1096 : vector<1x132x128xi1>, vector<1x132x128xf32>
    %select_n3A_1098 = arith.select %ne3A_73, %select_n3A_1091, %select_n3A_1088 : vector<1x132x128xi1>, vector<1x132x128xf32>
    %select_n3A_1099 = arith.select %ne3A_73, %select_n3A_1097, %select_n3A_1094 : vector<1x132x128xi1>, vector<1x132x128xf32>
    %select_n3A_1100 = arith.select %ne3A_79, %select_n3A_1099, %select_n3A_1098 : vector<1x132x128xi1>, vector<1x132x128xf32>
    %broadcast_in_dim3A_1101 = vector.shape_cast %get3A_13 : vector<132x128xf32> to vector<1x132x128xf32>
    %sub3A_1102 = arith.subf %select_n3A_1100, %broadcast_in_dim3A_1101 : vector<1x132x128xf32>
    %broadcast_in_dim3A_1103 = vector.shape_cast %get3A_23 : vector<132x128xf32> to vector<1x132x128xf32>
    %mul3A_1104 = arith.mulf %sub3A_1102, %broadcast_in_dim3A_1103 : vector<1x132x128xf32>
    %get3A_1105 = arith.constant 0 : index
    %get3A_1106 = arith.constant 7 : index
    %get3A_1107 = arith.constant 0 : index
    %get3A_1108 = arith.constant 0 : index
    %get3A_1109 = vector.load %arg3[%get3A_1105, %get3A_1106, %get3A_1107, %get3A_1108] : memref<1x10x132x128xf32, #tpu.memory_space<vmem>>, vector<1x1x132x128xf32>
    %get3A_1110 = vector.shape_cast %get3A_1109 : vector<1x1x132x128xf32> to vector<132x128xf32>
    %broadcast_in_dim3A_1111 = vector.shape_cast %get3A_1110 : vector<132x128xf32> to vector<1x132x128xf32>
    %sub3A_1112 = arith.subf %broadcast_in_dim3A_1111, %mul3A_1104 : vector<1x132x128xf32>
    %abs3A_1113 = math.absf %sub3A_1112 : vector<1x132x128xf32>
    %lt3A_1114 = arith.constant 1.000000e+00 : f32
    %lt3A_1115 = vector.broadcast %lt3A_1114 : f32 to vector<1x132x128xf32>
    %lt3A_1116 = arith.cmpf olt, %abs3A_1113, %lt3A_1115 : vector<1x132x128xf32>
    %mul3A_1117 = arith.constant 5.000000e-01 : f32
    %mul3A_1118 = vector.broadcast %mul3A_1117 : f32 to vector<1x132x128xf32>
    %mul3A_1119 = arith.mulf %mul3A_1118, %sub3A_1112 : vector<1x132x128xf32>
    %mul3A_1120 = arith.mulf %mul3A_1119, %sub3A_1112 : vector<1x132x128xf32>
    %sub3A_1121 = arith.constant 5.000000e-01 : f32
    %sub3A_1122 = vector.broadcast %sub3A_1121 : f32 to vector<1x132x128xf32>
    %sub3A_1123 = arith.subf %abs3A_1113, %sub3A_1122 : vector<1x132x128xf32>
    %select_n3A_1124 = arith.select %lt3A_1116, %mul3A_1120, %sub3A_1123 : vector<1x132x128xi1>, vector<1x132x128xf32>
    %add3A_1125 = arith.addf %add3A_1045, %select_n3A_1124 : vector<1x132x128xf32>
    %get3A_1126 = arith.constant 0 : index
    %get3A_1127 = arith.constant 0 : index
    %get3A_1128 = arith.constant 12 : index
    %get3A_1129 = vector.load %arg5[%get3A_1126, %get3A_1127, %get3A_1128] : memref<1x8x15xf32, #tpu.memory_space<vmem>>, vector<1x1x1xf32>
    %get3A_1130 = vector.extract %get3A_1129[0, 0, 0] : f32 from vector<1x1x1xf32>
    %get3A_1131 = arith.constant 0 : index
    %get3A_1132 = arith.constant 1 : index
    %get3A_1133 = arith.constant 12 : index
    %get3A_1134 = vector.load %arg5[%get3A_1131, %get3A_1132, %get3A_1133] : memref<1x8x15xf32, #tpu.memory_space<vmem>>, vector<1x1x1xf32>
    %get3A_1135 = vector.extract %get3A_1134[0, 0, 0] : f32 from vector<1x1x1xf32>
    %get3A_1136 = arith.constant 0 : index
    %get3A_1137 = arith.constant 2 : index
    %get3A_1138 = arith.constant 12 : index
    %get3A_1139 = vector.load %arg5[%get3A_1136, %get3A_1137, %get3A_1138] : memref<1x8x15xf32, #tpu.memory_space<vmem>>, vector<1x1x1xf32>
    %get3A_1140 = vector.extract %get3A_1139[0, 0, 0] : f32 from vector<1x1x1xf32>
    %get3A_1141 = arith.constant 0 : index
    %get3A_1142 = arith.constant 3 : index
    %get3A_1143 = arith.constant 12 : index
    %get3A_1144 = vector.load %arg5[%get3A_1141, %get3A_1142, %get3A_1143] : memref<1x8x15xf32, #tpu.memory_space<vmem>>, vector<1x1x1xf32>
    %get3A_1145 = vector.extract %get3A_1144[0, 0, 0] : f32 from vector<1x1x1xf32>
    %get3A_1146 = arith.constant 0 : index
    %get3A_1147 = arith.constant 4 : index
    %get3A_1148 = arith.constant 12 : index
    %get3A_1149 = vector.load %arg5[%get3A_1146, %get3A_1147, %get3A_1148] : memref<1x8x15xf32, #tpu.memory_space<vmem>>, vector<1x1x1xf32>
    %get3A_1150 = vector.extract %get3A_1149[0, 0, 0] : f32 from vector<1x1x1xf32>
    %get3A_1151 = arith.constant 0 : index
    %get3A_1152 = arith.constant 5 : index
    %get3A_1153 = arith.constant 12 : index
    %get3A_1154 = vector.load %arg5[%get3A_1151, %get3A_1152, %get3A_1153] : memref<1x8x15xf32, #tpu.memory_space<vmem>>, vector<1x1x1xf32>
    %get3A_1155 = vector.extract %get3A_1154[0, 0, 0] : f32 from vector<1x1x1xf32>
    %get3A_1156 = arith.constant 0 : index
    %get3A_1157 = arith.constant 6 : index
    %get3A_1158 = arith.constant 12 : index
    %get3A_1159 = vector.load %arg5[%get3A_1156, %get3A_1157, %get3A_1158] : memref<1x8x15xf32, #tpu.memory_space<vmem>>, vector<1x1x1xf32>
    %get3A_1160 = vector.extract %get3A_1159[0, 0, 0] : f32 from vector<1x1x1xf32>
    %get3A_1161 = arith.constant 0 : index
    %get3A_1162 = arith.constant 7 : index
    %get3A_1163 = arith.constant 12 : index
    %get3A_1164 = vector.load %arg5[%get3A_1161, %get3A_1162, %get3A_1163] : memref<1x8x15xf32, #tpu.memory_space<vmem>>, vector<1x1x1xf32>
    %get3A_1165 = vector.extract %get3A_1164[0, 0, 0] : f32 from vector<1x1x1xf32>
    %broadcast_in_dim3A_1166 = vector.broadcast %get3A_1135 : f32 to vector<1x132x128xf32>
    %broadcast_in_dim3A_1167 = vector.broadcast %get3A_1130 : f32 to vector<1x132x128xf32>
    %select_n3A_1168 = arith.select %ne3A_67, %broadcast_in_dim3A_1166, %broadcast_in_dim3A_1167 : vector<1x132x128xi1>, vector<1x132x128xf32>
    %broadcast_in_dim3A_1169 = vector.broadcast %get3A_1145 : f32 to vector<1x132x128xf32>
    %broadcast_in_dim3A_1170 = vector.broadcast %get3A_1140 : f32 to vector<1x132x128xf32>
    %select_n3A_1171 = arith.select %ne3A_67, %broadcast_in_dim3A_1169, %broadcast_in_dim3A_1170 : vector<1x132x128xi1>, vector<1x132x128xf32>
    %broadcast_in_dim3A_1172 = vector.broadcast %get3A_1155 : f32 to vector<1x132x128xf32>
    %broadcast_in_dim3A_1173 = vector.broadcast %get3A_1150 : f32 to vector<1x132x128xf32>
    %select_n3A_1174 = arith.select %ne3A_67, %broadcast_in_dim3A_1172, %broadcast_in_dim3A_1173 : vector<1x132x128xi1>, vector<1x132x128xf32>
    %broadcast_in_dim3A_1175 = vector.broadcast %get3A_1165 : f32 to vector<1x132x128xf32>
    %broadcast_in_dim3A_1176 = vector.broadcast %get3A_1160 : f32 to vector<1x132x128xf32>
    %select_n3A_1177 = arith.select %ne3A_67, %broadcast_in_dim3A_1175, %broadcast_in_dim3A_1176 : vector<1x132x128xi1>, vector<1x132x128xf32>
    %select_n3A_1178 = arith.select %ne3A_73, %select_n3A_1171, %select_n3A_1168 : vector<1x132x128xi1>, vector<1x132x128xf32>
    %select_n3A_1179 = arith.select %ne3A_73, %select_n3A_1177, %select_n3A_1174 : vector<1x132x128xi1>, vector<1x132x128xf32>
    %select_n3A_1180 = arith.select %ne3A_79, %select_n3A_1179, %select_n3A_1178 : vector<1x132x128xi1>, vector<1x132x128xf32>
    %broadcast_in_dim3A_1181 = vector.shape_cast %get3A_8 : vector<132x128xf32> to vector<1x132x128xf32>
    %sub3A_1182 = arith.subf %select_n3A_1180, %broadcast_in_dim3A_1181 : vector<1x132x128xf32>
    %broadcast_in_dim3A_1183 = vector.shape_cast %get3A_18 : vector<132x128xf32> to vector<1x132x128xf32>
    %mul3A_1184 = arith.mulf %sub3A_1182, %broadcast_in_dim3A_1183 : vector<1x132x128xf32>
    %get3A_1185 = arith.constant 0 : index
    %get3A_1186 = arith.constant 8 : index
    %get3A_1187 = arith.constant 0 : index
    %get3A_1188 = arith.constant 0 : index
    %get3A_1189 = vector.load %arg3[%get3A_1185, %get3A_1186, %get3A_1187, %get3A_1188] : memref<1x10x132x128xf32, #tpu.memory_space<vmem>>, vector<1x1x132x128xf32>
    %get3A_1190 = vector.shape_cast %get3A_1189 : vector<1x1x132x128xf32> to vector<132x128xf32>
    %broadcast_in_dim3A_1191 = vector.shape_cast %get3A_1190 : vector<132x128xf32> to vector<1x132x128xf32>
    %sub3A_1192 = arith.subf %broadcast_in_dim3A_1191, %mul3A_1184 : vector<1x132x128xf32>
    %abs3A_1193 = math.absf %sub3A_1192 : vector<1x132x128xf32>
    %lt3A_1194 = arith.constant 1.000000e+00 : f32
    %lt3A_1195 = vector.broadcast %lt3A_1194 : f32 to vector<1x132x128xf32>
    %lt3A_1196 = arith.cmpf olt, %abs3A_1193, %lt3A_1195 : vector<1x132x128xf32>
    %mul3A_1197 = arith.constant 5.000000e-01 : f32
    %mul3A_1198 = vector.broadcast %mul3A_1197 : f32 to vector<1x132x128xf32>
    %mul3A_1199 = arith.mulf %mul3A_1198, %sub3A_1192 : vector<1x132x128xf32>
    %mul3A_1200 = arith.mulf %mul3A_1199, %sub3A_1192 : vector<1x132x128xf32>
    %sub3A_1201 = arith.constant 5.000000e-01 : f32
    %sub3A_1202 = vector.broadcast %sub3A_1201 : f32 to vector<1x132x128xf32>
    %sub3A_1203 = arith.subf %abs3A_1193, %sub3A_1202 : vector<1x132x128xf32>
    %select_n3A_1204 = arith.select %lt3A_1196, %mul3A_1200, %sub3A_1203 : vector<1x132x128xi1>, vector<1x132x128xf32>
    %add3A_1205 = arith.addf %add3A_1125, %select_n3A_1204 : vector<1x132x128xf32>
    %get3A_1206 = arith.constant 0 : index
    %get3A_1207 = arith.constant 0 : index
    %get3A_1208 = arith.constant 13 : index
    %get3A_1209 = vector.load %arg5[%get3A_1206, %get3A_1207, %get3A_1208] : memref<1x8x15xf32, #tpu.memory_space<vmem>>, vector<1x1x1xf32>
    %get3A_1210 = vector.extract %get3A_1209[0, 0, 0] : f32 from vector<1x1x1xf32>
    %get3A_1211 = arith.constant 0 : index
    %get3A_1212 = arith.constant 1 : index
    %get3A_1213 = arith.constant 13 : index
    %get3A_1214 = vector.load %arg5[%get3A_1211, %get3A_1212, %get3A_1213] : memref<1x8x15xf32, #tpu.memory_space<vmem>>, vector<1x1x1xf32>
    %get3A_1215 = vector.extract %get3A_1214[0, 0, 0] : f32 from vector<1x1x1xf32>
    %get3A_1216 = arith.constant 0 : index
    %get3A_1217 = arith.constant 2 : index
    %get3A_1218 = arith.constant 13 : index
    %get3A_1219 = vector.load %arg5[%get3A_1216, %get3A_1217, %get3A_1218] : memref<1x8x15xf32, #tpu.memory_space<vmem>>, vector<1x1x1xf32>
    %get3A_1220 = vector.extract %get3A_1219[0, 0, 0] : f32 from vector<1x1x1xf32>
    %get3A_1221 = arith.constant 0 : index
    %get3A_1222 = arith.constant 3 : index
    %get3A_1223 = arith.constant 13 : index
    %get3A_1224 = vector.load %arg5[%get3A_1221, %get3A_1222, %get3A_1223] : memref<1x8x15xf32, #tpu.memory_space<vmem>>, vector<1x1x1xf32>
    %get3A_1225 = vector.extract %get3A_1224[0, 0, 0] : f32 from vector<1x1x1xf32>
    %get3A_1226 = arith.constant 0 : index
    %get3A_1227 = arith.constant 4 : index
    %get3A_1228 = arith.constant 13 : index
    %get3A_1229 = vector.load %arg5[%get3A_1226, %get3A_1227, %get3A_1228] : memref<1x8x15xf32, #tpu.memory_space<vmem>>, vector<1x1x1xf32>
    %get3A_1230 = vector.extract %get3A_1229[0, 0, 0] : f32 from vector<1x1x1xf32>
    %get3A_1231 = arith.constant 0 : index
    %get3A_1232 = arith.constant 5 : index
    %get3A_1233 = arith.constant 13 : index
    %get3A_1234 = vector.load %arg5[%get3A_1231, %get3A_1232, %get3A_1233] : memref<1x8x15xf32, #tpu.memory_space<vmem>>, vector<1x1x1xf32>
    %get3A_1235 = vector.extract %get3A_1234[0, 0, 0] : f32 from vector<1x1x1xf32>
    %get3A_1236 = arith.constant 0 : index
    %get3A_1237 = arith.constant 6 : index
    %get3A_1238 = arith.constant 13 : index
    %get3A_1239 = vector.load %arg5[%get3A_1236, %get3A_1237, %get3A_1238] : memref<1x8x15xf32, #tpu.memory_space<vmem>>, vector<1x1x1xf32>
    %get3A_1240 = vector.extract %get3A_1239[0, 0, 0] : f32 from vector<1x1x1xf32>
    %get3A_1241 = arith.constant 0 : index
    %get3A_1242 = arith.constant 7 : index
    %get3A_1243 = arith.constant 13 : index
    %get3A_1244 = vector.load %arg5[%get3A_1241, %get3A_1242, %get3A_1243] : memref<1x8x15xf32, #tpu.memory_space<vmem>>, vector<1x1x1xf32>
    %get3A_1245 = vector.extract %get3A_1244[0, 0, 0] : f32 from vector<1x1x1xf32>
    %broadcast_in_dim3A_1246 = vector.broadcast %get3A_1215 : f32 to vector<1x132x128xf32>
    %broadcast_in_dim3A_1247 = vector.broadcast %get3A_1210 : f32 to vector<1x132x128xf32>
    %select_n3A_1248 = arith.select %ne3A_67, %broadcast_in_dim3A_1246, %broadcast_in_dim3A_1247 : vector<1x132x128xi1>, vector<1x132x128xf32>
    %broadcast_in_dim3A_1249 = vector.broadcast %get3A_1225 : f32 to vector<1x132x128xf32>
    %broadcast_in_dim3A_1250 = vector.broadcast %get3A_1220 : f32 to vector<1x132x128xf32>
    %select_n3A_1251 = arith.select %ne3A_67, %broadcast_in_dim3A_1249, %broadcast_in_dim3A_1250 : vector<1x132x128xi1>, vector<1x132x128xf32>
    %broadcast_in_dim3A_1252 = vector.broadcast %get3A_1235 : f32 to vector<1x132x128xf32>
    %broadcast_in_dim3A_1253 = vector.broadcast %get3A_1230 : f32 to vector<1x132x128xf32>
    %select_n3A_1254 = arith.select %ne3A_67, %broadcast_in_dim3A_1252, %broadcast_in_dim3A_1253 : vector<1x132x128xi1>, vector<1x132x128xf32>
    %broadcast_in_dim3A_1255 = vector.broadcast %get3A_1245 : f32 to vector<1x132x128xf32>
    %broadcast_in_dim3A_1256 = vector.broadcast %get3A_1240 : f32 to vector<1x132x128xf32>
    %select_n3A_1257 = arith.select %ne3A_67, %broadcast_in_dim3A_1255, %broadcast_in_dim3A_1256 : vector<1x132x128xi1>, vector<1x132x128xf32>
    %select_n3A_1258 = arith.select %ne3A_73, %select_n3A_1251, %select_n3A_1248 : vector<1x132x128xi1>, vector<1x132x128xf32>
    %select_n3A_1259 = arith.select %ne3A_73, %select_n3A_1257, %select_n3A_1254 : vector<1x132x128xi1>, vector<1x132x128xf32>
    %select_n3A_1260 = arith.select %ne3A_79, %select_n3A_1259, %select_n3A_1258 : vector<1x132x128xi1>, vector<1x132x128xf32>
    %broadcast_in_dim3A_1261 = vector.shape_cast %get3A_13 : vector<132x128xf32> to vector<1x132x128xf32>
    %sub3A_1262 = arith.subf %select_n3A_1260, %broadcast_in_dim3A_1261 : vector<1x132x128xf32>
    %broadcast_in_dim3A_1263 = vector.shape_cast %get3A_23 : vector<132x128xf32> to vector<1x132x128xf32>
    %mul3A_1264 = arith.mulf %sub3A_1262, %broadcast_in_dim3A_1263 : vector<1x132x128xf32>
    %get3A_1265 = arith.constant 0 : index
    %get3A_1266 = arith.constant 9 : index
    %get3A_1267 = arith.constant 0 : index
    %get3A_1268 = arith.constant 0 : index
    %get3A_1269 = vector.load %arg3[%get3A_1265, %get3A_1266, %get3A_1267, %get3A_1268] : memref<1x10x132x128xf32, #tpu.memory_space<vmem>>, vector<1x1x132x128xf32>
    %get3A_1270 = vector.shape_cast %get3A_1269 : vector<1x1x132x128xf32> to vector<132x128xf32>
    %broadcast_in_dim3A_1271 = vector.shape_cast %get3A_1270 : vector<132x128xf32> to vector<1x132x128xf32>
    %sub3A_1272 = arith.subf %broadcast_in_dim3A_1271, %mul3A_1264 : vector<1x132x128xf32>
    %abs3A_1273 = math.absf %sub3A_1272 : vector<1x132x128xf32>
    %lt3A_1274 = arith.constant 1.000000e+00 : f32
    %lt3A_1275 = vector.broadcast %lt3A_1274 : f32 to vector<1x132x128xf32>
    %lt3A_1276 = arith.cmpf olt, %abs3A_1273, %lt3A_1275 : vector<1x132x128xf32>
    %mul3A_1277 = arith.constant 5.000000e-01 : f32
    %mul3A_1278 = vector.broadcast %mul3A_1277 : f32 to vector<1x132x128xf32>
    %mul3A_1279 = arith.mulf %mul3A_1278, %sub3A_1272 : vector<1x132x128xf32>
    %mul3A_1280 = arith.mulf %mul3A_1279, %sub3A_1272 : vector<1x132x128xf32>
    %sub3A_1281 = arith.constant 5.000000e-01 : f32
    %sub3A_1282 = vector.broadcast %sub3A_1281 : f32 to vector<1x132x128xf32>
    %sub3A_1283 = arith.subf %abs3A_1273, %sub3A_1282 : vector<1x132x128xf32>
    %select_n3A_1284 = arith.select %lt3A_1276, %mul3A_1280, %sub3A_1283 : vector<1x132x128xi1>, vector<1x132x128xf32>
    %add3A_1285 = arith.addf %add3A_1205, %select_n3A_1284 : vector<1x132x128xf32>
    %mul3A_1286 = arith.mulf %add3A_1285, %convert_element_type3A_53 : vector<1x132x128xf32>
    %reduce_sum3A_1287 = vector.shape_cast %mul3A_1286 : vector<1x132x128xf32> to vector<1x1x132x128xf32>
    %reduce_sum3A_1288 = arith.constant dense<0.000000e+00> : vector<1xf32>
    %reduce_sum3A_1289 = vector.multi_reduction <add>, %reduce_sum3A_1287, %reduce_sum3A_1288 [1, 2, 3] : vector<1x1x132x128xf32> to vector<1xf32>
    %reduce_sum3A_1290 = vector.shape_cast %reduce_sum3A_1289 : vector<1xf32> to vector<1x1x1x1xf32>
    %reduce_sum3A_1291 = vector.extract %reduce_sum3A_1290[0, 0, 0, 0] : f32 from vector<1x1x1x1xf32>
    %get3A_1292 = arith.constant 0 : index
    %get3A_1293 = arith.constant 0 : index
    %get3A_1294 = arith.constant 0 : index
    %get3A_1295 = arith.constant 0 : index
    %get3A_1296 = vector.load %arg2[%get3A_1292, %get3A_1293, %get3A_1294, %get3A_1295] : memref<1x2x132x128xf32, #tpu.memory_space<vmem>>, vector<1x1x132x128xf32>
    %get3A_1297 = vector.shape_cast %get3A_1296 : vector<1x1x132x128xf32> to vector<132x128xf32>
    %get3A_1298 = arith.constant 0 : index
    %get3A_1299 = arith.constant 1 : index
    %get3A_1300 = arith.constant 0 : index
    %get3A_1301 = arith.constant 0 : index
    %get3A_1302 = vector.load %arg2[%get3A_1298, %get3A_1299, %get3A_1300, %get3A_1301] : memref<1x2x132x128xf32, #tpu.memory_space<vmem>>, vector<1x1x132x128xf32>
    %get3A_1303 = vector.shape_cast %get3A_1302 : vector<1x1x132x128xf32> to vector<132x128xf32>
    %sub3A_1304 = arith.subf %get3A_1303, %get3A_1297 : vector<132x128xf32>
    %max3A = arith.maximumf %get3A_1297, %get3A_1303 : vector<132x128xf32>
    %abs3A_1305 = math.absf %sub3A_1304 : vector<132x128xf32>
    %neg3A = arith.constant 0.000000e+00 : f32
    %neg3A_1306 = vector.broadcast %neg3A : f32 to vector<132x128xf32>
    %neg3A_1307 = arith.subf %neg3A_1306, %abs3A_1305 : vector<132x128xf32>
    %exp3A = math.exp %neg3A_1307 : vector<132x128xf32>
    %add3A_1308 = arith.constant 1.000000e+00 : f32
    %add3A_1309 = vector.broadcast %add3A_1308 : f32 to vector<132x128xf32>
    %add3A_1310 = arith.addf %add3A_1309, %exp3A : vector<132x128xf32>
    %log3A_1311 = math.log %add3A_1310 : vector<132x128xf32>
    %add3A_1312 = arith.addf %max3A, %log3A_1311 : vector<132x128xf32>
    %sub3A_1313 = arith.subf %add3A_1312, %get3A_1303 : vector<132x128xf32>
    %sub3A_1314 = arith.subf %add3A_1312, %get3A_1297 : vector<132x128xf32>
    %broadcast_in_dim3A_1315 = vector.shape_cast %sub3A_1313 : vector<132x128xf32> to vector<1x132x128xf32>
    %mul3A_1316 = arith.mulf %broadcast_in_dim3A_1315, %convert_element_type3A_51 : vector<1x132x128xf32>
    %reduce_sum3A_1317 = vector.shape_cast %mul3A_1316 : vector<1x132x128xf32> to vector<1x1x132x128xf32>
    %reduce_sum3A_1318 = arith.constant dense<0.000000e+00> : vector<1xf32>
    %reduce_sum3A_1319 = vector.multi_reduction <add>, %reduce_sum3A_1317, %reduce_sum3A_1318 [1, 2, 3] : vector<1x1x132x128xf32> to vector<1xf32>
    %reduce_sum3A_1320 = vector.shape_cast %reduce_sum3A_1319 : vector<1xf32> to vector<1x1x1x1xf32>
    %reduce_sum3A_1321 = vector.extract %reduce_sum3A_1320[0, 0, 0, 0] : f32 from vector<1x1x1x1xf32>
    %bitcast_convert_type3A = tpu.bitcast %sub3A_1304 : vector<132x128xf32> -> vector<132x128xi32>
    %ge3A = arith.constant 0 : i32
    %ge3A_1322 = vector.broadcast %ge3A : i32 to vector<132x128xi32>
    %ge3A_1323 = arith.cmpi sge, %bitcast_convert_type3A, %ge3A_1322 : vector<132x128xi32>
    %sub3A_1324 = arith.constant -2147483648 : i32
    %sub3A_1325 = vector.broadcast %sub3A_1324 : i32 to vector<132x128xi32>
    %sub3A_1326 = arith.subi %sub3A_1325, %bitcast_convert_type3A : vector<132x128xi32>
    %sub3A_1327 = arith.constant 1 : i32
    %sub3A_1328 = vector.broadcast %sub3A_1327 : i32 to vector<132x128xi32>
    %sub3A_1329 = arith.subi %sub3A_1326, %sub3A_1328 : vector<132x128xi32>
    %select_n3A_1330 = arith.select %ge3A_1323, %bitcast_convert_type3A, %sub3A_1329 : vector<132x128xi1>, vector<132x128xi32>
    %not3A = arith.constant dense<true> : vector<132x128xi1>
    %not3A_1331 = arith.xori %lt3A_4, %not3A : vector<132x128xi1>
    %broadcast_in_dim3A_1332 = vector.shape_cast %not3A_1331 : vector<132x128xi1> to vector<1x132x128xi1>
    %or3A = arith.ori %ne3A_48, %broadcast_in_dim3A_1332 : vector<1x132x128xi1>
    %jit3A_1333 = arith.constant -2147483648 : i32
    %broadcast_in_dim3A_1334 = vector.broadcast %jit3A_1333 : i32 to vector<1x132x128xi32>
    %broadcast_in_dim3A_1335 = vector.shape_cast %select_n3A_1330 : vector<132x128xi32> to vector<1x132x128xi32>
    %select_n3A_1336 = arith.select %or3A, %broadcast_in_dim3A_1334, %broadcast_in_dim3A_1335 : vector<1x132x128xi1>, vector<1x132x128xi32>
    %swap3A = arith.constant 0 : index
    %swap3A_1337 = arith.constant 0 : index
    %swap3A_1338 = arith.constant 0 : index
    %swap3A_1339 = vector.load %arg9[%swap3A, %swap3A_1337, %swap3A_1338] : memref<1x132x128xi32, #tpu.memory_space<vmem>>, vector<1x132x128xi32>
    tpu.vector_store %arg9[%swap3A, %swap3A_1337, %swap3A_1338], %select_n3A_1336 {strides = array<i32>} : memref<1x132x128xi32, #tpu.memory_space<vmem>>, vector<1x132x128xi32>,
    %reshape3A = vector.shape_cast %sub3A_1314 : vector<132x128xf32> to vector<1x132x128xf32>
    %swap3A_1340 = arith.constant 0 : index
    %swap3A_1341 = arith.constant 0 : index
    %swap3A_1342 = arith.constant 0 : index
    %swap3A_1343 = vector.load %arg10[%swap3A_1340, %swap3A_1341, %swap3A_1342] : memref<1x132x128xf32, #tpu.memory_space<vmem>>, vector<1x132x128xf32>
    tpu.vector_store %arg10[%swap3A_1340, %swap3A_1341, %swap3A_1342], %reshape3A {strides = array<i32>} : memref<1x132x128xf32, #tpu.memory_space<vmem>>, vector<1x132x128xf32>,
    %iota3A_1344 = tpu.iota {dimensions = array<i32: 1>} : vector<1x128xi32>
    %eq3A = arith.constant 0 : i32
    %eq3A_1345 = vector.broadcast %eq3A : i32 to vector<1x128xi32>
    %eq3A_1346 = arith.cmpi eq, %iota3A_1344, %eq3A_1345 : vector<1x128xi32>
    %jit3A_1347 = arith.constant 0.000000e+00 : f32
    %broadcast_in_dim3A_1348 = vector.broadcast %reduce_sum3A_482 : f32 to vector<1x128xf32>
    %broadcast_in_dim3A_1349 = vector.broadcast %jit3A_1347 : f32 to vector<1x128xf32>
    %select_n3A_1350 = arith.select %eq3A_1346, %broadcast_in_dim3A_1348, %broadcast_in_dim3A_1349 : vector<1x128xi1>, vector<1x128xf32>
    %eq3A_1351 = arith.constant 1 : i32
    %eq3A_1352 = vector.broadcast %eq3A_1351 : i32 to vector<1x128xi32>
    %eq3A_1353 = arith.cmpi eq, %iota3A_1344, %eq3A_1352 : vector<1x128xi32>
    %jit3A_1354 = arith.constant 0.000000e+00 : f32
    %broadcast_in_dim3A_1355 = vector.broadcast %reduce_sum3A_1321 : f32 to vector<1x128xf32>
    %broadcast_in_dim3A_1356 = vector.broadcast %jit3A_1354 : f32 to vector<1x128xf32>
    %select_n3A_1357 = arith.select %eq3A_1353, %broadcast_in_dim3A_1355, %broadcast_in_dim3A_1356 : vector<1x128xi1>, vector<1x128xf32>
    %add3A_1358 = arith.addf %select_n3A_1350, %select_n3A_1357 : vector<1x128xf32>
    %eq3A_1359 = arith.constant 2 : i32
    %eq3A_1360 = vector.broadcast %eq3A_1359 : i32 to vector<1x128xi32>
    %eq3A_1361 = arith.cmpi eq, %iota3A_1344, %eq3A_1360 : vector<1x128xi32>
    %jit3A_1362 = arith.constant 0.000000e+00 : f32
    %broadcast_in_dim3A_1363 = vector.broadcast %reduce_sum3A_1291 : f32 to vector<1x128xf32>
    %broadcast_in_dim3A_1364 = vector.broadcast %jit3A_1362 : f32 to vector<1x128xf32>
    %select_n3A_1365 = arith.select %eq3A_1361, %broadcast_in_dim3A_1363, %broadcast_in_dim3A_1364 : vector<1x128xi1>, vector<1x128xf32>
    %add3A_1366 = arith.addf %add3A_1358, %select_n3A_1365 : vector<1x128xf32>
    %eq3A_1367 = arith.constant 3 : i32
    %eq3A_1368 = vector.broadcast %eq3A_1367 : i32 to vector<1x128xi32>
    %eq3A_1369 = arith.cmpi eq, %iota3A_1344, %eq3A_1368 : vector<1x128xi32>
    %jit3A_1370 = arith.constant 0.000000e+00 : f32
    %broadcast_in_dim3A_1371 = vector.broadcast %reduce_sum3A_57 : f32 to vector<1x128xf32>
    %broadcast_in_dim3A_1372 = vector.broadcast %jit3A_1370 : f32 to vector<1x128xf32>
    %select_n3A_1373 = arith.select %eq3A_1369, %broadcast_in_dim3A_1371, %broadcast_in_dim3A_1372 : vector<1x128xi1>, vector<1x128xf32>
    %add3A_1374 = arith.addf %add3A_1366, %select_n3A_1373 : vector<1x128xf32>
    %eq3A_1375 = arith.constant 4 : i32
    %eq3A_1376 = vector.broadcast %eq3A_1375 : i32 to vector<1x128xi32>
    %eq3A_1377 = arith.cmpi eq, %iota3A_1344, %eq3A_1376 : vector<1x128xi32>
    %jit3A_1378 = arith.constant 0.000000e+00 : f32
    %broadcast_in_dim3A_1379 = vector.broadcast %reduce_sum3A_62 : f32 to vector<1x128xf32>
    %broadcast_in_dim3A_1380 = vector.broadcast %jit3A_1378 : f32 to vector<1x128xf32>
    %select_n3A_1381 = arith.select %eq3A_1377, %broadcast_in_dim3A_1379, %broadcast_in_dim3A_1380 : vector<1x128xi1>, vector<1x128xf32>
    %add3A_1382 = arith.addf %add3A_1374, %select_n3A_1381 : vector<1x128xf32>
    %reshape3A_1383 = vector.shape_cast %add3A_1382 : vector<1x128xf32> to vector<1x1x128xf32>
    %swap3A_1384 = arith.constant 0 : index
    %swap3A_1385 = arith.constant 0 : index
    %swap3A_1386 = arith.constant 0 : index
    %swap3A_1387 = vector.load %arg8[%swap3A_1384, %swap3A_1385, %swap3A_1386] : memref<1x1x128xf32, #tpu.memory_space<vmem>>, vector<1x1x128xf32>
    tpu.vector_store %arg8[%swap3A_1384, %swap3A_1385, %swap3A_1386], %reshape3A_1383 {strides = array<i32>} : memref<1x1x128xf32, #tpu.memory_space<vmem>>, vector<1x1x128xf32>,
    return
  }
  func.func @transform_0(%arg0: i32) -> (i32, i32, i32, i32) {
    %c0_i32 = arith.constant 0 : i32
    %c0_i32_0 = arith.constant 0 : i32
    %c0_i32_1 = arith.constant 0 : i32
    %c0_i32_2 = arith.constant 0 : i32
    return %arg0, %c0_i32, %c0_i32_0, %c0_i32_1 : i32, i32, i32, i32
  }
  func.func @transform_1(%arg0: i32) -> (i32, i32, i32, i32) {
    %c0_i32 = arith.constant 0 : i32
    %c0_i32_0 = arith.constant 0 : i32
    %c0_i32_1 = arith.constant 0 : i32
    %c0_i32_2 = arith.constant 0 : i32
    return %arg0, %c0_i32, %c0_i32_0, %c0_i32_1 : i32, i32, i32, i32
  }
  func.func @transform_2(%arg0: i32) -> (i32, i32, i32, i32) {
    %c0_i32 = arith.constant 0 : i32
    %c0_i32_0 = arith.constant 0 : i32
    %c0_i32_1 = arith.constant 0 : i32
    %c0_i32_2 = arith.constant 0 : i32
    return %arg0, %c0_i32, %c0_i32_0, %c0_i32_1 : i32, i32, i32, i32
  }
  func.func @transform_3(%arg0: i32) -> (i32, i32, i32) {
    %c0_i32 = arith.constant 0 : i32
    %c0_i32_0 = arith.constant 0 : i32
    %c0_i32_1 = arith.constant 0 : i32
    %c0_i32_2 = arith.constant 0 : i32
    return %c0_i32, %c0_i32_0, %c0_i32_1 : i32, i32, i32
  }
  func.func @transform_4(%arg0: i32) -> (i32, i32, i32) {
    %c0_i32 = arith.constant 0 : i32
    %c0_i32_0 = arith.constant 0 : i32
    %c0_i32_1 = arith.constant 0 : i32
    return %arg0, %c0_i32, %c0_i32_0 : i32, i32, i32
  }
  func.func @transform_5(%arg0: i32) -> (i32, i32, i32, i32) {
    %c0_i32 = arith.constant 0 : i32
    %c0_i32_0 = arith.constant 0 : i32
    %c0_i32_1 = arith.constant 0 : i32
    %c0_i32_2 = arith.constant 0 : i32
    return %arg0, %c0_i32, %c0_i32_0, %c0_i32_1 : i32, i32, i32, i32
  }
  func.func @transform_6(%arg0: i32) -> (i32, i32, i32, i32) {
    %c0_i32 = arith.constant 0 : i32
    %c0_i32_0 = arith.constant 0 : i32
    %c0_i32_1 = arith.constant 0 : i32
    %c0_i32_2 = arith.constant 0 : i32
    return %arg0, %c0_i32, %c0_i32_0, %c0_i32_1 : i32, i32, i32, i32
  }
  func.func @transform_7(%arg0: i32) -> (i32, i32, i32) {
    %c0_i32 = arith.constant 0 : i32
    %c0_i32_0 = arith.constant 0 : i32
    %c0_i32_1 = arith.constant 0 : i32
    return %arg0, %c0_i32, %c0_i32_0 : i32, i32, i32
  }
  func.func @transform_8(%arg0: i32) -> (i32, i32, i32) {
    %c0_i32 = arith.constant 0 : i32
    %c0_i32_0 = arith.constant 0 : i32
    %c0_i32_1 = arith.constant 0 : i32
    return %arg0, %c0_i32, %c0_i32_0 : i32, i32, i32
  }
  func.func @transform_9(%arg0: i32) -> (i32, i32, i32) {
    %c0_i32 = arith.constant 0 : i32
    %c0_i32_0 = arith.constant 0 : i32
    %c0_i32_1 = arith.constant 0 : i32
    return %arg0, %c0_i32, %c0_i32_0 : i32, i32, i32
  }
}

</mosaic_0001>

<sc_bundles>
// kernel: kernel.5.cloned.1.call-start
scs
__scs_entry_jumppad:
0x0: {  	(pc) =	sbr.rel $0x88, $3  }
0x1: {  	(tag) =	ssettag $0x0;
	lr =	simm.s32 $0x1  }
0x2: {  	[smem:$0x3F9C] =	sst lr;
	_ =	strace $0xD0000000  }
0x3: {  	_ = 	snop  }
0x4: {  	_ = 	snop  }
0x5: {  	_ = 	snop  }
0x6: {  	_ = 	snop  }
0x7: {  	_ = 	snop  }
__scs_overlays_trampoline_lowered:
0x8: {  	[smem:$0x3FAB] =	sst s0  }
0x9: {  	[smem:$0x3FAC] =	sst s1  }
0xa: {  	[smem:$0x3FAD] =	sst s2  }
0xb: {  	[smem:$0x3FAE] =	sst s3  }
0xc: {  	[smem:$0x3FAF] =	sst s4  }
0xd: {  	[smem:$0x3FB0] =	sst s5  }
0xe: {  	[smem:$0x3FB1] =	sst s6  }
0xf: {  	[smem:$0x3FB2] =	sst s7  }
0x10: {  	[smem:$0x3FB3] =	sst s8  }
0x11: {  	[smem:$0x3FB4] =	sst s9;
	s0 =	simm.s32 @!p0 $0x0  }
0x12: {  	s1 =	sld [smem:$0x3F9A];
	s0 =	simm.s32 @p0 $0x1  }
0x13: {  	[smem:$0x3FB5] =	sst s0;
	s0 =	simm.s32 @!p1 $0x0  }
0x14: {  	s2 =	sld [smem:$0x3F99];
	s0 =	simm.s32 @p1 $0x1  }
0x15: {  	[smem:$0x3FB6] =	sst s0;
	s0 =	simm.s32 @!p2 $0x0  }
0x16: {  	s3 =	sld [smem:$0x3FDB];
	s0 =	simm.s32 @p2 $0x1  }
0x17: {  	s4 =	simm.s32 $0x1BF5;
	[smem:$0x3FB8] =	sst s0  }
0x18: {  	s0 =	sld [smem:$0x3F9B];
	_ =	swait.ge [sflag:s4], $0x0  }
0x19: {  	s7 =	sld [smem:$0x3F9C]  }
0x1a: {  	s8 =	sadd.s32 $0xFFFFE003, lr  }
0x1b: {  	s9 =	sadd.s32 $0xFFFFFEF7, lr;
	s5 =	simm.s32 $0xFFFFFFFF;
	p2 =	slt.u32 s8, $0xFFFFF086  }
0x1c: {  	p1 =	slt.u32 s9, $0xF7A;
	s5 =	simm.s32 @!p2 $0x0  }
0x1d: {  	s5 =	simm.s32 @p1 $0x1;
	p0 =	seq.s32 s7, s2  }
0x1e: {  	s7 =	smul.u32 @!p0 $0xF7A, s2;
	p2 =	seq.s32 @!p0 s5, $0x0  }
0x1f: {  	s9 =	smul.u32 $0xF7A, s1;
	s8 =	simm.s32 @!p0 $0x1BF5;
	p2 =	por !p2, p0  }
0x20: {  	[sflag:s8] =	ssyncset.s32 @!p0 $0xFFFFF086;
	s6 =	sadd.s32 @!p0 s3, s7;
	s7 =	simm.s32 @!p0 $0x108  }
0x21: {  	s3 =	sadd.s32 s3, s9;
	s6 =	sadd.s32 @!p0 $0x88, s6;
	s7 =	simm.s32 @p2 $0x1082  }
0x22: {  	[simem:s7], [sflag:s8] =	dma.local @!p0 [hbm:s6], $0xF7A  }
0x23: {  	s9 =	sor.u32 $0xD0000000, s2;
	s6 =	simm.s32 $0x108;
	_ =	swait.ge @!p0 [sflag:s8], $0x0  }
0x24: {  	s3 =	sadd.s32 $0x88, s3;
	s6 =	simm.s32 @!p1 $0x1082;
	[sflag:s4] =	ssyncset.s32 $0xFFFFF086  }
0x25: {  	[simem:s6], [sflag:s4] =	dma.local [hbm:s3], $0xF7A  }
0x26: {  	[smem:$0x3F9C] =	sst s1;
	(tag) =	ssettag s2;
	_ =	strace s9  }
0x27: {  	s1 =	sld [smem:$0x3FAC]  }
0x28: {  	s2 =	sld [smem:$0x3FAD]  }
0x29: {  	s4 =	sld [smem:$0x3FAF]  }
0x2a: {  	p0 =	seq.s32 s5, $0x0;
	s5 =	sld [smem:$0x3FB0]  }
0x2b: {  	s6 =	sld [smem:$0x3FB1]  }
0x2c: {  	s7 =	sld [smem:$0x3FB2]  }
0x2d: {  	s3 =	simm.s32 $0x108;
	s8 =	sld [smem:$0x3FB3]  }
0x2e: {  	s3 =	simm.s32 @!p0 $0x1082;
	s9 =	sld [smem:$0x3FB4]  }
0x2f: {  	lr =	sadd.s32 s0, s3;
	s0 =	sld [smem:$0x3FAB]  }
0x30: {  	s3 =	sld [smem:$0x3FAE]  }
0x31: {  	[smem:$0x3FB7] =	sst s10  }
0x32: {  	s10 =	sld [smem:$0x3FB5];
	_ =	sdelay $0x3  }
0x33: {  	p0 =	seq.s32 s10, $0x1;
	s10 =	sld [smem:$0x3FB7];
	_ =	sdelay $0x3  }
0x34: {  	[smem:$0x3FB7] =	sst s10  }
0x35: {  	s10 =	sld [smem:$0x3FB6];
	_ =	sdelay $0x3  }
0x36: {  	p1 =	seq.s32 s10, $0x1;
	s10 =	sld [smem:$0x3FB7];
	_ =	sdelay $0x3  }
0x37: {  	[smem:$0x3FB7] =	sst s10  }
0x38: {  	s10 =	sld [smem:$0x3FB8]  }
0x39: {  	_ = 	snop;
	(pc) =	sbr.ind lr, $3  }
0x3a: {  	_ = 	snop  }
0x3b: {  	_ = 	snop  }
0x3c: {  	p2 =	seq.s32 s10, $0x1;
	s10 =	sld [smem:$0x3FB7]  }
0x3d: {  	_ =	shalt  }
0x3e: {  	_ =	shalt  }
0x3f: {  	_ =	shalt  }
0x40: {  	_ =	shalt  }
0x41: {  	_ =	shalt  }
0x42: {  	_ =	shalt  }
0x43: {  	_ =	shalt  }
0x44: {  	_ =	shalt  }
0x45: {  	_ =	shalt  }
0x46: {  	_ =	shalt  }
0x47: {  	_ =	shalt  }
0x48: {  	_ =	shalt  }
0x49: {  	_ =	shalt  }
0x4a: {  	_ =	shalt  }
0x4b: {  	_ =	shalt  }
0x4c: {  	_ =	shalt  }
0x4d: {  	_ =	shalt  }
0x4e: {  	_ =	shalt  }
0x4f: {  	_ =	shalt  }
0x50: {  	_ =	shalt  }
0x51: {  	_ =	shalt  }
0x52: {  	_ =	shalt  }
0x53: {  	_ =	shalt  }
0x54: {  	_ =	shalt  }
0x55: {  	_ =	shalt  }
0x56: {  	_ =	shalt  }
0x57: {  	_ =	shalt  }
0x58: {  	_ =	shalt  }
0x59: {  	_ =	shalt  }
0x5a: {  	_ =	shalt  }
0x5b: {  	_ =	shalt  }
0x5c: {  	_ =	shalt  }
0x5d: {  	_ =	shalt  }
0x5e: {  	_ =	shalt  }
0x5f: {  	_ =	shalt  }
0x60: {  	_ =	shalt  }
0x61: {  	_ =	shalt  }
0x62: {  	_ =	shalt  }
0x63: {  	_ =	shalt  }
0x64: {  	_ =	shalt  }
0x65: {  	_ =	shalt  }
0x66: {  	_ =	shalt  }
0x67: {  	_ =	shalt  }
0x68: {  	_ =	shalt  }
0x69: {  	_ =	shalt  }
0x6a: {  	_ =	shalt  }
0x6b: {  	_ =	shalt  }
0x6c: {  	_ =	shalt  }
0x6d: {  	_ =	shalt  }
0x6e: {  	_ =	shalt  }
0x6f: {  	_ =	shalt  }
0x70: {  	_ =	shalt  }
0x71: {  	_ =	shalt  }
0x72: {  	_ =	shalt  }
0x73: {  	_ =	shalt  }
0x74: {  	_ =	shalt  }
0x75: {  	_ =	shalt  }
0x76: {  	_ =	shalt  }
0x77: {  	_ =	shalt  }
0x78: {  	_ =	shalt  }
0x79: {  	_ =	shalt  }
0x7a: {  	_ =	shalt  }
0x7b: {  	_ =	shalt  }
0x7c: {  	_ =	shalt  }
0x7d: {  	_ =	shalt  }
0x7e: {  	_ =	shalt  }
0x7f: {  	_ =	shalt  }
0x80: {  	_ =	shalt  }
0x81: {  	_ =	shalt  }
0x82: {  	_ =	shalt  }
0x83: {  	_ =	shalt  }
0x84: {  	_ =	shalt  }
0x85: {  	_ =	shalt  }
0x86: {  	_ =	shalt  }
0x87: {  	_ =	shalt  }
.Lfunc_end0:
.L_simem_size_0:
called_computation_lowered:
.L_overlay_start_0:
0x88: {  	s2 =	sld [smem:$0x3FD9]  }
0x89: {  	s3 =	sld [smem:$0x3FFE];
	_ =	sdelay $0x1  }
0x8a: {  	s1 =	srdreg.scid  }
0x8b: {  	s0 =	sand.u32 $0x1, s1  }
0x8c: {  	s16 =	sshll.u32 s0, $0xA;
	s2 =	sadd.s32 s3, s2  }
0x8d: {  	s2 =	sadd.s32 s2, s16  }
0x8e: {  	[smem:$0x3FC3] =	sst s2  }
0x8f: {  	_ = 	snop  }
0x90: {  	(tm) =	ssettm $0x1  }
0x91: {  	s17 =	sld [smem:$0x3FFB];
	_ =	sdelay $0x3  }
0x92: {  	_ =	strace s17  }
0x93: {  	s2 =	sld [smem:$0x3FFC];
	_ =	sdelay $0x3  }
0x94: {  	_ =	strace s2  }
0x95: {  	s2 =	sld [smem:$0x3FFD];
	_ =	sdelay $0x3  }
0x96: {  	_ =	strace s2  }
0x97: {  	_ =	strace $0x8FFFFFFF  }
0x98: {  	s18 =	sld [smem:$0x3FDB];
	_ =	sdelay $0x1  }
0x99: {  	s19 =	simm.s32 $_scs_section_size  }
0x9a: {  	s4 =	simm.s32 $_size__tile_overlayer_lowered;
	s5 =	simm.s32 $_tile_overlayer_lowered  }
0x9b: {  	s22 =	simm.s32 $0x1BFF;
	s21 =	sshll.u32 s5, $0x1;
	s2 =	sadd.s32 s19, s18  }
0x9c: {  	s6 =	simm.s32 $0x0;
	s20 =	sshll.u32 s4, $0x1;
	s4 =	sadd.s32 s21, s2  }
0x9d: {  	[timem:s6], [sflag:s22] =	dma.local [hbm:s4], s20  }
0x9e: {  	_ =	swait.ge [sflag:s22], s20  }
0x9f: {  	s3 =	ssub.s32 $0x0, s20;
	[sflag:s22] =	ssyncset.done $0x0  }
0xa0: {  	[sflag:s22] =	ssyncadd.s32 s3;
	_ =	sdelay $0x1  }
0xa1: {  	s23 =	simm.s32 $0x1B8B  }
0xa2: {  	_ =	swait.ge [sflag:s23], $0x1  }
0xa3: {  	[sflag:s23] =	ssyncset.done $0x0  }
0xa4: {  	s25 =	simm.s32 $0x1B8E;
	s24 =	sld [smem:$0x3FFE];
	[sflag:s23] =	ssyncadd.s32 $0xFFFFFFFF  }
0xa5: {  	s26 =	simm.s32 $execute0_lowered;
	[smem:$0x3FD2] =	sst s25  }
0xa6: {  	s4 =	sshll.u32 s26, $0x1;
	_ =	strace $0x80000046;
	[dreg:$0x1] =	wrdreg $0xFFFFFFFF  }
0xa7: {  	s28 =	simm.s32 $_size_execute0_lowered;
	s2 =	sadd.s32 s2, s4;
	[dreg:$0x0] =	wrdreg $0x0  }
0xa8: {  	s4 =	sshll.u32 s28, $0x1;
	[dreg:$0x2] =	wrdreg s2  }
0xa9: {  	[dreg:$0x3] =	wrdreg s4  }
0xaa: {  	[dreg:$0x4] =	wrdreg $0xC0  }
0xab: {  	_ =	task [dreg:s6], $0x5FFFF  }
0xac: {  	[dreg:$0x1] =	wrdreg $0xFFFFFFFF  }
0xad: {  	[dreg:$0x0] =	wrdreg $0x60  }
0xae: {  	[dreg:$0x2] =	wrdreg s24  }
0xaf: {  	[dreg:$0x3] =	wrdreg $0x9  }
0xb0: {  	_ =	task.clear_ibuf [dreg:s6], $0x4FFFF;
	_ =	strace $0x90000046  }
0xb1: {  	s29 =	simm.s32 $0x9;
	_ =	strace $0x80000048  }
0xb2: {  	_ =	swait.ge [sflag:s29], $0x1  }
0xb3: {  	[sflag:s29] =	ssyncadd.s32 $0xFFFFFFFF  }
0xb4: {  	_ =	strace $0x90000048  }
0xb5: {  	_ =	sfence  }
0xb6: {  	s30 =	sld [smem:$0x0];
	_ =	sdelay $0x2  }
0xb7: {  	s31 =	sshll.u32 s1, $0xD;
	s1 =	sshrl.u32 s1, $0x2  }
0xb8: {  	s3 =	sand.u32 $0x4000, s31;
	s1 =	sadd.s32 s1, s30  }
0xb9: {  	s0 =	sor.u32 s3, s0;
	s1 =	sshll.u32 s1, $0x11  }
0xba: {  	s0 =	sor.u32 s1, s0  }
0xbb: {  	s0 =	sadd.s32 $0x8F2B, s0  }
0xbc: {  	[sflag:s0] =	ssyncadd.remote.s32 $0x1  }
0xbd: {  	_ =	sfence.sel $0xFFFF  }
0xbe: {  	[dreg:$0x0] =	wrdreg $0xFFFFFFFF;
	(pc) =	sbr.abs _section_cstart, $3  }
0xbf: {  	[dreg:$0x1] =	wrdreg $0xFFFFFFFF  }
0xc0: {  	_ =	task.clear_ibuf [dreg:s6], $0x2FFFF;
	_ =	strace $0x9FFFFFFF  }
0xc1: {  	(tm) =	ssettm $0x7FFFFFFF  }
tec
execute0_lowered:
.L_overlay_start_1:
0x0: {  	(tag) =	ssettag $0x1  }
0x1: {  	s0 =	srdreg.scid  }
0x2: {  	s2 =	stileid.u32;
	s0 =	sand.u32 $0x1, s0  }
0x3: {  	s4 =	rddreg [dreg:$0x0];
	s5 =	simm.s32 $0x0;
	s1 =	sshll.u32 s0, $0x4  }
0x4: {  	[smem:$0x7FF] =	sst s5;
	s1 =	sor.u32 s2, s1  }
0x5: {  	s0 =	ssub.s32 $0x2, s0;
	s2 =	sshll.u32 s2, $0x7;
	s1 =	sshrl.u32 s1, $0x3  }
0x6: {  	s2 =	sand.u32 $0x380, s2;
	s3 =	smul.u32 $0x21000, s1;
	s1 =	sshll.u32 s1, $0xA  }
0x7: {  	_ =	strace $0x80000047;
	s29 =	sshrl.u32 s0, $0x1;
	s1 =	sor.u32 s2, s1  }
0x8: {  	s0 =	ssub.s32 s0, s29;
	s2 =	sor.u32 s2, s3;
	s1 =	sshrl.u32 s1, $0x3  }
0x9: {  	s0 =	smax.u32 s0, $0x1;
	s2 =	sshrl.u32 s2, $0x3;
	s1 =	sadd.s32 s1, s4  }
0xa: {  	[dreg:$0x5] =	wrdreg s0;
	s2 =	sadd.s32 s2, s4;
	s1 =	sadd.s32 $0x2200, s1  }
0xb: {  	[dreg:$0x2] =	wrdreg s1;
	s30 =	sadd.s32 $0x2400, s2  }
0xc: {  	s31 =	sadd.s32 $0x12C00, s2;
	[dreg:$0x3] =	wrdreg s30  }
0xd: {  	v40 =	vlaneseq.u32;
	v48 =	vimm.s32 $0x0;
	s1 =	simm.s32 $0x1;
	s2 =	simm.s32 $0x0;
	[dreg:$0x4] =	wrdreg s31  }
.LBB2_1:
0xe: {  	[dreg:$0x6] =	wrdreg s2  }
0xf: {  	s0 =	rddreg [dreg:$0x0];
	s3 =	simm.s32 $0x0  }
0x10: {  	[tilespmem:s3], [sflag:$0x1] =	stream.linear.gather [hbm4b:s0+s3], $0x10680, $0x38;
	[tilespmem:$0x18B00] =	vst v63  }
0x11: {  	_ =	swait.ge [sflag:s1], $0x10680  }
0x12: {  	[sflag:s1] =	ssyncset.done $0x0  }
0x13: {  	s24 =	simm.s32 $0x10680;
	s23 =	rddreg [dreg:$0x2];
	[sflag:s1] =	ssyncadd.s32 $0xFFFEF980  }
0x14: {  	[tilespmem:s24], [sflag:$0x1] =	stream.linear.gather [hbm4b:s23+s3], $0x80, $0x38;
	[tilespmem:$0x18B00] =	vst v63  }
0x15: {  	_ =	swait.ge [sflag:s1], $0x80  }
0x16: {  	[sflag:s1] =	ssyncset.done $0x0  }
0x17: {  	[sflag:s1] =	ssyncadd.s32 $0xFFFFFF80  }
0x18: {  	v37 =	vld [tilespmem:$0x10680]  }
0x19: {  	v32 =	vld [tilespmem:$0x10690]  }
0x1a: {  	v3 =	vld [tilespmem:$0x106A0]  }
0x1b: {  	v4 =	vld [tilespmem:$0x106B0]  }
0x1c: {  	v5 =	vld [tilespmem:$0x106C0]  }
0x1d: {  	v6 =	vld [tilespmem:$0x106D0];
	(v2sf) =	vpush v37, $0x0  }
0x1e: {  	v7 =	vld [tilespmem:$0x106E0];
	(v2sf) =	vpush v32, $0x0  }
0x1f: {  	v11 =	vld [tilespmem:$0x106F0];
	(v2sf) =	vpush v3, $0x0  }
0x20: {  	(v2sf) =	vpush v4, $0x0  }
0x21: {  	(v2sf) =	vpush v5, $0x0  }
0x22: {  	(v2sf) =	vpush v6, $0x0  }
0x23: {  	(v2sf) =	vpush v7, $0x0  }
0x24: {  	(v2sf) =	vpush v11, $0x0  }
0x25: {  	(v2sf) =	vpush v37, $0x1  }
0x26: {  	(v2sf) =	vpush v32, $0x1  }
0x27: {  	v34 =	vbroadcast v3, $0x2;
	v36 =	vbroadcast v3, $0x0;
	(v2sf) =	vpush v3, $0x1  }
0x28: {  	v33 =	vbroadcast v3, $0x3;
	v35 =	vbroadcast v3, $0x1;
	(v2sf) =	vpush v4, $0x1  }
0x29: {  	v43 =	vbroadcast v4, $0x2;
	v50 =	vbroadcast v4, $0x0;
	(v2sf) =	vpush v5, $0x1  }
0x2a: {  	s15 =	simm.s32 $0x0;
	v38 =	vbroadcast v4, $0x3;
	v44 =	vbroadcast v4, $0x1;
	(v2sf) =	vpush v6, $0x1  }
0x2b: {  	v2 =	vld [tilespmem:s15+$0x8340];
	v52 =	vbroadcast v5, $0x2;
	v54 =	vbroadcast v5, $0x0;
	(v2sf) =	vpush v7, $0x1  }
0x2c: {  	v0 =	vld [tilespmem:s15+$0x0];
	v51 =	vbroadcast v5, $0x3;
	v53 =	vbroadcast v5, $0x1;
	(v2sf) =	vpush v11, $0x1  }
0x2d: {  	v41 =	vld [tilespmem:s15+$0xC4E0];
	v58 =	vbroadcast v6, $0x2;
	v49 =	vbroadcast v6, $0x0;
	(v2sf) =	vpush v37, $0x2  }
0x2e: {  	v59 =	vbroadcast v6, $0x3;
	v60 =	vbroadcast v6, $0x1;
	(v2sf) =	vpush v32, $0x2  }
0x2f: {  	v1 =	vld [tilespmem:s15+$0x41A0];
	v47 =	vbroadcast v7, $0x2;
	v46 =	vbroadcast v7, $0x0;
	(v2sf) =	vpush v3, $0x2  }
0x30: {  	v61 =	vbroadcast v7, $0x3;
	v8 =	vmul.f32 $5.000000000e-01, v2;
	s17 =	spop (v2sf);
	(v2sf) =	vpush v4, $0x2  }
0x31: {  	v62 =	vbroadcast v7, $0x1;
	v45 =	vbroadcast v11, $0x2;
	s25 =	spop (v2sf);
	(v2sf) =	vpush v5, $0x2  }
0x32: {  	v9 =	vmul.f32 $5.000000000e-01, v41;
	v10 =	vsub.f32 v0, v8;
	s18 =	spop (v2sf);
	(v2sf) =	vpush v6, $0x2  }
0x33: {  	v63 =	vbroadcast v11, $0x0;
	v8 =	vadd.f32 v8, v0;
	s21 =	spop (v2sf);
	(v2sf) =	vpush v7, $0x2  }
0x34: {  	v42 =	vld [tilespmem:s15+$0x8350];
	v41 =	vbroadcast v11, $0x1;
	v2 =	vsub.f32 v1, v9;
	s22 =	spop (v2sf);
	(v2sf) =	vpush v11, $0x2  }
0x35: {  	v55 =	vld [tilespmem:s15+$0xC4F0];
	v12 =	vmax.f32 v10, v63;
	v14 =	vmin.f32 v8, v47;
	[dreg:$0x7] =	wrdreg s25;
	s25 =	spop (v2sf);
	(v2sf) =	vpush v37, $0x3  }
0x36: {  	v56 =	vld [tilespmem:s15+$0x10];
	v16 =	vmax.f32 v2, v41;
	v17 =	vmax.f32 v10, v46;
	(v2sf) =	vpush v32, $0x3  }
0x37: {  	v19 =	vmax.f32 v2, v62;
	v23 =	vmin.f32 v8, v58;
	s26 =	spop (v2sf);
	(v2sf) =	vpush v3, $0x3  }
0x38: {  	v57 =	vld [tilespmem:s15+$0x41B0];
	v24 =	vmax.f32 v10, v49;
	v27 =	vmax.f32 v2, v60;
	s9 =	spop (v2sf);
	(v2sf) =	vpush v4, $0x3  }
0x39: {  	[tilespmem:$0x1FC40] =	vst v4;
	v14 =	vsub.f32 v14, v17;
	s19 =	spop (v2sf);
	v4 =	vmul.f32 $5.000000000e-01, v42;
	(v2sf) =	vpush v5, $0x3  }
0x3a: {  	[tilespmem:$0x1FC30] =	vst v3;
	v17 =	vmax.f32 v2, v53;
	v23 =	vsub.f32 v23, v24;
	s20 =	spop (v2sf);
	(v2sf) =	vpush v6, $0x3  }
0x3b: {  	[tilespmem:$0x1FC50] =	vst v5;
	v5 =	vmul.f32 $5.000000000e-01, v55;
	v3 =	vsub.f32 v56, v4;
	v4 =	vadd.f32 v4, v56  }
0x3c: {  	[tilespmem:$0x1FC60] =	vst v6;
	s23 =	spop (v2sf);
	v42 =	vbroadcast v11, $0x3;
	v6 =	vadd.f32 v9, v1;
	(v2sf) =	vpush v7, $0x3  }
0x3d: {  	v20 =	vadd.f32 v5, v57;
	v1 =	vsub.f32 v57, v5;
	v57 =	vmin.f32 v8, v52  }
0x3e: {  	s24 =	spop (v2sf);
	(v2sf) =	vpush v11, $0x3;
	v39 =	vmin.f32 v4, v45;
	v55 =	vmax.f32 v3, v63  }
0x3f: {  	[tilespmem:$0x1FC80] =	vst v11;
	v11 =	vmin.f32 v8, v45;
	v15 =	vmin.f32 v6, v42;
	v18 =	vmin.f32 v6, v61  }
0x40: {  	v56 =	vmin.f32 v4, v47;
	v21 =	vmax.f32 v3, v46;
	v26 =	vmin.f32 v6, v59  }
0x41: {  	v28 =	vmin.f32 v4, v58;
	v29 =	vmax.f32 v3, v49;
	v9 =	vmin.f32 v20, v42  }
0x42: {  	v13 =	vmax.f32 v1, v41;
	v22 =	vmin.f32 v20, v61;
	v25 =	vmax.f32 v1, v62  }
0x43: {  	v30 =	vmin.f32 v20, v59;
	v31 =	vmax.f32 v1, v60;
	v39 =	vsub.f32 v39, v55  }
0x44: {  	v11 =	vsub.f32 v11, v12;
	v12 =	vmax.f32 v10, v54;
	v15 =	vsub.f32 v15, v16  }
0x45: {  	v16 =	vmin.f32 v4, v52;
	v18 =	vsub.f32 v18, v19;
	v19 =	vmax.f32 v3, v54  }
0x46: {  	v24 =	vmin.f32 v20, v51;
	v26 =	vsub.f32 v26, v27;
	v27 =	vmax.f32 v10, v50  }
0x47: {  	[tilespmem:$0x1FE90] =	vst v52;
	v28 =	vsub.f32 v28, v29;
	v29 =	vmin.f32 v6, v38;
	v52 =	vbroadcast v32, $0x0  }
0x48: {  	[tilespmem:$0x1FEA0] =	vst v54;
	v55 =	vbroadcast v32, $0x3;
	v0 =	vmax.f32 v1, v35;
	v54 =	vbroadcast v37, $0x2  }
0x49: {  	v5 =	vsub.f32 v9, v13;
	v13 =	vmin.f32 v6, v51;
	v9 =	vsub.f32 v56, v21  }
0x4a: {  	v21 =	vmin.f32 v8, v43;
	v22 =	vsub.f32 v22, v25;
	v25 =	vmax.f32 v1, v53  }
0x4b: {  	[tilespmem:$0x1FC70] =	vst v7;
	v7 =	vsub.f32 v57, v12;
	v12 =	vmax.f32 v2, v44;
	v30 =	vsub.f32 v30, v31  }
0x4c: {  	[tilespmem:$0x1FEE0] =	vst v53;
	v31 =	vmin.f32 v4, v43;
	v16 =	vsub.f32 v16, v19;
	v53 =	vbroadcast v32, $0x2  }
0x4d: {  	[tilespmem:$0x1FED0] =	vst v51;
	s30 =	spop (v2sf);
	v19 =	vmin.f32 v20, v38;
	v56 =	vbroadcast v32, $0x1;
	v51 =	vbroadcast v37, $0x0  }
0x4e: {  	s13 =	spop (v2sf);
	v13 =	vsub.f32 v13, v17;
	v17 =	vmax.f32 v3, v50;
	v21 =	vsub.f32 v21, v27  }
0x4f: {  	s11 =	spop (v2sf);
	v27 =	vmin.f32 v8, v34;
	v24 =	vsub.f32 v24, v25;
	v25 =	vmax.f32 v10, v36  }
0x50: {  	[tilespmem:$0x1FF10] =	vst v38;
	s3 =	spop (v2sf);
	v12 =	vsub.f32 v29, v12;
	v29 =	vmax.f32 v1, v44;
	v38 =	vmax.f32 v10, v52  }
0x51: {  	[tilespmem:$0x1FF20] =	vst v44;
	s29 =	spop (v2sf);
	v44 =	vmin.f32 v6, v55;
	v17 =	vsub.f32 v31, v17;
	v31 =	vmin.f32 v6, v33  }
0x52: {  	[tilespmem:$0x1FF00] =	vst v50;
	s28 =	spop (v2sf);
	v25 =	vsub.f32 v27, v25;
	v27 =	vmax.f32 v2, v35;
	v19 =	vsub.f32 v19, v29  }
0x53: {  	[tilespmem:$0x1FF30] =	vst v34;
	s31 =	spop (v2sf);
	v29 =	vmin.f32 v4, v34;
	v50 =	vmax.f32 v2, v56;
	v34 =	vsub.f32 v8, v10  }
0x54: {  	s12 =	spop (v2sf);
	v10 =	vmax.f32 v10, v51;
	v57 =	vmin.f32 v4, v53;
	v7 =	vmax.f32 v7, $0.0e+00  }
0x55: {  	[tilespmem:$0x1FF40] =	vst v36;
	s10 =	spop (v2sf);
	v27 =	vsub.f32 v31, v27;
	v31 =	vmax.f32 v3, v36;
	v36 =	vmin.f32 v8, v53  }
0x56: {  	[tilespmem:$0x1FC90] =	vst v32;
	s5 =	spop (v2sf);
	v32 =	vsub.f32 v44, v50;
	v8 =	vmin.f32 v8, v54;
	v50 =	vbroadcast v37, $0x1  }
0x57: {  	[tilespmem:$0x1FEF0] =	vst v43;
	v44 =	vmax.f32 v1, v56;
	v12 =	vmax.f32 v12, $0.0e+00;
	s7 =	spop (v2sf);
	v43 =	vsub.f32 v29, v31  }
0x58: {  	[tilespmem:$0x1FF50] =	vst v33;
	v31 =	vmin.f32 v20, v33;
	v33 =	vsub.f32 v36, v38;
	v8 =	vsub.f32 v8, v10;
	s14 =	spop (v2sf)  }
0x59: {  	v29 =	vbroadcast v37, $0x3;
	v10 =	vmin.f32 v20, v55;
	v36 =	vsub.f32 v6, v2;
	s16 =	spop (v2sf)  }
0x5a: {  	[tilespmem:$0x1FCA0] =	vst v37;
	v37 =	vsub.f32 v4, v3;
	v4 =	vmin.f32 v4, v54;
	v38 =	vmax.f32 v39, $0.0e+00;
	s1 =	spop (v2sf)  }
0x5b: {  	v39 =	vmax.f32 v5, $0.0e+00;
	v31 =	vsub.f32 v31, v0;
	v0 =	vmax.f32 v3, v52;
	s2 =	spop (v2sf)  }
0x5c: {  	v10 =	vsub.f32 v10, v44;
	v2 =	vmax.f32 v2, v50;
	v3 =	vmax.f32 v3, v51;
	s4 =	spop (v2sf)  }
0x5d: {  	[tilespmem:$0x1FF60] =	vst v35;
	v35 =	vsub.f32 v57, v0;
	v6 =	vmin.f32 v6, v29;
	v57 =	vsub.f32 v20, v1;
	s6 =	spop (v2sf)  }
0x5e: {  	v44 =	vsub.f32 v4, v3;
	v34 =	vmul.f32 v36, v34;
	v6 =	vsub.f32 v6, v2;
	s8 =	spop (v2sf)  }
0x5f: {  	v2 =	vmul.f32 v39, v38;
	v38 =	vmax.f32 v14, $0.0e+00;
	v39 =	vmax.f32 v18, $0.0e+00;
	s0 =	spop (v2sf)  }
0x60: {  	s9 =	ssub.f32 s14, s9;
	v36 =	vmul.f32 v57, v37;
	v57 =	vmax.f32 v11, $0.0e+00;
	v37 =	vmax.f32 v15, $0.0e+00;
	s14 =	spop (v2sf)  }
0x61: {  	v3 =	vmul.f32 v37, v57;
	v57 =	vmax.f32 v9, $0.0e+00;
	v9 =	vmax.f32 v22, $0.0e+00;
	s3 =	ssub.f32 s14, s3  }
0x62: {  	s26 =	ssub.f32 s7, s26;
	v11 =	vmax.f32 v26, $0.0e+00;
	v5 =	vmul.f32 v9, v57;
	v9 =	vmax.f32 v23, $0.0e+00  }
0x63: {  	v14 =	vmax.f32 v24, $0.0e+00;
	v9 =	vmul.f32 v11, v9;
	v11 =	vmax.f32 v13, $0.0e+00;
	s0 =	ssub.f32 s0, s11;
	s3 =	smul.f32 s3, s9  }
0x64: {  	v13 =	vmax.f32 v30, $0.0e+00;
	v7 =	vmul.f32 v11, v7;
	v11 =	vmax.f32 v28, $0.0e+00  }
0x65: {  	v11 =	vmul.f32 v13, v11;
	v13 =	vmax.f32 v16, $0.0e+00;
	s0 =	smul.f32 s0, s26;
	v0 =	vmov s3  }
0x66: {  	s7 =	ssub.f32 s5, s25;
	v4 =	vmul.f32 v39, v38;
	v13 =	vmul.f32 v14, v13;
	v15 =	vadd.f32 v36, v0  }
0x67: {  	s8 =	ssub.f32 s8, s13;
	v14 =	vmax.f32 v21, $0.0e+00;
	v21 =	vmov s0;
	v16 =	vadd.f32 v34, v0  }
0x68: {  	s14 =	ssub.f32 s12, s21;
	v12 =	vmul.f32 v12, v14;
	v14 =	vsub.f32 v15, v2;
	v15 =	vadd.f32 v34, v21  }
0x69: {  	v17 =	vmax.f32 v17, $0.0e+00;
	v18 =	vmax.f32 v19, $0.0e+00;
	s21 =	ssub.f32 s4, s24;
	s9 =	smul.f32 s8, s7;
	v16 =	vsub.f32 v16, v3  }
0x6a: {  	v17 =	vmul.f32 v18, v17;
	(erf) = vrcp.f32 v14;
	v14 =	vsub.f32 v15, v4  }
0x6b: {  	s11 =	ssub.f32 s10, s22;
	s22 =	smul.f32 s21, s14;
	v19 =	vmov s9;
	v15 =	vadd.f32 v36, v21;
	(erf) = vrcp.f32 v16  }
0x6c: {  	v18 =	vmax.f32 v27, $0.0e+00;
	s13 =	ssub.f32 s6, s30;
	(erf) = vrcp.f32 v14;
	v14 =	vadd.f32 v34, v19  }
0x6d: {  	v37 =	vmin.f32 v20, v29;
	[tilespmem:$0x1FCC0] =	vst v21;
	v21 =	vmov s22;
	v15 =	vsub.f32 v15, v5  }
0x6e: {  	s0 =	smul.f32 s13, s11;
	[tilespmem:$0x1FCD0] =	vst v19;
	v16 =	vmax.f32 v25, $0.0e+00;
	v19 =	vadd.f32 v36, v19;
	v14 =	vsub.f32 v14, v9  }
0x6f: {  	v20 =	vadd.f32 v34, v21;
	v38 =	vmul.f32 v18, v16;
	(erf) = vrcp.f32 v15  }
0x70: {  	s1 =	ssub.f32 s1, s20;
	(erf) = vrcp.f32 v14;
	v14 =	vsub.f32 v19, v11;
	v19 =	vmov s0  }
0x71: {  	s2 =	ssub.f32 s2, s23;
	v16 =	vmax.f32 v31, $0.0e+00;
	v15 =	vmax.f32 v43, $0.0e+00;
	v18 =	vadd.f32 v34, v19  }
0x72: {  	s24 =	ssub.f32 s31, s18;
	v15 =	vmul.f32 v16, v15;
	(erf) = vrcp.f32 v14;
	v14 =	vadd.f32 v36, v19  }
0x73: {  	s26 =	rddreg [dreg:$0x7];
	v16 =	vmax.f32 v33, $0.0e+00;
	[tilespmem:$0x1FCE0] =	vst v19;
	v19 =	vmax.f32 v32, $0.0e+00;
	v18 =	vsub.f32 v18, v7  }
0x74: {  	v10 =	vmax.f32 v10, $0.0e+00;
	s4 =	ssub.f32 s28, s26;
	s2 =	smul.f32 s2, s24;
	v16 =	vmul.f32 v19, v16;
	v14 =	vsub.f32 v14, v13  }
0x75: {  	s25 =	ssub.f32 s29, s17;
	v19 =	vsub.f32 v20, v12;
	(erf) = vrcp.f32 v18;
	v18 =	vadd.f32 v36, v21  }
0x76: {  	s29 =	ssub.f32 s16, s19;
	s1 =	smul.f32 s1, s4;
	v20 =	vmov s2;
	(erf) = vrcp.f32 v14;
	v14 =	vmax.f32 v35, $0.0e+00  }
0x77: {  	v18 =	vsub.f32 v18, v17;
	v10 =	vmul.f32 v10, v14;
	v14 =	vadd.f32 v34, v20  }
0x78: {  	v8 =	vmax.f32 v8, $0.0e+00;
	[tilespmem:$0x1FCF0] =	vst v21;
	s0 =	smul.f32 s29, s25;
	v21 =	vmov s1;
	(erf) = vrcp.f32 v19  }
0x79: {  	(erf) = vrcp.f32 v18;
	v18 =	vadd.f32 v36, v20;
	v14 =	vsub.f32 v14, v38  }
0x7a: {  	v6 =	vmax.f32 v6, $0.0e+00;
	v23 =	vmov s0;
	v19 =	vadd.f32 v34, v21  }
0x7b: {  	v6 =	vmul.f32 v6, v8;
	v8 =	vadd.f32 v34, v23;
	v18 =	vsub.f32 v18, v15  }
0x7c: {  	v1 =	vmax.f32 v1, v50;
	[tilespmem:$0x1FCB0] =	vst v0;
	v19 =	vsub.f32 v19, v16;
	(erf) = vrcp.f32 v14  }
0x7d: {  	v8 =	vsub.f32 v8, v6;
	[tilespmem:$0x1FD10] =	vst v21;
	v21 =	vadd.f32 v36, v21;
	v14 =	vpop (erf);
	(erf) = vrcp.f32 v18  }
0x7e: {  	v0 =	vsub.f32 v37, v1;
	[tilespmem:$0x1FD00] =	vst v20;
	v20 =	vpop (erf);
	(erf) = vrcp.f32 v19  }
0x7f: {  	v22 =	vpop (erf);
	(erf) = vrcp.f32 v8;
	v8 =	vsub.f32 v21, v10  }
0x80: {  	v0 =	vmax.f32 v0, $0.0e+00;
	v18 =	vmax.f32 v44, $0.0e+00;
	v19 =	vpop (erf)  }
0x81: {  	v39 =	vadd.f32 v36, v23;
	v18 =	vmul.f32 v0, v18;
	v21 =	vpop (erf)  }
0x82: {  	[tilespmem:$0x1FD20] =	vst v23;
	v23 =	vpop (erf)  }
0x83: {  	v0 =	vsub.f32 v39, v18;
	(erf) = vrcp.f32 v8;
	v8 =	vpop (erf)  }
0x84: {  	v26 =	vmul.f32 v14, v2;
	v24 =	vpop (erf)  }
0x85: {  	v20 =	vmul.f32 v20, v3;
	(erf) = vrcp.f32 v0;
	v25 =	vpop (erf)  }
0x86: {  	s30 =	simm.s32 $0x10;
	v22 =	vmul.f32 v22, v4;
	v57 =	vmul.f32 v19, v5;
	v43 =	vpop (erf)  }
0x87: {  	v14 =	vor.u32 s30, v40;
	v5 =	vmul.f32 v8, v7;
	v8 =	vmul.f32 v25, v12;
	v44 =	vpop (erf)  }
0x88: {  	v9 =	vmul.f32 v21, v9;
	v1 =	vmul.f32 v44, v38;
	v38 =	vimm.f32 $-2.000000000e+00  }
0x89: {  	v0 =	vmul.f32 v23, v11;
	v11 =	vmul.f32 v24, v13;
	v32 =	vpop (erf);
	vm10 =	vgt.f32 v8, v38  }
0x8a: {  	v33 =	vpop (erf);
	vm13 =	vgt.f32 v5, v38;
	vm7 =	vgt.f32 v9, v38;
	vm14 =	vgt.f32 v22, v38  }
0x8b: {  	vm15 =	vgt.f32 v20, v38;
	v12 =	vpop (erf);
	v35 =	vmul.f32 v33, v16;
	vm9 =	vgt.f32 v1, v38  }
0x8c: {  	v16 =	vsel vm13, v5, v38;
	v7 =	vsel vm15, v20, v38;
	v34 =	vmul.f32 v12, v6;
	v36 =	vpop (erf)  }
0x8d: {  	v12 =	vmul.f32 v43, v17;
	v44 =	vsel vm9, v1, v38;
	v6 =	vmul.f32 v36, v10  }
0x8e: {  	v10 =	vmul.f32 v32, v15;
	v37 =	vpop (erf);
	vm2 =	vgt.f32 v35, v38;
	vm0 =	vgt.f32 v34, $-1.000000000e+00  }
0x8f: {  	v4 =	vmul.f32 v37, v18;
	vm1 =	vgt.f32 v34, v38;
	v2 =	vsel vm2, v35, v38  }
0x90: {  	v13 =	vnsel vm0, $0xBF800000, v34;
	v3 =	vsel vm1, v34, v38;
	vm3 =	vgt.f32 v6, v2  }
0x91: {  	vm12 =	vgt.f32 v10, v44;
	vm4 =	vgt.f32 v35, v13;
	vm0 =	vgt.f32 v4, v3  }
0x92: {  	s31 =	simm.s32 $0x0;
	vm5 =	vgt.f32 v4, $-1.000000000e+00;
	v2 =	vsel vm3, v6, v2;
	v13 =	vsel vm4, v35, v13  }
0x93: {  	v3 =	vsel vm0, v4, v3;
	v39 =	vnsel vm5, $0xBF800000, v4;
	v4 =	vor.u32 s31, v40  }
0x94: {  	vm5 =	vgt.f32 v6, v39;
	v15 =	vsel vm2, v4, v48;
	vm6 =	vgt.f32 v1, v13  }
0x95: {  	[tilespmem:$0x1FD70] =	vst v20;
	vm2 =	vgt.f32 v11, v16;
	v17 =	vsel vm7, v4, v48;
	v18 =	vsel vm15, v4, v48  }
0x96: {  	[tilespmem:$0x1FD30] =	vst v3;
	v20 =	vsel vm9, v4, v48;
	v21 =	vsel vm10, v4, v48;
	v3 =	vsel vm5, v6, v39  }
0x97: {  	v43 =	vsel vm3, v14, v15;
	v13 =	vsel vm6, v1, v13;
	v15 =	vsel vm10, v8, v38  }
0x98: {  	s16 =	simm.s32 $0x20;
	v1 =	vsel vm7, v9, v38;
	v6 =	vsel vm14, v22, v38;
	vm7 =	vgt.f32 v26, v7  }
0x99: {  	v19 =	vld [tilespmem:s16+$0x0];
	v20 =	vsel vm12, v14, v20;
	vm11 =	vgt.f32 v12, v15;
	vm3 =	vgt.f32 v0, v1  }
0x9a: {  	[tilespmem:$0x1FD60] =	vst v22;
	v22 =	vld [tilespmem:s16+$0xC4E0];
	vm8 =	vgt.f32 v57, v6;
	v34 =	vsel vm7, v14, v18;
	v35 =	vsel vm3, v14, v17  }
0x9b: {  	v18 =	vld [tilespmem:s16+$0x8340];
	[tilespmem:$0x1FD80] =	vst v20;
	v17 =	vsel vm14, v4, v48;
	v20 =	vsel vm11, v14, v21;
	vm14 =	vgt.f32 v8, v13  }
0x9c: {  	v36 =	vsel vm8, v14, v17;
	v17 =	vsel vm1, v4, v48;
	v4 =	vsel vm13, v4, v48;
	[tilespmem:$0x1FD90] =	vst v20;
	v20 =	vld [tilespmem:s16+$0x8350]  }
0x9d: {  	[tilespmem:$0x1FD50] =	vst v43;
	vm13 =	vgt.f32 v10, v3;
	v37 =	vsel vm2, v14, v4;
	v43 =	vsel vm0, v14, v17;
	v14 =	vld [tilespmem:s16+$0xC4F0]  }
0x9e: {  	[tilespmem:$0x1FD40] =	vst v2;
	v2 =	vsel vm12, v10, v44;
	v8 =	vsel vm14, v8, v13;
	v3 =	vsel vm13, v10, v3;
	v10 =	vld [tilespmem:s16+$0x10]  }
0x9f: {  	v44 =	vsel vm11, v12, v15;
	v13 =	vld [tilespmem:s16+$0x41A0];
	vm0 =	vgt.f32 v5, v8;
	vm15 =	vgt.f32 v12, v3  }
0xa0: {  	v15 =	vld [tilespmem:s16+$0x41B0];
	v5 =	vsel vm0, v5, v8;
	v12 =	vsel vm15, v12, v3;
	v8 =	vmul.f32 $5.000000000e-01, v18  }
0xa1: {  	v4 =	vsel vm2, v11, v16;
	vm1 =	vgt.f32 v11, v12;
	v16 =	vmul.f32 $5.000000000e-01, v20  }
0xa2: {  	v11 =	vsel vm1, v11, v12;
	v12 =	vmul.f32 $5.000000000e-01, v22;
	v17 =	vsub.f32 v19, v8  }
0xa3: {  	v18 =	vadd.f32 v8, v19;
	v14 =	vmul.f32 $5.000000000e-01, v14;
	v19 =	vsub.f32 v10, v16  }
0xa4: {  	vm2 =	vgt.f32 v9, v5;
	v10 =	vadd.f32 v16, v10;
	v16 =	vsub.f32 v13, v12  }
0xa5: {  	v5 =	vsel vm2, v9, v5;
	v9 =	vadd.f32 v12, v13;
	v20 =	vadd.f32 v14, v15  }
0xa6: {  	v15 =	vsub.f32 v15, v14;
	v32 =	vmin.f32 v10, v45;
	v12 =	vmax.f32 v19, v63  }
0xa7: {  	[tilespmem:$0x1FDB0] =	vst v2;
	v33 =	vmin.f32 v18, v45;
	v2 =	vsub.f32 v32, v12;
	v12 =	vmax.f32 v17, v63  }
0xa8: {  	v38 =	vmin.f32 v20, v42;
	v23 =	vsub.f32 v33, v12;
	v12 =	vmax.f32 v15, v41  }
0xa9: {  	[tilespmem:$0x1FDF0] =	vst v45;
	v39 =	vmin.f32 v18, v47;
	v24 =	vsub.f32 v38, v12;
	v12 =	vmax.f32 v17, v46  }
0xaa: {  	[tilespmem:$0x1FE10] =	vst v42;
	v42 =	vmin.f32 v9, v42;
	v25 =	vsub.f32 v39, v12;
	v12 =	vmax.f32 v16, v41  }
0xab: {  	[tilespmem:$0x1FDA0] =	vst v43;
	v13 =	vld [tilespmem:$0x1FEA0];
	v43 =	vmin.f32 v9, v61;
	v45 =	vsub.f32 v42, v12;
	v12 =	vmax.f32 v16, v62  }
0xac: {  	[tilespmem:$0x1FDC0] =	vst v44;
	v44 =	vmin.f32 v10, v47;
	v33 =	vld [tilespmem:$0x1FE90];
	v27 =	vsub.f32 v43, v12;
	v12 =	vmax.f32 v19, v46  }
0xad: {  	[tilespmem:$0x1FE30] =	vst v47;
	v8 =	vld [tilespmem:$0x1FEE0];
	v47 =	vmin.f32 v18, v58;
	v38 =	vsub.f32 v44, v12;
	v12 =	vmax.f32 v17, v49  }
0xae: {  	[tilespmem:$0x1FE50] =	vst v61;
	v61 =	vmin.f32 v20, v61;
	v42 =	vld [tilespmem:$0x1FED0];
	v30 =	vsub.f32 v47, v12;
	v12 =	vmax.f32 v15, v62  }
0xaf: {  	[tilespmem:$0x1FE00] =	vst v63;
	v63 =	vmin.f32 v9, v59;
	v43 =	vsub.f32 v61, v12;
	v12 =	vmax.f32 v16, v60  }
0xb0: {  	[tilespmem:$0x1FE20] =	vst v41;
	v32 =	vmin.f32 v10, v58;
	v44 =	vsub.f32 v63, v12;
	v12 =	vmax.f32 v19, v49  }
0xb1: {  	[tilespmem:$0x1FE40] =	vst v46;
	v39 =	vmin.f32 v18, v33;
	v28 =	vsub.f32 v32, v12;
	v12 =	vmax.f32 v17, v13  }
0xb2: {  	[tilespmem:$0x1FE80] =	vst v49;
	v41 =	vmin.f32 v20, v59;
	v61 =	vsub.f32 v39, v12;
	v12 =	vmax.f32 v15, v60  }
0xb3: {  	[tilespmem:$0x1FEB0] =	vst v59;
	v59 =	vld [tilespmem:$0x1FEF0];
	v49 =	vmin.f32 v9, v42;
	v46 =	vsub.f32 v41, v12;
	v12 =	vmax.f32 v16, v8  }
0xb4: {  	v47 =	vsub.f32 v49, v12;
	v12 =	vmax.f32 v19, v13;
	v13 =	vld [tilespmem:$0x1FF00];
	_ =	sdelay $0x3  }
0xb5: {  	[tilespmem:$0x1FE70] =	vst v58;
	v58 =	vmin.f32 v10, v33  }
0xb6: {  	[tilespmem:$0x1FEC0] =	vst v60;
	v63 =	vld [tilespmem:$0x1FF10];
	v60 =	vmin.f32 v18, v59;
	v39 =	vsub.f32 v58, v12;
	v12 =	vmax.f32 v17, v13  }
0xb7: {  	v31 =	vsub.f32 v60, v12;
	v12 =	vmax.f32 v15, v8;
	v8 =	vld [tilespmem:$0x1FF20];
	_ =	sdelay $0x3  }
0xb8: {  	[tilespmem:$0x1FE60] =	vst v62;
	v62 =	vmin.f32 v20, v42;
	v42 =	vmin.f32 v9, v63  }
0xb9: {  	v58 =	vmin.f32 v10, v59;
	v59 =	vld [tilespmem:$0x1FF30];
	v49 =	vsub.f32 v62, v12;
	v12 =	vmax.f32 v16, v8  }
0xba: {  	v41 =	vsub.f32 v42, v12;
	v12 =	vmax.f32 v19, v13;
	v13 =	vld [tilespmem:$0x1FF40];
	_ =	sdelay $0x1  }
0xbb: {  	v14 =	vmax.f32 v19, v52;
	v23 =	vmax.f32 v23, $0.0e+00;
	v45 =	vmax.f32 v45, $0.0e+00  }
0xbc: {  	v27 =	vmax.f32 v27, $0.0e+00;
	v38 =	vmax.f32 v38, $0.0e+00;
	v62 =	vmin.f32 v20, v63;
	v63 =	vld [tilespmem:$0x1FF50]  }
0xbd: {  	v43 =	vmax.f32 v43, $0.0e+00;
	v44 =	vmax.f32 v44, $0.0e+00;
	v28 =	vmax.f32 v28, $0.0e+00  }
0xbe: {  	v60 =	vmin.f32 v18, v59;
	v33 =	vsub.f32 v58, v12;
	v12 =	vmax.f32 v17, v13  }
0xbf: {  	v47 =	vmax.f32 v47, $0.0e+00;
	v22 =	vsub.f32 v60, v12;
	v12 =	vmax.f32 v15, v8;
	v8 =	vld [tilespmem:$0x1FF60]  }
0xc0: {  	v39 =	vmax.f32 v39, $0.0e+00;
	v31 =	vmax.f32 v31, $0.0e+00;
	v49 =	vmax.f32 v49, $0.0e+00  }
0xc1: {  	v32 =	vmin.f32 v9, v63;
	v58 =	vmin.f32 v10, v59;
	v59 =	vmin.f32 v18, v53  }
0xc2: {  	v41 =	vmax.f32 v41, $0.0e+00;
	v33 =	vmax.f32 v33, $0.0e+00;
	v42 =	vsub.f32 v62, v12  }
0xc3: {  	v60 =	vmin.f32 v20, v63;
	v63 =	vsub.f32 v18, v17;
	v62 =	vmin.f32 v9, v55  }
0xc4: {  	v22 =	vmax.f32 v22, $0.0e+00;
	v42 =	vmax.f32 v42, $0.0e+00;
	v12 =	vmax.f32 v16, v8  }
0xc5: {  	[tilespmem:$0x1FFF0] =	vst v26;
	v26 =	vsub.f32 v32, v12;
	v12 =	vmax.f32 v19, v13;
	v13 =	vmin.f32 v10, v53  }
0xc6: {  	[tilespmem:$0x1FF70] =	vst v53;
	v53 =	vsel vm8, v57, v6;
	v32 =	vmax.f32 v24, $0.0e+00;
	v24 =	vmax.f32 v25, $0.0e+00  }
0xc7: {  	v25 =	vmax.f32 v30, $0.0e+00;
	v30 =	vmax.f32 v46, $0.0e+00;
	v46 =	vmax.f32 v61, $0.0e+00  }
0xc8: {  	[tilespmem:$0x1FDD0] =	vst v4;
	v4 =	vsub.f32 v58, v12;
	v12 =	vmax.f32 v17, v52;
	v58 =	vmin.f32 v18, v54  }
0xc9: {  	[tilespmem:$0x1FF80] =	vst v52;
	v52 =	vsel vm3, v0, v1;
	vm3 =	vgt.f32 v0, v11;
	v18 =	vsub.f32 v10, v19  }
0xca: {  	v10 =	vmin.f32 v10, v54;
	v59 =	vsub.f32 v59, v12;
	v12 =	vmax.f32 v15, v8  }
0xcb: {  	v26 =	vmax.f32 v26, $0.0e+00;
	v21 =	vsub.f32 v60, v12;
	v12 =	vmax.f32 v16, v56  }
0xcc: {  	v60 =	vsub.f32 v9, v16;
	v9 =	vmin.f32 v9, v29;
	v3 =	vsub.f32 v62, v12  }
0xcd: {  	v12 =	vmax.f32 v17, v51;
	v17 =	vsub.f32 v13, v14;
	v13 =	vmin.f32 v20, v55  }
0xce: {  	[tilespmem:$0x1FFD0] =	vst v29;
	v14 =	vmax.f32 v15, v56;
	v62 =	vmin.f32 v20, v29;
	v29 =	vmax.f32 v2, $0.0e+00  }
0xcf: {  	v12 =	vsub.f32 v58, v12;
	v58 =	vsel vm3, v0, v11;
	v14 =	vsub.f32 v13, v14  }
0xd0: {  	v11 =	vmax.f32 v16, v50;
	v13 =	vmax.f32 v19, v51;
	v19 =	vsub.f32 v20, v15  }
0xd1: {  	[tilespmem:$0x1FFE0] =	vst v50;
	v20 =	vmax.f32 v4, $0.0e+00;
	v16 =	vsub.f32 v9, v11;
	v9 =	vmax.f32 v15, v50;
	v50 =	vld [tilespmem:$0x1FFF0]  }
0xd2: {  	[tilespmem:$0x1FF90] =	vst v55;
	v21 =	vmax.f32 v21, $0.0e+00;
	v13 =	vsub.f32 v10, v13;
	v11 =	vmul.f32 v60, v63  }
0xd3: {  	[tilespmem:$0x1FFB0] =	vst v54;
	v63 =	vsel vm4, $0x1, v48;
	v17 =	vmax.f32 v17, $0.0e+00;
	v10 =	vmul.f32 v19, v18  }
0xd4: {  	[tilespmem:$0x1FFA0] =	vst v56;
	v15 =	vsub.f32 v62, v9;
	v9 =	vsel vm5, $0x1, v48;
	v0 =	vsel vm6, $0x2, v63  }
0xd5: {  	[tilespmem:$0x1FFC0] =	vst v51;
	v19 =	vmax.f32 v3, $0.0e+00;
	v18 =	vsel vm13, $0x2, v9;
	v55 =	vsel vm14, $0x3, v0  }
0xd6: {  	s17 =	simm.s32 $0x0;
	s18 =	simm.s32 $0x100;
	[tilespmem:$0x1FDE0] =	vst v5;
	v51 =	vmovc v57;
	v56 =	vsel vm15, $0x3, v18;
	v18 =	vmax.f32 v59, $0.0e+00;
	v54 =	vsel vm7, v50, v7  }
.LBB2_2:
0xd7: {  	v29 =	vmul.f32 v32, v29;
	v23 =	vmul.f32 v45, v23  }
0xd8: {  	v24 =	vmul.f32 v27, v24;
	v38 =	vmul.f32 v43, v38  }
0xd9: {  	v0 =	vld [tilespmem:$0x1FCB0];
	v25 =	vmul.f32 v44, v25;
	v46 =	vmul.f32 v47, v46  }
0xda: {  	v59 =	vld [tilespmem:$0x1FCC0];
	v28 =	vmul.f32 v30, v28;
	v39 =	vmul.f32 v49, v39  }
0xdb: {  	v1 =	vld [tilespmem:$0x1FCD0];
	v31 =	vmul.f32 v41, v31;
	v33 =	vmul.f32 v42, v33  }
0xdc: {  	v12 =	vmax.f32 v12, $0.0e+00;
	v62 =	vld [tilespmem:$0x1FCE0];
	v22 =	vmul.f32 v26, v22;
	v20 =	vmul.f32 v21, v20  }
0xdd: {  	v5 =	vld [tilespmem:$0x1FCF0];
	v18 =	vmul.f32 v19, v18;
	v16 =	vmax.f32 v16, $0.0e+00;
	v14 =	vmax.f32 v14, $0.0e+00  }
0xde: {  	v41 =	vld [tilespmem:$0x1FD60];
	v13 =	vmax.f32 v13, $0.0e+00;
	v15 =	vmax.f32 v15, $0.0e+00;
	v14 =	vmul.f32 v14, v17  }
0xdf: {  	v42 =	vld [tilespmem:$0x1FDE0];
	v12 =	vmul.f32 v16, v12;
	v7 =	vadd.f32 v11, v0;
	v57 =	vadd.f32 v10, v0  }
0xe0: {  	v13 =	vmul.f32 v15, v13;
	v27 =	vadd.f32 v11, v59;
	v60 =	vadd.f32 v11, v1  }
0xe1: {  	vm5 =	vgt.f32 v51, v58;
	v61 =	vadd.f32 v10, v59;
	v30 =	vadd.f32 v10, v1  }
0xe2: {  	v9 =	vsel vm0, $0x4, v55;
	v63 =	vadd.f32 v11, v62;
	v4 =	vadd.f32 v10, v62  }
0xe3: {  	v43 =	vsel vm1, $0x4, v56;
	v6 =	vadd.f32 v11, v5;
	v45 =	vsub.f32 v57, v29;
	v57 =	vld [tilespmem:$0x1FD00]  }
0xe4: {  	vm4 =	vgt.f32 v41, v42;
	v32 =	vsub.f32 v7, v23;
	v59 =	vsub.f32 v60, v25;
	v60 =	vld [tilespmem:$0x1FD10]  }
0xe5: {  	v0 =	vsel vm3, $0x5, v43;
	v7 =	vadd.f32 v10, v5;
	v19 =	vsub.f32 v63, v46;
	v63 =	vld [tilespmem:$0x1FD20]  }
0xe6: {  	v26 =	vsub.f32 v27, v24;
	v44 =	vsub.f32 v61, v38;
	(erf) = vrcp.f32 v45  }
0xe7: {  	v61 =	vsub.f32 v4, v39;
	v62 =	vsub.f32 v7, v33;
	(erf) = vrcp.f32 v32  }
0xe8: {  	(erf) = vrcp.f32 v26;
	v26 =	vsub.f32 v30, v28;
	v27 =	vadd.f32 v11, v57  }
0xe9: {  	v0 =	vsel vm5, $0x6, v0;
	v21 =	vadd.f32 v10, v57;
	v30 =	vadd.f32 v11, v60  }
0xea: {  	(erf) = vrcp.f32 v44;
	v17 =	vadd.f32 v10, v60;
	v11 =	vadd.f32 v11, v63  }
0xeb: {  	v10 =	vadd.f32 v10, v63;
	v44 =	vsel vm2, $0x5, v9;
	(erf) = vrcp.f32 v59  }
0xec: {  	v45 =	vld [tilespmem:$0x1FD70];
	v8 =	vsel vm4, $0x6, v44;
	(erf) = vrcp.f32 v26;
	v26 =	vsub.f32 v6, v31  }
0xed: {  	v2 =	vsub.f32 v27, v22;
	v3 =	vsub.f32 v21, v20;
	(erf) = vrcp.f32 v19  }
0xee: {  	v4 =	vsub.f32 v11, v12;
	v32 =	vsub.f32 v17, v14;
	(erf) = vrcp.f32 v61  }
0xef: {  	v10 =	vsub.f32 v10, v13;
	v27 =	vsel vm4, v41, v42;
	(erf) = vrcp.f32 v26  }
0xf0: {  	v26 =	vsub.f32 v30, v18;
	v30 =	vsel vm5, v51, v58;
	(erf) = vrcp.f32 v62;
	v19 =	vpop (erf)  }
0xf1: {  	vm0 =	vgt.f32 v45, v27;
	vm1 =	vgt.f32 v50, v30;
	(erf) = vrcp.f32 v2;
	v15 =	vpop (erf)  }
0xf2: {  	v9 =	vmul.f32 v19, v29;
	v0 =	vsel vm1, $0x7, v0;
	v16 =	vpop (erf);
	(erf) = vrcp.f32 v3  }
0xf3: {  	s17 =	sadd.s32 $0x20, s17;
	v15 =	vmul.f32 v15, v23;
	v23 =	vsel vm0, v45, v27;
	(erf) = vrcp.f32 v26;
	v21 =	vpop (erf)  }
0xf4: {  	s0 =	sadd.s32 $0x10, s17;
	v6 =	vmul.f32 v16, v24;
	[tilespmem:s15+$0x10700] =	vst v23;
	v23 =	vsel vm1, v50, v30;
	(erf) = vrcp.f32 v4;
	v11 =	vpop (erf)  }
0xf5: {  	[tilespmem:s15+$0x10710] =	vst v23;
	v23 =	vor.u32 s0, v40;
	v7 =	vmovc v15;
	(erf) = vrcp.f32 v32;
	v1 =	vmul.f32 v11, v25  }
0xf6: {  	v5 =	vld [tilespmem:$0x1FDD0];
	v17 =	vpop (erf);
	v25 =	vmul.f32 v21, v38;
	v11 =	vsel vm0, $0x7, v8;
	vm8 =	vgt.f32 v6, v53  }
0xf7: {  	vm9 =	vgt.f32 v7, v54;
	[tilespmem:$0x1FD60] =	vst v6;
	v26 =	vpop (erf);
	(erf) = vrcp.f32 v10;
	v10 =	vmul.f32 v17, v28  }
0xf8: {  	v60 =	vld [tilespmem:$0x1FDC0];
	[tilespmem:$0x1FD70] =	vst v7;
	v6 =	vsel vm8, v6, v53;
	v7 =	vsel vm9, v7, v54;
	v32 =	vpop (erf);
	v8 =	vmul.f32 v26, v46  }
0xf9: {  	v43 =	vld [tilespmem:$0x1FD90];
	v46 =	vor.u32 s17, v40;
	vm7 =	vgt.f32 v1, v52;
	vm11 =	vgt.f32 v25, v6;
	v19 =	vpop (erf)  }
0xfa: {  	[tilespmem:s15+$0x14900] =	vst v11;
	v11 =	vmul.f32 v32, v39;
	v15 =	vsel vm8, v46, v36;
	v16 =	vpop (erf);
	v19 =	vmul.f32 v19, v31  }
0xfb: {  	v47 =	vld [tilespmem:$0x1FD30];
	vm3 =	vgt.f32 v8, v5;
	v40 =	vsel vm11, v23, v15;
	v21 =	vpop (erf);
	v16 =	vmul.f32 v16, v33  }
0xfc: {  	v49 =	vld [tilespmem:$0x1FD40];
	[tilespmem:s15+$0x14910] =	vst v0;
	v61 =	vsel vm3, v8, v5;
	v33 =	vsel vm11, v25, v6;
	v0 =	vsel vm3, v46, v37;
	v17 =	vpop (erf)  }
0xfd: {  	v50 =	vld [tilespmem:$0x1FD50];
	v21 =	vmul.f32 v21, v22;
	vm2 =	vgt.f32 v19, v60;
	vm6 =	vgt.f32 v11, v61;
	v24 =	vpop (erf)  }
0xfe: {  	v51 =	vld [tilespmem:$0x1FDA0];
	v17 =	vmul.f32 v17, v20;
	v63 =	vsel vm6, v11, v61;
	v15 =	vsel vm2, v46, v43;
	v22 =	vpop (erf)  }
0xff: {  	v59 =	vld [tilespmem:$0x1FDB0];
	v18 =	vmul.f32 v24, v18;
	v24 =	vmov v9;
	v12 =	vmul.f32 v22, v12;
	v22 =	vpop (erf)  }
0x100: {  	v42 =	vld [tilespmem:$0x1FD80];
	v0 =	vsel vm6, v23, v0;
	vm12 =	vgt.f32 v24, v7;
	v14 =	vmul.f32 v22, v14  }
0x101: {  	v53 =	vld [tilespmem:$0x1FDF0];
	v20 =	vpop (erf);
	vm1 =	vgt.f32 v18, v49;
	v38 =	vsel vm12, v24, v7;
	vm0 =	vgt.f32 v12, v47  }
0x102: {  	v54 =	vld [tilespmem:$0x1FE00];
	v13 =	vmul.f32 v20, v13;
	v20 =	vsel vm1, v46, v50;
	v22 =	vsel vm1, v18, v49  }
0x103: {  	v36 =	vld [tilespmem:$0x1FEA0];
	v9 =	vsel vm0, v12, v47;
	v55 =	vsel vm0, v46, v51;
	vm1 =	vgt.f32 v14, v22  }
0x104: {  	v37 =	vld [tilespmem:$0x1FED0];
	v57 =	vsel vm1, v23, v20;
	v58 =	vsel vm1, v14, v22;
	vm1 =	vgt.f32 v21, v59  }
0x105: {  	[tilespmem:$0x1FC00] =	vst v40;
	v40 =	vld [tilespmem:$0x1FEE0];
	vm0 =	vgt.f32 v13, v9;
	v20 =	vsel vm9, v46, v34;
	v2 =	vsel vm1, v21, v59  }
0x106: {  	v61 =	vld [tilespmem:$0x1FE70];
	v56 =	vsel vm0, v13, v9;
	v9 =	vsel vm2, v19, v60;
	vm4 =	vgt.f32 v17, v2  }
0x107: {  	s15 =	smov.u32 s16;
	s16 =	sshra.s32 s18, $0x2;
	[tilespmem:$0x1FDD0] =	vst v63;
	v63 =	vld [tilespmem:$0x1FEB0];
	v41 =	vsel vm12, v23, v20;
	vm5 =	vgt.f32 v16, v9;
	v2 =	vsel vm4, v17, v2  }
0x108: {  	v22 =	vld [tilespmem:s16+$0x8350];
	vm2 =	vgt.f32 v13, $-1.000000000e+00;
	v62 =	vsel vm5, v16, v9;
	[tilespmem:$0x1FDB0] =	vst v2;
	v2 =	vsel vm7, v1, v52  }
0x109: {  	v34 =	vld [tilespmem:$0x1FEC0];
	v9 =	vsel vm7, v46, v35;
	v45 =	vsel vm5, v23, v15;
	vm10 =	vgt.f32 v10, v2  }
0x10a: {  	v20 =	vld [tilespmem:s16+$0x41A0];
	v39 =	vsel vm10, v23, v9;
	v9 =	vsel vm1, v46, v42;
	vm1 =	vgt.f32 v12, $-1.000000000e+00  }
0x10b: {  	[tilespmem:$0x1FD50] =	vst v57;
	v57 =	vld [tilespmem:$0x1FE30];
	v32 =	vsel vm10, v10, v2;
	v46 =	vsel vm0, v23, v55;
	v47 =	vnsel vm1, $0xBF800000, v12  }
0x10c: {  	[tilespmem:$0x1FC20] =	vst v0;
	v44 =	vsel vm4, v23, v9;
	v9 =	vnsel vm2, $0xBF800000, v13;
	v12 =	vld [tilespmem:s16+$0x8340];
	vm0 =	vgt.f32 v18, v47  }
0x10d: {  	[tilespmem:$0x1FD40] =	vst v58;
	v58 =	vld [tilespmem:$0x1FE40];
	vm1 =	vgt.f32 v14, v9;
	v13 =	vsel vm0, $0x1, v48;
	v0 =	vsel vm0, v18, v47  }
0x10e: {  	v9 =	vsel vm1, v14, v9;
	v14 =	vld [tilespmem:s16+$0xC4E0];
	v18 =	vsel vm1, $0x1, v48;
	vm0 =	vgt.f32 v21, v0  }
0x10f: {  	v15 =	vld [tilespmem:s16+$0x0];
	vm1 =	vgt.f32 v17, v9;
	v13 =	vsel vm0, $0x2, v13;
	v0 =	vsel vm0, v21, v0  }
0x110: {  	v59 =	vld [tilespmem:$0x1FE50];
	v17 =	vsel vm1, v17, v9;
	v18 =	vsel vm1, $0x2, v18;
	vm0 =	vgt.f32 v19, v0  }
0x111: {  	v21 =	vld [tilespmem:s16+$0xC4F0];
	vm1 =	vgt.f32 v16, v17;
	v12 =	vmul.f32 $5.000000000e-01, v12;
	v49 =	vsel vm0, $0x3, v13  }
0x112: {  	v60 =	vld [tilespmem:$0x1FE60];
	v13 =	vsel vm0, v19, v0;
	v16 =	vsel vm1, v16, v17;
	v50 =	vsel vm1, $0x3, v18  }
0x113: {  	v35 =	vld [tilespmem:$0x1FE90];
	vm0 =	vgt.f32 v8, v13;
	vm1 =	vgt.f32 v11, v16;
	v14 =	vmul.f32 $5.000000000e-01, v14  }
0x114: {  	[tilespmem:$0x1FDC0] =	vst v62;
	v62 =	vld [tilespmem:$0x1FE80];
	v18 =	vsub.f32 v15, v12;
	v15 =	vadd.f32 v12, v15;
	v8 =	vsel vm0, v8, v13  }
0x115: {  	[tilespmem:$0x1FBB0] =	vst v33;
	v23 =	vld [tilespmem:s16+$0x10];
	v13 =	vmul.f32 $5.000000000e-01, v22;
	v16 =	vsel vm1, v11, v16;
	vm2 =	vgt.f32 v1, v8  }
0x116: {  	[tilespmem:$0x1FFF0] =	vst v24;
	v55 =	vld [tilespmem:$0x1FE10];
	v19 =	vsub.f32 v20, v14;
	v11 =	vmul.f32 $5.000000000e-01, v21;
	vm3 =	vgt.f32 v10, v16  }
0x117: {  	[tilespmem:$0x1FBE0] =	vst v38;
	v17 =	vld [tilespmem:s16+$0x41B0];
	v14 =	vadd.f32 v14, v20;
	v20 =	vmin.f32 v15, v53;
	v22 =	vmax.f32 v18, v54  }
0x118: {  	[tilespmem:$0x1FD30] =	vst v56;
	v56 =	vld [tilespmem:$0x1FE20];
	v24 =	vmin.f32 v15, v57;
	v27 =	vmax.f32 v18, v58;
	v33 =	vmin.f32 v15, v61  }
0x119: {  	v9 =	vld [tilespmem:$0x1FF60];
	[tilespmem:$0x1FB70] =	vst v49;
	v38 =	vmax.f32 v18, v62;
	v47 =	vmin.f32 v15, v35;
	v49 =	vmax.f32 v18, v36  }
0x11a: {  	v0 =	vld [tilespmem:$0x1FF30];
	v12 =	vsub.f32 v23, v13;
	v21 =	vadd.f32 v13, v23;
	v51 =	vsel vm2, v1, v8  }
0x11b: {  	v52 =	vsel vm3, v10, v16;
	v20 =	vsub.f32 v20, v22;
	v22 =	vsub.f32 v24, v27  }
0x11c: {  	[tilespmem:$0x1FB60] =	vst v25;
	v13 =	vadd.f32 v11, v17;
	v11 =	vsub.f32 v17, v11;
	v25 =	vmin.f32 v14, v55  }
0x11d: {  	v6 =	vld [tilespmem:$0x1FF40];
	[tilespmem:$0x1FC10] =	vst v41;
	v26 =	vmax.f32 v19, v56;
	v28 =	vmin.f32 v14, v59;
	v29 =	vmax.f32 v19, v60  }
0x11e: {  	[tilespmem:$0x1FB90] =	vst v50;
	v41 =	vmin.f32 v14, v63;
	v42 =	vmax.f32 v19, v34;
	v50 =	vmin.f32 v14, v37  }
0x11f: {  	[tilespmem:$0x1FDE0] =	vst v51;
	v51 =	vmax.f32 v19, v40;
	v4 =	vmin.f32 v15, v0;
	v5 =	vmax.f32 v19, v9  }
0x120: {  	v10 =	vmin.f32 v21, v53;
	v16 =	vmax.f32 v12, v54;
	v30 =	vmin.f32 v21, v57  }
0x121: {  	[tilespmem:$0x1FD80] =	vst v44;
	v31 =	vmax.f32 v12, v58;
	v43 =	vmin.f32 v21, v61;
	v44 =	vmax.f32 v12, v62  }
0x122: {  	[tilespmem:$0x1FBA0] =	vst v52;
	v52 =	vmin.f32 v21, v35;
	v58 =	vmax.f32 v18, v6;
	v3 =	vmin.f32 v21, v0  }
0x123: {  	[tilespmem:$0x1FD90] =	vst v45;
	v6 =	vmax.f32 v12, v6;
	v25 =	vsub.f32 v25, v26;
	v26 =	vsub.f32 v28, v29  }
0x124: {  	[tilespmem:$0x1FB80] =	vst v32;
	v17 =	vmin.f32 v13, v55;
	v23 =	vmax.f32 v11, v56;
	v32 =	vmin.f32 v13, v59  }
0x125: {  	v2 =	vld [tilespmem:$0x1FFA0];
	[tilespmem:$0x1FBF0] =	vst v39;
	v39 =	vmax.f32 v11, v60;
	v45 =	vmin.f32 v13, v63;
	v28 =	vsub.f32 v30, v31  }
0x126: {  	[tilespmem:$0x1FDA0] =	vst v46;
	v8 =	vld [tilespmem:$0x1FF70];
	v46 =	vmax.f32 v11, v34;
	v30 =	vsub.f32 v33, v38;
	v33 =	vsub.f32 v41, v42  }
0x127: {  	v1 =	vld [tilespmem:$0x1FF80];
	v55 =	vmax.f32 v12, v36;
	v41 =	vsub.f32 v47, v49;
	v47 =	vsub.f32 v50, v51  }
0x128: {  	v61 =	vld [tilespmem:$0x1FF00];
	v57 =	vmin.f32 v13, v37;
	v4 =	vsub.f32 v4, v58;
	v3 =	vsub.f32 v3, v6  }
0x129: {  	v62 =	vld [tilespmem:$0x1FF10];
	v34 =	vmax.f32 v11, v40;
	v17 =	vsub.f32 v17, v23;
	v31 =	vsub.f32 v32, v39  }
0x12a: {  	v54 =	vld [tilespmem:$0x1FF50];
	v23 =	vmax.f32 v19, v2;
	v39 =	vsub.f32 v43, v44;
	v42 =	vsub.f32 v45, v46  }
0x12b: {  	v0 =	vld [tilespmem:$0x1FF90];
	v32 =	vmax.f32 v11, v2;
	v49 =	vsub.f32 v52, v55;
	v34 =	vsub.f32 v57, v34  }
0x12c: {  	v60 =	vld [tilespmem:$0x1FEF0];
	v24 =	vmin.f32 v21, v8;
	v27 =	vmax.f32 v12, v1;
	v38 =	vmax.f32 v28, $0.0e+00  }
0x12d: {  	v63 =	vld [tilespmem:$0x1FF20];
	v44 =	vmax.f32 v33, $0.0e+00;
	v47 =	vmax.f32 v47, $0.0e+00;
	v43 =	vmax.f32 v31, $0.0e+00  }
0x12e: {  	v28 =	vmax.f32 v39, $0.0e+00;
	v39 =	vmax.f32 v49, $0.0e+00;
	v49 =	vmax.f32 v34, $0.0e+00  }
0x12f: {  	v35 =	vmax.f32 v18, v61;
	v36 =	vmin.f32 v14, v62;
	v48 =	vmax.f32 v12, v61  }
0x130: {  	v53 =	vmin.f32 v13, v62;
	v61 =	vsub.f32 v15, v18;
	v7 =	vmin.f32 v13, v54  }
0x131: {  	v50 =	vld [tilespmem:$0x1FFB0];
	v62 =	vsub.f32 v14, v19;
	v29 =	vmin.f32 v13, v0;
	v56 =	vmin.f32 v15, v60  }
0x132: {  	v46 =	vld [tilespmem:$0x1FFE0];
	v37 =	vmax.f32 v19, v63;
	v40 =	vmin.f32 v21, v60;
	v59 =	vmax.f32 v11, v63  }
0x133: {  	v63 =	vmin.f32 v14, v54;
	v60 =	vsub.f32 v21, v12;
	v54 =	vsub.f32 v10, v16  }
0x134: {  	v10 =	vmax.f32 v18, v1;
	v16 =	vmin.f32 v14, v0;
	[tilespmem:$0x1FBC0] =	vst v61;
	v61 =	vmax.f32 v11, v9  }
0x135: {  	v51 =	vld [tilespmem:$0x1FB60];
	[tilespmem:$0x1FBD0] =	vst v62;
	v62 =	vmin.f32 v15, v8;
	v9 =	vsub.f32 v13, v11;
	v35 =	vsub.f32 v56, v35  }
0x136: {  	v58 =	vld [tilespmem:$0x1FBA0];
	v15 =	vmin.f32 v15, v50;
	v36 =	vsub.f32 v36, v37;
	v37 =	vsub.f32 v40, v48  }
0x137: {  	v1 =	vld [tilespmem:$0x1FFC0];
	v40 =	vsub.f32 v53, v59;
	v19 =	vmax.f32 v19, v46;
	v2 =	vsub.f32 v63, v5  }
0x138: {  	v8 =	vld [tilespmem:$0x1FFD0];
	v59 =	vsub.f32 v16, v23;
	v23 =	vmax.f32 v20, $0.0e+00;
	v20 =	vmax.f32 v3, $0.0e+00  }
0x139: {  	v55 =	vld [tilespmem:$0x1FB70];
	v48 =	vimm.s32 $0x0;
	v57 =	vsub.f32 v62, v10;
	v10 =	vmin.f32 v21, v50  }
0x13a: {  	v52 =	vld [tilespmem:$0x1FB80];
	v7 =	vsub.f32 v7, v61;
	v61 =	vsub.f32 v24, v27;
	v24 =	vmax.f32 v22, $0.0e+00  }
0x13b: {  	v34 =	vld [tilespmem:$0x1FC10];
	v27 =	vmax.f32 v26, $0.0e+00;
	v22 =	vmax.f32 v4, $0.0e+00;
	v31 =	vmax.f32 v35, $0.0e+00  }
0x13c: {  	v62 =	vld [tilespmem:$0x1FBC0];
	v33 =	vmax.f32 v37, $0.0e+00;
	v26 =	vmax.f32 v2, $0.0e+00;
	v18 =	vmax.f32 v18, v1  }
0x13d: {  	v63 =	vld [tilespmem:$0x1FBD0];
	v21 =	vmax.f32 v12, v1;
	v45 =	vmin.f32 v14, v8;
	v12 =	vsub.f32 v15, v18  }
0x13e: {  	v56 =	vld [tilespmem:$0x1FB90];
	v15 =	vmin.f32 v13, v8;
	v14 =	vsub.f32 v29, v32;
	v13 =	vsub.f32 v10, v21  }
0x13f: {  	p0 =	sne.s32 s18, $0x10600;
	v53 =	vld [tilespmem:$0x1FBB0];
	v18 =	vmax.f32 v11, v46;
	v10 =	vmul.f32 v9, v60;
	v29 =	vmax.f32 v54, $0.0e+00  }
.Ltmp0:
0x140: {  	v50 =	vld [tilespmem:$0x1FFF0];
	v32 =	vmax.f32 v17, $0.0e+00;
	v46 =	vmax.f32 v41, $0.0e+00;
	v41 =	vmax.f32 v36, $0.0e+00;
	(pc) =	sbr.rel @p0 .LBB2_2-.Ltmp0, $4  }
0x141: {  	v35 =	vld [tilespmem:$0x1FBF0];
	v21 =	vmax.f32 v7, $0.0e+00;
	v17 =	vmax.f32 v61, $0.0e+00;
	v16 =	vsub.f32 v45, v19  }
0x142: {  	v37 =	vld [tilespmem:$0x1FC20];
	v11 =	vmul.f32 v63, v62;
	v15 =	vsub.f32 v15, v18;
	v45 =	vmax.f32 v25, $0.0e+00  }
0x143: {  	v54 =	vld [tilespmem:$0x1FBE0];
	v25 =	vmax.f32 v30, $0.0e+00;
	v30 =	vmax.f32 v42, $0.0e+00;
	v42 =	vmax.f32 v40, $0.0e+00  }
0x144: {  	s18 =	sadd.s32 $0x80, s18;
	v36 =	vld [tilespmem:$0x1FC00];
	v40 =	vlaneseq.u32;
	v18 =	vmax.f32 v57, $0.0e+00;
	v19 =	vmax.f32 v59, $0.0e+00  }
0x145: {  	v1 =	vld [tilespmem:$0x1FCB0];
	_ =	sdelay $0x4  }
0x146: {  	v7 =	vadd.f32 v10, v1;
	v57 =	vadd.f32 v11, v1;
	v1 =	vld [tilespmem:$0x1FCC0];
	_ =	sdelay $0x3  }
0x147: {  	v0 =	vmul.f32 v32, v29  }
0x148: {  	v2 =	vmul.f32 v45, v23;
	v59 =	vadd.f32 v11, v1;
	v60 =	vadd.f32 v10, v1;
	v1 =	vld [tilespmem:$0x1FCD0]  }
0x149: {  	v3 =	vmul.f32 v27, v24;
	v7 =	vsub.f32 v7, v0  }
0x14a: {  	v24 =	vsub.f32 v57, v2  }
0x14b: {  	(erf) = vrcp.f32 v7;
	v7 =	vsub.f32 v59, v3  }
0x14c: {  	(erf) = vrcp.f32 v24  }
0x14d: {  	(erf) = vrcp.f32 v7;
	v61 =	vadd.f32 v11, v1;
	v7 =	vadd.f32 v10, v1;
	v1 =	vld [tilespmem:$0x1FCE0];
	_ =	sdelay $0x3  }
0x14e: {  	v4 =	vmul.f32 v43, v38  }
0x14f: {  	v9 =	vmul.f32 v30, v28;
	v29 =	vadd.f32 v11, v1;
	v30 =	vadd.f32 v10, v1;
	v1 =	vld [tilespmem:$0x1FCF0]  }
0x150: {  	v5 =	vmul.f32 v44, v25  }
0x151: {  	v6 =	vmul.f32 v47, v46;
	v62 =	vsub.f32 v60, v4  }
0x152: {  	v23 =	vmul.f32 v49, v39;
	v25 =	vmul.f32 v41, v31;
	v63 =	vsub.f32 v61, v5  }
0x153: {  	v28 =	vmul.f32 v42, v33;
	(erf) = vrcp.f32 v62;
	v7 =	vsub.f32 v7, v9  }
0x154: {  	(erf) = vrcp.f32 v63;
	v31 =	vadd.f32 v11, v1;
	v33 =	vadd.f32 v10, v1;
	v1 =	vld [tilespmem:$0x1FD00]  }
0x155: {  	v22 =	vmul.f32 v26, v22;
	(erf) = vrcp.f32 v7  }
0x156: {  	v20 =	vmul.f32 v21, v20;
	v19 =	vmul.f32 v19, v18;
	v8 =	vld [tilespmem:$0x1FD10];
	v21 =	vsub.f32 v29, v6  }
0x157: {  	v14 =	vmax.f32 v14, $0.0e+00;
	v12 =	vmax.f32 v12, $0.0e+00;
	v16 =	vmax.f32 v16, $0.0e+00  }
0x158: {  	v13 =	vmax.f32 v13, $0.0e+00;
	v15 =	vmax.f32 v15, $0.0e+00;
	(erf) = vrcp.f32 v21  }
0x159: {  	vm5 =	vgt.f32 v51, v58;
	v45 =	vpop (erf);
	v39 =	vadd.f32 v11, v1;
	v42 =	vadd.f32 v10, v1;
	v1 =	vld [tilespmem:$0x1FD20]  }
0x15a: {  	v38 =	vmul.f32 v16, v12;
	v44 =	vmul.f32 v15, v13;
	v47 =	vpop (erf);
	v32 =	vsub.f32 v30, v23  }
0x15b: {  	v43 =	vadd.f32 v11, v8;
	v7 =	vmul.f32 v14, v17;
	v49 =	vpop (erf);
	v14 =	vsub.f32 v31, v25  }
0x15c: {  	v46 =	vadd.f32 v10, v8;
	v57 =	vpop (erf);
	(erf) = vrcp.f32 v32;
	v41 =	vsub.f32 v33, v28  }
0x15d: {  	v59 =	vpop (erf);
	(erf) = vrcp.f32 v14;
	v14 =	vsub.f32 v43, v19;
	v12 =	vsub.f32 v39, v22  }
0x15e: {  	v8 =	vld [tilespmem:$0x1FDE0];
	v60 =	vpop (erf);
	(erf) = vrcp.f32 v41;
	v16 =	vsub.f32 v42, v20;
	v11 =	vadd.f32 v11, v1  }
0x15f: {  	v13 =	vmul.f32 v60, v9;
	(erf) = vrcp.f32 v12;
	v10 =	vadd.f32 v10, v1;
	v1 =	vld [tilespmem:$0x1FD60]  }
0x160: {  	v9 =	vsel vm1, $0x4, v56;
	(erf) = vrcp.f32 v16;
	v11 =	vsub.f32 v11, v38  }
0x161: {  	v15 =	vsub.f32 v46, v7;
	v9 =	vsel vm3, $0x5, v9;
	v62 =	vpop (erf);
	(erf) = vrcp.f32 v14  }
0x162: {  	v18 =	vmul.f32 v62, v6;
	v10 =	vsub.f32 v10, v44;
	(erf) = vrcp.f32 v11  }
0x163: {  	v9 =	vsel vm5, $0x6, v9;
	v16 =	vmul.f32 v59, v5;
	(erf) = vrcp.f32 v15  }
0x164: {  	v63 =	vld [tilespmem:$0x1FD70];
	v5 =	vsel vm0, $0x4, v55;
	vm4 =	vgt.f32 v1, v8;
	(erf) = vrcp.f32 v10  }
0x165: {  	v5 =	vsel vm2, $0x5, v5;
	v61 =	vsel vm4, v1, v8;
	v8 =	vmul.f32 v45, v0;
	v0 =	vpop (erf)  }
0x166: {  	v11 =	vmul.f32 v49, v3;
	v3 =	vsel vm5, v51, v58;
	v1 =	vmul.f32 v47, v2;
	v2 =	vpop (erf)  }
0x167: {  	vm0 =	vgt.f32 v50, v3;
	v10 =	vmul.f32 v57, v4;
	v5 =	vsel vm4, $0x6, v5;
	v4 =	vpop (erf)  }
0x168: {  	v31 =	vld [tilespmem:$0x1FD40];
	v14 =	vsel vm0, $0x7, v9;
	v15 =	vsel vm0, v50, v3;
	vm4 =	vgt.f32 v11, v53;
	v6 =	vpop (erf)  }
0x169: {  	v30 =	vld [tilespmem:$0x1FD30];
	vm6 =	vgt.f32 v63, v61;
	v23 =	vmul.f32 v0, v23;
	v25 =	vmul.f32 v2, v25;
	v2 =	vpop (erf)  }
0x16a: {  	v32 =	vld [tilespmem:$0x1FDB0];
	v42 =	vsel vm4, v11, v53;
	v12 =	vsel vm6, v63, v61;
	v17 =	vsel vm6, $0x7, v5;
	v0 =	vpop (erf)  }
0x16b: {  	vm6 =	vgt.f32 v16, v52;
	v4 =	vmul.f32 v4, v28;
	v3 =	vmul.f32 v0, v19;
	v27 =	vpop (erf)  }
0x16c: {  	v33 =	vld [tilespmem:$0x1FDC0];
	vm3 =	vgt.f32 v1, v54;
	v6 =	vmul.f32 v6, v22;
	v5 =	vmul.f32 v27, v38;
	v9 =	vpop (erf)  }
0x16d: {  	v20 =	vmul.f32 v2, v20;
	vm11 =	vgt.f32 v3, v31;
	v29 =	vpop (erf);
	v7 =	vmul.f32 v9, v7  }
0x16e: {  	v2 =	vsel vm11, v3, v31;
	vm1 =	vgt.f32 v5, v30;
	v19 =	vmul.f32 v29, v44  }
0x16f: {  	v53 =	vld [tilespmem:$0x1FD50];
	vm13 =	vgt.f32 v6, v32;
	v9 =	vsel vm1, v5, v30;
	vm10 =	vgt.f32 v7, v2  }
0x170: {  	v38 =	vld [tilespmem:$0x1FDD0];
	vm12 =	vgt.f32 v19, v9;
	v22 =	vsel vm10, v7, v2;
	v2 =	vsel vm13, v6, v32  }
0x171: {  	vm8 =	vgt.f32 v25, v33;
	v21 =	vsel vm12, v19, v9;
	vm14 =	vgt.f32 v20, v2  }
0x172: {  	s0 =	sadd.s32 $0x20, s17;
	vm5 =	vgt.f32 v10, v42;
	v24 =	vsel vm8, v25, v33;
	(xrf0) =	vmax.scan.msk.f32 $0xffff, v21;
	v39 =	vsel vm14, v20, v2;
	v2 =	vld [tilespmem:$0x1FDA0]  }
0x173: {  	v43 =	vsel vm3, v1, v54;
	v0 =	vor.u32 s0, v40;
	vm9 =	vgt.f32 v4, v24;
	(xrf0) =	vmax.scan.msk.f32 $0xffff, v22  }
0x174: {  	vm2 =	vgt.f32 v8, v43;
	s0 =	sadd.s32 $0x10, s0;
	v24 =	vsel vm9, v4, v24;
	v27 =	vsel vm11, v0, v53  }
0x175: {  	v29 =	vsel vm5, v10, v42;
	v9 =	vor.u32 s0, v40;
	vm0 =	vgt.f32 v18, v38;
	(xrf0) =	vmax.scan.msk.f32 $0xffff, v39  }
0x176: {  	v26 =	vsel vm0, v18, v38;
	v27 =	vsel vm10, v9, v27;
	vm10 =	vgt.f32 v5, $-1.000000000e+00  }
0x177: {  	v5 =	vnsel vm10, $0xBF800000, v5;
	v41 =	vsel vm1, v0, v2;
	vm1 =	vgt.f32 v23, v26  }
0x178: {  	v55 =	vld [tilespmem:$0x1FD80];
	v62 =	vxor.u32 $0x80000000, v27;
	v2 =	vsel vm6, v16, v52;
	v26 =	vsel vm1, v23, v26;
	v44, _, _ =	vpop (xrf0);
	(xrf0) =	vmax.scan.msk.f32 $0xffff, v24  }
0x179: {  	vm7 =	vgt.f32 v13, v2;
	v28 =	vsel vm12, v9, v41;
	v45 =	vbroadcast v44, $0xF;
	v47, _, _ =	vpop (xrf0)  }
0x17a: {  	v46 =	vsel vm7, v13, v2;
	(xrf0) =	vmax.scan.msk.f32 $0xffff, v26;
	(v2sf) =	vpush v44, $0xF;
	v50 =	vbroadcast v47, $0xF  }
0x17b: {  	v2 =	vsel vm2, v8, v43;
	v28 =	vxor.u32 $0x80000000, v28;
	v49, _, _ =	vpop (xrf0);
	(xrf0) =	vmax.scan.msk.f32 $0xffff, v46;
	(v2sf) =	vpush v47, $0xF  }
0x17c: {  	vm12 =	veq.f32 v21, v45;
	(xrf0) =	vmax.scan.msk.f32 $0xffff, v29;
	(v2sf) =	vpush v49, $0xF;
	vm15 =	veq.f32 v22, v50  }
0x17d: {  	(xrf0) =	vmax.scan.msk.f32 $0xffff, v2;
	v52 =	vnsel vm12, $0x800041A2, v28;
	v22 =	vsel vm13, v0, v55;
	vm13 =	vgt.f32 v19, $-1.000000000e+00  }
0x17e: {  	v22 =	vsel vm14, v9, v22;
	v19 =	vnsel vm13, $0xBF800000, v19;
	vm13 =	vgt.f32 v3, v5;
	v54, _, _ =	vpop (xrf0);
	(xrf0) =	vmin.scan.msk.u32 $0xffff, v52  }
0x17f: {  	vm14 =	vgt.f32 v7, v19;
	v3 =	vsel vm13, v3, v5;
	(v2sf) =	vpush v54, $0xF  }
0x180: {  	v56, _, _ =	vpop (xrf0);
	v5 =	vsel vm14, v7, v19;
	v7 =	vsel vm13, $0x1, v48;
	vm13 =	vgt.f32 v6, v3  }
0x181: {  	v51 =	vbroadcast v49, $0xF;
	(v2sf) =	vpush v56, $0xF;
	v57, _, _ =	vpop (xrf0);
	v3 =	vsel vm13, v6, v3  }
0x182: {  	v6 =	vnsel vm15, $0x800041A2, v62;
	vm15 =	vgt.f32 v20, v5;
	(v2sf) =	vpush v57, $0xF;
	v59, _, _ =	vpop (xrf0)  }
0x183: {  	v7 =	vsel vm13, $0x2, v7;
	v5 =	vsel vm15, v20, v5;
	(v2sf) =	vpush v59, $0xF;
	v60, _, _ =	vpop (xrf0)  }
0x184: {  	(xrf0) =	vmin.scan.msk.u32 $0xffff, v6;
	v6 =	vsel vm14, $0x1, v48;
	vm14 =	vgt.f32 v25, v3;
	(v2sf) =	vpush v60, $0xF;
	v61, _, _ =	vpop (xrf0)  }
0x185: {  	v3 =	vsel vm14, v25, v3;
	vm13 =	vgt.f32 v4, v5;
	(v2sf) =	vpush v61, $0xF  }
0x186: {  	v4 =	vsel vm13, v4, v5;
	v5 =	vsel vm15, $0x2, v6;
	vm15 =	vgt.f32 v18, v3  }
0x187: {  	vm12 =	veq.f32 v39, v51;
	v6 =	vsel vm14, $0x3, v7;
	v3 =	vsel vm15, v18, v3  }
0x188: {  	v7 =	vxor.u32 $0x80000000, v22;
	v5 =	vsel vm13, $0x3, v5;
	vm13 =	vgt.f32 v16, v3  }
0x189: {  	vm14 =	vgt.f32 v23, v4;
	v6 =	vsel vm15, $0x4, v6;
	v3 =	vsel vm13, v16, v3  }
0x18a: {  	[tilespmem:s15+$0x14910] =	vst v14;
	v7 =	vnsel vm12, $0x800041A2, v7;
	v4 =	vsel vm14, v23, v4;
	vm12 =	vgt.f32 v11, v3  }
0x18b: {  	[tilespmem:s15+$0x10710] =	vst v15;
	v5 =	vsel vm14, $0x4, v5;
	v6 =	vsel vm13, $0x5, v6;
	v3 =	vsel vm12, v11, v3  }
0x18c: {  	[tilespmem:s15+$0x14900] =	vst v17;
	vm15 =	vgt.f32 v13, v4;
	s1 =	spop (v2sf);
	v6 =	vsel vm12, $0x6, v6;
	vm14 =	vgt.f32 v1, v3  }
0x18d: {  	[tilespmem:s15+$0x10700] =	vst v12;
	s22 =	spop (v2sf);
	v1 =	vsel vm14, v1, v3;
	v3 =	vsel vm15, $0x5, v5;
	v5 =	vsel vm14, $0x7, v6  }
0x18e: {  	v63, _, _ =	vpop (xrf0);
	s21 =	spop (v2sf);
	[tilespmem:s16+$0x14900] =	vst v5;
	v5 =	vld [tilespmem:$0x1FD90]  }
0x18f: {  	v21 =	vbroadcast v54, $0xF;
	(xrf0) =	vmin.scan.msk.u32 $0xffff, v7;
	v4 =	vsel vm15, v13, v4;
	(v2sf) =	vpush v63, $0xF;
	s20 =	spop (v2sf)  }
0x190: {  	v58 =	vbroadcast v56, $0xF;
	vm13 =	vgt.f32 v10, v4;
	s19 =	spop (v2sf)  }
0x191: {  	vm11 =	veq.f32 v24, v21;
	v7 =	vbroadcast v57, $0xF;
	v4 =	vsel vm13, v10, v4;
	s18 =	spop (v2sf)  }
0x192: {  	vm10 =	veq.f32 v26, v58;
	vm14 =	vgt.f32 v8, v4;
	v3 =	vsel vm13, $0x6, v3;
	s17 =	spop (v2sf)  }
0x193: {  	vm12 =	veq.f32 v46, v7;
	[tilespmem:s16+$0x10700] =	vst v1;
	v4 =	vsel vm14, v8, v4;
	v5 =	vsel vm8, v0, v5;
	s15 =	spop (v2sf)  }
0x194: {  	v1 =	vsel vm14, $0x7, v3;
	[tilespmem:s16+$0x10710] =	vst v4;
	v4 =	vsel vm0, v0, v37;
	v5 =	vsel vm9, v9, v5;
	s9 =	spop (v2sf)  }
0x195: {  	v6 =	vbroadcast v59, $0xF;
	[tilespmem:s16+$0x14910] =	vst v1;
	v4 =	vsel vm1, v9, v4;
	v3, _, _ =	vpop (xrf0);
	v1 =	vxor.u32 $0x80000000, v5;
	s2 =	sxor.u32 $0x80000000, s9  }
0x196: {  	(v2sf) =	vpush v3, $0xF;
	v3 =	vsel vm6, v0, v35;
	v1 =	vnsel vm11, $0x800041A2, v1;
	s0 =	sand.u32 $0x70, s9;
	s3 =	sand.u32 $0xFFFFFF80, s2  }
0x197: {  	v4 =	vxor.u32 $0x80000000, v4;
	v3 =	vsel vm7, v9, v3;
	v5 =	vsel vm4, v0, v36;
	(xrf0) =	vmin.scan.msk.u32 $0xffff, v1;
	s0 =	sor.u32 s0, s3  }
0x198: {  	v4 =	vnsel vm10, $0x800041A2, v4;
	v3 =	vxor.u32 $0x80000000, v3;
	v5 =	vsel vm5, v9, v5;
	v1 =	vld [tilespmem:s0+$0x10700]  }
0x199: {  	vm15 =	veq.f32 v29, v6;
	v3 =	vnsel vm12, $0x800041A2, v3;
	(xrf0) =	vmin.scan.msk.u32 $0xffff, v4;
	v4 =	vxor.u32 $0x80000000, v5  }
0x19a: {  	s10 =	sand.u32 $0xFFFFFFF0, s2;
	(xrf0) =	vmin.scan.msk.u32 $0xffff, v3;
	v3 =	vnsel vm15, $0x800041A2, v4  }
0x19b: {  	v5 =	vbroadcast v60, $0xF;
	v6 =	vor.u32 s10, v40  }
0x19c: {  	v0 =	vsel vm3, v0, v34;
	vm0 =	veq.s32 v6, s2  }
0x19d: {  	v0 =	vsel vm2, v9, v0;
	(xrf0) =	vmin.scan.msk.u32 $0xffff, v3;
	vm1 =	veq.f32 v2, v5;
	v3, _, _ =	vpop (xrf0);
	v2 =	vnsel vm0, $0x0, v1  }
0x19e: {  	v0 =	vxor.u32 $0x80000000, v0;
	s11 =	spop (v2sf);
	(v2sf) =	vpush v3, $0xF;
	(xrf2) =	vadd.scan.msk.f32 $0xffff, v2  }
0x19f: {  	v0 =	vnsel vm1, $0x800041A2, v0;
	s12 =	sxor.u32 $0x80000000, s11  }
0x1a0: {  	(xrf0) =	vmin.scan.msk.u32 $0xffff, v0;
	s2 =	sand.u32 $0x70, s11;
	s4 =	sand.u32 $0xFFFFFF80, s12  }
0x1a1: {  	s5 =	sor.u32 s2, s4  }
0x1a2: {  	v0, _, _ =	vpop (xrf0);
	v2 =	vld [tilespmem:s5+$0x10700]  }
0x1a3: {  	v3, _, _ =	vpop (xrf0);
	(v2sf) =	vpush v0, $0xF  }
0x1a4: {  	s13 =	sand.u32 $0xFFFFFFF0, s12;
	v0, _, _ =	vpop (xrf0);
	(v2sf) =	vpush v3, $0xF  }
0x1a5: {  	v3 =	vor.u32 s13, v40;
	(v2sf) =	vpush v0, $0xF;
	s14 =	spop (v2sf)  }
0x1a6: {  	vm2 =	veq.s32 v3, s12;
	v0, _, _ =	vpop (xrf0);
	s16 =	sxor.u32 $0x80000000, s14  }
0x1a7: {  	s2 =	sand.u32 $0x70, s14;
	(v2sf) =	vpush v0, $0xF;
	s23 =	sand.u32 $0xFFFFFF80, s16;
	v0 =	vnsel vm2, $0x0, v2  }
0x1a8: {  	s10 =	sor.u32 s2, s23;
	v2, _, _ =	vpop (xrf2);
	(xrf2) =	vadd.scan.msk.f32 $0xffff, v0  }
0x1a9: {  	v0 =	vld [tilespmem:s10+$0x10700]  }
0x1aa: {  	(v2sf) =	vpush v2, $0xF  }
0x1ab: {  	s24 =	sand.u32 $0xFFFFFFF0, s16  }
0x1ac: {  	v2 =	vor.u32 s24, v40  }
0x1ad: {  	s25 =	spop (v2sf);
	vm1 =	veq.s32 v2, s16  }
0x1ae: {  	s26 =	sxor.u32 $0x80000000, s25;
	v0 =	vnsel vm1, $0x0, v0  }
0x1af: {  	s2 =	sand.u32 $0x70, s25;
	s28 =	sand.u32 $0xFFFFFF80, s26;
	(xrf2) =	vadd.scan.msk.f32 $0xffff, v0  }
0x1b0: {  	s9 =	sor.u32 s2, s28  }
0x1b1: {  	v2 =	vld [tilespmem:s9+$0x10700]  }
0x1b2: {  	s29 =	spop (v2sf);
	v0, _, _ =	vpop (xrf2)  }
0x1b3: {  	s7 =	spop (v2sf);
	s30 =	sand.u32 $0xFFFFFFF0, s26;
	(v2sf) =	vpush v0, $0xF  }
0x1b4: {  	p0 =	sge.f32 s1, $2.000000030e-01;
	s12 =	sxor.u32 $0x80000000, s29;
	s8 =	spop (v2sf);
	v0 =	vor.u32 s30, v40  }
0x1b5: {  	s13 =	sxor.u32 $0x80000000, s7;
	s31 =	sand.u32 $0xFFFFFF80, s12;
	s2 =	sand.u32 $0x70, s29;
	vm3 =	veq.s32 v0, s26  }
0x1b6: {  	s14 =	sand.u32 $0x70, s7;
	s28 =	sand.u32 $0xFFFFFFF0, s12;
	s3 =	sxor.u32 $0x80000000, s8;
	v0 =	vnsel vm3, $0x0, v2  }
0x1b7: {  	s6 =	sor.u32 s2, s31;
	s4 =	sand.u32 $0xFFFFFF80, s13;
	s11 =	spop (v2sf);
	(xrf2) =	vadd.scan.msk.f32 $0xffff, v0;
	v0 =	vld [tilespmem:s0+$0x14900]  }
0x1b8: {  	s24 =	sand.u32 $0x70, s8;
	s2 =	sor.u32 s14, s4;
	s16 =	sxor.u32 $0x80000000, s11;
	v2 =	vld [tilespmem:s6+$0x10700]  }
0x1b9: {  	s25 =	sand.u32 $0xFFFFFF80, s16;
	s26 =	sand.u32 $0x70, s11;
	s14 =	spop (v2sf);
	v3, _, _ =	vpop (xrf2)  }
0x1ba: {  	s23 =	sand.u32 $0xFFFFFF80, s3;
	v4 =	vld [tilespmem:s2+$0x10700];
	s1 =	sor.u32 s26, s25;
	(v2sf) =	vpush v3, $0xF;
	s14 =	simm.s32 @p0 $0x40000000  }
0x1bb: {  	v6 =	vor.u32 s28, v40;
	s4 =	sor.u32 s24, s23;
	v5 =	vld [tilespmem:s1+$0x10700];
	v1 =	vsel vm0, s14, v1  }
0x1bc: {  	v3 =	vld [tilespmem:s4+$0x10700];
	[tilespmem:s0+$0x10700] =	vst v1;
	v0 =	vsel vm0, $0x0, v0;
	vm0 =	veq.s32 v6, s12  }
0x1bd: {  	[tilespmem:s0+$0x14900] =	vst v0;
	v0 =	vnsel vm0, $0x0, v2  }
0x1be: {  	(xrf2) =	vadd.scan.msk.f32 $0xffff, v0;
	v0 =	vld [tilespmem:s5+$0x14900]  }
0x1bf: {  	v1 =	vld [tilespmem:s5+$0x10700];
	_ =	sdelay $0x1  }
0x1c0: {  	p0 =	sge.f32 s22, $2.000000030e-01  }
0x1c1: {  	v2, _, _ =	vpop (xrf2);
	s0 =	spop (v2sf)  }
0x1c2: {  	s29 =	sand.u32 $0xFFFFFFF0, s13;
	(v2sf) =	vpush v2, $0xF;
	v0 =	vsel vm2, $0x1, v0;
	s0 =	simm.s32 @p0 $0x40000000  }
0x1c3: {  	v2 =	vor.u32 s29, v40;
	[tilespmem:s5+$0x14900] =	vst v0;
	v1 =	vsel vm2, s0, v1  }
0x1c4: {  	vm2 =	veq.s32 v2, s13;
	[tilespmem:s5+$0x10700] =	vst v1  }
0x1c5: {  	v0 =	vnsel vm2, $0x0, v4;
	v1 =	vld [tilespmem:s10+$0x10700]  }
0x1c6: {  	(xrf2) =	vadd.scan.msk.f32 $0xffff, v0;
	v0 =	vld [tilespmem:s10+$0x14900]  }
0x1c7: {  	p0 =	sge.f32 s21, $2.000000030e-01  }
0x1c8: {  	v2, _, _ =	vpop (xrf2);
	s0 =	spop (v2sf)  }
0x1c9: {  	s30 =	sand.u32 $0xFFFFFFF0, s3;
	(v2sf) =	vpush v2, $0xF;
	s0 =	simm.s32 @p0 $0x40000000  }
0x1ca: {  	v2 =	vor.u32 s30, v40;
	v1 =	vsel vm1, s0, v1  }
0x1cb: {  	v0 =	vsel vm1, $0x2, v0;
	vm1 =	veq.s32 v2, s3;
	[tilespmem:s10+$0x10700] =	vst v1  }
0x1cc: {  	[tilespmem:s10+$0x14900] =	vst v0;
	v0 =	vnsel vm1, $0x0, v3  }
0x1cd: {  	(xrf2) =	vadd.scan.msk.f32 $0xffff, v0;
	v0 =	vld [tilespmem:s9+$0x14900]  }
0x1ce: {  	v1 =	vld [tilespmem:s9+$0x10700];
	_ =	sdelay $0x1  }
0x1cf: {  	p0 =	sge.f32 s20, $2.000000030e-01;
	v2, _, _ =	vpop (xrf2)  }
0x1d0: {  	s0 =	spop (v2sf);
	(v2sf) =	vpush v2, $0xF  }
0x1d1: {  	s31 =	sand.u32 $0xFFFFFFF0, s16;
	s0 =	simm.s32 @p0 $0x40000000;
	v0 =	vsel vm3, $0x3, v0  }
0x1d2: {  	v2 =	vor.u32 s31, v40;
	v1 =	vsel vm3, s0, v1;
	[tilespmem:s9+$0x14900] =	vst v0  }
0x1d3: {  	vm3 =	veq.s32 v2, s16;
	[tilespmem:s9+$0x10700] =	vst v1  }
0x1d4: {  	v0 =	vnsel vm3, $0x0, v5;
	v1 =	vld [tilespmem:s6+$0x10700]  }
0x1d5: {  	(xrf2) =	vadd.scan.msk.f32 $0xffff, v0;
	v0 =	vld [tilespmem:s6+$0x14900]  }
0x1d6: {  	p0 =	sge.f32 s19, $2.000000030e-01  }
0x1d7: {  	v2, _, _ =	vpop (xrf2);
	s0 =	spop (v2sf)  }
0x1d8: {  	(v2sf) =	vpush v2, $0xF;
	s0 =	simm.s32 @p0 $0x40000000  }
0x1d9: {  	v1 =	vsel vm0, s0, v1  }
0x1da: {  	v0 =	vsel vm0, $0x4, v0;
	[tilespmem:s6+$0x10700] =	vst v1  }
0x1db: {  	[tilespmem:s6+$0x14900] =	vst v0  }
0x1dc: {  	v0 =	vld [tilespmem:s2+$0x10700]  }
0x1dd: {  	v1 =	vld [tilespmem:s2+$0x14900]  }
0x1de: {  	p0 =	sge.f32 s18, $2.000000030e-01  }
0x1df: {  	v2, _, _ =	vpop (xrf2);
	s0 =	spop (v2sf)  }
0x1e0: {  	(v2sf) =	vpush v2, $0xF;
	s0 =	simm.s32 @p0 $0x40000000  }
0x1e1: {  	v0 =	vsel vm2, s0, v0  }
0x1e2: {  	[tilespmem:s2+$0x10700] =	vst v0;
	v0 =	vsel vm2, $0x5, v1  }
0x1e3: {  	[tilespmem:s2+$0x14900] =	vst v0  }
0x1e4: {  	v0 =	vld [tilespmem:s4+$0x10700]  }
0x1e5: {  	v1 =	vld [tilespmem:s4+$0x14900]  }
0x1e6: {  	p0 =	sge.f32 s17, $2.000000030e-01  }
0x1e7: {  	s0 =	spop (v2sf)  }
0x1e8: {  	s0 =	simm.s32 @p0 $0x40000000  }
0x1e9: {  	v0 =	vsel vm1, s0, v0  }
0x1ea: {  	[tilespmem:s4+$0x10700] =	vst v0;
	v0 =	vsel vm1, $0x6, v1  }
0x1eb: {  	[tilespmem:s4+$0x14900] =	vst v0  }
0x1ec: {  	v0 =	vld [tilespmem:s1+$0x10700]  }
0x1ed: {  	v1 =	vld [tilespmem:s1+$0x14900]  }
0x1ee: {  	p0 =	sge.f32 s15, $2.000000030e-01  }
0x1ef: {  	s0 =	spop (v2sf)  }
0x1f0: {  	s0 =	simm.s32 @p0 $0x40000000  }
0x1f1: {  	v0 =	vsel vm3, s0, v0  }
0x1f2: {  	[tilespmem:s1+$0x10700] =	vst v0;
	v0 =	vsel vm3, $0x7, v1  }
0x1f3: {  	[tilespmem:s1+$0x14900] =	vst v0;
	v0 =	vld [tilespmem:$0x1FCA0];
	_ =	sdelay $0x4  }
0x1f4: {  	v7 =	vbroadcast v0, $0xE;
	v0 =	vld [tilespmem:$0x1FC90];
	_ =	sdelay $0x4  }
0x1f5: {  	v6 =	vbroadcast v0, $0xE;
	v0 =	vld [tilespmem:$0x1FC30];
	_ =	sdelay $0x4  }
0x1f6: {  	v5 =	vbroadcast v0, $0xE;
	v0 =	vld [tilespmem:$0x1FC40];
	_ =	sdelay $0x4  }
0x1f7: {  	v3 =	vbroadcast v0, $0xE;
	v0 =	vld [tilespmem:$0x1FC50];
	_ =	sdelay $0x1  }
0x1f8: {  	v4 =	vld [tilespmem:$0x1FC80];
	s1 =	simm.s32 $0x0  }
0x1f9: {  	v8 =	vld [tilespmem:s1+$0x14900]  }
0x1fa: {  	v1 =	vld [tilespmem:$0x1FC70]  }
0x1fb: {  	v2 =	vbroadcast v0, $0xE;
	v0 =	vld [tilespmem:$0x1FC60];
	_ =	sdelay $0x2  }
0x1fc: {  	v4 =	vbroadcast v4, $0xE;
	vm0 =	veq.s32 v8, $0x0  }
0x1fd: {  	s0 =	simm.s32 $0x10;
	v1 =	vbroadcast v1, $0xE;
	v10 =	vnsel vm0, $0x0, v7;
	vm0 =	veq.s32 v8, $0x1  }
0x1fe: {  	s2 =	simm.s32 $0x80;
	v9 =	vld [tilespmem:s0+$0x14900];
	v10 =	vsel vm0, v6, v10;
	vm0 =	veq.s32 v8, $0x2;
	v0 =	vbroadcast v0, $0xE  }
.LBB2_4:
0x1ff: {  	p0 =	sne.s32 s2, $0x10640;
	v11 =	vld [tilespmem:s1+$0x10700];
	v10 =	vsel vm0, v5, v10;
	vm0 =	veq.s32 v8, $0x3  }
0x200: {  	v10 =	vsel vm0, v3, v10;
	vm0 =	veq.s32 v8, $0x4  }
0x201: {  	v10 =	vsel vm0, v2, v10;
	vm0 =	veq.s32 v8, $0x5  }
.Ltmp1:
0x202: {  	v10 =	vsel vm0, v0, v10;
	vm0 =	veq.s32 v8, $0x6;
	(pc) =	sbr.rel @p0 .LBB2_4-.Ltmp1, $4  }
0x203: {  	v10 =	vsel vm0, v1, v10;
	vm0 =	veq.s32 v8, $0x7;
	v8 =	vmov v9  }
0x204: {  	vm1 =	veq.s32 v8, $0x0;
	v9 =	vsel vm0, v4, v10;
	vm0 =	vlt.f32 v11, $3.499999940e-01  }
0x205: {  	s3 =	sshra.s32 s2, $0x2;
	v10 =	vnsel vm1, $0x0, v7;
	vm1 =	veq.s32 v8, $0x1;
	v11 =	vsel vm0, $0x0, v9  }
0x206: {  	s2 =	sadd.s32 $0x40, s2;
	vm0 =	veq.s32 v8, $0x2;
	v9 =	vld [tilespmem:s3+$0x14900];
	v10 =	vsel vm1, v6, v10;
	[tilespmem:s1+$0x10700] =	vst v11;
	s1 =	smov.u32 s0;
	s0 =	smov.u32 s3  }
0x207: {  	v11 =	vld [tilespmem:s1+$0x10700];
	v10 =	vsel vm0, v5, v10;
	vm14 =	veq.s32 v8, $0x3  }
0x208: {  	vm15 =	veq.s32 v8, $0x4;
	v10 =	vsel vm14, v3, v10  }
0x209: {  	vm4 =	veq.s32 v8, $0x5;
	v10 =	vsel vm15, v2, v10  }
0x20a: {  	vm5 =	veq.s32 v8, $0x6;
	v10 =	vsel vm4, v0, v10  }
0x20b: {  	vm6 =	veq.s32 v8, $0x7;
	v10 =	vsel vm5, v1, v10  }
0x20c: {  	vm1 =	veq.s32 v9, $0x0;
	v8 =	vsel vm6, v4, v10;
	vm7 =	vlt.f32 v11, $3.499999940e-01  }
0x20d: {  	vm8 =	veq.s32 v9, $0x1;
	v7 =	vnsel vm1, $0x0, v7;
	v8 =	vsel vm7, $0x0, v8  }
0x20e: {  	vm9 =	veq.s32 v9, $0x2;
	v6 =	vsel vm8, v6, v7;
	[tilespmem:s1+$0x10700] =	vst v8  }
0x20f: {  	vm10 =	veq.s32 v9, $0x3;
	v60 =	vsel vm9, v5, v6;
	v59 =	vld [tilespmem:s0+$0x10700]  }
0x210: {  	vm11 =	veq.s32 v9, $0x4;
	v61 =	vsel vm10, v3, v60  }
0x211: {  	vm12 =	veq.s32 v9, $0x5;
	v62 =	vsel vm11, v2, v61  }
0x212: {  	vm13 =	veq.s32 v9, $0x6;
	v63 =	vsel vm12, v0, v62  }
0x213: {  	vm14 =	veq.s32 v9, $0x7;
	v0 =	vsel vm13, v1, v63  }
0x214: {  	v0 =	vsel vm14, v4, v0;
	vm15 =	vlt.f32 v59, $3.499999940e-01  }
0x215: {  	s26 =	rddreg [dreg:$0x3];
	s2 =	simm.s32 $0x80;
	v0 =	vsel vm15, $0x0, v0  }
0x216: {  	s3 =	simm.s32 $0x400;
	s28 =	simm.s32 $0x10700;
	s1 =	simm.s32 $0x1;
	[tilespmem:s0+$0x10700] =	vst v0  }
0x217: {  	[hbm4b:s26+s2] =	stream.strided.scatter [tilespmem:s28], [sflag:$0x1], $0x4200, s3, s2, $0x38;
	[tilespmem:$0x18B00] =	vst v63  }
0x218: {  	_ =	swait.ge [sflag:s1], $0x4200  }
0x219: {  	[sflag:s1] =	ssyncset.done $0x0  }
0x21a: {  	s4 =	simm.s32 $0x14900;
	s29 =	rddreg [dreg:$0x4];
	[sflag:s1] =	ssyncadd.s32 $0xFFFFBE00  }
0x21b: {  	[hbm4b:s29+s2] =	stream.strided.scatter [tilespmem:s4], [sflag:$0x1], $0x4200, s3, s2, $0x38;
	[tilespmem:$0x18B00] =	vst v63  }
0x21c: {  	_ =	swait.ge [sflag:s1], $0x4200  }
0x21d: {  	s30 =	rddreg [dreg:$0x6]  }
0x21e: {  	s31 =	rddreg [dreg:$0x5];
	s2 =	sadd.s32 $0x1, s30  }
0x21f: {  	p0 =	sne.s32 s2, s31  }
.Ltmp2:
0x220: {  	_ = 	snop;
	(pc) =	sbr.rel @p0 .LBB2_1-.Ltmp2, $3  }
0x221: {  	_ =	sdelay $0x1  }
0x222: {  	[sflag:s1] =	ssyncset.done $0x0  }
0x223: {  	[sflag:s1] =	ssyncadd.s32 $0xFFFFBE00  }
0x224: {  	_ =	sfence.sel $0x180000  }
0x225: {  	[bflag:$0x0] =	sbarrier.arrive $0xFFFF  }
0x226: {  	_ =	strace $0x90000047  }
0x227: {  	s0 =	stileid.u32;
	[bflag:$0x2] =	sbarrier.arrive $0xFFFF  }
0x228: {  	p0 =	sne.s32 s0, $0x0;
	s0 =	rddreg [dreg:$0x1]  }
0x229: {  	s0 =	sadd.s32 @!p0 $0x100000, s0  }
0x22a: {  	[sflag:s0] =	ssyncadd.tile.s32 @!p0 $0x1;
	_ =	shalt  }
.Lfunc_end2:
_tile_overlayer_lowered:
.L_overlay_start_2:
0x22b: {  	(tag) =	ssettag $0x2  }
0x22c: {  	s0 =	rddreg [dreg:$0x0];
	s2 =	stileid.u32  }
0x22d: {  	s1 =	rddreg [dreg:$0x1];
	p0 =	sne.s32 s2, $0x0  }
0x22e: {  	s3 =	rddreg [dreg:$0x2];
	[bflag:$0x3] =	sbarrier.arrive $0xFFFF;
	s2 =	simm.s32 @!p0 $0x1C01  }
0x22f: {  	[timem:s3], [sflag:s2] =	dma.local @!p0 [hbm:s0], s1  }
0x230: {  	s0 =	simm.s32 @!p0 $0x1  }
0x231: {  	_ =	swait.ge @!p0 [sflag:s0], s1  }
0x232: {  	s1 =	ssub.s32 @!p0 $0x0, s1;
	[sflag:s0] =	ssyncset.done @!p0 $0x0  }
0x233: {  	[sflag:s0] =	ssyncadd.s32 @!p0 s1  }
0x234: {  	[bflag:$0x3] =	sbarrier.arrive $0xFFFF  }
0x235: {  	_ =	shalt  }

</sc_bundles>
